<compile_context>
chip_gen: v7x
topology: tpu7x:2x2x1
jax: 0.10.2.dev20260603
libtpu: 0.0.44.dev20260713+nightly
codegen_flags: <defaults>
</compile_context>

<pallas_src>
import functools

import jax
import jax.numpy as jnp
from jax import lax
from jax.experimental import pallas as pl
from jax.experimental.pallas import tpu as pltpu
from jax.experimental.pallas import tpu_sc as plsc

N = 10000
E = 320000
D = 128

NCORE = 2
NSUB = 16
NW = NCORE * NSUB
CK = 128
CH = 80
CH2 = 160
EP = NW * CH * CK
ZR = 10112
RPT = ZR // NSUB

_mesh = plsc.VectorSubcoreMesh(core_axis_name="c", subcore_axis_name="s")
_sc_params = pltpu.CompilerParams(use_tc_tiling_on_sc=False)



def _deg_kernel(dstp, zeros16, ones_rows):

  @functools.partial(
      pl.kernel,
      out_type=jax.ShapeDtypeStruct((NCORE, ZR, 16), jnp.float32),
      mesh=_mesh,
      compiler_params=_sc_params,
      scratch_types=[
          pltpu.VMEM((CH, CK), jnp.int32),
          pltpu.VMEM((CK, 16), jnp.float32),
          pltpu.VMEM_SHARED((ZR, 16), jnp.float32),
      ],
  )
  def deg_k(dst_hbm, zero_hbm, ones_hbm, out_hbm, dstv, onesv, dsh):
    c = lax.axis_index("c")
    s = lax.axis_index("s")
    wid = s * NCORE + c
    base = s * RPT
    pltpu.sync_copy(zero_hbm.at[pl.ds(base, RPT)], dsh.at[pl.ds(base, RPT)])
    pltpu.sync_copy(dst_hbm.at[wid], dstv)
    pltpu.sync_copy(ones_hbm, onesv)
    plsc.subcore_barrier()

    @pl.loop(0, CH)
    def _(j):
      pltpu.sync_copy(onesv, dsh.at[dstv.at[j]], add=True)

    plsc.subcore_barrier()
    pltpu.sync_copy(dsh.at[pl.ds(base, RPT)], out_hbm.at[c, pl.ds(base, RPT)])

  return deg_k(dstp, zeros16, ones_rows)


def _agg(eidx, ya, yb, d):
  hd = d // 2
  NB = 4 if hd <= 64 else 2
  NIB = 8
  NG = CH2

  @functools.partial(
      pl.kernel,
      out_type=jax.ShapeDtypeStruct((ZR, d), jnp.float32),
      mesh=_mesh,
      compiler_params=_sc_params,
      scratch_types=(
          [pltpu.VMEM((2, CK), jnp.int32)] * NIB
          + [pltpu.VMEM((CK, hd), jnp.float32)] * NB
          + [pltpu.VMEM_SHARED((ZR, hd), jnp.float32)]
          + [pltpu.VMEM_SHARED((ZR, hd), jnp.float32)]
          + [pltpu.SemaphoreType.DMA] * (NIB + 2 * NB)
      ),
  )
  def agg_k(eidx_hbm, ya_hbm, yb_hbm, out_hbm, *scr):
    dis = scr[:NIB]
    bufs = scr[NIB:NIB + NB]
    ysp, zsh = scr[NIB + NB], scr[NIB + NB + 1]
    isems = scr[NIB + NB + 2:2 * NIB + NB + 2]
    gsems = scr[2 * NIB + NB + 2:2 * NIB + 2 * NB + 2]
    ssems = scr[2 * NIB + 2 * NB + 2:]
    c = lax.axis_index("c")
    s = lax.axis_index("s")
    base = s * RPT

    @pl.when(c == 0)
    def _():
      pltpu.sync_copy(ya_hbm.at[pl.ds(base, RPT)], zsh.at[pl.ds(base, RPT)])
      pltpu.sync_copy(ya_hbm.at[pl.ds(base, RPT)], ysp.at[pl.ds(base, RPT)])

    @pl.when(c == 1)
    def _():
      pltpu.sync_copy(yb_hbm.at[pl.ds(base, RPT)], zsh.at[pl.ds(base, RPT)])
      pltpu.sync_copy(yb_hbm.at[pl.ds(base, RPT)], ysp.at[pl.ds(base, RPT)])

    plsc.subcore_barrier()

    def load_idx(g, islot):
      pltpu.async_copy(eidx_hbm.at[s, g], dis[islot], isems[islot])

    def wait_idx(g, islot):
      pltpu.make_async_copy(eidx_hbm.at[s, g], dis[islot],
                            isems[islot]).wait()

    def gather(g, bslot, islot):
      pltpu.async_copy(ysp.at[dis[islot].at[0]], bufs[bslot], gsems[bslot])

    def drain_gather(g, bslot, islot):
      pltpu.make_async_copy(ysp.at[dis[islot].at[0]], bufs[bslot],
                            gsems[bslot]).wait()

    def scatter(bslot, islot):
      pltpu.async_copy(bufs[bslot], zsh.at[dis[islot].at[1]], ssems[bslot],
                       add=True)

    def drain_scatter(bslot, islot):
      pltpu.make_async_copy(bufs[bslot], zsh.at[dis[islot].at[1]],
                            ssems[bslot]).wait()

    for q in range(NIB - 1):
      load_idx(q, q)
    for q in range(NB - 1):
      wait_idx(q, q)
      gather(q, q, q)

    @pl.loop(0, NG // NIB)
    def _(t):
      for u in range(NIB):
        g = t * NIB + u
        bslot = u % NB
        fslot = (u + NB - 1) % NB
        filot = (u + NIB - 1) % NIB

        @pl.when(g >= 1)
        def _():
          drain_scatter(fslot, filot)

        @pl.when(g + NIB - 1 < NG)
        def _():
          load_idx(g + NIB - 1, filot)

        @pl.when(g + NB - 1 < NG)
        def _():
          wait_idx(g + NB - 1, (u + NB - 1) % NIB)
          gather(g + NB - 1, fslot, (u + NB - 1) % NIB)

        drain_gather(g, bslot, u)
        scatter(bslot, u)

    drain_scatter((NG - 1) % NB, (NG - 1) % NIB)

    plsc.subcore_barrier()
    pltpu.sync_copy(zsh.at[pl.ds(base, RPT)],
                    out_hbm.at[pl.ds(base, RPT), pl.ds(c * hd, hd)])

  return agg_k(eidx, ya, yb)



def _tc_prep(degp, nodes_p):

  def body(deg_ref, x_ref, dinv_ref, ya_ref, yb_ref):
    deg = deg_ref[0, :, 0:1] + deg_ref[1, :, 0:1] + 1.0
    dinv = lax.rsqrt(deg)
    dinv_ref[...] = dinv
    y = x_ref[...] * dinv
    ya_ref[...] = y[:, :D // 2]
    yb_ref[...] = y[:, D // 2:]

  return pl.pallas_call(
      body,
      out_shape=(
          jax.ShapeDtypeStruct((ZR, 1), jnp.float32),
          jax.ShapeDtypeStruct((ZR, D // 2), jnp.float32),
          jax.ShapeDtypeStruct((ZR, D // 2), jnp.float32),
      ),
  )(degp, nodes_p)


def _tc_mid(z1, dinv, W1, b1, W2p):

  def body(z_ref, dinv_ref, w1_ref, b1_ref, w2_ref, ya_ref, yb_ref):
    dinv = dinv_ref[...]
    zs = z_ref[...] * dinv
    h = jnp.dot(zs, w1_ref[...], preferred_element_type=jnp.float32)
    h = jnp.maximum(h + b1_ref[...], 0.0)
    y2 = jnp.dot(h, w2_ref[...], preferred_element_type=jnp.float32)
    y2 = y2 * dinv
    ya_ref[...] = y2[:, :80]
    yb_ref[...] = y2[:, 80:]

  return pl.pallas_call(
      body,
      out_shape=(
          jax.ShapeDtypeStruct((ZR, 80), jnp.float32),
          jax.ShapeDtypeStruct((ZR, 80), jnp.float32),
      ),
  )(z1, dinv, W1, b1.reshape(1, -1), W2p)


def _tc_tail(z2, dinv, b2p, W3p, b3, W4, b4):

  def body(z_ref, dinv_ref, b2_ref, w3_ref, b3_ref, w4_ref, b4_ref, o_ref):
    dinv = dinv_ref[...]
    h2 = jnp.maximum(z_ref[...] * dinv + b2_ref[...], 0.0)
    h3 = jnp.dot(h2, w3_ref[...], preferred_element_type=jnp.float32)
    h3 = jnp.maximum(h3 + b3_ref[...], 0.0)
    o = jnp.dot(h3, w4_ref[...], preferred_element_type=jnp.float32)
    o_ref[...] = jax.nn.sigmoid(o + b4_ref[...])

  return pl.pallas_call(
      body,
      out_shape=jax.ShapeDtypeStruct((ZR, 1), jnp.float32),
  )(z2, dinv, b2p.reshape(1, -1), W3p, b3.reshape(1, -1), W4, b4.reshape(1, -1))



def kernel(nodes, edges, W1, b1, W2, b2, W3, b3, W4, b4):
  f32 = jnp.float32
  nodes_p = jnp.zeros((ZR, D), f32).at[:N].set(nodes)
  pad = EP - E
  src_flat = jnp.concatenate([edges[0], jnp.zeros((pad,), jnp.int32)])
  dst_flat = jnp.concatenate([edges[1], jnp.full((pad,), N, jnp.int32)])

  degp = _deg_kernel(dst_flat.reshape(NW, CH, CK),
                     jnp.zeros((ZR, 16), f32), jnp.ones((CK, 16), f32))
  dinv, y1a, y1b = _tc_prep(degp, nodes_p)

  eidx = jnp.stack([src_flat.reshape(NSUB, CH2, CK),
                    dst_flat.reshape(NSUB, CH2, CK)], axis=2)
  z1 = _agg(eidx, y1a, y1b, D)

  W2p = jnp.zeros((200, 160), f32).at[:, :150].set(W2)
  y2a, y2b = _tc_mid(z1, dinv, W1, b1, W2p)
  z2 = _agg(eidx, y2a, y2b, 160)

  b2p = jnp.zeros((160,), f32).at[:150].set(b2)
  W3p = jnp.zeros((160, 100), f32).at[:150].set(W3)
  out = _tc_tail(z2, dinv, b2p, W3p, b3, W4, b4)
  return out[:N]

# --- scband reference (transcript-rebuilt; emitter-appended) ---
"""Pipeline reference for scband-gcn-34591666602590 (READ-ONLY COPY).

The authoritative reference and input builder live on the scoring server;
editing this copy changes nothing except your own understanding.
"""

import jax, jax.numpy as jnp
import numpy as np

N = 10000
E = 320000
D = 128


def _glorot(key, shape):
    fan_in = shape[0]
    return jax.random.normal(key, shape, dtype=jnp.float32) * (1.0 / np.sqrt(fan_in))


def setup_inputs(seed: int = 0) -> dict:
    key = jax.random.key(seed)
    ks = jax.random.split(key, 10)
    nodes = jax.random.normal(ks[0], (N, D), dtype=jnp.float32)
    edges = jax.random.randint(ks[1], (2, E), 0, N, dtype=jnp.int32)
    W1 = _glorot(ks[2], (D, 200)); b1 = jnp.zeros((200,), jnp.float32)
    W2 = _glorot(ks[3], (200, 150)); b2 = jnp.zeros((150,), jnp.float32)
    W3 = _glorot(ks[4], (150, 100)); b3 = jnp.zeros((100,), jnp.float32)
    W4 = _glorot(ks[5], (100, 1)); b4 = jnp.zeros((1,), jnp.float32)
    return {"nodes": nodes, "edges": edges, "W1": W1, "b1": b1, "W2": W2, "b2": b2, "W3": W3, "b3": b3, "W4": W4, "b4": b4}


def _gcn_conv(x, src, dst, W, b, n):
    # GCNConv with symmetric normalization (self-loops already appended to src/dst)
    xw = x @ W
    ones = jnp.ones(src.shape[0], dtype=x.dtype)
    deg = jax.ops.segment_sum(ones, dst, num_segments=n)
    deg = jnp.maximum(deg, 1.0)
    dinv = jax.lax.rsqrt(deg)
    norm = dinv[src] * dinv[dst]
    msg = xw[src] * norm[:, None]
    out = jax.ops.segment_sum(msg, dst, num_segments=n)
    return out + b


def reference(nodes, edges, W1, b1, W2, b2, W3, b3, W4, b4):
    n = nodes.shape[0]
    loop = jnp.arange(n, dtype=edges.dtype)
    src = jnp.concatenate([edges[0], loop])
    dst = jnp.concatenate([edges[1], loop])
    x = _gcn_conv(nodes, src, dst, W1, b1, n)
    x = jax.nn.relu(x)
    x = _gcn_conv(x, src, dst, W2, b2, n)
    x = jax.nn.relu(x)
    x = x.reshape(n, -1)
    x = x @ W3 + b3
    x = jax.nn.relu(x)
    x = x @ W4 + b4
    return jax.nn.sigmoid(x)

if __name__ == "__main__":
    import jax
    _d = setup_inputs()
    print(jax.jit(kernel)(*tuple(_d.values())))

</pallas_src>

<mosaic_0001>
#map = affine_map<(d0, d1) -> (0, 0, 0, 0)>
#map1 = affine_map<(d0, d1) -> (0, 0)>
module attributes {stable_mosaic.version = 14 : i64} {
  func.func @agg_k(%arg0: i32, %arg1: i32, %arg2: memref<16x160x2x128xi32, #tpu.memory_space<hbm>>, %arg3: memref<10112x64xf32, #tpu.memory_space<hbm>>, %arg4: memref<10112x64xf32, #tpu.memory_space<hbm>>, %arg5: memref<10112x128xf32, #tpu.memory_space<hbm>>, %arg6: memref<2x128xi32, #tpu.memory_space<vmem>>, %arg7: memref<2x128xi32, #tpu.memory_space<vmem>>, %arg8: memref<2x128xi32, #tpu.memory_space<vmem>>, %arg9: memref<2x128xi32, #tpu.memory_space<vmem>>, %arg10: memref<2x128xi32, #tpu.memory_space<vmem>>, %arg11: memref<2x128xi32, #tpu.memory_space<vmem>>, %arg12: memref<2x128xi32, #tpu.memory_space<vmem>>, %arg13: memref<2x128xi32, #tpu.memory_space<vmem>>, %arg14: memref<128x64xf32, #tpu.memory_space<vmem>>, %arg15: memref<128x64xf32, #tpu.memory_space<vmem>>, %arg16: memref<128x64xf32, #tpu.memory_space<vmem>>, %arg17: memref<128x64xf32, #tpu.memory_space<vmem>>, %arg18: memref<10112x64xf32, #tpu.memory_space<vmem_shared>>, %arg19: memref<10112x64xf32, #tpu.memory_space<vmem_shared>>, %arg20: memref<!tpu.dma_semaphore, #tpu.memory_space<semaphore_mem>>, %arg21: memref<!tpu.dma_semaphore, #tpu.memory_space<semaphore_mem>>, %arg22: memref<!tpu.dma_semaphore, #tpu.memory_space<semaphore_mem>>, %arg23: memref<!tpu.dma_semaphore, #tpu.memory_space<semaphore_mem>>, %arg24: memref<!tpu.dma_semaphore, #tpu.memory_space<semaphore_mem>>, %arg25: memref<!tpu.dma_semaphore, #tpu.memory_space<semaphore_mem>>, %arg26: memref<!tpu.dma_semaphore, #tpu.memory_space<semaphore_mem>>, %arg27: memref<!tpu.dma_semaphore, #tpu.memory_space<semaphore_mem>>, %arg28: memref<!tpu.dma_semaphore, #tpu.memory_space<semaphore_mem>>, %arg29: memref<!tpu.dma_semaphore, #tpu.memory_space<semaphore_mem>>, %arg30: memref<!tpu.dma_semaphore, #tpu.memory_space<semaphore_mem>>, %arg31: memref<!tpu.dma_semaphore, #tpu.memory_space<semaphore_mem>>, %arg32: memref<!tpu.dma_semaphore, #tpu.memory_space<semaphore_mem>>, %arg33: memref<!tpu.dma_semaphore, #tpu.memory_space<semaphore_mem>>, %arg34: memref<!tpu.dma_semaphore, #tpu.memory_space<semaphore_mem>>, %arg35: memref<!tpu.dma_semaphore, #tpu.memory_space<semaphore_mem>>) attributes {dimension_semantics = [#tpu.dimension_semantics<core_parallel>, #tpu.dimension_semantics<subcore_parallel>], iteration_bounds = array<i64: 2, 16>, scalar_prefetch = 0 : i64, scratch_operands = 30 : i64, tpu.core_type = #tpu.core_type<sc_vector_subcore>, window_params = [{transform_indices = #map}, {transform_indices = #map1}, {transform_indices = #map1}, {transform_indices = #map1}]} {
    %mul3A = arith.constant 632 : i32
    %mul3A_0 = arith.muli %arg1, %mul3A : i32
    %eq3A = arith.constant 0 : i32
    %eq3A_1 = arith.cmpi eq, %arg0, %eq3A : i32
    %convert_element_type3A = arith.extui %eq3A_1 : i1 to i32
    %cond3A = arith.constant 0 : i32
    %cond3A_2 = arith.cmpi ne, %convert_element_type3A, %cond3A : i32
    scf.if %cond3A_2 {
      "tpu.region"() ({
        %run_scoped3A = tpu.sem_alloc : memref<!tpu.dma_semaphore, #tpu.memory_space<semaphore_mem>>
        %dma_start3A_131 = arith.constant 0 : i32
        %dma_start3A_132 = tpu.memref_slice %arg19[%mul3A_0, %dma_start3A_131] : memref<10112x64xf32, #tpu.memory_space<vmem_shared>> -> memref<632x64xf32, #tpu.memory_space<vmem_shared>>
        %dma_start3A_133 = arith.constant 0 : i32
        %dma_start3A_134 = tpu.memref_slice %arg3[%mul3A_0, %dma_start3A_133] : memref<10112x64xf32, #tpu.memory_space<hbm>> -> memref<632x64xf32, #tpu.memory_space<hbm>>
        tpu.enqueue_dma source(%dma_start3A_134 : memref<632x64xf32, #tpu.memory_space<hbm>>) target(%dma_start3A_132 : memref<632x64xf32, #tpu.memory_space<vmem_shared>>) target_semaphore(%run_scoped3A : memref<!tpu.dma_semaphore, #tpu.memory_space<semaphore_mem>>)
        %dma_wait3A_135 = arith.constant 0 : i32
        %dma_wait3A_136 = tpu.memref_slice %arg19[%mul3A_0, %dma_wait3A_135] : memref<10112x64xf32, #tpu.memory_space<vmem_shared>> -> memref<632x64xf32, #tpu.memory_space<vmem_shared>>
        %dma_wait3A_137 = arith.constant 0 : i32
        %dma_wait3A_138 = tpu.memref_slice %arg3[%mul3A_0, %dma_wait3A_137] : memref<10112x64xf32, #tpu.memory_space<hbm>> -> memref<632x64xf32, #tpu.memory_space<hbm>>
        tpu.wait_dma2 semaphore(%run_scoped3A : memref<!tpu.dma_semaphore, #tpu.memory_space<semaphore_mem>>) src(%dma_wait3A_138 : memref<632x64xf32, #tpu.memory_space<hbm>>) dst(%dma_wait3A_136 : memref<632x64xf32, #tpu.memory_space<vmem_shared>>)
        tpu.yield
      }) : () -> ()
      "tpu.region"() ({
        %run_scoped3A = tpu.sem_alloc : memref<!tpu.dma_semaphore, #tpu.memory_space<semaphore_mem>>
        %dma_start3A_131 = arith.constant 0 : i32
        %dma_start3A_132 = tpu.memref_slice %arg18[%mul3A_0, %dma_start3A_131] : memref<10112x64xf32, #tpu.memory_space<vmem_shared>> -> memref<632x64xf32, #tpu.memory_space<vmem_shared>>
        %dma_start3A_133 = arith.constant 0 : i32
        %dma_start3A_134 = tpu.memref_slice %arg3[%mul3A_0, %dma_start3A_133] : memref<10112x64xf32, #tpu.memory_space<hbm>> -> memref<632x64xf32, #tpu.memory_space<hbm>>
        tpu.enqueue_dma source(%dma_start3A_134 : memref<632x64xf32, #tpu.memory_space<hbm>>) target(%dma_start3A_132 : memref<632x64xf32, #tpu.memory_space<vmem_shared>>) target_semaphore(%run_scoped3A : memref<!tpu.dma_semaphore, #tpu.memory_space<semaphore_mem>>)
        %dma_wait3A_135 = arith.constant 0 : i32
        %dma_wait3A_136 = tpu.memref_slice %arg18[%mul3A_0, %dma_wait3A_135] : memref<10112x64xf32, #tpu.memory_space<vmem_shared>> -> memref<632x64xf32, #tpu.memory_space<vmem_shared>>
        %dma_wait3A_137 = arith.constant 0 : i32
        %dma_wait3A_138 = tpu.memref_slice %arg3[%mul3A_0, %dma_wait3A_137] : memref<10112x64xf32, #tpu.memory_space<hbm>> -> memref<632x64xf32, #tpu.memory_space<hbm>>
        tpu.wait_dma2 semaphore(%run_scoped3A : memref<!tpu.dma_semaphore, #tpu.memory_space<semaphore_mem>>) src(%dma_wait3A_138 : memref<632x64xf32, #tpu.memory_space<hbm>>) dst(%dma_wait3A_136 : memref<632x64xf32, #tpu.memory_space<vmem_shared>>)
        tpu.yield
      }) : () -> ()
    } else {
    }
    %eq3A_3 = arith.constant 1 : i32
    %eq3A_4 = arith.cmpi eq, %arg0, %eq3A_3 : i32
    %convert_element_type3A_5 = arith.extui %eq3A_4 : i1 to i32
    %cond3A_6 = arith.constant 0 : i32
    %cond3A_7 = arith.cmpi ne, %convert_element_type3A_5, %cond3A_6 : i32
    scf.if %cond3A_7 {
      "tpu.region"() ({
        %run_scoped3A = tpu.sem_alloc : memref<!tpu.dma_semaphore, #tpu.memory_space<semaphore_mem>>
        %dma_start3A_131 = arith.constant 0 : i32
        %dma_start3A_132 = tpu.memref_slice %arg19[%mul3A_0, %dma_start3A_131] : memref<10112x64xf32, #tpu.memory_space<vmem_shared>> -> memref<632x64xf32, #tpu.memory_space<vmem_shared>>
        %dma_start3A_133 = arith.constant 0 : i32
        %dma_start3A_134 = tpu.memref_slice %arg4[%mul3A_0, %dma_start3A_133] : memref<10112x64xf32, #tpu.memory_space<hbm>> -> memref<632x64xf32, #tpu.memory_space<hbm>>
        tpu.enqueue_dma source(%dma_start3A_134 : memref<632x64xf32, #tpu.memory_space<hbm>>) target(%dma_start3A_132 : memref<632x64xf32, #tpu.memory_space<vmem_shared>>) target_semaphore(%run_scoped3A : memref<!tpu.dma_semaphore, #tpu.memory_space<semaphore_mem>>)
        %dma_wait3A_135 = arith.constant 0 : i32
        %dma_wait3A_136 = tpu.memref_slice %arg19[%mul3A_0, %dma_wait3A_135] : memref<10112x64xf32, #tpu.memory_space<vmem_shared>> -> memref<632x64xf32, #tpu.memory_space<vmem_shared>>
        %dma_wait3A_137 = arith.constant 0 : i32
        %dma_wait3A_138 = tpu.memref_slice %arg4[%mul3A_0, %dma_wait3A_137] : memref<10112x64xf32, #tpu.memory_space<hbm>> -> memref<632x64xf32, #tpu.memory_space<hbm>>
        tpu.wait_dma2 semaphore(%run_scoped3A : memref<!tpu.dma_semaphore, #tpu.memory_space<semaphore_mem>>) src(%dma_wait3A_138 : memref<632x64xf32, #tpu.memory_space<hbm>>) dst(%dma_wait3A_136 : memref<632x64xf32, #tpu.memory_space<vmem_shared>>)
        tpu.yield
      }) : () -> ()
      "tpu.region"() ({
        %run_scoped3A = tpu.sem_alloc : memref<!tpu.dma_semaphore, #tpu.memory_space<semaphore_mem>>
        %dma_start3A_131 = arith.constant 0 : i32
        %dma_start3A_132 = tpu.memref_slice %arg18[%mul3A_0, %dma_start3A_131] : memref<10112x64xf32, #tpu.memory_space<vmem_shared>> -> memref<632x64xf32, #tpu.memory_space<vmem_shared>>
        %dma_start3A_133 = arith.constant 0 : i32
        %dma_start3A_134 = tpu.memref_slice %arg4[%mul3A_0, %dma_start3A_133] : memref<10112x64xf32, #tpu.memory_space<hbm>> -> memref<632x64xf32, #tpu.memory_space<hbm>>
        tpu.enqueue_dma source(%dma_start3A_134 : memref<632x64xf32, #tpu.memory_space<hbm>>) target(%dma_start3A_132 : memref<632x64xf32, #tpu.memory_space<vmem_shared>>) target_semaphore(%run_scoped3A : memref<!tpu.dma_semaphore, #tpu.memory_space<semaphore_mem>>)
        %dma_wait3A_135 = arith.constant 0 : i32
        %dma_wait3A_136 = tpu.memref_slice %arg18[%mul3A_0, %dma_wait3A_135] : memref<10112x64xf32, #tpu.memory_space<vmem_shared>> -> memref<632x64xf32, #tpu.memory_space<vmem_shared>>
        %dma_wait3A_137 = arith.constant 0 : i32
        %dma_wait3A_138 = tpu.memref_slice %arg4[%mul3A_0, %dma_wait3A_137] : memref<10112x64xf32, #tpu.memory_space<hbm>> -> memref<632x64xf32, #tpu.memory_space<hbm>>
        tpu.wait_dma2 semaphore(%run_scoped3A : memref<!tpu.dma_semaphore, #tpu.memory_space<semaphore_mem>>) src(%dma_wait3A_138 : memref<632x64xf32, #tpu.memory_space<hbm>>) dst(%dma_wait3A_136 : memref<632x64xf32, #tpu.memory_space<vmem_shared>>)
        tpu.yield
      }) : () -> ()
    } else {
    }
    %barrier3A = arith.constant 0 : index
    tpu.barrier barrier_id(%barrier3A)
    %dma_start3A = arith.constant 0 : i32
    %dma_start3A_8 = arith.constant 0 : i32
    %dma_start3A_9 = arith.constant 0 : i32
    %dma_start3A_10 = tpu.memref_slice %arg2[%arg1, %dma_start3A, %dma_start3A_8, %dma_start3A_9] : memref<16x160x2x128xi32, #tpu.memory_space<hbm>> -> memref<1x1x2x128xi32, #tpu.memory_space<hbm>>
    %dma_start3A_11 = tpu.memref_squeeze %dma_start3A_10 : memref<1x1x2x128xi32, #tpu.memory_space<hbm>> -> memref<2x128xi32, #tpu.memory_space<hbm>>
    %dma_start3A_12 = arith.constant 0 : i32
    %dma_start3A_13 = arith.constant 0 : i32
    %dma_start3A_14 = tpu.memref_slice %arg2[%arg1, %dma_start3A, %dma_start3A_12, %dma_start3A_13] : memref<16x160x2x128xi32, #tpu.memory_space<hbm>> -> memref<1x1x2x128xi32, #tpu.memory_space<hbm>>
    %dma_start3A_15 = tpu.memref_squeeze %dma_start3A_14 : memref<1x1x2x128xi32, #tpu.memory_space<hbm>> -> memref<2x128xi32, #tpu.memory_space<hbm>>
    tpu.enqueue_dma source(%dma_start3A_15 : memref<2x128xi32, #tpu.memory_space<hbm>>) target(%arg6 : memref<2x128xi32, #tpu.memory_space<vmem>>) target_semaphore(%arg20 : memref<!tpu.dma_semaphore, #tpu.memory_space<semaphore_mem>>)
    %dma_start3A_16 = arith.constant 1 : i32
    %dma_start3A_17 = arith.constant 0 : i32
    %dma_start3A_18 = arith.constant 0 : i32
    %dma_start3A_19 = tpu.memref_slice %arg2[%arg1, %dma_start3A_16, %dma_start3A_17, %dma_start3A_18] : memref<16x160x2x128xi32, #tpu.memory_space<hbm>> -> memref<1x1x2x128xi32, #tpu.memory_space<hbm>>
    %dma_start3A_20 = tpu.memref_squeeze %dma_start3A_19 : memref<1x1x2x128xi32, #tpu.memory_space<hbm>> -> memref<2x128xi32, #tpu.memory_space<hbm>>
    %dma_start3A_21 = arith.constant 0 : i32
    %dma_start3A_22 = arith.constant 0 : i32
    %dma_start3A_23 = tpu.memref_slice %arg2[%arg1, %dma_start3A_16, %dma_start3A_21, %dma_start3A_22] : memref<16x160x2x128xi32, #tpu.memory_space<hbm>> -> memref<1x1x2x128xi32, #tpu.memory_space<hbm>>
    %dma_start3A_24 = tpu.memref_squeeze %dma_start3A_23 : memref<1x1x2x128xi32, #tpu.memory_space<hbm>> -> memref<2x128xi32, #tpu.memory_space<hbm>>
    tpu.enqueue_dma source(%dma_start3A_24 : memref<2x128xi32, #tpu.memory_space<hbm>>) target(%arg7 : memref<2x128xi32, #tpu.memory_space<vmem>>) target_semaphore(%arg21 : memref<!tpu.dma_semaphore, #tpu.memory_space<semaphore_mem>>)
    %dma_start3A_25 = arith.constant 2 : i32
    %dma_start3A_26 = arith.constant 0 : i32
    %dma_start3A_27 = arith.constant 0 : i32
    %dma_start3A_28 = tpu.memref_slice %arg2[%arg1, %dma_start3A_25, %dma_start3A_26, %dma_start3A_27] : memref<16x160x2x128xi32, #tpu.memory_space<hbm>> -> memref<1x1x2x128xi32, #tpu.memory_space<hbm>>
    %dma_start3A_29 = tpu.memref_squeeze %dma_start3A_28 : memref<1x1x2x128xi32, #tpu.memory_space<hbm>> -> memref<2x128xi32, #tpu.memory_space<hbm>>
    %dma_start3A_30 = arith.constant 0 : i32
    %dma_start3A_31 = arith.constant 0 : i32
    %dma_start3A_32 = tpu.memref_slice %arg2[%arg1, %dma_start3A_25, %dma_start3A_30, %dma_start3A_31] : memref<16x160x2x128xi32, #tpu.memory_space<hbm>> -> memref<1x1x2x128xi32, #tpu.memory_space<hbm>>
    %dma_start3A_33 = tpu.memref_squeeze %dma_start3A_32 : memref<1x1x2x128xi32, #tpu.memory_space<hbm>> -> memref<2x128xi32, #tpu.memory_space<hbm>>
    tpu.enqueue_dma source(%dma_start3A_33 : memref<2x128xi32, #tpu.memory_space<hbm>>) target(%arg8 : memref<2x128xi32, #tpu.memory_space<vmem>>) target_semaphore(%arg22 : memref<!tpu.dma_semaphore, #tpu.memory_space<semaphore_mem>>)
    %dma_start3A_34 = arith.constant 3 : i32
    %dma_start3A_35 = arith.constant 0 : i32
    %dma_start3A_36 = arith.constant 0 : i32
    %dma_start3A_37 = tpu.memref_slice %arg2[%arg1, %dma_start3A_34, %dma_start3A_35, %dma_start3A_36] : memref<16x160x2x128xi32, #tpu.memory_space<hbm>> -> memref<1x1x2x128xi32, #tpu.memory_space<hbm>>
    %dma_start3A_38 = tpu.memref_squeeze %dma_start3A_37 : memref<1x1x2x128xi32, #tpu.memory_space<hbm>> -> memref<2x128xi32, #tpu.memory_space<hbm>>
    %dma_start3A_39 = arith.constant 0 : i32
    %dma_start3A_40 = arith.constant 0 : i32
    %dma_start3A_41 = tpu.memref_slice %arg2[%arg1, %dma_start3A_34, %dma_start3A_39, %dma_start3A_40] : memref<16x160x2x128xi32, #tpu.memory_space<hbm>> -> memref<1x1x2x128xi32, #tpu.memory_space<hbm>>
    %dma_start3A_42 = tpu.memref_squeeze %dma_start3A_41 : memref<1x1x2x128xi32, #tpu.memory_space<hbm>> -> memref<2x128xi32, #tpu.memory_space<hbm>>
    tpu.enqueue_dma source(%dma_start3A_42 : memref<2x128xi32, #tpu.memory_space<hbm>>) target(%arg9 : memref<2x128xi32, #tpu.memory_space<vmem>>) target_semaphore(%arg23 : memref<!tpu.dma_semaphore, #tpu.memory_space<semaphore_mem>>)
    %dma_start3A_43 = arith.constant 4 : i32
    %dma_start3A_44 = arith.constant 0 : i32
    %dma_start3A_45 = arith.constant 0 : i32
    %dma_start3A_46 = tpu.memref_slice %arg2[%arg1, %dma_start3A_43, %dma_start3A_44, %dma_start3A_45] : memref<16x160x2x128xi32, #tpu.memory_space<hbm>> -> memref<1x1x2x128xi32, #tpu.memory_space<hbm>>
    %dma_start3A_47 = tpu.memref_squeeze %dma_start3A_46 : memref<1x1x2x128xi32, #tpu.memory_space<hbm>> -> memref<2x128xi32, #tpu.memory_space<hbm>>
    %dma_start3A_48 = arith.constant 0 : i32
    %dma_start3A_49 = arith.constant 0 : i32
    %dma_start3A_50 = tpu.memref_slice %arg2[%arg1, %dma_start3A_43, %dma_start3A_48, %dma_start3A_49] : memref<16x160x2x128xi32, #tpu.memory_space<hbm>> -> memref<1x1x2x128xi32, #tpu.memory_space<hbm>>
    %dma_start3A_51 = tpu.memref_squeeze %dma_start3A_50 : memref<1x1x2x128xi32, #tpu.memory_space<hbm>> -> memref<2x128xi32, #tpu.memory_space<hbm>>
    tpu.enqueue_dma source(%dma_start3A_51 : memref<2x128xi32, #tpu.memory_space<hbm>>) target(%arg10 : memref<2x128xi32, #tpu.memory_space<vmem>>) target_semaphore(%arg24 : memref<!tpu.dma_semaphore, #tpu.memory_space<semaphore_mem>>)
    %dma_start3A_52 = arith.constant 5 : i32
    %dma_start3A_53 = arith.constant 0 : i32
    %dma_start3A_54 = arith.constant 0 : i32
    %dma_start3A_55 = tpu.memref_slice %arg2[%arg1, %dma_start3A_52, %dma_start3A_53, %dma_start3A_54] : memref<16x160x2x128xi32, #tpu.memory_space<hbm>> -> memref<1x1x2x128xi32, #tpu.memory_space<hbm>>
    %dma_start3A_56 = tpu.memref_squeeze %dma_start3A_55 : memref<1x1x2x128xi32, #tpu.memory_space<hbm>> -> memref<2x128xi32, #tpu.memory_space<hbm>>
    %dma_start3A_57 = arith.constant 0 : i32
    %dma_start3A_58 = arith.constant 0 : i32
    %dma_start3A_59 = tpu.memref_slice %arg2[%arg1, %dma_start3A_52, %dma_start3A_57, %dma_start3A_58] : memref<16x160x2x128xi32, #tpu.memory_space<hbm>> -> memref<1x1x2x128xi32, #tpu.memory_space<hbm>>
    %dma_start3A_60 = tpu.memref_squeeze %dma_start3A_59 : memref<1x1x2x128xi32, #tpu.memory_space<hbm>> -> memref<2x128xi32, #tpu.memory_space<hbm>>
    tpu.enqueue_dma source(%dma_start3A_60 : memref<2x128xi32, #tpu.memory_space<hbm>>) target(%arg11 : memref<2x128xi32, #tpu.memory_space<vmem>>) target_semaphore(%arg25 : memref<!tpu.dma_semaphore, #tpu.memory_space<semaphore_mem>>)
    %dma_start3A_61 = arith.constant 6 : i32
    %dma_start3A_62 = arith.constant 0 : i32
    %dma_start3A_63 = arith.constant 0 : i32
    %dma_start3A_64 = tpu.memref_slice %arg2[%arg1, %dma_start3A_61, %dma_start3A_62, %dma_start3A_63] : memref<16x160x2x128xi32, #tpu.memory_space<hbm>> -> memref<1x1x2x128xi32, #tpu.memory_space<hbm>>
    %dma_start3A_65 = tpu.memref_squeeze %dma_start3A_64 : memref<1x1x2x128xi32, #tpu.memory_space<hbm>> -> memref<2x128xi32, #tpu.memory_space<hbm>>
    %dma_start3A_66 = arith.constant 0 : i32
    %dma_start3A_67 = arith.constant 0 : i32
    %dma_start3A_68 = tpu.memref_slice %arg2[%arg1, %dma_start3A_61, %dma_start3A_66, %dma_start3A_67] : memref<16x160x2x128xi32, #tpu.memory_space<hbm>> -> memref<1x1x2x128xi32, #tpu.memory_space<hbm>>
    %dma_start3A_69 = tpu.memref_squeeze %dma_start3A_68 : memref<1x1x2x128xi32, #tpu.memory_space<hbm>> -> memref<2x128xi32, #tpu.memory_space<hbm>>
    tpu.enqueue_dma source(%dma_start3A_69 : memref<2x128xi32, #tpu.memory_space<hbm>>) target(%arg12 : memref<2x128xi32, #tpu.memory_space<vmem>>) target_semaphore(%arg26 : memref<!tpu.dma_semaphore, #tpu.memory_space<semaphore_mem>>)
    %dma_wait3A = arith.constant 0 : i32
    %dma_wait3A_70 = arith.constant 0 : i32
    %dma_wait3A_71 = arith.constant 0 : i32
    %dma_wait3A_72 = tpu.memref_slice %arg2[%arg1, %dma_wait3A, %dma_wait3A_70, %dma_wait3A_71] : memref<16x160x2x128xi32, #tpu.memory_space<hbm>> -> memref<1x1x2x128xi32, #tpu.memory_space<hbm>>
    %dma_wait3A_73 = tpu.memref_squeeze %dma_wait3A_72 : memref<1x1x2x128xi32, #tpu.memory_space<hbm>> -> memref<2x128xi32, #tpu.memory_space<hbm>>
    %dma_wait3A_74 = arith.constant 0 : i32
    %dma_wait3A_75 = arith.constant 0 : i32
    %dma_wait3A_76 = tpu.memref_slice %arg2[%arg1, %dma_wait3A, %dma_wait3A_74, %dma_wait3A_75] : memref<16x160x2x128xi32, #tpu.memory_space<hbm>> -> memref<1x1x2x128xi32, #tpu.memory_space<hbm>>
    %dma_wait3A_77 = tpu.memref_squeeze %dma_wait3A_76 : memref<1x1x2x128xi32, #tpu.memory_space<hbm>> -> memref<2x128xi32, #tpu.memory_space<hbm>>
    tpu.wait_dma2 semaphore(%arg20 : memref<!tpu.dma_semaphore, #tpu.memory_space<semaphore_mem>>) src(%dma_wait3A_77 : memref<2x128xi32, #tpu.memory_space<hbm>>) dst(%arg6 : memref<2x128xi32, #tpu.memory_space<vmem>>)
    %dma_start3A_78 = arith.constant 0 : i32
    %dma_start3A_79 = arith.constant 0 : i32
    %dma_start3A_80 = tpu.memref_slice %arg6[%dma_start3A_78, %dma_start3A_79] : memref<2x128xi32, #tpu.memory_space<vmem>> -> memref<1x128xi32, #tpu.memory_space<vmem>>
    %dma_start3A_81 = tpu.memref_squeeze %dma_start3A_80 : memref<1x128xi32, #tpu.memory_space<vmem>> -> memref<128xi32, #tpu.memory_space<vmem>>
    %dma_start3A_82 = arith.constant 0 : i32
    %dma_start3A_83 = arith.constant 0 : i32
    %dma_start3A_84 = tpu.memref_slice %arg18[%dma_start3A_82, %dma_start3A_83] : memref<10112x64xf32, #tpu.memory_space<vmem_shared>> -> memref<10112x64xf32, #tpu.memory_space<vmem_shared>>
    tpu.enqueue_indirect_dma source(%dma_start3A_84 : memref<10112x64xf32, #tpu.memory_space<vmem_shared>>) target(%arg14 : memref<128x64xf32, #tpu.memory_space<vmem>>) offsets(%dma_start3A_81 : memref<128xi32, #tpu.memory_space<vmem>>) semaphore(%arg28 : memref<!tpu.dma_semaphore, #tpu.memory_space<semaphore_mem>>)
    %dma_wait3A_85 = arith.constant 1 : i32
    %dma_wait3A_86 = arith.constant 0 : i32
    %dma_wait3A_87 = arith.constant 0 : i32
    %dma_wait3A_88 = tpu.memref_slice %arg2[%arg1, %dma_wait3A_85, %dma_wait3A_86, %dma_wait3A_87] : memref<16x160x2x128xi32, #tpu.memory_space<hbm>> -> memref<1x1x2x128xi32, #tpu.memory_space<hbm>>
    %dma_wait3A_89 = tpu.memref_squeeze %dma_wait3A_88 : memref<1x1x2x128xi32, #tpu.memory_space<hbm>> -> memref<2x128xi32, #tpu.memory_space<hbm>>
    %dma_wait3A_90 = arith.constant 0 : i32
    %dma_wait3A_91 = arith.constant 0 : i32
    %dma_wait3A_92 = tpu.memref_slice %arg2[%arg1, %dma_wait3A_85, %dma_wait3A_90, %dma_wait3A_91] : memref<16x160x2x128xi32, #tpu.memory_space<hbm>> -> memref<1x1x2x128xi32, #tpu.memory_space<hbm>>
    %dma_wait3A_93 = tpu.memref_squeeze %dma_wait3A_92 : memref<1x1x2x128xi32, #tpu.memory_space<hbm>> -> memref<2x128xi32, #tpu.memory_space<hbm>>
    tpu.wait_dma2 semaphore(%arg21 : memref<!tpu.dma_semaphore, #tpu.memory_space<semaphore_mem>>) src(%dma_wait3A_93 : memref<2x128xi32, #tpu.memory_space<hbm>>) dst(%arg7 : memref<2x128xi32, #tpu.memory_space<vmem>>)
    %dma_start3A_94 = arith.constant 0 : i32
    %dma_start3A_95 = arith.constant 0 : i32
    %dma_start3A_96 = tpu.memref_slice %arg7[%dma_start3A_94, %dma_start3A_95] : memref<2x128xi32, #tpu.memory_space<vmem>> -> memref<1x128xi32, #tpu.memory_space<vmem>>
    %dma_start3A_97 = tpu.memref_squeeze %dma_start3A_96 : memref<1x128xi32, #tpu.memory_space<vmem>> -> memref<128xi32, #tpu.memory_space<vmem>>
    %dma_start3A_98 = arith.constant 0 : i32
    %dma_start3A_99 = arith.constant 0 : i32
    %dma_start3A_100 = tpu.memref_slice %arg18[%dma_start3A_98, %dma_start3A_99] : memref<10112x64xf32, #tpu.memory_space<vmem_shared>> -> memref<10112x64xf32, #tpu.memory_space<vmem_shared>>
    tpu.enqueue_indirect_dma source(%dma_start3A_100 : memref<10112x64xf32, #tpu.memory_space<vmem_shared>>) target(%arg15 : memref<128x64xf32, #tpu.memory_space<vmem>>) offsets(%dma_start3A_97 : memref<128xi32, #tpu.memory_space<vmem>>) semaphore(%arg29 : memref<!tpu.dma_semaphore, #tpu.memory_space<semaphore_mem>>)
    %dma_wait3A_101 = arith.constant 2 : i32
    %dma_wait3A_102 = arith.constant 0 : i32
    %dma_wait3A_103 = arith.constant 0 : i32
    %dma_wait3A_104 = tpu.memref_slice %arg2[%arg1, %dma_wait3A_101, %dma_wait3A_102, %dma_wait3A_103] : memref<16x160x2x128xi32, #tpu.memory_space<hbm>> -> memref<1x1x2x128xi32, #tpu.memory_space<hbm>>
    %dma_wait3A_105 = tpu.memref_squeeze %dma_wait3A_104 : memref<1x1x2x128xi32, #tpu.memory_space<hbm>> -> memref<2x128xi32, #tpu.memory_space<hbm>>
    %dma_wait3A_106 = arith.constant 0 : i32
    %dma_wait3A_107 = arith.constant 0 : i32
    %dma_wait3A_108 = tpu.memref_slice %arg2[%arg1, %dma_wait3A_101, %dma_wait3A_106, %dma_wait3A_107] : memref<16x160x2x128xi32, #tpu.memory_space<hbm>> -> memref<1x1x2x128xi32, #tpu.memory_space<hbm>>
    %dma_wait3A_109 = tpu.memref_squeeze %dma_wait3A_108 : memref<1x1x2x128xi32, #tpu.memory_space<hbm>> -> memref<2x128xi32, #tpu.memory_space<hbm>>
    tpu.wait_dma2 semaphore(%arg22 : memref<!tpu.dma_semaphore, #tpu.memory_space<semaphore_mem>>) src(%dma_wait3A_109 : memref<2x128xi32, #tpu.memory_space<hbm>>) dst(%arg8 : memref<2x128xi32, #tpu.memory_space<vmem>>)
    %dma_start3A_110 = arith.constant 0 : i32
    %dma_start3A_111 = arith.constant 0 : i32
    %dma_start3A_112 = tpu.memref_slice %arg8[%dma_start3A_110, %dma_start3A_111] : memref<2x128xi32, #tpu.memory_space<vmem>> -> memref<1x128xi32, #tpu.memory_space<vmem>>
    %dma_start3A_113 = tpu.memref_squeeze %dma_start3A_112 : memref<1x128xi32, #tpu.memory_space<vmem>> -> memref<128xi32, #tpu.memory_space<vmem>>
    %dma_start3A_114 = arith.constant 0 : i32
    %dma_start3A_115 = arith.constant 0 : i32
    %dma_start3A_116 = tpu.memref_slice %arg18[%dma_start3A_114, %dma_start3A_115] : memref<10112x64xf32, #tpu.memory_space<vmem_shared>> -> memref<10112x64xf32, #tpu.memory_space<vmem_shared>>
    tpu.enqueue_indirect_dma source(%dma_start3A_116 : memref<10112x64xf32, #tpu.memory_space<vmem_shared>>) target(%arg16 : memref<128x64xf32, #tpu.memory_space<vmem>>) offsets(%dma_start3A_113 : memref<128xi32, #tpu.memory_space<vmem>>) semaphore(%arg30 : memref<!tpu.dma_semaphore, #tpu.memory_space<semaphore_mem>>)
    %scan3A = arith.constant 0 : i32
    %scan3A_117 = arith.constant 20 : i32
    %scan3A_118 = arith.addi %scan3A, %scan3A_117 : i32
    %scan3A_119 = arith.constant 1 : i32
    scf.for %scan3A_131 = %scan3A to %scan3A_118 step %scan3A_119  : i32 {
      %mul3A_132 = arith.constant 1 : i32
      %mul3A_133 = arith.muli %scan3A_131, %mul3A_132 : i32
      %add3A = arith.constant 0 : i32
      %add3A_134 = arith.addi %add3A, %mul3A_133 : i32
      %mul3A_135 = arith.constant 8 : i32
      %mul3A_136 = arith.muli %add3A_134, %mul3A_135 : i32
      %add3A_137 = arith.constant 0 : i32
      %add3A_138 = arith.addi %mul3A_136, %add3A_137 : i32
      %ge3A = arith.constant 1 : i32
      %ge3A_139 = arith.cmpi sge, %add3A_138, %ge3A : i32
      %convert_element_type3A_140 = arith.extui %ge3A_139 : i1 to i32
      %cond3A_141 = arith.constant 0 : i32
      %cond3A_142 = arith.cmpi ne, %convert_element_type3A_140, %cond3A_141 : i32
      scf.if %cond3A_142 {
        %dma_wait3A_460 = arith.constant 1 : i32
        %dma_wait3A_461 = arith.constant 0 : i32
        %dma_wait3A_462 = tpu.memref_slice %arg13[%dma_wait3A_460, %dma_wait3A_461] : memref<2x128xi32, #tpu.memory_space<vmem>> -> memref<1x128xi32, #tpu.memory_space<vmem>>
        %dma_wait3A_463 = tpu.memref_squeeze %dma_wait3A_462 : memref<1x128xi32, #tpu.memory_space<vmem>> -> memref<128xi32, #tpu.memory_space<vmem>>
        %dma_wait3A_464 = arith.constant 0 : i32
        %dma_wait3A_465 = arith.constant 0 : i32
        %dma_wait3A_466 = tpu.memref_slice %arg19[%dma_wait3A_464, %dma_wait3A_465] : memref<10112x64xf32, #tpu.memory_space<vmem_shared>> -> memref<10112x64xf32, #tpu.memory_space<vmem_shared>>
        tpu.wait_indirect_dma semaphore(%arg35 : memref<!tpu.dma_semaphore, #tpu.memory_space<semaphore_mem>>) src(%arg17 : memref<128x64xf32, #tpu.memory_space<vmem>>) dst(%dma_wait3A_466 : memref<10112x64xf32, #tpu.memory_space<vmem_shared>>)
      } else {
      }
      %add3A_143 = arith.constant 8 : i32
      %add3A_144 = arith.addi %add3A_138, %add3A_143 : i32
      %sub3A = arith.constant 1 : i32
      %sub3A_145 = arith.subi %add3A_144, %sub3A : i32
      %lt3A = arith.constant 160 : i32
      %lt3A_146 = arith.cmpi slt, %sub3A_145, %lt3A : i32
      %convert_element_type3A_147 = arith.extui %lt3A_146 : i1 to i32
      %cond3A_148 = arith.constant 0 : i32
      %cond3A_149 = arith.cmpi ne, %convert_element_type3A_147, %cond3A_148 : i32
      scf.if %cond3A_149 {
        %add3A_460 = arith.constant 8 : i32
        %add3A_461 = arith.addi %add3A_138, %add3A_460 : i32
        %sub3A_462 = arith.constant 1 : i32
        %sub3A_463 = arith.subi %add3A_461, %sub3A_462 : i32
        %dma_start3A_464 = arith.constant 0 : i32
        %dma_start3A_465 = arith.constant 0 : i32
        %dma_start3A_466 = tpu.memref_slice %arg2[%arg1, %sub3A_463, %dma_start3A_464, %dma_start3A_465] : memref<16x160x2x128xi32, #tpu.memory_space<hbm>> -> memref<1x1x2x128xi32, #tpu.memory_space<hbm>>
        %dma_start3A_467 = tpu.memref_squeeze %dma_start3A_466 : memref<1x1x2x128xi32, #tpu.memory_space<hbm>> -> memref<2x128xi32, #tpu.memory_space<hbm>>
        %dma_start3A_468 = arith.constant 0 : i32
        %dma_start3A_469 = arith.constant 0 : i32
        %dma_start3A_470 = tpu.memref_slice %arg2[%arg1, %sub3A_463, %dma_start3A_468, %dma_start3A_469] : memref<16x160x2x128xi32, #tpu.memory_space<hbm>> -> memref<1x1x2x128xi32, #tpu.memory_space<hbm>>
        %dma_start3A_471 = tpu.memref_squeeze %dma_start3A_470 : memref<1x1x2x128xi32, #tpu.memory_space<hbm>> -> memref<2x128xi32, #tpu.memory_space<hbm>>
        tpu.enqueue_dma source(%dma_start3A_471 : memref<2x128xi32, #tpu.memory_space<hbm>>) target(%arg13 : memref<2x128xi32, #tpu.memory_space<vmem>>) target_semaphore(%arg27 : memref<!tpu.dma_semaphore, #tpu.memory_space<semaphore_mem>>)
      } else {
      }
      %add3A_150 = arith.constant 4 : i32
      %add3A_151 = arith.addi %add3A_138, %add3A_150 : i32
      %sub3A_152 = arith.constant 1 : i32
      %sub3A_153 = arith.subi %add3A_151, %sub3A_152 : i32
      %lt3A_154 = arith.constant 160 : i32
      %lt3A_155 = arith.cmpi slt, %sub3A_153, %lt3A_154 : i32
      %convert_element_type3A_156 = arith.extui %lt3A_155 : i1 to i32
      %cond3A_157 = arith.constant 0 : i32
      %cond3A_158 = arith.cmpi ne, %convert_element_type3A_156, %cond3A_157 : i32
      scf.if %cond3A_158 {
        %add3A_460 = arith.constant 4 : i32
        %add3A_461 = arith.addi %add3A_138, %add3A_460 : i32
        %sub3A_462 = arith.constant 1 : i32
        %sub3A_463 = arith.subi %add3A_461, %sub3A_462 : i32
        %dma_wait3A_464 = arith.constant 0 : i32
        %dma_wait3A_465 = arith.constant 0 : i32
        %dma_wait3A_466 = tpu.memref_slice %arg2[%arg1, %sub3A_463, %dma_wait3A_464, %dma_wait3A_465] : memref<16x160x2x128xi32, #tpu.memory_space<hbm>> -> memref<1x1x2x128xi32, #tpu.memory_space<hbm>>
        %dma_wait3A_467 = tpu.memref_squeeze %dma_wait3A_466 : memref<1x1x2x128xi32, #tpu.memory_space<hbm>> -> memref<2x128xi32, #tpu.memory_space<hbm>>
        %dma_wait3A_468 = arith.constant 0 : i32
        %dma_wait3A_469 = arith.constant 0 : i32
        %dma_wait3A_470 = tpu.memref_slice %arg2[%arg1, %sub3A_463, %dma_wait3A_468, %dma_wait3A_469] : memref<16x160x2x128xi32, #tpu.memory_space<hbm>> -> memref<1x1x2x128xi32, #tpu.memory_space<hbm>>
        %dma_wait3A_471 = tpu.memref_squeeze %dma_wait3A_470 : memref<1x1x2x128xi32, #tpu.memory_space<hbm>> -> memref<2x128xi32, #tpu.memory_space<hbm>>
        tpu.wait_dma2 semaphore(%arg23 : memref<!tpu.dma_semaphore, #tpu.memory_space<semaphore_mem>>) src(%dma_wait3A_471 : memref<2x128xi32, #tpu.memory_space<hbm>>) dst(%arg9 : memref<2x128xi32, #tpu.memory_space<vmem>>)
        %add3A_472 = arith.constant 4 : i32
        %add3A_473 = arith.addi %add3A_138, %add3A_472 : i32
        %sub3A_474 = arith.constant 1 : i32
        %sub3A_475 = arith.subi %add3A_473, %sub3A_474 : i32
        %dma_start3A_476 = arith.constant 0 : i32
        %dma_start3A_477 = arith.constant 0 : i32
        %dma_start3A_478 = tpu.memref_slice %arg9[%dma_start3A_476, %dma_start3A_477] : memref<2x128xi32, #tpu.memory_space<vmem>> -> memref<1x128xi32, #tpu.memory_space<vmem>>
        %dma_start3A_479 = tpu.memref_squeeze %dma_start3A_478 : memref<1x128xi32, #tpu.memory_space<vmem>> -> memref<128xi32, #tpu.memory_space<vmem>>
        %dma_start3A_480 = arith.constant 0 : i32
        %dma_start3A_481 = arith.constant 0 : i32
        %dma_start3A_482 = tpu.memref_slice %arg18[%dma_start3A_480, %dma_start3A_481] : memref<10112x64xf32, #tpu.memory_space<vmem_shared>> -> memref<10112x64xf32, #tpu.memory_space<vmem_shared>>
        tpu.enqueue_indirect_dma source(%dma_start3A_482 : memref<10112x64xf32, #tpu.memory_space<vmem_shared>>) target(%arg17 : memref<128x64xf32, #tpu.memory_space<vmem>>) offsets(%dma_start3A_479 : memref<128xi32, #tpu.memory_space<vmem>>) semaphore(%arg31 : memref<!tpu.dma_semaphore, #tpu.memory_space<semaphore_mem>>)
      } else {
      }
      %dma_wait3A_159 = arith.constant 0 : i32
      %dma_wait3A_160 = arith.constant 0 : i32
      %dma_wait3A_161 = tpu.memref_slice %arg6[%dma_wait3A_159, %dma_wait3A_160] : memref<2x128xi32, #tpu.memory_space<vmem>> -> memref<1x128xi32, #tpu.memory_space<vmem>>
      %dma_wait3A_162 = tpu.memref_squeeze %dma_wait3A_161 : memref<1x128xi32, #tpu.memory_space<vmem>> -> memref<128xi32, #tpu.memory_space<vmem>>
      %dma_wait3A_163 = arith.constant 0 : i32
      %dma_wait3A_164 = arith.constant 0 : i32
      %dma_wait3A_165 = tpu.memref_slice %arg18[%dma_wait3A_163, %dma_wait3A_164] : memref<10112x64xf32, #tpu.memory_space<vmem_shared>> -> memref<10112x64xf32, #tpu.memory_space<vmem_shared>>
      tpu.wait_indirect_dma semaphore(%arg28 : memref<!tpu.dma_semaphore, #tpu.memory_space<semaphore_mem>>) src(%dma_wait3A_165 : memref<10112x64xf32, #tpu.memory_space<vmem_shared>>) dst(%arg14 : memref<128x64xf32, #tpu.memory_space<vmem>>)
      %dma_start3A_166 = arith.constant 1 : i32
      %dma_start3A_167 = arith.constant 0 : i32
      %dma_start3A_168 = tpu.memref_slice %arg6[%dma_start3A_166, %dma_start3A_167] : memref<2x128xi32, #tpu.memory_space<vmem>> -> memref<1x128xi32, #tpu.memory_space<vmem>>
      %dma_start3A_169 = tpu.memref_squeeze %dma_start3A_168 : memref<1x128xi32, #tpu.memory_space<vmem>> -> memref<128xi32, #tpu.memory_space<vmem>>
      %dma_start3A_170 = arith.constant 0 : i32
      %dma_start3A_171 = arith.constant 0 : i32
      %dma_start3A_172 = tpu.memref_slice %arg19[%dma_start3A_170, %dma_start3A_171] : memref<10112x64xf32, #tpu.memory_space<vmem_shared>> -> memref<10112x64xf32, #tpu.memory_space<vmem_shared>>
      tpu.enqueue_indirect_dma source(%arg14 : memref<128x64xf32, #tpu.memory_space<vmem>>) target(%dma_start3A_172 : memref<10112x64xf32, #tpu.memory_space<vmem_shared>>) offsets(%dma_start3A_169 : memref<128xi32, #tpu.memory_space<vmem>>) semaphore(%arg32 : memref<!tpu.dma_semaphore, #tpu.memory_space<semaphore_mem>>) {add = true}
      %mul3A_173 = arith.constant 8 : i32
      %mul3A_174 = arith.muli %add3A_134, %mul3A_173 : i32
      %add3A_175 = arith.constant 1 : i32
      %add3A_176 = arith.addi %mul3A_174, %add3A_175 : i32
      %ge3A_177 = arith.constant 1 : i32
      %ge3A_178 = arith.cmpi sge, %add3A_176, %ge3A_177 : i32
      %convert_element_type3A_179 = arith.extui %ge3A_178 : i1 to i32
      %cond3A_180 = arith.constant 0 : i32
      %cond3A_181 = arith.cmpi ne, %convert_element_type3A_179, %cond3A_180 : i32
      scf.if %cond3A_181 {
        %dma_wait3A_460 = arith.constant 1 : i32
        %dma_wait3A_461 = arith.constant 0 : i32
        %dma_wait3A_462 = tpu.memref_slice %arg6[%dma_wait3A_460, %dma_wait3A_461] : memref<2x128xi32, #tpu.memory_space<vmem>> -> memref<1x128xi32, #tpu.memory_space<vmem>>
        %dma_wait3A_463 = tpu.memref_squeeze %dma_wait3A_462 : memref<1x128xi32, #tpu.memory_space<vmem>> -> memref<128xi32, #tpu.memory_space<vmem>>
        %dma_wait3A_464 = arith.constant 0 : i32
        %dma_wait3A_465 = arith.constant 0 : i32
        %dma_wait3A_466 = tpu.memref_slice %arg19[%dma_wait3A_464, %dma_wait3A_465] : memref<10112x64xf32, #tpu.memory_space<vmem_shared>> -> memref<10112x64xf32, #tpu.memory_space<vmem_shared>>
        tpu.wait_indirect_dma semaphore(%arg32 : memref<!tpu.dma_semaphore, #tpu.memory_space<semaphore_mem>>) src(%arg14 : memref<128x64xf32, #tpu.memory_space<vmem>>) dst(%dma_wait3A_466 : memref<10112x64xf32, #tpu.memory_space<vmem_shared>>)
      } else {
      }
      %add3A_182 = arith.constant 8 : i32
      %add3A_183 = arith.addi %add3A_176, %add3A_182 : i32
      %sub3A_184 = arith.constant 1 : i32
      %sub3A_185 = arith.subi %add3A_183, %sub3A_184 : i32
      %lt3A_186 = arith.constant 160 : i32
      %lt3A_187 = arith.cmpi slt, %sub3A_185, %lt3A_186 : i32
      %convert_element_type3A_188 = arith.extui %lt3A_187 : i1 to i32
      %cond3A_189 = arith.constant 0 : i32
      %cond3A_190 = arith.cmpi ne, %convert_element_type3A_188, %cond3A_189 : i32
      scf.if %cond3A_190 {
        %add3A_460 = arith.constant 8 : i32
        %add3A_461 = arith.addi %add3A_176, %add3A_460 : i32
        %sub3A_462 = arith.constant 1 : i32
        %sub3A_463 = arith.subi %add3A_461, %sub3A_462 : i32
        %dma_start3A_464 = arith.constant 0 : i32
        %dma_start3A_465 = arith.constant 0 : i32
        %dma_start3A_466 = tpu.memref_slice %arg2[%arg1, %sub3A_463, %dma_start3A_464, %dma_start3A_465] : memref<16x160x2x128xi32, #tpu.memory_space<hbm>> -> memref<1x1x2x128xi32, #tpu.memory_space<hbm>>
        %dma_start3A_467 = tpu.memref_squeeze %dma_start3A_466 : memref<1x1x2x128xi32, #tpu.memory_space<hbm>> -> memref<2x128xi32, #tpu.memory_space<hbm>>
        %dma_start3A_468 = arith.constant 0 : i32
        %dma_start3A_469 = arith.constant 0 : i32
        %dma_start3A_470 = tpu.memref_slice %arg2[%arg1, %sub3A_463, %dma_start3A_468, %dma_start3A_469] : memref<16x160x2x128xi32, #tpu.memory_space<hbm>> -> memref<1x1x2x128xi32, #tpu.memory_space<hbm>>
        %dma_start3A_471 = tpu.memref_squeeze %dma_start3A_470 : memref<1x1x2x128xi32, #tpu.memory_space<hbm>> -> memref<2x128xi32, #tpu.memory_space<hbm>>
        tpu.enqueue_dma source(%dma_start3A_471 : memref<2x128xi32, #tpu.memory_space<hbm>>) target(%arg6 : memref<2x128xi32, #tpu.memory_space<vmem>>) target_semaphore(%arg20 : memref<!tpu.dma_semaphore, #tpu.memory_space<semaphore_mem>>)
      } else {
      }
      %add3A_191 = arith.constant 4 : i32
      %add3A_192 = arith.addi %add3A_176, %add3A_191 : i32
      %sub3A_193 = arith.constant 1 : i32
      %sub3A_194 = arith.subi %add3A_192, %sub3A_193 : i32
      %lt3A_195 = arith.constant 160 : i32
      %lt3A_196 = arith.cmpi slt, %sub3A_194, %lt3A_195 : i32
      %convert_element_type3A_197 = arith.extui %lt3A_196 : i1 to i32
      %cond3A_198 = arith.constant 0 : i32
      %cond3A_199 = arith.cmpi ne, %convert_element_type3A_197, %cond3A_198 : i32
      scf.if %cond3A_199 {
        %add3A_460 = arith.constant 4 : i32
        %add3A_461 = arith.addi %add3A_176, %add3A_460 : i32
        %sub3A_462 = arith.constant 1 : i32
        %sub3A_463 = arith.subi %add3A_461, %sub3A_462 : i32
        %dma_wait3A_464 = arith.constant 0 : i32
        %dma_wait3A_465 = arith.constant 0 : i32
        %dma_wait3A_466 = tpu.memref_slice %arg2[%arg1, %sub3A_463, %dma_wait3A_464, %dma_wait3A_465] : memref<16x160x2x128xi32, #tpu.memory_space<hbm>> -> memref<1x1x2x128xi32, #tpu.memory_space<hbm>>
        %dma_wait3A_467 = tpu.memref_squeeze %dma_wait3A_466 : memref<1x1x2x128xi32, #tpu.memory_space<hbm>> -> memref<2x128xi32, #tpu.memory_space<hbm>>
        %dma_wait3A_468 = arith.constant 0 : i32
        %dma_wait3A_469 = arith.constant 0 : i32
        %dma_wait3A_470 = tpu.memref_slice %arg2[%arg1, %sub3A_463, %dma_wait3A_468, %dma_wait3A_469] : memref<16x160x2x128xi32, #tpu.memory_space<hbm>> -> memref<1x1x2x128xi32, #tpu.memory_space<hbm>>
        %dma_wait3A_471 = tpu.memref_squeeze %dma_wait3A_470 : memref<1x1x2x128xi32, #tpu.memory_space<hbm>> -> memref<2x128xi32, #tpu.memory_space<hbm>>
        tpu.wait_dma2 semaphore(%arg24 : memref<!tpu.dma_semaphore, #tpu.memory_space<semaphore_mem>>) src(%dma_wait3A_471 : memref<2x128xi32, #tpu.memory_space<hbm>>) dst(%arg10 : memref<2x128xi32, #tpu.memory_space<vmem>>)
        %add3A_472 = arith.constant 4 : i32
        %add3A_473 = arith.addi %add3A_176, %add3A_472 : i32
        %sub3A_474 = arith.constant 1 : i32
        %sub3A_475 = arith.subi %add3A_473, %sub3A_474 : i32
        %dma_start3A_476 = arith.constant 0 : i32
        %dma_start3A_477 = arith.constant 0 : i32
        %dma_start3A_478 = tpu.memref_slice %arg10[%dma_start3A_476, %dma_start3A_477] : memref<2x128xi32, #tpu.memory_space<vmem>> -> memref<1x128xi32, #tpu.memory_space<vmem>>
        %dma_start3A_479 = tpu.memref_squeeze %dma_start3A_478 : memref<1x128xi32, #tpu.memory_space<vmem>> -> memref<128xi32, #tpu.memory_space<vmem>>
        %dma_start3A_480 = arith.constant 0 : i32
        %dma_start3A_481 = arith.constant 0 : i32
        %dma_start3A_482 = tpu.memref_slice %arg18[%dma_start3A_480, %dma_start3A_481] : memref<10112x64xf32, #tpu.memory_space<vmem_shared>> -> memref<10112x64xf32, #tpu.memory_space<vmem_shared>>
        tpu.enqueue_indirect_dma source(%dma_start3A_482 : memref<10112x64xf32, #tpu.memory_space<vmem_shared>>) target(%arg14 : memref<128x64xf32, #tpu.memory_space<vmem>>) offsets(%dma_start3A_479 : memref<128xi32, #tpu.memory_space<vmem>>) semaphore(%arg28 : memref<!tpu.dma_semaphore, #tpu.memory_space<semaphore_mem>>)
      } else {
      }
      %dma_wait3A_200 = arith.constant 0 : i32
      %dma_wait3A_201 = arith.constant 0 : i32
      %dma_wait3A_202 = tpu.memref_slice %arg7[%dma_wait3A_200, %dma_wait3A_201] : memref<2x128xi32, #tpu.memory_space<vmem>> -> memref<1x128xi32, #tpu.memory_space<vmem>>
      %dma_wait3A_203 = tpu.memref_squeeze %dma_wait3A_202 : memref<1x128xi32, #tpu.memory_space<vmem>> -> memref<128xi32, #tpu.memory_space<vmem>>
      %dma_wait3A_204 = arith.constant 0 : i32
      %dma_wait3A_205 = arith.constant 0 : i32
      %dma_wait3A_206 = tpu.memref_slice %arg18[%dma_wait3A_204, %dma_wait3A_205] : memref<10112x64xf32, #tpu.memory_space<vmem_shared>> -> memref<10112x64xf32, #tpu.memory_space<vmem_shared>>
      tpu.wait_indirect_dma semaphore(%arg29 : memref<!tpu.dma_semaphore, #tpu.memory_space<semaphore_mem>>) src(%dma_wait3A_206 : memref<10112x64xf32, #tpu.memory_space<vmem_shared>>) dst(%arg15 : memref<128x64xf32, #tpu.memory_space<vmem>>)
      %dma_start3A_207 = arith.constant 1 : i32
      %dma_start3A_208 = arith.constant 0 : i32
      %dma_start3A_209 = tpu.memref_slice %arg7[%dma_start3A_207, %dma_start3A_208] : memref<2x128xi32, #tpu.memory_space<vmem>> -> memref<1x128xi32, #tpu.memory_space<vmem>>
      %dma_start3A_210 = tpu.memref_squeeze %dma_start3A_209 : memref<1x128xi32, #tpu.memory_space<vmem>> -> memref<128xi32, #tpu.memory_space<vmem>>
      %dma_start3A_211 = arith.constant 0 : i32
      %dma_start3A_212 = arith.constant 0 : i32
      %dma_start3A_213 = tpu.memref_slice %arg19[%dma_start3A_211, %dma_start3A_212] : memref<10112x64xf32, #tpu.memory_space<vmem_shared>> -> memref<10112x64xf32, #tpu.memory_space<vmem_shared>>
      tpu.enqueue_indirect_dma source(%arg15 : memref<128x64xf32, #tpu.memory_space<vmem>>) target(%dma_start3A_213 : memref<10112x64xf32, #tpu.memory_space<vmem_shared>>) offsets(%dma_start3A_210 : memref<128xi32, #tpu.memory_space<vmem>>) semaphore(%arg33 : memref<!tpu.dma_semaphore, #tpu.memory_space<semaphore_mem>>) {add = true}
      %mul3A_214 = arith.constant 8 : i32
      %mul3A_215 = arith.muli %add3A_134, %mul3A_214 : i32
      %add3A_216 = arith.constant 2 : i32
      %add3A_217 = arith.addi %mul3A_215, %add3A_216 : i32
      %ge3A_218 = arith.constant 1 : i32
      %ge3A_219 = arith.cmpi sge, %add3A_217, %ge3A_218 : i32
      %convert_element_type3A_220 = arith.extui %ge3A_219 : i1 to i32
      %cond3A_221 = arith.constant 0 : i32
      %cond3A_222 = arith.cmpi ne, %convert_element_type3A_220, %cond3A_221 : i32
      scf.if %cond3A_222 {
        %dma_wait3A_460 = arith.constant 1 : i32
        %dma_wait3A_461 = arith.constant 0 : i32
        %dma_wait3A_462 = tpu.memref_slice %arg7[%dma_wait3A_460, %dma_wait3A_461] : memref<2x128xi32, #tpu.memory_space<vmem>> -> memref<1x128xi32, #tpu.memory_space<vmem>>
        %dma_wait3A_463 = tpu.memref_squeeze %dma_wait3A_462 : memref<1x128xi32, #tpu.memory_space<vmem>> -> memref<128xi32, #tpu.memory_space<vmem>>
        %dma_wait3A_464 = arith.constant 0 : i32
        %dma_wait3A_465 = arith.constant 0 : i32
        %dma_wait3A_466 = tpu.memref_slice %arg19[%dma_wait3A_464, %dma_wait3A_465] : memref<10112x64xf32, #tpu.memory_space<vmem_shared>> -> memref<10112x64xf32, #tpu.memory_space<vmem_shared>>
        tpu.wait_indirect_dma semaphore(%arg33 : memref<!tpu.dma_semaphore, #tpu.memory_space<semaphore_mem>>) src(%arg15 : memref<128x64xf32, #tpu.memory_space<vmem>>) dst(%dma_wait3A_466 : memref<10112x64xf32, #tpu.memory_space<vmem_shared>>)
      } else {
      }
      %add3A_223 = arith.constant 8 : i32
      %add3A_224 = arith.addi %add3A_217, %add3A_223 : i32
      %sub3A_225 = arith.constant 1 : i32
      %sub3A_226 = arith.subi %add3A_224, %sub3A_225 : i32
      %lt3A_227 = arith.constant 160 : i32
      %lt3A_228 = arith.cmpi slt, %sub3A_226, %lt3A_227 : i32
      %convert_element_type3A_229 = arith.extui %lt3A_228 : i1 to i32
      %cond3A_230 = arith.constant 0 : i32
      %cond3A_231 = arith.cmpi ne, %convert_element_type3A_229, %cond3A_230 : i32
      scf.if %cond3A_231 {
        %add3A_460 = arith.constant 8 : i32
        %add3A_461 = arith.addi %add3A_217, %add3A_460 : i32
        %sub3A_462 = arith.constant 1 : i32
        %sub3A_463 = arith.subi %add3A_461, %sub3A_462 : i32
        %dma_start3A_464 = arith.constant 0 : i32
        %dma_start3A_465 = arith.constant 0 : i32
        %dma_start3A_466 = tpu.memref_slice %arg2[%arg1, %sub3A_463, %dma_start3A_464, %dma_start3A_465] : memref<16x160x2x128xi32, #tpu.memory_space<hbm>> -> memref<1x1x2x128xi32, #tpu.memory_space<hbm>>
        %dma_start3A_467 = tpu.memref_squeeze %dma_start3A_466 : memref<1x1x2x128xi32, #tpu.memory_space<hbm>> -> memref<2x128xi32, #tpu.memory_space<hbm>>
        %dma_start3A_468 = arith.constant 0 : i32
        %dma_start3A_469 = arith.constant 0 : i32
        %dma_start3A_470 = tpu.memref_slice %arg2[%arg1, %sub3A_463, %dma_start3A_468, %dma_start3A_469] : memref<16x160x2x128xi32, #tpu.memory_space<hbm>> -> memref<1x1x2x128xi32, #tpu.memory_space<hbm>>
        %dma_start3A_471 = tpu.memref_squeeze %dma_start3A_470 : memref<1x1x2x128xi32, #tpu.memory_space<hbm>> -> memref<2x128xi32, #tpu.memory_space<hbm>>
        tpu.enqueue_dma source(%dma_start3A_471 : memref<2x128xi32, #tpu.memory_space<hbm>>) target(%arg7 : memref<2x128xi32, #tpu.memory_space<vmem>>) target_semaphore(%arg21 : memref<!tpu.dma_semaphore, #tpu.memory_space<semaphore_mem>>)
      } else {
      }
      %add3A_232 = arith.constant 4 : i32
      %add3A_233 = arith.addi %add3A_217, %add3A_232 : i32
      %sub3A_234 = arith.constant 1 : i32
      %sub3A_235 = arith.subi %add3A_233, %sub3A_234 : i32
      %lt3A_236 = arith.constant 160 : i32
      %lt3A_237 = arith.cmpi slt, %sub3A_235, %lt3A_236 : i32
      %convert_element_type3A_238 = arith.extui %lt3A_237 : i1 to i32
      %cond3A_239 = arith.constant 0 : i32
      %cond3A_240 = arith.cmpi ne, %convert_element_type3A_238, %cond3A_239 : i32
      scf.if %cond3A_240 {
        %add3A_460 = arith.constant 4 : i32
        %add3A_461 = arith.addi %add3A_217, %add3A_460 : i32
        %sub3A_462 = arith.constant 1 : i32
        %sub3A_463 = arith.subi %add3A_461, %sub3A_462 : i32
        %dma_wait3A_464 = arith.constant 0 : i32
        %dma_wait3A_465 = arith.constant 0 : i32
        %dma_wait3A_466 = tpu.memref_slice %arg2[%arg1, %sub3A_463, %dma_wait3A_464, %dma_wait3A_465] : memref<16x160x2x128xi32, #tpu.memory_space<hbm>> -> memref<1x1x2x128xi32, #tpu.memory_space<hbm>>
        %dma_wait3A_467 = tpu.memref_squeeze %dma_wait3A_466 : memref<1x1x2x128xi32, #tpu.memory_space<hbm>> -> memref<2x128xi32, #tpu.memory_space<hbm>>
        %dma_wait3A_468 = arith.constant 0 : i32
        %dma_wait3A_469 = arith.constant 0 : i32
        %dma_wait3A_470 = tpu.memref_slice %arg2[%arg1, %sub3A_463, %dma_wait3A_468, %dma_wait3A_469] : memref<16x160x2x128xi32, #tpu.memory_space<hbm>> -> memref<1x1x2x128xi32, #tpu.memory_space<hbm>>
        %dma_wait3A_471 = tpu.memref_squeeze %dma_wait3A_470 : memref<1x1x2x128xi32, #tpu.memory_space<hbm>> -> memref<2x128xi32, #tpu.memory_space<hbm>>
        tpu.wait_dma2 semaphore(%arg25 : memref<!tpu.dma_semaphore, #tpu.memory_space<semaphore_mem>>) src(%dma_wait3A_471 : memref<2x128xi32, #tpu.memory_space<hbm>>) dst(%arg11 : memref<2x128xi32, #tpu.memory_space<vmem>>)
        %add3A_472 = arith.constant 4 : i32
        %add3A_473 = arith.addi %add3A_217, %add3A_472 : i32
        %sub3A_474 = arith.constant 1 : i32
        %sub3A_475 = arith.subi %add3A_473, %sub3A_474 : i32
        %dma_start3A_476 = arith.constant 0 : i32
        %dma_start3A_477 = arith.constant 0 : i32
        %dma_start3A_478 = tpu.memref_slice %arg11[%dma_start3A_476, %dma_start3A_477] : memref<2x128xi32, #tpu.memory_space<vmem>> -> memref<1x128xi32, #tpu.memory_space<vmem>>
        %dma_start3A_479 = tpu.memref_squeeze %dma_start3A_478 : memref<1x128xi32, #tpu.memory_space<vmem>> -> memref<128xi32, #tpu.memory_space<vmem>>
        %dma_start3A_480 = arith.constant 0 : i32
        %dma_start3A_481 = arith.constant 0 : i32
        %dma_start3A_482 = tpu.memref_slice %arg18[%dma_start3A_480, %dma_start3A_481] : memref<10112x64xf32, #tpu.memory_space<vmem_shared>> -> memref<10112x64xf32, #tpu.memory_space<vmem_shared>>
        tpu.enqueue_indirect_dma source(%dma_start3A_482 : memref<10112x64xf32, #tpu.memory_space<vmem_shared>>) target(%arg15 : memref<128x64xf32, #tpu.memory_space<vmem>>) offsets(%dma_start3A_479 : memref<128xi32, #tpu.memory_space<vmem>>) semaphore(%arg29 : memref<!tpu.dma_semaphore, #tpu.memory_space<semaphore_mem>>)
      } else {
      }
      %dma_wait3A_241 = arith.constant 0 : i32
      %dma_wait3A_242 = arith.constant 0 : i32
      %dma_wait3A_243 = tpu.memref_slice %arg8[%dma_wait3A_241, %dma_wait3A_242] : memref<2x128xi32, #tpu.memory_space<vmem>> -> memref<1x128xi32, #tpu.memory_space<vmem>>
      %dma_wait3A_244 = tpu.memref_squeeze %dma_wait3A_243 : memref<1x128xi32, #tpu.memory_space<vmem>> -> memref<128xi32, #tpu.memory_space<vmem>>
      %dma_wait3A_245 = arith.constant 0 : i32
      %dma_wait3A_246 = arith.constant 0 : i32
      %dma_wait3A_247 = tpu.memref_slice %arg18[%dma_wait3A_245, %dma_wait3A_246] : memref<10112x64xf32, #tpu.memory_space<vmem_shared>> -> memref<10112x64xf32, #tpu.memory_space<vmem_shared>>
      tpu.wait_indirect_dma semaphore(%arg30 : memref<!tpu.dma_semaphore, #tpu.memory_space<semaphore_mem>>) src(%dma_wait3A_247 : memref<10112x64xf32, #tpu.memory_space<vmem_shared>>) dst(%arg16 : memref<128x64xf32, #tpu.memory_space<vmem>>)
      %dma_start3A_248 = arith.constant 1 : i32
      %dma_start3A_249 = arith.constant 0 : i32
      %dma_start3A_250 = tpu.memref_slice %arg8[%dma_start3A_248, %dma_start3A_249] : memref<2x128xi32, #tpu.memory_space<vmem>> -> memref<1x128xi32, #tpu.memory_space<vmem>>
      %dma_start3A_251 = tpu.memref_squeeze %dma_start3A_250 : memref<1x128xi32, #tpu.memory_space<vmem>> -> memref<128xi32, #tpu.memory_space<vmem>>
      %dma_start3A_252 = arith.constant 0 : i32
      %dma_start3A_253 = arith.constant 0 : i32
      %dma_start3A_254 = tpu.memref_slice %arg19[%dma_start3A_252, %dma_start3A_253] : memref<10112x64xf32, #tpu.memory_space<vmem_shared>> -> memref<10112x64xf32, #tpu.memory_space<vmem_shared>>
      tpu.enqueue_indirect_dma source(%arg16 : memref<128x64xf32, #tpu.memory_space<vmem>>) target(%dma_start3A_254 : memref<10112x64xf32, #tpu.memory_space<vmem_shared>>) offsets(%dma_start3A_251 : memref<128xi32, #tpu.memory_space<vmem>>) semaphore(%arg34 : memref<!tpu.dma_semaphore, #tpu.memory_space<semaphore_mem>>) {add = true}
      %mul3A_255 = arith.constant 8 : i32
      %mul3A_256 = arith.muli %add3A_134, %mul3A_255 : i32
      %add3A_257 = arith.constant 3 : i32
      %add3A_258 = arith.addi %mul3A_256, %add3A_257 : i32
      %ge3A_259 = arith.constant 1 : i32
      %ge3A_260 = arith.cmpi sge, %add3A_258, %ge3A_259 : i32
      %convert_element_type3A_261 = arith.extui %ge3A_260 : i1 to i32
      %cond3A_262 = arith.constant 0 : i32
      %cond3A_263 = arith.cmpi ne, %convert_element_type3A_261, %cond3A_262 : i32
      scf.if %cond3A_263 {
        %dma_wait3A_460 = arith.constant 1 : i32
        %dma_wait3A_461 = arith.constant 0 : i32
        %dma_wait3A_462 = tpu.memref_slice %arg8[%dma_wait3A_460, %dma_wait3A_461] : memref<2x128xi32, #tpu.memory_space<vmem>> -> memref<1x128xi32, #tpu.memory_space<vmem>>
        %dma_wait3A_463 = tpu.memref_squeeze %dma_wait3A_462 : memref<1x128xi32, #tpu.memory_space<vmem>> -> memref<128xi32, #tpu.memory_space<vmem>>
        %dma_wait3A_464 = arith.constant 0 : i32
        %dma_wait3A_465 = arith.constant 0 : i32
        %dma_wait3A_466 = tpu.memref_slice %arg19[%dma_wait3A_464, %dma_wait3A_465] : memref<10112x64xf32, #tpu.memory_space<vmem_shared>> -> memref<10112x64xf32, #tpu.memory_space<vmem_shared>>
        tpu.wait_indirect_dma semaphore(%arg34 : memref<!tpu.dma_semaphore, #tpu.memory_space<semaphore_mem>>) src(%arg16 : memref<128x64xf32, #tpu.memory_space<vmem>>) dst(%dma_wait3A_466 : memref<10112x64xf32, #tpu.memory_space<vmem_shared>>)
      } else {
      }
      %add3A_264 = arith.constant 8 : i32
      %add3A_265 = arith.addi %add3A_258, %add3A_264 : i32
      %sub3A_266 = arith.constant 1 : i32
      %sub3A_267 = arith.subi %add3A_265, %sub3A_266 : i32
      %lt3A_268 = arith.constant 160 : i32
      %lt3A_269 = arith.cmpi slt, %sub3A_267, %lt3A_268 : i32
      %convert_element_type3A_270 = arith.extui %lt3A_269 : i1 to i32
      %cond3A_271 = arith.constant 0 : i32
      %cond3A_272 = arith.cmpi ne, %convert_element_type3A_270, %cond3A_271 : i32
      scf.if %cond3A_272 {
        %add3A_460 = arith.constant 8 : i32
        %add3A_461 = arith.addi %add3A_258, %add3A_460 : i32
        %sub3A_462 = arith.constant 1 : i32
        %sub3A_463 = arith.subi %add3A_461, %sub3A_462 : i32
        %dma_start3A_464 = arith.constant 0 : i32
        %dma_start3A_465 = arith.constant 0 : i32
        %dma_start3A_466 = tpu.memref_slice %arg2[%arg1, %sub3A_463, %dma_start3A_464, %dma_start3A_465] : memref<16x160x2x128xi32, #tpu.memory_space<hbm>> -> memref<1x1x2x128xi32, #tpu.memory_space<hbm>>
        %dma_start3A_467 = tpu.memref_squeeze %dma_start3A_466 : memref<1x1x2x128xi32, #tpu.memory_space<hbm>> -> memref<2x128xi32, #tpu.memory_space<hbm>>
        %dma_start3A_468 = arith.constant 0 : i32
        %dma_start3A_469 = arith.constant 0 : i32
        %dma_start3A_470 = tpu.memref_slice %arg2[%arg1, %sub3A_463, %dma_start3A_468, %dma_start3A_469] : memref<16x160x2x128xi32, #tpu.memory_space<hbm>> -> memref<1x1x2x128xi32, #tpu.memory_space<hbm>>
        %dma_start3A_471 = tpu.memref_squeeze %dma_start3A_470 : memref<1x1x2x128xi32, #tpu.memory_space<hbm>> -> memref<2x128xi32, #tpu.memory_space<hbm>>
        tpu.enqueue_dma source(%dma_start3A_471 : memref<2x128xi32, #tpu.memory_space<hbm>>) target(%arg8 : memref<2x128xi32, #tpu.memory_space<vmem>>) target_semaphore(%arg22 : memref<!tpu.dma_semaphore, #tpu.memory_space<semaphore_mem>>)
      } else {
      }
      %add3A_273 = arith.constant 4 : i32
      %add3A_274 = arith.addi %add3A_258, %add3A_273 : i32
      %sub3A_275 = arith.constant 1 : i32
      %sub3A_276 = arith.subi %add3A_274, %sub3A_275 : i32
      %lt3A_277 = arith.constant 160 : i32
      %lt3A_278 = arith.cmpi slt, %sub3A_276, %lt3A_277 : i32
      %convert_element_type3A_279 = arith.extui %lt3A_278 : i1 to i32
      %cond3A_280 = arith.constant 0 : i32
      %cond3A_281 = arith.cmpi ne, %convert_element_type3A_279, %cond3A_280 : i32
      scf.if %cond3A_281 {
        %add3A_460 = arith.constant 4 : i32
        %add3A_461 = arith.addi %add3A_258, %add3A_460 : i32
        %sub3A_462 = arith.constant 1 : i32
        %sub3A_463 = arith.subi %add3A_461, %sub3A_462 : i32
        %dma_wait3A_464 = arith.constant 0 : i32
        %dma_wait3A_465 = arith.constant 0 : i32
        %dma_wait3A_466 = tpu.memref_slice %arg2[%arg1, %sub3A_463, %dma_wait3A_464, %dma_wait3A_465] : memref<16x160x2x128xi32, #tpu.memory_space<hbm>> -> memref<1x1x2x128xi32, #tpu.memory_space<hbm>>
        %dma_wait3A_467 = tpu.memref_squeeze %dma_wait3A_466 : memref<1x1x2x128xi32, #tpu.memory_space<hbm>> -> memref<2x128xi32, #tpu.memory_space<hbm>>
        %dma_wait3A_468 = arith.constant 0 : i32
        %dma_wait3A_469 = arith.constant 0 : i32
        %dma_wait3A_470 = tpu.memref_slice %arg2[%arg1, %sub3A_463, %dma_wait3A_468, %dma_wait3A_469] : memref<16x160x2x128xi32, #tpu.memory_space<hbm>> -> memref<1x1x2x128xi32, #tpu.memory_space<hbm>>
        %dma_wait3A_471 = tpu.memref_squeeze %dma_wait3A_470 : memref<1x1x2x128xi32, #tpu.memory_space<hbm>> -> memref<2x128xi32, #tpu.memory_space<hbm>>
        tpu.wait_dma2 semaphore(%arg26 : memref<!tpu.dma_semaphore, #tpu.memory_space<semaphore_mem>>) src(%dma_wait3A_471 : memref<2x128xi32, #tpu.memory_space<hbm>>) dst(%arg12 : memref<2x128xi32, #tpu.memory_space<vmem>>)
        %add3A_472 = arith.constant 4 : i32
        %add3A_473 = arith.addi %add3A_258, %add3A_472 : i32
        %sub3A_474 = arith.constant 1 : i32
        %sub3A_475 = arith.subi %add3A_473, %sub3A_474 : i32
        %dma_start3A_476 = arith.constant 0 : i32
        %dma_start3A_477 = arith.constant 0 : i32
        %dma_start3A_478 = tpu.memref_slice %arg12[%dma_start3A_476, %dma_start3A_477] : memref<2x128xi32, #tpu.memory_space<vmem>> -> memref<1x128xi32, #tpu.memory_space<vmem>>
        %dma_start3A_479 = tpu.memref_squeeze %dma_start3A_478 : memref<1x128xi32, #tpu.memory_space<vmem>> -> memref<128xi32, #tpu.memory_space<vmem>>
        %dma_start3A_480 = arith.constant 0 : i32
        %dma_start3A_481 = arith.constant 0 : i32
        %dma_start3A_482 = tpu.memref_slice %arg18[%dma_start3A_480, %dma_start3A_481] : memref<10112x64xf32, #tpu.memory_space<vmem_shared>> -> memref<10112x64xf32, #tpu.memory_space<vmem_shared>>
        tpu.enqueue_indirect_dma source(%dma_start3A_482 : memref<10112x64xf32, #tpu.memory_space<vmem_shared>>) target(%arg16 : memref<128x64xf32, #tpu.memory_space<vmem>>) offsets(%dma_start3A_479 : memref<128xi32, #tpu.memory_space<vmem>>) semaphore(%arg30 : memref<!tpu.dma_semaphore, #tpu.memory_space<semaphore_mem>>)
      } else {
      }
      %dma_wait3A_282 = arith.constant 0 : i32
      %dma_wait3A_283 = arith.constant 0 : i32
      %dma_wait3A_284 = tpu.memref_slice %arg9[%dma_wait3A_282, %dma_wait3A_283] : memref<2x128xi32, #tpu.memory_space<vmem>> -> memref<1x128xi32, #tpu.memory_space<vmem>>
      %dma_wait3A_285 = tpu.memref_squeeze %dma_wait3A_284 : memref<1x128xi32, #tpu.memory_space<vmem>> -> memref<128xi32, #tpu.memory_space<vmem>>
      %dma_wait3A_286 = arith.constant 0 : i32
      %dma_wait3A_287 = arith.constant 0 : i32
      %dma_wait3A_288 = tpu.memref_slice %arg18[%dma_wait3A_286, %dma_wait3A_287] : memref<10112x64xf32, #tpu.memory_space<vmem_shared>> -> memref<10112x64xf32, #tpu.memory_space<vmem_shared>>
      tpu.wait_indirect_dma semaphore(%arg31 : memref<!tpu.dma_semaphore, #tpu.memory_space<semaphore_mem>>) src(%dma_wait3A_288 : memref<10112x64xf32, #tpu.memory_space<vmem_shared>>) dst(%arg17 : memref<128x64xf32, #tpu.memory_space<vmem>>)
      %dma_start3A_289 = arith.constant 1 : i32
      %dma_start3A_290 = arith.constant 0 : i32
      %dma_start3A_291 = tpu.memref_slice %arg9[%dma_start3A_289, %dma_start3A_290] : memref<2x128xi32, #tpu.memory_space<vmem>> -> memref<1x128xi32, #tpu.memory_space<vmem>>
      %dma_start3A_292 = tpu.memref_squeeze %dma_start3A_291 : memref<1x128xi32, #tpu.memory_space<vmem>> -> memref<128xi32, #tpu.memory_space<vmem>>
      %dma_start3A_293 = arith.constant 0 : i32
      %dma_start3A_294 = arith.constant 0 : i32
      %dma_start3A_295 = tpu.memref_slice %arg19[%dma_start3A_293, %dma_start3A_294] : memref<10112x64xf32, #tpu.memory_space<vmem_shared>> -> memref<10112x64xf32, #tpu.memory_space<vmem_shared>>
      tpu.enqueue_indirect_dma source(%arg17 : memref<128x64xf32, #tpu.memory_space<vmem>>) target(%dma_start3A_295 : memref<10112x64xf32, #tpu.memory_space<vmem_shared>>) offsets(%dma_start3A_292 : memref<128xi32, #tpu.memory_space<vmem>>) semaphore(%arg35 : memref<!tpu.dma_semaphore, #tpu.memory_space<semaphore_mem>>) {add = true}
      %mul3A_296 = arith.constant 8 : i32
      %mul3A_297 = arith.muli %add3A_134, %mul3A_296 : i32
      %add3A_298 = arith.constant 4 : i32
      %add3A_299 = arith.addi %mul3A_297, %add3A_298 : i32
      %ge3A_300 = arith.constant 1 : i32
      %ge3A_301 = arith.cmpi sge, %add3A_299, %ge3A_300 : i32
      %convert_element_type3A_302 = arith.extui %ge3A_301 : i1 to i32
      %cond3A_303 = arith.constant 0 : i32
      %cond3A_304 = arith.cmpi ne, %convert_element_type3A_302, %cond3A_303 : i32
      scf.if %cond3A_304 {
        %dma_wait3A_460 = arith.constant 1 : i32
        %dma_wait3A_461 = arith.constant 0 : i32
        %dma_wait3A_462 = tpu.memref_slice %arg9[%dma_wait3A_460, %dma_wait3A_461] : memref<2x128xi32, #tpu.memory_space<vmem>> -> memref<1x128xi32, #tpu.memory_space<vmem>>
        %dma_wait3A_463 = tpu.memref_squeeze %dma_wait3A_462 : memref<1x128xi32, #tpu.memory_space<vmem>> -> memref<128xi32, #tpu.memory_space<vmem>>
        %dma_wait3A_464 = arith.constant 0 : i32
        %dma_wait3A_465 = arith.constant 0 : i32
        %dma_wait3A_466 = tpu.memref_slice %arg19[%dma_wait3A_464, %dma_wait3A_465] : memref<10112x64xf32, #tpu.memory_space<vmem_shared>> -> memref<10112x64xf32, #tpu.memory_space<vmem_shared>>
        tpu.wait_indirect_dma semaphore(%arg35 : memref<!tpu.dma_semaphore, #tpu.memory_space<semaphore_mem>>) src(%arg17 : memref<128x64xf32, #tpu.memory_space<vmem>>) dst(%dma_wait3A_466 : memref<10112x64xf32, #tpu.memory_space<vmem_shared>>)
      } else {
      }
      %add3A_305 = arith.constant 8 : i32
      %add3A_306 = arith.addi %add3A_299, %add3A_305 : i32
      %sub3A_307 = arith.constant 1 : i32
      %sub3A_308 = arith.subi %add3A_306, %sub3A_307 : i32
      %lt3A_309 = arith.constant 160 : i32
      %lt3A_310 = arith.cmpi slt, %sub3A_308, %lt3A_309 : i32
      %convert_element_type3A_311 = arith.extui %lt3A_310 : i1 to i32
      %cond3A_312 = arith.constant 0 : i32
      %cond3A_313 = arith.cmpi ne, %convert_element_type3A_311, %cond3A_312 : i32
      scf.if %cond3A_313 {
        %add3A_460 = arith.constant 8 : i32
        %add3A_461 = arith.addi %add3A_299, %add3A_460 : i32
        %sub3A_462 = arith.constant 1 : i32
        %sub3A_463 = arith.subi %add3A_461, %sub3A_462 : i32
        %dma_start3A_464 = arith.constant 0 : i32
        %dma_start3A_465 = arith.constant 0 : i32
        %dma_start3A_466 = tpu.memref_slice %arg2[%arg1, %sub3A_463, %dma_start3A_464, %dma_start3A_465] : memref<16x160x2x128xi32, #tpu.memory_space<hbm>> -> memref<1x1x2x128xi32, #tpu.memory_space<hbm>>
        %dma_start3A_467 = tpu.memref_squeeze %dma_start3A_466 : memref<1x1x2x128xi32, #tpu.memory_space<hbm>> -> memref<2x128xi32, #tpu.memory_space<hbm>>
        %dma_start3A_468 = arith.constant 0 : i32
        %dma_start3A_469 = arith.constant 0 : i32
        %dma_start3A_470 = tpu.memref_slice %arg2[%arg1, %sub3A_463, %dma_start3A_468, %dma_start3A_469] : memref<16x160x2x128xi32, #tpu.memory_space<hbm>> -> memref<1x1x2x128xi32, #tpu.memory_space<hbm>>
        %dma_start3A_471 = tpu.memref_squeeze %dma_start3A_470 : memref<1x1x2x128xi32, #tpu.memory_space<hbm>> -> memref<2x128xi32, #tpu.memory_space<hbm>>
        tpu.enqueue_dma source(%dma_start3A_471 : memref<2x128xi32, #tpu.memory_space<hbm>>) target(%arg9 : memref<2x128xi32, #tpu.memory_space<vmem>>) target_semaphore(%arg23 : memref<!tpu.dma_semaphore, #tpu.memory_space<semaphore_mem>>)
      } else {
      }
      %add3A_314 = arith.constant 4 : i32
      %add3A_315 = arith.addi %add3A_299, %add3A_314 : i32
      %sub3A_316 = arith.constant 1 : i32
      %sub3A_317 = arith.subi %add3A_315, %sub3A_316 : i32
      %lt3A_318 = arith.constant 160 : i32
      %lt3A_319 = arith.cmpi slt, %sub3A_317, %lt3A_318 : i32
      %convert_element_type3A_320 = arith.extui %lt3A_319 : i1 to i32
      %cond3A_321 = arith.constant 0 : i32
      %cond3A_322 = arith.cmpi ne, %convert_element_type3A_320, %cond3A_321 : i32
      scf.if %cond3A_322 {
        %add3A_460 = arith.constant 4 : i32
        %add3A_461 = arith.addi %add3A_299, %add3A_460 : i32
        %sub3A_462 = arith.constant 1 : i32
        %sub3A_463 = arith.subi %add3A_461, %sub3A_462 : i32
        %dma_wait3A_464 = arith.constant 0 : i32
        %dma_wait3A_465 = arith.constant 0 : i32
        %dma_wait3A_466 = tpu.memref_slice %arg2[%arg1, %sub3A_463, %dma_wait3A_464, %dma_wait3A_465] : memref<16x160x2x128xi32, #tpu.memory_space<hbm>> -> memref<1x1x2x128xi32, #tpu.memory_space<hbm>>
        %dma_wait3A_467 = tpu.memref_squeeze %dma_wait3A_466 : memref<1x1x2x128xi32, #tpu.memory_space<hbm>> -> memref<2x128xi32, #tpu.memory_space<hbm>>
        %dma_wait3A_468 = arith.constant 0 : i32
        %dma_wait3A_469 = arith.constant 0 : i32
        %dma_wait3A_470 = tpu.memref_slice %arg2[%arg1, %sub3A_463, %dma_wait3A_468, %dma_wait3A_469] : memref<16x160x2x128xi32, #tpu.memory_space<hbm>> -> memref<1x1x2x128xi32, #tpu.memory_space<hbm>>
        %dma_wait3A_471 = tpu.memref_squeeze %dma_wait3A_470 : memref<1x1x2x128xi32, #tpu.memory_space<hbm>> -> memref<2x128xi32, #tpu.memory_space<hbm>>
        tpu.wait_dma2 semaphore(%arg27 : memref<!tpu.dma_semaphore, #tpu.memory_space<semaphore_mem>>) src(%dma_wait3A_471 : memref<2x128xi32, #tpu.memory_space<hbm>>) dst(%arg13 : memref<2x128xi32, #tpu.memory_space<vmem>>)
        %add3A_472 = arith.constant 4 : i32
        %add3A_473 = arith.addi %add3A_299, %add3A_472 : i32
        %sub3A_474 = arith.constant 1 : i32
        %sub3A_475 = arith.subi %add3A_473, %sub3A_474 : i32
        %dma_start3A_476 = arith.constant 0 : i32
        %dma_start3A_477 = arith.constant 0 : i32
        %dma_start3A_478 = tpu.memref_slice %arg13[%dma_start3A_476, %dma_start3A_477] : memref<2x128xi32, #tpu.memory_space<vmem>> -> memref<1x128xi32, #tpu.memory_space<vmem>>
        %dma_start3A_479 = tpu.memref_squeeze %dma_start3A_478 : memref<1x128xi32, #tpu.memory_space<vmem>> -> memref<128xi32, #tpu.memory_space<vmem>>
        %dma_start3A_480 = arith.constant 0 : i32
        %dma_start3A_481 = arith.constant 0 : i32
        %dma_start3A_482 = tpu.memref_slice %arg18[%dma_start3A_480, %dma_start3A_481] : memref<10112x64xf32, #tpu.memory_space<vmem_shared>> -> memref<10112x64xf32, #tpu.memory_space<vmem_shared>>
        tpu.enqueue_indirect_dma source(%dma_start3A_482 : memref<10112x64xf32, #tpu.memory_space<vmem_shared>>) target(%arg17 : memref<128x64xf32, #tpu.memory_space<vmem>>) offsets(%dma_start3A_479 : memref<128xi32, #tpu.memory_space<vmem>>) semaphore(%arg31 : memref<!tpu.dma_semaphore, #tpu.memory_space<semaphore_mem>>)
      } else {
      }
      %dma_wait3A_323 = arith.constant 0 : i32
      %dma_wait3A_324 = arith.constant 0 : i32
      %dma_wait3A_325 = tpu.memref_slice %arg10[%dma_wait3A_323, %dma_wait3A_324] : memref<2x128xi32, #tpu.memory_space<vmem>> -> memref<1x128xi32, #tpu.memory_space<vmem>>
      %dma_wait3A_326 = tpu.memref_squeeze %dma_wait3A_325 : memref<1x128xi32, #tpu.memory_space<vmem>> -> memref<128xi32, #tpu.memory_space<vmem>>
      %dma_wait3A_327 = arith.constant 0 : i32
      %dma_wait3A_328 = arith.constant 0 : i32
      %dma_wait3A_329 = tpu.memref_slice %arg18[%dma_wait3A_327, %dma_wait3A_328] : memref<10112x64xf32, #tpu.memory_space<vmem_shared>> -> memref<10112x64xf32, #tpu.memory_space<vmem_shared>>
      tpu.wait_indirect_dma semaphore(%arg28 : memref<!tpu.dma_semaphore, #tpu.memory_space<semaphore_mem>>) src(%dma_wait3A_329 : memref<10112x64xf32, #tpu.memory_space<vmem_shared>>) dst(%arg14 : memref<128x64xf32, #tpu.memory_space<vmem>>)
      %dma_start3A_330 = arith.constant 1 : i32
      %dma_start3A_331 = arith.constant 0 : i32
      %dma_start3A_332 = tpu.memref_slice %arg10[%dma_start3A_330, %dma_start3A_331] : memref<2x128xi32, #tpu.memory_space<vmem>> -> memref<1x128xi32, #tpu.memory_space<vmem>>
      %dma_start3A_333 = tpu.memref_squeeze %dma_start3A_332 : memref<1x128xi32, #tpu.memory_space<vmem>> -> memref<128xi32, #tpu.memory_space<vmem>>
      %dma_start3A_334 = arith.constant 0 : i32
      %dma_start3A_335 = arith.constant 0 : i32
      %dma_start3A_336 = tpu.memref_slice %arg19[%dma_start3A_334, %dma_start3A_335] : memref<10112x64xf32, #tpu.memory_space<vmem_shared>> -> memref<10112x64xf32, #tpu.memory_space<vmem_shared>>
      tpu.enqueue_indirect_dma source(%arg14 : memref<128x64xf32, #tpu.memory_space<vmem>>) target(%dma_start3A_336 : memref<10112x64xf32, #tpu.memory_space<vmem_shared>>) offsets(%dma_start3A_333 : memref<128xi32, #tpu.memory_space<vmem>>) semaphore(%arg32 : memref<!tpu.dma_semaphore, #tpu.memory_space<semaphore_mem>>) {add = true}
      %mul3A_337 = arith.constant 8 : i32
      %mul3A_338 = arith.muli %add3A_134, %mul3A_337 : i32
      %add3A_339 = arith.constant 5 : i32
      %add3A_340 = arith.addi %mul3A_338, %add3A_339 : i32
      %ge3A_341 = arith.constant 1 : i32
      %ge3A_342 = arith.cmpi sge, %add3A_340, %ge3A_341 : i32
      %convert_element_type3A_343 = arith.extui %ge3A_342 : i1 to i32
      %cond3A_344 = arith.constant 0 : i32
      %cond3A_345 = arith.cmpi ne, %convert_element_type3A_343, %cond3A_344 : i32
      scf.if %cond3A_345 {
        %dma_wait3A_460 = arith.constant 1 : i32
        %dma_wait3A_461 = arith.constant 0 : i32
        %dma_wait3A_462 = tpu.memref_slice %arg10[%dma_wait3A_460, %dma_wait3A_461] : memref<2x128xi32, #tpu.memory_space<vmem>> -> memref<1x128xi32, #tpu.memory_space<vmem>>
        %dma_wait3A_463 = tpu.memref_squeeze %dma_wait3A_462 : memref<1x128xi32, #tpu.memory_space<vmem>> -> memref<128xi32, #tpu.memory_space<vmem>>
        %dma_wait3A_464 = arith.constant 0 : i32
        %dma_wait3A_465 = arith.constant 0 : i32
        %dma_wait3A_466 = tpu.memref_slice %arg19[%dma_wait3A_464, %dma_wait3A_465] : memref<10112x64xf32, #tpu.memory_space<vmem_shared>> -> memref<10112x64xf32, #tpu.memory_space<vmem_shared>>
        tpu.wait_indirect_dma semaphore(%arg32 : memref<!tpu.dma_semaphore, #tpu.memory_space<semaphore_mem>>) src(%arg14 : memref<128x64xf32, #tpu.memory_space<vmem>>) dst(%dma_wait3A_466 : memref<10112x64xf32, #tpu.memory_space<vmem_shared>>)
      } else {
      }
      %add3A_346 = arith.constant 8 : i32
      %add3A_347 = arith.addi %add3A_340, %add3A_346 : i32
      %sub3A_348 = arith.constant 1 : i32
      %sub3A_349 = arith.subi %add3A_347, %sub3A_348 : i32
      %lt3A_350 = arith.constant 160 : i32
      %lt3A_351 = arith.cmpi slt, %sub3A_349, %lt3A_350 : i32
      %convert_element_type3A_352 = arith.extui %lt3A_351 : i1 to i32
      %cond3A_353 = arith.constant 0 : i32
      %cond3A_354 = arith.cmpi ne, %convert_element_type3A_352, %cond3A_353 : i32
      scf.if %cond3A_354 {
        %add3A_460 = arith.constant 8 : i32
        %add3A_461 = arith.addi %add3A_340, %add3A_460 : i32
        %sub3A_462 = arith.constant 1 : i32
        %sub3A_463 = arith.subi %add3A_461, %sub3A_462 : i32
        %dma_start3A_464 = arith.constant 0 : i32
        %dma_start3A_465 = arith.constant 0 : i32
        %dma_start3A_466 = tpu.memref_slice %arg2[%arg1, %sub3A_463, %dma_start3A_464, %dma_start3A_465] : memref<16x160x2x128xi32, #tpu.memory_space<hbm>> -> memref<1x1x2x128xi32, #tpu.memory_space<hbm>>
        %dma_start3A_467 = tpu.memref_squeeze %dma_start3A_466 : memref<1x1x2x128xi32, #tpu.memory_space<hbm>> -> memref<2x128xi32, #tpu.memory_space<hbm>>
        %dma_start3A_468 = arith.constant 0 : i32
        %dma_start3A_469 = arith.constant 0 : i32
        %dma_start3A_470 = tpu.memref_slice %arg2[%arg1, %sub3A_463, %dma_start3A_468, %dma_start3A_469] : memref<16x160x2x128xi32, #tpu.memory_space<hbm>> -> memref<1x1x2x128xi32, #tpu.memory_space<hbm>>
        %dma_start3A_471 = tpu.memref_squeeze %dma_start3A_470 : memref<1x1x2x128xi32, #tpu.memory_space<hbm>> -> memref<2x128xi32, #tpu.memory_space<hbm>>
        tpu.enqueue_dma source(%dma_start3A_471 : memref<2x128xi32, #tpu.memory_space<hbm>>) target(%arg10 : memref<2x128xi32, #tpu.memory_space<vmem>>) target_semaphore(%arg24 : memref<!tpu.dma_semaphore, #tpu.memory_space<semaphore_mem>>)
      } else {
      }
      %add3A_355 = arith.constant 4 : i32
      %add3A_356 = arith.addi %add3A_340, %add3A_355 : i32
      %sub3A_357 = arith.constant 1 : i32
      %sub3A_358 = arith.subi %add3A_356, %sub3A_357 : i32
      %lt3A_359 = arith.constant 160 : i32
      %lt3A_360 = arith.cmpi slt, %sub3A_358, %lt3A_359 : i32
      %convert_element_type3A_361 = arith.extui %lt3A_360 : i1 to i32
      %cond3A_362 = arith.constant 0 : i32
      %cond3A_363 = arith.cmpi ne, %convert_element_type3A_361, %cond3A_362 : i32
      scf.if %cond3A_363 {
        %add3A_460 = arith.constant 4 : i32
        %add3A_461 = arith.addi %add3A_340, %add3A_460 : i32
        %sub3A_462 = arith.constant 1 : i32
        %sub3A_463 = arith.subi %add3A_461, %sub3A_462 : i32
        %dma_wait3A_464 = arith.constant 0 : i32
        %dma_wait3A_465 = arith.constant 0 : i32
        %dma_wait3A_466 = tpu.memref_slice %arg2[%arg1, %sub3A_463, %dma_wait3A_464, %dma_wait3A_465] : memref<16x160x2x128xi32, #tpu.memory_space<hbm>> -> memref<1x1x2x128xi32, #tpu.memory_space<hbm>>
        %dma_wait3A_467 = tpu.memref_squeeze %dma_wait3A_466 : memref<1x1x2x128xi32, #tpu.memory_space<hbm>> -> memref<2x128xi32, #tpu.memory_space<hbm>>
        %dma_wait3A_468 = arith.constant 0 : i32
        %dma_wait3A_469 = arith.constant 0 : i32
        %dma_wait3A_470 = tpu.memref_slice %arg2[%arg1, %sub3A_463, %dma_wait3A_468, %dma_wait3A_469] : memref<16x160x2x128xi32, #tpu.memory_space<hbm>> -> memref<1x1x2x128xi32, #tpu.memory_space<hbm>>
        %dma_wait3A_471 = tpu.memref_squeeze %dma_wait3A_470 : memref<1x1x2x128xi32, #tpu.memory_space<hbm>> -> memref<2x128xi32, #tpu.memory_space<hbm>>
        tpu.wait_dma2 semaphore(%arg20 : memref<!tpu.dma_semaphore, #tpu.memory_space<semaphore_mem>>) src(%dma_wait3A_471 : memref<2x128xi32, #tpu.memory_space<hbm>>) dst(%arg6 : memref<2x128xi32, #tpu.memory_space<vmem>>)
        %add3A_472 = arith.constant 4 : i32
        %add3A_473 = arith.addi %add3A_340, %add3A_472 : i32
        %sub3A_474 = arith.constant 1 : i32
        %sub3A_475 = arith.subi %add3A_473, %sub3A_474 : i32
        %dma_start3A_476 = arith.constant 0 : i32
        %dma_start3A_477 = arith.constant 0 : i32
        %dma_start3A_478 = tpu.memref_slice %arg6[%dma_start3A_476, %dma_start3A_477] : memref<2x128xi32, #tpu.memory_space<vmem>> -> memref<1x128xi32, #tpu.memory_space<vmem>>
        %dma_start3A_479 = tpu.memref_squeeze %dma_start3A_478 : memref<1x128xi32, #tpu.memory_space<vmem>> -> memref<128xi32, #tpu.memory_space<vmem>>
        %dma_start3A_480 = arith.constant 0 : i32
        %dma_start3A_481 = arith.constant 0 : i32
        %dma_start3A_482 = tpu.memref_slice %arg18[%dma_start3A_480, %dma_start3A_481] : memref<10112x64xf32, #tpu.memory_space<vmem_shared>> -> memref<10112x64xf32, #tpu.memory_space<vmem_shared>>
        tpu.enqueue_indirect_dma source(%dma_start3A_482 : memref<10112x64xf32, #tpu.memory_space<vmem_shared>>) target(%arg14 : memref<128x64xf32, #tpu.memory_space<vmem>>) offsets(%dma_start3A_479 : memref<128xi32, #tpu.memory_space<vmem>>) semaphore(%arg28 : memref<!tpu.dma_semaphore, #tpu.memory_space<semaphore_mem>>)
      } else {
      }
      %dma_wait3A_364 = arith.constant 0 : i32
      %dma_wait3A_365 = arith.constant 0 : i32
      %dma_wait3A_366 = tpu.memref_slice %arg11[%dma_wait3A_364, %dma_wait3A_365] : memref<2x128xi32, #tpu.memory_space<vmem>> -> memref<1x128xi32, #tpu.memory_space<vmem>>
      %dma_wait3A_367 = tpu.memref_squeeze %dma_wait3A_366 : memref<1x128xi32, #tpu.memory_space<vmem>> -> memref<128xi32, #tpu.memory_space<vmem>>
      %dma_wait3A_368 = arith.constant 0 : i32
      %dma_wait3A_369 = arith.constant 0 : i32
      %dma_wait3A_370 = tpu.memref_slice %arg18[%dma_wait3A_368, %dma_wait3A_369] : memref<10112x64xf32, #tpu.memory_space<vmem_shared>> -> memref<10112x64xf32, #tpu.memory_space<vmem_shared>>
      tpu.wait_indirect_dma semaphore(%arg29 : memref<!tpu.dma_semaphore, #tpu.memory_space<semaphore_mem>>) src(%dma_wait3A_370 : memref<10112x64xf32, #tpu.memory_space<vmem_shared>>) dst(%arg15 : memref<128x64xf32, #tpu.memory_space<vmem>>)
      %dma_start3A_371 = arith.constant 1 : i32
      %dma_start3A_372 = arith.constant 0 : i32
      %dma_start3A_373 = tpu.memref_slice %arg11[%dma_start3A_371, %dma_start3A_372] : memref<2x128xi32, #tpu.memory_space<vmem>> -> memref<1x128xi32, #tpu.memory_space<vmem>>
      %dma_start3A_374 = tpu.memref_squeeze %dma_start3A_373 : memref<1x128xi32, #tpu.memory_space<vmem>> -> memref<128xi32, #tpu.memory_space<vmem>>
      %dma_start3A_375 = arith.constant 0 : i32
      %dma_start3A_376 = arith.constant 0 : i32
      %dma_start3A_377 = tpu.memref_slice %arg19[%dma_start3A_375, %dma_start3A_376] : memref<10112x64xf32, #tpu.memory_space<vmem_shared>> -> memref<10112x64xf32, #tpu.memory_space<vmem_shared>>
      tpu.enqueue_indirect_dma source(%arg15 : memref<128x64xf32, #tpu.memory_space<vmem>>) target(%dma_start3A_377 : memref<10112x64xf32, #tpu.memory_space<vmem_shared>>) offsets(%dma_start3A_374 : memref<128xi32, #tpu.memory_space<vmem>>) semaphore(%arg33 : memref<!tpu.dma_semaphore, #tpu.memory_space<semaphore_mem>>) {add = true}
      %mul3A_378 = arith.constant 8 : i32
      %mul3A_379 = arith.muli %add3A_134, %mul3A_378 : i32
      %add3A_380 = arith.constant 6 : i32
      %add3A_381 = arith.addi %mul3A_379, %add3A_380 : i32
      %ge3A_382 = arith.constant 1 : i32
      %ge3A_383 = arith.cmpi sge, %add3A_381, %ge3A_382 : i32
      %convert_element_type3A_384 = arith.extui %ge3A_383 : i1 to i32
      %cond3A_385 = arith.constant 0 : i32
      %cond3A_386 = arith.cmpi ne, %convert_element_type3A_384, %cond3A_385 : i32
      scf.if %cond3A_386 {
        %dma_wait3A_460 = arith.constant 1 : i32
        %dma_wait3A_461 = arith.constant 0 : i32
        %dma_wait3A_462 = tpu.memref_slice %arg11[%dma_wait3A_460, %dma_wait3A_461] : memref<2x128xi32, #tpu.memory_space<vmem>> -> memref<1x128xi32, #tpu.memory_space<vmem>>
        %dma_wait3A_463 = tpu.memref_squeeze %dma_wait3A_462 : memref<1x128xi32, #tpu.memory_space<vmem>> -> memref<128xi32, #tpu.memory_space<vmem>>
        %dma_wait3A_464 = arith.constant 0 : i32
        %dma_wait3A_465 = arith.constant 0 : i32
        %dma_wait3A_466 = tpu.memref_slice %arg19[%dma_wait3A_464, %dma_wait3A_465] : memref<10112x64xf32, #tpu.memory_space<vmem_shared>> -> memref<10112x64xf32, #tpu.memory_space<vmem_shared>>
        tpu.wait_indirect_dma semaphore(%arg33 : memref<!tpu.dma_semaphore, #tpu.memory_space<semaphore_mem>>) src(%arg15 : memref<128x64xf32, #tpu.memory_space<vmem>>) dst(%dma_wait3A_466 : memref<10112x64xf32, #tpu.memory_space<vmem_shared>>)
      } else {
      }
      %add3A_387 = arith.constant 8 : i32
      %add3A_388 = arith.addi %add3A_381, %add3A_387 : i32
      %sub3A_389 = arith.constant 1 : i32
      %sub3A_390 = arith.subi %add3A_388, %sub3A_389 : i32
      %lt3A_391 = arith.constant 160 : i32
      %lt3A_392 = arith.cmpi slt, %sub3A_390, %lt3A_391 : i32
      %convert_element_type3A_393 = arith.extui %lt3A_392 : i1 to i32
      %cond3A_394 = arith.constant 0 : i32
      %cond3A_395 = arith.cmpi ne, %convert_element_type3A_393, %cond3A_394 : i32
      scf.if %cond3A_395 {
        %add3A_460 = arith.constant 8 : i32
        %add3A_461 = arith.addi %add3A_381, %add3A_460 : i32
        %sub3A_462 = arith.constant 1 : i32
        %sub3A_463 = arith.subi %add3A_461, %sub3A_462 : i32
        %dma_start3A_464 = arith.constant 0 : i32
        %dma_start3A_465 = arith.constant 0 : i32
        %dma_start3A_466 = tpu.memref_slice %arg2[%arg1, %sub3A_463, %dma_start3A_464, %dma_start3A_465] : memref<16x160x2x128xi32, #tpu.memory_space<hbm>> -> memref<1x1x2x128xi32, #tpu.memory_space<hbm>>
        %dma_start3A_467 = tpu.memref_squeeze %dma_start3A_466 : memref<1x1x2x128xi32, #tpu.memory_space<hbm>> -> memref<2x128xi32, #tpu.memory_space<hbm>>
        %dma_start3A_468 = arith.constant 0 : i32
        %dma_start3A_469 = arith.constant 0 : i32
        %dma_start3A_470 = tpu.memref_slice %arg2[%arg1, %sub3A_463, %dma_start3A_468, %dma_start3A_469] : memref<16x160x2x128xi32, #tpu.memory_space<hbm>> -> memref<1x1x2x128xi32, #tpu.memory_space<hbm>>
        %dma_start3A_471 = tpu.memref_squeeze %dma_start3A_470 : memref<1x1x2x128xi32, #tpu.memory_space<hbm>> -> memref<2x128xi32, #tpu.memory_space<hbm>>
        tpu.enqueue_dma source(%dma_start3A_471 : memref<2x128xi32, #tpu.memory_space<hbm>>) target(%arg11 : memref<2x128xi32, #tpu.memory_space<vmem>>) target_semaphore(%arg25 : memref<!tpu.dma_semaphore, #tpu.memory_space<semaphore_mem>>)
      } else {
      }
      %add3A_396 = arith.constant 4 : i32
      %add3A_397 = arith.addi %add3A_381, %add3A_396 : i32
      %sub3A_398 = arith.constant 1 : i32
      %sub3A_399 = arith.subi %add3A_397, %sub3A_398 : i32
      %lt3A_400 = arith.constant 160 : i32
      %lt3A_401 = arith.cmpi slt, %sub3A_399, %lt3A_400 : i32
      %convert_element_type3A_402 = arith.extui %lt3A_401 : i1 to i32
      %cond3A_403 = arith.constant 0 : i32
      %cond3A_404 = arith.cmpi ne, %convert_element_type3A_402, %cond3A_403 : i32
      scf.if %cond3A_404 {
        %add3A_460 = arith.constant 4 : i32
        %add3A_461 = arith.addi %add3A_381, %add3A_460 : i32
        %sub3A_462 = arith.constant 1 : i32
        %sub3A_463 = arith.subi %add3A_461, %sub3A_462 : i32
        %dma_wait3A_464 = arith.constant 0 : i32
        %dma_wait3A_465 = arith.constant 0 : i32
        %dma_wait3A_466 = tpu.memref_slice %arg2[%arg1, %sub3A_463, %dma_wait3A_464, %dma_wait3A_465] : memref<16x160x2x128xi32, #tpu.memory_space<hbm>> -> memref<1x1x2x128xi32, #tpu.memory_space<hbm>>
        %dma_wait3A_467 = tpu.memref_squeeze %dma_wait3A_466 : memref<1x1x2x128xi32, #tpu.memory_space<hbm>> -> memref<2x128xi32, #tpu.memory_space<hbm>>
        %dma_wait3A_468 = arith.constant 0 : i32
        %dma_wait3A_469 = arith.constant 0 : i32
        %dma_wait3A_470 = tpu.memref_slice %arg2[%arg1, %sub3A_463, %dma_wait3A_468, %dma_wait3A_469] : memref<16x160x2x128xi32, #tpu.memory_space<hbm>> -> memref<1x1x2x128xi32, #tpu.memory_space<hbm>>
        %dma_wait3A_471 = tpu.memref_squeeze %dma_wait3A_470 : memref<1x1x2x128xi32, #tpu.memory_space<hbm>> -> memref<2x128xi32, #tpu.memory_space<hbm>>
        tpu.wait_dma2 semaphore(%arg21 : memref<!tpu.dma_semaphore, #tpu.memory_space<semaphore_mem>>) src(%dma_wait3A_471 : memref<2x128xi32, #tpu.memory_space<hbm>>) dst(%arg7 : memref<2x128xi32, #tpu.memory_space<vmem>>)
        %add3A_472 = arith.constant 4 : i32
        %add3A_473 = arith.addi %add3A_381, %add3A_472 : i32
        %sub3A_474 = arith.constant 1 : i32
        %sub3A_475 = arith.subi %add3A_473, %sub3A_474 : i32
        %dma_start3A_476 = arith.constant 0 : i32
        %dma_start3A_477 = arith.constant 0 : i32
        %dma_start3A_478 = tpu.memref_slice %arg7[%dma_start3A_476, %dma_start3A_477] : memref<2x128xi32, #tpu.memory_space<vmem>> -> memref<1x128xi32, #tpu.memory_space<vmem>>
        %dma_start3A_479 = tpu.memref_squeeze %dma_start3A_478 : memref<1x128xi32, #tpu.memory_space<vmem>> -> memref<128xi32, #tpu.memory_space<vmem>>
        %dma_start3A_480 = arith.constant 0 : i32
        %dma_start3A_481 = arith.constant 0 : i32
        %dma_start3A_482 = tpu.memref_slice %arg18[%dma_start3A_480, %dma_start3A_481] : memref<10112x64xf32, #tpu.memory_space<vmem_shared>> -> memref<10112x64xf32, #tpu.memory_space<vmem_shared>>
        tpu.enqueue_indirect_dma source(%dma_start3A_482 : memref<10112x64xf32, #tpu.memory_space<vmem_shared>>) target(%arg15 : memref<128x64xf32, #tpu.memory_space<vmem>>) offsets(%dma_start3A_479 : memref<128xi32, #tpu.memory_space<vmem>>) semaphore(%arg29 : memref<!tpu.dma_semaphore, #tpu.memory_space<semaphore_mem>>)
      } else {
      }
      %dma_wait3A_405 = arith.constant 0 : i32
      %dma_wait3A_406 = arith.constant 0 : i32
      %dma_wait3A_407 = tpu.memref_slice %arg12[%dma_wait3A_405, %dma_wait3A_406] : memref<2x128xi32, #tpu.memory_space<vmem>> -> memref<1x128xi32, #tpu.memory_space<vmem>>
      %dma_wait3A_408 = tpu.memref_squeeze %dma_wait3A_407 : memref<1x128xi32, #tpu.memory_space<vmem>> -> memref<128xi32, #tpu.memory_space<vmem>>
      %dma_wait3A_409 = arith.constant 0 : i32
      %dma_wait3A_410 = arith.constant 0 : i32
      %dma_wait3A_411 = tpu.memref_slice %arg18[%dma_wait3A_409, %dma_wait3A_410] : memref<10112x64xf32, #tpu.memory_space<vmem_shared>> -> memref<10112x64xf32, #tpu.memory_space<vmem_shared>>
      tpu.wait_indirect_dma semaphore(%arg30 : memref<!tpu.dma_semaphore, #tpu.memory_space<semaphore_mem>>) src(%dma_wait3A_411 : memref<10112x64xf32, #tpu.memory_space<vmem_shared>>) dst(%arg16 : memref<128x64xf32, #tpu.memory_space<vmem>>)
      %dma_start3A_412 = arith.constant 1 : i32
      %dma_start3A_413 = arith.constant 0 : i32
      %dma_start3A_414 = tpu.memref_slice %arg12[%dma_start3A_412, %dma_start3A_413] : memref<2x128xi32, #tpu.memory_space<vmem>> -> memref<1x128xi32, #tpu.memory_space<vmem>>
      %dma_start3A_415 = tpu.memref_squeeze %dma_start3A_414 : memref<1x128xi32, #tpu.memory_space<vmem>> -> memref<128xi32, #tpu.memory_space<vmem>>
      %dma_start3A_416 = arith.constant 0 : i32
      %dma_start3A_417 = arith.constant 0 : i32
      %dma_start3A_418 = tpu.memref_slice %arg19[%dma_start3A_416, %dma_start3A_417] : memref<10112x64xf32, #tpu.memory_space<vmem_shared>> -> memref<10112x64xf32, #tpu.memory_space<vmem_shared>>
      tpu.enqueue_indirect_dma source(%arg16 : memref<128x64xf32, #tpu.memory_space<vmem>>) target(%dma_start3A_418 : memref<10112x64xf32, #tpu.memory_space<vmem_shared>>) offsets(%dma_start3A_415 : memref<128xi32, #tpu.memory_space<vmem>>) semaphore(%arg34 : memref<!tpu.dma_semaphore, #tpu.memory_space<semaphore_mem>>) {add = true}
      %mul3A_419 = arith.constant 8 : i32
      %mul3A_420 = arith.muli %add3A_134, %mul3A_419 : i32
      %add3A_421 = arith.constant 7 : i32
      %add3A_422 = arith.addi %mul3A_420, %add3A_421 : i32
      %ge3A_423 = arith.constant 1 : i32
      %ge3A_424 = arith.cmpi sge, %add3A_422, %ge3A_423 : i32
      %convert_element_type3A_425 = arith.extui %ge3A_424 : i1 to i32
      %cond3A_426 = arith.constant 0 : i32
      %cond3A_427 = arith.cmpi ne, %convert_element_type3A_425, %cond3A_426 : i32
      scf.if %cond3A_427 {
        %dma_wait3A_460 = arith.constant 1 : i32
        %dma_wait3A_461 = arith.constant 0 : i32
        %dma_wait3A_462 = tpu.memref_slice %arg12[%dma_wait3A_460, %dma_wait3A_461] : memref<2x128xi32, #tpu.memory_space<vmem>> -> memref<1x128xi32, #tpu.memory_space<vmem>>
        %dma_wait3A_463 = tpu.memref_squeeze %dma_wait3A_462 : memref<1x128xi32, #tpu.memory_space<vmem>> -> memref<128xi32, #tpu.memory_space<vmem>>
        %dma_wait3A_464 = arith.constant 0 : i32
        %dma_wait3A_465 = arith.constant 0 : i32
        %dma_wait3A_466 = tpu.memref_slice %arg19[%dma_wait3A_464, %dma_wait3A_465] : memref<10112x64xf32, #tpu.memory_space<vmem_shared>> -> memref<10112x64xf32, #tpu.memory_space<vmem_shared>>
        tpu.wait_indirect_dma semaphore(%arg34 : memref<!tpu.dma_semaphore, #tpu.memory_space<semaphore_mem>>) src(%arg16 : memref<128x64xf32, #tpu.memory_space<vmem>>) dst(%dma_wait3A_466 : memref<10112x64xf32, #tpu.memory_space<vmem_shared>>)
      } else {
      }
      %add3A_428 = arith.constant 8 : i32
      %add3A_429 = arith.addi %add3A_422, %add3A_428 : i32
      %sub3A_430 = arith.constant 1 : i32
      %sub3A_431 = arith.subi %add3A_429, %sub3A_430 : i32
      %lt3A_432 = arith.constant 160 : i32
      %lt3A_433 = arith.cmpi slt, %sub3A_431, %lt3A_432 : i32
      %convert_element_type3A_434 = arith.extui %lt3A_433 : i1 to i32
      %cond3A_435 = arith.constant 0 : i32
      %cond3A_436 = arith.cmpi ne, %convert_element_type3A_434, %cond3A_435 : i32
      scf.if %cond3A_436 {
        %add3A_460 = arith.constant 8 : i32
        %add3A_461 = arith.addi %add3A_422, %add3A_460 : i32
        %sub3A_462 = arith.constant 1 : i32
        %sub3A_463 = arith.subi %add3A_461, %sub3A_462 : i32
        %dma_start3A_464 = arith.constant 0 : i32
        %dma_start3A_465 = arith.constant 0 : i32
        %dma_start3A_466 = tpu.memref_slice %arg2[%arg1, %sub3A_463, %dma_start3A_464, %dma_start3A_465] : memref<16x160x2x128xi32, #tpu.memory_space<hbm>> -> memref<1x1x2x128xi32, #tpu.memory_space<hbm>>
        %dma_start3A_467 = tpu.memref_squeeze %dma_start3A_466 : memref<1x1x2x128xi32, #tpu.memory_space<hbm>> -> memref<2x128xi32, #tpu.memory_space<hbm>>
        %dma_start3A_468 = arith.constant 0 : i32
        %dma_start3A_469 = arith.constant 0 : i32
        %dma_start3A_470 = tpu.memref_slice %arg2[%arg1, %sub3A_463, %dma_start3A_468, %dma_start3A_469] : memref<16x160x2x128xi32, #tpu.memory_space<hbm>> -> memref<1x1x2x128xi32, #tpu.memory_space<hbm>>
        %dma_start3A_471 = tpu.memref_squeeze %dma_start3A_470 : memref<1x1x2x128xi32, #tpu.memory_space<hbm>> -> memref<2x128xi32, #tpu.memory_space<hbm>>
        tpu.enqueue_dma source(%dma_start3A_471 : memref<2x128xi32, #tpu.memory_space<hbm>>) target(%arg12 : memref<2x128xi32, #tpu.memory_space<vmem>>) target_semaphore(%arg26 : memref<!tpu.dma_semaphore, #tpu.memory_space<semaphore_mem>>)
      } else {
      }
      %add3A_437 = arith.constant 4 : i32
      %add3A_438 = arith.addi %add3A_422, %add3A_437 : i32
      %sub3A_439 = arith.constant 1 : i32
      %sub3A_440 = arith.subi %add3A_438, %sub3A_439 : i32
      %lt3A_441 = arith.constant 160 : i32
      %lt3A_442 = arith.cmpi slt, %sub3A_440, %lt3A_441 : i32
      %convert_element_type3A_443 = arith.extui %lt3A_442 : i1 to i32
      %cond3A_444 = arith.constant 0 : i32
      %cond3A_445 = arith.cmpi ne, %convert_element_type3A_443, %cond3A_444 : i32
      scf.if %cond3A_445 {
        %add3A_460 = arith.constant 4 : i32
        %add3A_461 = arith.addi %add3A_422, %add3A_460 : i32
        %sub3A_462 = arith.constant 1 : i32
        %sub3A_463 = arith.subi %add3A_461, %sub3A_462 : i32
        %dma_wait3A_464 = arith.constant 0 : i32
        %dma_wait3A_465 = arith.constant 0 : i32
        %dma_wait3A_466 = tpu.memref_slice %arg2[%arg1, %sub3A_463, %dma_wait3A_464, %dma_wait3A_465] : memref<16x160x2x128xi32, #tpu.memory_space<hbm>> -> memref<1x1x2x128xi32, #tpu.memory_space<hbm>>
        %dma_wait3A_467 = tpu.memref_squeeze %dma_wait3A_466 : memref<1x1x2x128xi32, #tpu.memory_space<hbm>> -> memref<2x128xi32, #tpu.memory_space<hbm>>
        %dma_wait3A_468 = arith.constant 0 : i32
        %dma_wait3A_469 = arith.constant 0 : i32
        %dma_wait3A_470 = tpu.memref_slice %arg2[%arg1, %sub3A_463, %dma_wait3A_468, %dma_wait3A_469] : memref<16x160x2x128xi32, #tpu.memory_space<hbm>> -> memref<1x1x2x128xi32, #tpu.memory_space<hbm>>
        %dma_wait3A_471 = tpu.memref_squeeze %dma_wait3A_470 : memref<1x1x2x128xi32, #tpu.memory_space<hbm>> -> memref<2x128xi32, #tpu.memory_space<hbm>>
        tpu.wait_dma2 semaphore(%arg22 : memref<!tpu.dma_semaphore, #tpu.memory_space<semaphore_mem>>) src(%dma_wait3A_471 : memref<2x128xi32, #tpu.memory_space<hbm>>) dst(%arg8 : memref<2x128xi32, #tpu.memory_space<vmem>>)
        %add3A_472 = arith.constant 4 : i32
        %add3A_473 = arith.addi %add3A_422, %add3A_472 : i32
        %sub3A_474 = arith.constant 1 : i32
        %sub3A_475 = arith.subi %add3A_473, %sub3A_474 : i32
        %dma_start3A_476 = arith.constant 0 : i32
        %dma_start3A_477 = arith.constant 0 : i32
        %dma_start3A_478 = tpu.memref_slice %arg8[%dma_start3A_476, %dma_start3A_477] : memref<2x128xi32, #tpu.memory_space<vmem>> -> memref<1x128xi32, #tpu.memory_space<vmem>>
        %dma_start3A_479 = tpu.memref_squeeze %dma_start3A_478 : memref<1x128xi32, #tpu.memory_space<vmem>> -> memref<128xi32, #tpu.memory_space<vmem>>
        %dma_start3A_480 = arith.constant 0 : i32
        %dma_start3A_481 = arith.constant 0 : i32
        %dma_start3A_482 = tpu.memref_slice %arg18[%dma_start3A_480, %dma_start3A_481] : memref<10112x64xf32, #tpu.memory_space<vmem_shared>> -> memref<10112x64xf32, #tpu.memory_space<vmem_shared>>
        tpu.enqueue_indirect_dma source(%dma_start3A_482 : memref<10112x64xf32, #tpu.memory_space<vmem_shared>>) target(%arg16 : memref<128x64xf32, #tpu.memory_space<vmem>>) offsets(%dma_start3A_479 : memref<128xi32, #tpu.memory_space<vmem>>) semaphore(%arg30 : memref<!tpu.dma_semaphore, #tpu.memory_space<semaphore_mem>>)
      } else {
      }
      %dma_wait3A_446 = arith.constant 0 : i32
      %dma_wait3A_447 = arith.constant 0 : i32
      %dma_wait3A_448 = tpu.memref_slice %arg13[%dma_wait3A_446, %dma_wait3A_447] : memref<2x128xi32, #tpu.memory_space<vmem>> -> memref<1x128xi32, #tpu.memory_space<vmem>>
      %dma_wait3A_449 = tpu.memref_squeeze %dma_wait3A_448 : memref<1x128xi32, #tpu.memory_space<vmem>> -> memref<128xi32, #tpu.memory_space<vmem>>
      %dma_wait3A_450 = arith.constant 0 : i32
      %dma_wait3A_451 = arith.constant 0 : i32
      %dma_wait3A_452 = tpu.memref_slice %arg18[%dma_wait3A_450, %dma_wait3A_451] : memref<10112x64xf32, #tpu.memory_space<vmem_shared>> -> memref<10112x64xf32, #tpu.memory_space<vmem_shared>>
      tpu.wait_indirect_dma semaphore(%arg31 : memref<!tpu.dma_semaphore, #tpu.memory_space<semaphore_mem>>) src(%dma_wait3A_452 : memref<10112x64xf32, #tpu.memory_space<vmem_shared>>) dst(%arg17 : memref<128x64xf32, #tpu.memory_space<vmem>>)
      %dma_start3A_453 = arith.constant 1 : i32
      %dma_start3A_454 = arith.constant 0 : i32
      %dma_start3A_455 = tpu.memref_slice %arg13[%dma_start3A_453, %dma_start3A_454] : memref<2x128xi32, #tpu.memory_space<vmem>> -> memref<1x128xi32, #tpu.memory_space<vmem>>
      %dma_start3A_456 = tpu.memref_squeeze %dma_start3A_455 : memref<1x128xi32, #tpu.memory_space<vmem>> -> memref<128xi32, #tpu.memory_space<vmem>>
      %dma_start3A_457 = arith.constant 0 : i32
      %dma_start3A_458 = arith.constant 0 : i32
      %dma_start3A_459 = tpu.memref_slice %arg19[%dma_start3A_457, %dma_start3A_458] : memref<10112x64xf32, #tpu.memory_space<vmem_shared>> -> memref<10112x64xf32, #tpu.memory_space<vmem_shared>>
      tpu.enqueue_indirect_dma source(%arg17 : memref<128x64xf32, #tpu.memory_space<vmem>>) target(%dma_start3A_459 : memref<10112x64xf32, #tpu.memory_space<vmem_shared>>) offsets(%dma_start3A_456 : memref<128xi32, #tpu.memory_space<vmem>>) semaphore(%arg35 : memref<!tpu.dma_semaphore, #tpu.memory_space<semaphore_mem>>) {add = true}
    }
    %scan3A_120 = arith.constant 20 : i32
    %dma_wait3A_121 = arith.constant 1 : i32
    %dma_wait3A_122 = arith.constant 0 : i32
    %dma_wait3A_123 = tpu.memref_slice %arg13[%dma_wait3A_121, %dma_wait3A_122] : memref<2x128xi32, #tpu.memory_space<vmem>> -> memref<1x128xi32, #tpu.memory_space<vmem>>
    %dma_wait3A_124 = tpu.memref_squeeze %dma_wait3A_123 : memref<1x128xi32, #tpu.memory_space<vmem>> -> memref<128xi32, #tpu.memory_space<vmem>>
    %dma_wait3A_125 = arith.constant 0 : i32
    %dma_wait3A_126 = arith.constant 0 : i32
    %dma_wait3A_127 = tpu.memref_slice %arg19[%dma_wait3A_125, %dma_wait3A_126] : memref<10112x64xf32, #tpu.memory_space<vmem_shared>> -> memref<10112x64xf32, #tpu.memory_space<vmem_shared>>
    tpu.wait_indirect_dma semaphore(%arg35 : memref<!tpu.dma_semaphore, #tpu.memory_space<semaphore_mem>>) src(%arg17 : memref<128x64xf32, #tpu.memory_space<vmem>>) dst(%dma_wait3A_127 : memref<10112x64xf32, #tpu.memory_space<vmem_shared>>)
    %barrier3A_128 = arith.constant 0 : index
    tpu.barrier barrier_id(%barrier3A_128)
    %mul3A_129 = arith.constant 64 : i32
    %mul3A_130 = arith.muli %arg0, %mul3A_129 : i32
    "tpu.region"() ({
      %run_scoped3A = tpu.sem_alloc : memref<!tpu.dma_semaphore, #tpu.memory_space<semaphore_mem>>
      %dma_start3A_131 = tpu.memref_slice %arg5[%mul3A_0, %mul3A_130] : memref<10112x128xf32, #tpu.memory_space<hbm>> -> memref<632x64xf32, #tpu.memory_space<hbm>>
      %dma_start3A_132 = arith.constant 0 : i32
      %dma_start3A_133 = tpu.memref_slice %arg19[%mul3A_0, %dma_start3A_132] : memref<10112x64xf32, #tpu.memory_space<vmem_shared>> -> memref<632x64xf32, #tpu.memory_space<vmem_shared>>
      tpu.enqueue_dma source(%dma_start3A_133 : memref<632x64xf32, #tpu.memory_space<vmem_shared>>) target(%dma_start3A_131 : memref<632x64xf32, #tpu.memory_space<hbm>>) target_semaphore(%run_scoped3A : memref<!tpu.dma_semaphore, #tpu.memory_space<semaphore_mem>>)
      %dma_wait3A_134 = tpu.memref_slice %arg5[%mul3A_0, %mul3A_130] : memref<10112x128xf32, #tpu.memory_space<hbm>> -> memref<632x64xf32, #tpu.memory_space<hbm>>
      %dma_wait3A_135 = arith.constant 0 : i32
      %dma_wait3A_136 = tpu.memref_slice %arg19[%mul3A_0, %dma_wait3A_135] : memref<10112x64xf32, #tpu.memory_space<vmem_shared>> -> memref<632x64xf32, #tpu.memory_space<vmem_shared>>
      tpu.wait_dma2 semaphore(%run_scoped3A : memref<!tpu.dma_semaphore, #tpu.memory_space<semaphore_mem>>) src(%dma_wait3A_136 : memref<632x64xf32, #tpu.memory_space<vmem_shared>>) dst(%dma_wait3A_134 : memref<632x64xf32, #tpu.memory_space<hbm>>)
      tpu.yield
    }) : () -> ()
    return
  }
}

#map = affine_map<(d0, d1) -> (0, 0, 0)>
#map1 = affine_map<(d0, d1) -> (0, 0)>
module attributes {stable_mosaic.version = 14 : i64} {
  func.func @deg_k(%arg0: i32, %arg1: i32, %arg2: memref<32x80x128xi32, #tpu.memory_space<hbm>>, %arg3: memref<10112x16xf32, #tpu.memory_space<hbm>>, %arg4: memref<128x16xf32, #tpu.memory_space<hbm>>, %arg5: memref<2x10112x16xf32, #tpu.memory_space<hbm>>, %arg6: memref<80x128xi32, #tpu.memory_space<vmem>>, %arg7: memref<128x16xf32, #tpu.memory_space<vmem>>, %arg8: memref<10112x16xf32, #tpu.memory_space<vmem_shared>>) attributes {dimension_semantics = [#tpu.dimension_semantics<core_parallel>, #tpu.dimension_semantics<subcore_parallel>], iteration_bounds = array<i64: 2, 16>, scalar_prefetch = 0 : i64, scratch_operands = 3 : i64, tpu.core_type = #tpu.core_type<sc_vector_subcore>, window_params = [{transform_indices = #map}, {transform_indices = #map1}, {transform_indices = #map1}, {transform_indices = #map}]} {
    %mul3A = arith.constant 2 : i32
    %mul3A_0 = arith.muli %arg1, %mul3A : i32
    %add3A = arith.addi %mul3A_0, %arg0 : i32
    %mul3A_1 = arith.constant 632 : i32
    %mul3A_2 = arith.muli %arg1, %mul3A_1 : i32
    "tpu.region"() ({
      %run_scoped3A = tpu.sem_alloc : memref<!tpu.dma_semaphore, #tpu.memory_space<semaphore_mem>>
      %dma_start3A = arith.constant 0 : i32
      %dma_start3A_8 = tpu.memref_slice %arg8[%mul3A_2, %dma_start3A] : memref<10112x16xf32, #tpu.memory_space<vmem_shared>> -> memref<632x16xf32, #tpu.memory_space<vmem_shared>>
      %dma_start3A_9 = arith.constant 0 : i32
      %dma_start3A_10 = tpu.memref_slice %arg3[%mul3A_2, %dma_start3A_9] : memref<10112x16xf32, #tpu.memory_space<hbm>> -> memref<632x16xf32, #tpu.memory_space<hbm>>
      tpu.enqueue_dma source(%dma_start3A_10 : memref<632x16xf32, #tpu.memory_space<hbm>>) target(%dma_start3A_8 : memref<632x16xf32, #tpu.memory_space<vmem_shared>>) target_semaphore(%run_scoped3A : memref<!tpu.dma_semaphore, #tpu.memory_space<semaphore_mem>>)
      %dma_wait3A = arith.constant 0 : i32
      %dma_wait3A_11 = tpu.memref_slice %arg8[%mul3A_2, %dma_wait3A] : memref<10112x16xf32, #tpu.memory_space<vmem_shared>> -> memref<632x16xf32, #tpu.memory_space<vmem_shared>>
      %dma_wait3A_12 = arith.constant 0 : i32
      %dma_wait3A_13 = tpu.memref_slice %arg3[%mul3A_2, %dma_wait3A_12] : memref<10112x16xf32, #tpu.memory_space<hbm>> -> memref<632x16xf32, #tpu.memory_space<hbm>>
      tpu.wait_dma2 semaphore(%run_scoped3A : memref<!tpu.dma_semaphore, #tpu.memory_space<semaphore_mem>>) src(%dma_wait3A_13 : memref<632x16xf32, #tpu.memory_space<hbm>>) dst(%dma_wait3A_11 : memref<632x16xf32, #tpu.memory_space<vmem_shared>>)
      tpu.yield
    }) : () -> ()
    "tpu.region"() ({
      %run_scoped3A = tpu.sem_alloc : memref<!tpu.dma_semaphore, #tpu.memory_space<semaphore_mem>>
      %dma_start3A = arith.constant 0 : i32
      %dma_start3A_8 = arith.constant 0 : i32
      %dma_start3A_9 = tpu.memref_slice %arg2[%add3A, %dma_start3A, %dma_start3A_8] : memref<32x80x128xi32, #tpu.memory_space<hbm>> -> memref<1x80x128xi32, #tpu.memory_space<hbm>>
      %dma_start3A_10 = tpu.memref_squeeze %dma_start3A_9 : memref<1x80x128xi32, #tpu.memory_space<hbm>> -> memref<80x128xi32, #tpu.memory_space<hbm>>
      %dma_start3A_11 = arith.constant 0 : i32
      %dma_start3A_12 = arith.constant 0 : i32
      %dma_start3A_13 = tpu.memref_slice %arg2[%add3A, %dma_start3A_11, %dma_start3A_12] : memref<32x80x128xi32, #tpu.memory_space<hbm>> -> memref<1x80x128xi32, #tpu.memory_space<hbm>>
      %dma_start3A_14 = tpu.memref_squeeze %dma_start3A_13 : memref<1x80x128xi32, #tpu.memory_space<hbm>> -> memref<80x128xi32, #tpu.memory_space<hbm>>
      tpu.enqueue_dma source(%dma_start3A_14 : memref<80x128xi32, #tpu.memory_space<hbm>>) target(%arg6 : memref<80x128xi32, #tpu.memory_space<vmem>>) target_semaphore(%run_scoped3A : memref<!tpu.dma_semaphore, #tpu.memory_space<semaphore_mem>>)
      %dma_wait3A = arith.constant 0 : i32
      %dma_wait3A_15 = arith.constant 0 : i32
      %dma_wait3A_16 = tpu.memref_slice %arg2[%add3A, %dma_wait3A, %dma_wait3A_15] : memref<32x80x128xi32, #tpu.memory_space<hbm>> -> memref<1x80x128xi32, #tpu.memory_space<hbm>>
      %dma_wait3A_17 = tpu.memref_squeeze %dma_wait3A_16 : memref<1x80x128xi32, #tpu.memory_space<hbm>> -> memref<80x128xi32, #tpu.memory_space<hbm>>
      %dma_wait3A_18 = arith.constant 0 : i32
      %dma_wait3A_19 = arith.constant 0 : i32
      %dma_wait3A_20 = tpu.memref_slice %arg2[%add3A, %dma_wait3A_18, %dma_wait3A_19] : memref<32x80x128xi32, #tpu.memory_space<hbm>> -> memref<1x80x128xi32, #tpu.memory_space<hbm>>
      %dma_wait3A_21 = tpu.memref_squeeze %dma_wait3A_20 : memref<1x80x128xi32, #tpu.memory_space<hbm>> -> memref<80x128xi32, #tpu.memory_space<hbm>>
      tpu.wait_dma2 semaphore(%run_scoped3A : memref<!tpu.dma_semaphore, #tpu.memory_space<semaphore_mem>>) src(%dma_wait3A_21 : memref<80x128xi32, #tpu.memory_space<hbm>>) dst(%arg6 : memref<80x128xi32, #tpu.memory_space<vmem>>)
      tpu.yield
    }) : () -> ()
    "tpu.region"() ({
      %run_scoped3A = tpu.sem_alloc : memref<!tpu.dma_semaphore, #tpu.memory_space<semaphore_mem>>
      tpu.enqueue_dma source(%arg4 : memref<128x16xf32, #tpu.memory_space<hbm>>) target(%arg7 : memref<128x16xf32, #tpu.memory_space<vmem>>) target_semaphore(%run_scoped3A : memref<!tpu.dma_semaphore, #tpu.memory_space<semaphore_mem>>)
      tpu.wait_dma2 semaphore(%run_scoped3A : memref<!tpu.dma_semaphore, #tpu.memory_space<semaphore_mem>>) src(%arg4 : memref<128x16xf32, #tpu.memory_space<hbm>>) dst(%arg7 : memref<128x16xf32, #tpu.memory_space<vmem>>)
      tpu.yield
    }) : () -> ()
    %barrier3A = arith.constant 0 : index
    tpu.barrier barrier_id(%barrier3A)
    %scan3A = arith.constant 0 : i32
    %scan3A_3 = arith.constant 80 : i32
    %scan3A_4 = arith.addi %scan3A, %scan3A_3 : i32
    %scan3A_5 = arith.constant 1 : i32
    scf.for %scan3A_8 = %scan3A to %scan3A_4 step %scan3A_5  : i32 {
      %mul3A_9 = arith.constant 1 : i32
      %mul3A_10 = arith.muli %scan3A_8, %mul3A_9 : i32
      %add3A_11 = arith.constant 0 : i32
      %add3A_12 = arith.addi %add3A_11, %mul3A_10 : i32
      "tpu.region"() ({
        %run_scoped3A = tpu.sem_alloc : memref<!tpu.dma_semaphore, #tpu.memory_space<semaphore_mem>>
        %dma_start3A = arith.constant 0 : i32
        %dma_start3A_13 = tpu.memref_slice %arg6[%add3A_12, %dma_start3A] : memref<80x128xi32, #tpu.memory_space<vmem>> -> memref<1x128xi32, #tpu.memory_space<vmem>>
        %dma_start3A_14 = tpu.memref_squeeze %dma_start3A_13 : memref<1x128xi32, #tpu.memory_space<vmem>> -> memref<128xi32, #tpu.memory_space<vmem>>
        %dma_start3A_15 = arith.constant 0 : i32
        %dma_start3A_16 = arith.constant 0 : i32
        %dma_start3A_17 = tpu.memref_slice %arg8[%dma_start3A_15, %dma_start3A_16] : memref<10112x16xf32, #tpu.memory_space<vmem_shared>> -> memref<10112x16xf32, #tpu.memory_space<vmem_shared>>
        tpu.enqueue_indirect_dma source(%arg7 : memref<128x16xf32, #tpu.memory_space<vmem>>) target(%dma_start3A_17 : memref<10112x16xf32, #tpu.memory_space<vmem_shared>>) offsets(%dma_start3A_14 : memref<128xi32, #tpu.memory_space<vmem>>) semaphore(%run_scoped3A : memref<!tpu.dma_semaphore, #tpu.memory_space<semaphore_mem>>) {add = true}
        %dma_wait3A = arith.constant 0 : i32
        %dma_wait3A_18 = tpu.memref_slice %arg6[%add3A_12, %dma_wait3A] : memref<80x128xi32, #tpu.memory_space<vmem>> -> memref<1x128xi32, #tpu.memory_space<vmem>>
        %dma_wait3A_19 = tpu.memref_squeeze %dma_wait3A_18 : memref<1x128xi32, #tpu.memory_space<vmem>> -> memref<128xi32, #tpu.memory_space<vmem>>
        %dma_wait3A_20 = arith.constant 0 : i32
        %dma_wait3A_21 = arith.constant 0 : i32
        %dma_wait3A_22 = tpu.memref_slice %arg8[%dma_wait3A_20, %dma_wait3A_21] : memref<10112x16xf32, #tpu.memory_space<vmem_shared>> -> memref<10112x16xf32, #tpu.memory_space<vmem_shared>>
        tpu.wait_indirect_dma semaphore(%run_scoped3A : memref<!tpu.dma_semaphore, #tpu.memory_space<semaphore_mem>>) src(%arg7 : memref<128x16xf32, #tpu.memory_space<vmem>>) dst(%dma_wait3A_22 : memref<10112x16xf32, #tpu.memory_space<vmem_shared>>)
        tpu.yield
      }) : () -> ()
    }
    %scan3A_6 = arith.constant 80 : i32
    %barrier3A_7 = arith.constant 0 : index
    tpu.barrier barrier_id(%barrier3A_7)
    "tpu.region"() ({
      %run_scoped3A = tpu.sem_alloc : memref<!tpu.dma_semaphore, #tpu.memory_space<semaphore_mem>>
      %dma_start3A = arith.constant 0 : i32
      %dma_start3A_8 = tpu.memref_slice %arg5[%arg0, %mul3A_2, %dma_start3A] : memref<2x10112x16xf32, #tpu.memory_space<hbm>> -> memref<1x632x16xf32, #tpu.memory_space<hbm>>
      %dma_start3A_9 = tpu.memref_squeeze %dma_start3A_8 : memref<1x632x16xf32, #tpu.memory_space<hbm>> -> memref<632x16xf32, #tpu.memory_space<hbm>>
      %dma_start3A_10 = arith.constant 0 : i32
      %dma_start3A_11 = tpu.memref_slice %arg8[%mul3A_2, %dma_start3A_10] : memref<10112x16xf32, #tpu.memory_space<vmem_shared>> -> memref<632x16xf32, #tpu.memory_space<vmem_shared>>
      tpu.enqueue_dma source(%dma_start3A_11 : memref<632x16xf32, #tpu.memory_space<vmem_shared>>) target(%dma_start3A_9 : memref<632x16xf32, #tpu.memory_space<hbm>>) target_semaphore(%run_scoped3A : memref<!tpu.dma_semaphore, #tpu.memory_space<semaphore_mem>>)
      %dma_wait3A = arith.constant 0 : i32
      %dma_wait3A_12 = tpu.memref_slice %arg5[%arg0, %mul3A_2, %dma_wait3A] : memref<2x10112x16xf32, #tpu.memory_space<hbm>> -> memref<1x632x16xf32, #tpu.memory_space<hbm>>
      %dma_wait3A_13 = tpu.memref_squeeze %dma_wait3A_12 : memref<1x632x16xf32, #tpu.memory_space<hbm>> -> memref<632x16xf32, #tpu.memory_space<hbm>>
      %dma_wait3A_14 = arith.constant 0 : i32
      %dma_wait3A_15 = tpu.memref_slice %arg8[%mul3A_2, %dma_wait3A_14] : memref<10112x16xf32, #tpu.memory_space<vmem_shared>> -> memref<632x16xf32, #tpu.memory_space<vmem_shared>>
      tpu.wait_dma2 semaphore(%run_scoped3A : memref<!tpu.dma_semaphore, #tpu.memory_space<semaphore_mem>>) src(%dma_wait3A_15 : memref<632x16xf32, #tpu.memory_space<vmem_shared>>) dst(%dma_wait3A_13 : memref<632x16xf32, #tpu.memory_space<hbm>>)
      tpu.yield
    }) : () -> ()
    return
  }
}

#map = affine_map<(d0, d1) -> (0, 0, 0, 0)>
#map1 = affine_map<(d0, d1) -> (0, 0)>
module attributes {stable_mosaic.version = 14 : i64} {
  func.func @agg_k(%arg0: i32, %arg1: i32, %arg2: memref<16x160x2x128xi32, #tpu.memory_space<hbm>>, %arg3: memref<10112x80xf32, #tpu.memory_space<hbm>>, %arg4: memref<10112x80xf32, #tpu.memory_space<hbm>>, %arg5: memref<10112x160xf32, #tpu.memory_space<hbm>>, %arg6: memref<2x128xi32, #tpu.memory_space<vmem>>, %arg7: memref<2x128xi32, #tpu.memory_space<vmem>>, %arg8: memref<2x128xi32, #tpu.memory_space<vmem>>, %arg9: memref<2x128xi32, #tpu.memory_space<vmem>>, %arg10: memref<2x128xi32, #tpu.memory_space<vmem>>, %arg11: memref<2x128xi32, #tpu.memory_space<vmem>>, %arg12: memref<2x128xi32, #tpu.memory_space<vmem>>, %arg13: memref<2x128xi32, #tpu.memory_space<vmem>>, %arg14: memref<128x80xf32, #tpu.memory_space<vmem>>, %arg15: memref<128x80xf32, #tpu.memory_space<vmem>>, %arg16: memref<10112x80xf32, #tpu.memory_space<vmem_shared>>, %arg17: memref<10112x80xf32, #tpu.memory_space<vmem_shared>>, %arg18: memref<!tpu.dma_semaphore, #tpu.memory_space<semaphore_mem>>, %arg19: memref<!tpu.dma_semaphore, #tpu.memory_space<semaphore_mem>>, %arg20: memref<!tpu.dma_semaphore, #tpu.memory_space<semaphore_mem>>, %arg21: memref<!tpu.dma_semaphore, #tpu.memory_space<semaphore_mem>>, %arg22: memref<!tpu.dma_semaphore, #tpu.memory_space<semaphore_mem>>, %arg23: memref<!tpu.dma_semaphore, #tpu.memory_space<semaphore_mem>>, %arg24: memref<!tpu.dma_semaphore, #tpu.memory_space<semaphore_mem>>, %arg25: memref<!tpu.dma_semaphore, #tpu.memory_space<semaphore_mem>>, %arg26: memref<!tpu.dma_semaphore, #tpu.memory_space<semaphore_mem>>, %arg27: memref<!tpu.dma_semaphore, #tpu.memory_space<semaphore_mem>>, %arg28: memref<!tpu.dma_semaphore, #tpu.memory_space<semaphore_mem>>, %arg29: memref<!tpu.dma_semaphore, #tpu.memory_space<semaphore_mem>>) attributes {dimension_semantics = [#tpu.dimension_semantics<core_parallel>, #tpu.dimension_semantics<subcore_parallel>], iteration_bounds = array<i64: 2, 16>, scalar_prefetch = 0 : i64, scratch_operands = 24 : i64, tpu.core_type = #tpu.core_type<sc_vector_subcore>, window_params = [{transform_indices = #map}, {transform_indices = #map1}, {transform_indices = #map1}, {transform_indices = #map1}]} {
    %mul3A = arith.constant 632 : i32
    %mul3A_0 = arith.muli %arg1, %mul3A : i32
    %eq3A = arith.constant 0 : i32
    %eq3A_1 = arith.cmpi eq, %arg0, %eq3A : i32
    %convert_element_type3A = arith.extui %eq3A_1 : i1 to i32
    %cond3A = arith.constant 0 : i32
    %cond3A_2 = arith.cmpi ne, %convert_element_type3A, %cond3A : i32
    scf.if %cond3A_2 {
      "tpu.region"() ({
        %run_scoped3A = tpu.sem_alloc : memref<!tpu.dma_semaphore, #tpu.memory_space<semaphore_mem>>
        %dma_start3A_99 = arith.constant 0 : i32
        %dma_start3A_100 = tpu.memref_slice %arg17[%mul3A_0, %dma_start3A_99] : memref<10112x80xf32, #tpu.memory_space<vmem_shared>> -> memref<632x80xf32, #tpu.memory_space<vmem_shared>>
        %dma_start3A_101 = arith.constant 0 : i32
        %dma_start3A_102 = tpu.memref_slice %arg3[%mul3A_0, %dma_start3A_101] : memref<10112x80xf32, #tpu.memory_space<hbm>> -> memref<632x80xf32, #tpu.memory_space<hbm>>
        tpu.enqueue_dma source(%dma_start3A_102 : memref<632x80xf32, #tpu.memory_space<hbm>>) target(%dma_start3A_100 : memref<632x80xf32, #tpu.memory_space<vmem_shared>>) target_semaphore(%run_scoped3A : memref<!tpu.dma_semaphore, #tpu.memory_space<semaphore_mem>>)
        %dma_wait3A_103 = arith.constant 0 : i32
        %dma_wait3A_104 = tpu.memref_slice %arg17[%mul3A_0, %dma_wait3A_103] : memref<10112x80xf32, #tpu.memory_space<vmem_shared>> -> memref<632x80xf32, #tpu.memory_space<vmem_shared>>
        %dma_wait3A_105 = arith.constant 0 : i32
        %dma_wait3A_106 = tpu.memref_slice %arg3[%mul3A_0, %dma_wait3A_105] : memref<10112x80xf32, #tpu.memory_space<hbm>> -> memref<632x80xf32, #tpu.memory_space<hbm>>
        tpu.wait_dma2 semaphore(%run_scoped3A : memref<!tpu.dma_semaphore, #tpu.memory_space<semaphore_mem>>) src(%dma_wait3A_106 : memref<632x80xf32, #tpu.memory_space<hbm>>) dst(%dma_wait3A_104 : memref<632x80xf32, #tpu.memory_space<vmem_shared>>)
        tpu.yield
      }) : () -> ()
      "tpu.region"() ({
        %run_scoped3A = tpu.sem_alloc : memref<!tpu.dma_semaphore, #tpu.memory_space<semaphore_mem>>
        %dma_start3A_99 = arith.constant 0 : i32
        %dma_start3A_100 = tpu.memref_slice %arg16[%mul3A_0, %dma_start3A_99] : memref<10112x80xf32, #tpu.memory_space<vmem_shared>> -> memref<632x80xf32, #tpu.memory_space<vmem_shared>>
        %dma_start3A_101 = arith.constant 0 : i32
        %dma_start3A_102 = tpu.memref_slice %arg3[%mul3A_0, %dma_start3A_101] : memref<10112x80xf32, #tpu.memory_space<hbm>> -> memref<632x80xf32, #tpu.memory_space<hbm>>
        tpu.enqueue_dma source(%dma_start3A_102 : memref<632x80xf32, #tpu.memory_space<hbm>>) target(%dma_start3A_100 : memref<632x80xf32, #tpu.memory_space<vmem_shared>>) target_semaphore(%run_scoped3A : memref<!tpu.dma_semaphore, #tpu.memory_space<semaphore_mem>>)
        %dma_wait3A_103 = arith.constant 0 : i32
        %dma_wait3A_104 = tpu.memref_slice %arg16[%mul3A_0, %dma_wait3A_103] : memref<10112x80xf32, #tpu.memory_space<vmem_shared>> -> memref<632x80xf32, #tpu.memory_space<vmem_shared>>
        %dma_wait3A_105 = arith.constant 0 : i32
        %dma_wait3A_106 = tpu.memref_slice %arg3[%mul3A_0, %dma_wait3A_105] : memref<10112x80xf32, #tpu.memory_space<hbm>> -> memref<632x80xf32, #tpu.memory_space<hbm>>
        tpu.wait_dma2 semaphore(%run_scoped3A : memref<!tpu.dma_semaphore, #tpu.memory_space<semaphore_mem>>) src(%dma_wait3A_106 : memref<632x80xf32, #tpu.memory_space<hbm>>) dst(%dma_wait3A_104 : memref<632x80xf32, #tpu.memory_space<vmem_shared>>)
        tpu.yield
      }) : () -> ()
    } else {
    }
    %eq3A_3 = arith.constant 1 : i32
    %eq3A_4 = arith.cmpi eq, %arg0, %eq3A_3 : i32
    %convert_element_type3A_5 = arith.extui %eq3A_4 : i1 to i32
    %cond3A_6 = arith.constant 0 : i32
    %cond3A_7 = arith.cmpi ne, %convert_element_type3A_5, %cond3A_6 : i32
    scf.if %cond3A_7 {
      "tpu.region"() ({
        %run_scoped3A = tpu.sem_alloc : memref<!tpu.dma_semaphore, #tpu.memory_space<semaphore_mem>>
        %dma_start3A_99 = arith.constant 0 : i32
        %dma_start3A_100 = tpu.memref_slice %arg17[%mul3A_0, %dma_start3A_99] : memref<10112x80xf32, #tpu.memory_space<vmem_shared>> -> memref<632x80xf32, #tpu.memory_space<vmem_shared>>
        %dma_start3A_101 = arith.constant 0 : i32
        %dma_start3A_102 = tpu.memref_slice %arg4[%mul3A_0, %dma_start3A_101] : memref<10112x80xf32, #tpu.memory_space<hbm>> -> memref<632x80xf32, #tpu.memory_space<hbm>>
        tpu.enqueue_dma source(%dma_start3A_102 : memref<632x80xf32, #tpu.memory_space<hbm>>) target(%dma_start3A_100 : memref<632x80xf32, #tpu.memory_space<vmem_shared>>) target_semaphore(%run_scoped3A : memref<!tpu.dma_semaphore, #tpu.memory_space<semaphore_mem>>)
        %dma_wait3A_103 = arith.constant 0 : i32
        %dma_wait3A_104 = tpu.memref_slice %arg17[%mul3A_0, %dma_wait3A_103] : memref<10112x80xf32, #tpu.memory_space<vmem_shared>> -> memref<632x80xf32, #tpu.memory_space<vmem_shared>>
        %dma_wait3A_105 = arith.constant 0 : i32
        %dma_wait3A_106 = tpu.memref_slice %arg4[%mul3A_0, %dma_wait3A_105] : memref<10112x80xf32, #tpu.memory_space<hbm>> -> memref<632x80xf32, #tpu.memory_space<hbm>>
        tpu.wait_dma2 semaphore(%run_scoped3A : memref<!tpu.dma_semaphore, #tpu.memory_space<semaphore_mem>>) src(%dma_wait3A_106 : memref<632x80xf32, #tpu.memory_space<hbm>>) dst(%dma_wait3A_104 : memref<632x80xf32, #tpu.memory_space<vmem_shared>>)
        tpu.yield
      }) : () -> ()
      "tpu.region"() ({
        %run_scoped3A = tpu.sem_alloc : memref<!tpu.dma_semaphore, #tpu.memory_space<semaphore_mem>>
        %dma_start3A_99 = arith.constant 0 : i32
        %dma_start3A_100 = tpu.memref_slice %arg16[%mul3A_0, %dma_start3A_99] : memref<10112x80xf32, #tpu.memory_space<vmem_shared>> -> memref<632x80xf32, #tpu.memory_space<vmem_shared>>
        %dma_start3A_101 = arith.constant 0 : i32
        %dma_start3A_102 = tpu.memref_slice %arg4[%mul3A_0, %dma_start3A_101] : memref<10112x80xf32, #tpu.memory_space<hbm>> -> memref<632x80xf32, #tpu.memory_space<hbm>>
        tpu.enqueue_dma source(%dma_start3A_102 : memref<632x80xf32, #tpu.memory_space<hbm>>) target(%dma_start3A_100 : memref<632x80xf32, #tpu.memory_space<vmem_shared>>) target_semaphore(%run_scoped3A : memref<!tpu.dma_semaphore, #tpu.memory_space<semaphore_mem>>)
        %dma_wait3A_103 = arith.constant 0 : i32
        %dma_wait3A_104 = tpu.memref_slice %arg16[%mul3A_0, %dma_wait3A_103] : memref<10112x80xf32, #tpu.memory_space<vmem_shared>> -> memref<632x80xf32, #tpu.memory_space<vmem_shared>>
        %dma_wait3A_105 = arith.constant 0 : i32
        %dma_wait3A_106 = tpu.memref_slice %arg4[%mul3A_0, %dma_wait3A_105] : memref<10112x80xf32, #tpu.memory_space<hbm>> -> memref<632x80xf32, #tpu.memory_space<hbm>>
        tpu.wait_dma2 semaphore(%run_scoped3A : memref<!tpu.dma_semaphore, #tpu.memory_space<semaphore_mem>>) src(%dma_wait3A_106 : memref<632x80xf32, #tpu.memory_space<hbm>>) dst(%dma_wait3A_104 : memref<632x80xf32, #tpu.memory_space<vmem_shared>>)
        tpu.yield
      }) : () -> ()
    } else {
    }
    %barrier3A = arith.constant 0 : index
    tpu.barrier barrier_id(%barrier3A)
    %dma_start3A = arith.constant 0 : i32
    %dma_start3A_8 = arith.constant 0 : i32
    %dma_start3A_9 = arith.constant 0 : i32
    %dma_start3A_10 = tpu.memref_slice %arg2[%arg1, %dma_start3A, %dma_start3A_8, %dma_start3A_9] : memref<16x160x2x128xi32, #tpu.memory_space<hbm>> -> memref<1x1x2x128xi32, #tpu.memory_space<hbm>>
    %dma_start3A_11 = tpu.memref_squeeze %dma_start3A_10 : memref<1x1x2x128xi32, #tpu.memory_space<hbm>> -> memref<2x128xi32, #tpu.memory_space<hbm>>
    %dma_start3A_12 = arith.constant 0 : i32
    %dma_start3A_13 = arith.constant 0 : i32
    %dma_start3A_14 = tpu.memref_slice %arg2[%arg1, %dma_start3A, %dma_start3A_12, %dma_start3A_13] : memref<16x160x2x128xi32, #tpu.memory_space<hbm>> -> memref<1x1x2x128xi32, #tpu.memory_space<hbm>>
    %dma_start3A_15 = tpu.memref_squeeze %dma_start3A_14 : memref<1x1x2x128xi32, #tpu.memory_space<hbm>> -> memref<2x128xi32, #tpu.memory_space<hbm>>
    tpu.enqueue_dma source(%dma_start3A_15 : memref<2x128xi32, #tpu.memory_space<hbm>>) target(%arg6 : memref<2x128xi32, #tpu.memory_space<vmem>>) target_semaphore(%arg18 : memref<!tpu.dma_semaphore, #tpu.memory_space<semaphore_mem>>)
    %dma_start3A_16 = arith.constant 1 : i32
    %dma_start3A_17 = arith.constant 0 : i32
    %dma_start3A_18 = arith.constant 0 : i32
    %dma_start3A_19 = tpu.memref_slice %arg2[%arg1, %dma_start3A_16, %dma_start3A_17, %dma_start3A_18] : memref<16x160x2x128xi32, #tpu.memory_space<hbm>> -> memref<1x1x2x128xi32, #tpu.memory_space<hbm>>
    %dma_start3A_20 = tpu.memref_squeeze %dma_start3A_19 : memref<1x1x2x128xi32, #tpu.memory_space<hbm>> -> memref<2x128xi32, #tpu.memory_space<hbm>>
    %dma_start3A_21 = arith.constant 0 : i32
    %dma_start3A_22 = arith.constant 0 : i32
    %dma_start3A_23 = tpu.memref_slice %arg2[%arg1, %dma_start3A_16, %dma_start3A_21, %dma_start3A_22] : memref<16x160x2x128xi32, #tpu.memory_space<hbm>> -> memref<1x1x2x128xi32, #tpu.memory_space<hbm>>
    %dma_start3A_24 = tpu.memref_squeeze %dma_start3A_23 : memref<1x1x2x128xi32, #tpu.memory_space<hbm>> -> memref<2x128xi32, #tpu.memory_space<hbm>>
    tpu.enqueue_dma source(%dma_start3A_24 : memref<2x128xi32, #tpu.memory_space<hbm>>) target(%arg7 : memref<2x128xi32, #tpu.memory_space<vmem>>) target_semaphore(%arg19 : memref<!tpu.dma_semaphore, #tpu.memory_space<semaphore_mem>>)
    %dma_start3A_25 = arith.constant 2 : i32
    %dma_start3A_26 = arith.constant 0 : i32
    %dma_start3A_27 = arith.constant 0 : i32
    %dma_start3A_28 = tpu.memref_slice %arg2[%arg1, %dma_start3A_25, %dma_start3A_26, %dma_start3A_27] : memref<16x160x2x128xi32, #tpu.memory_space<hbm>> -> memref<1x1x2x128xi32, #tpu.memory_space<hbm>>
    %dma_start3A_29 = tpu.memref_squeeze %dma_start3A_28 : memref<1x1x2x128xi32, #tpu.memory_space<hbm>> -> memref<2x128xi32, #tpu.memory_space<hbm>>
    %dma_start3A_30 = arith.constant 0 : i32
    %dma_start3A_31 = arith.constant 0 : i32
    %dma_start3A_32 = tpu.memref_slice %arg2[%arg1, %dma_start3A_25, %dma_start3A_30, %dma_start3A_31] : memref<16x160x2x128xi32, #tpu.memory_space<hbm>> -> memref<1x1x2x128xi32, #tpu.memory_space<hbm>>
    %dma_start3A_33 = tpu.memref_squeeze %dma_start3A_32 : memref<1x1x2x128xi32, #tpu.memory_space<hbm>> -> memref<2x128xi32, #tpu.memory_space<hbm>>
    tpu.enqueue_dma source(%dma_start3A_33 : memref<2x128xi32, #tpu.memory_space<hbm>>) target(%arg8 : memref<2x128xi32, #tpu.memory_space<vmem>>) target_semaphore(%arg20 : memref<!tpu.dma_semaphore, #tpu.memory_space<semaphore_mem>>)
    %dma_start3A_34 = arith.constant 3 : i32
    %dma_start3A_35 = arith.constant 0 : i32
    %dma_start3A_36 = arith.constant 0 : i32
    %dma_start3A_37 = tpu.memref_slice %arg2[%arg1, %dma_start3A_34, %dma_start3A_35, %dma_start3A_36] : memref<16x160x2x128xi32, #tpu.memory_space<hbm>> -> memref<1x1x2x128xi32, #tpu.memory_space<hbm>>
    %dma_start3A_38 = tpu.memref_squeeze %dma_start3A_37 : memref<1x1x2x128xi32, #tpu.memory_space<hbm>> -> memref<2x128xi32, #tpu.memory_space<hbm>>
    %dma_start3A_39 = arith.constant 0 : i32
    %dma_start3A_40 = arith.constant 0 : i32
    %dma_start3A_41 = tpu.memref_slice %arg2[%arg1, %dma_start3A_34, %dma_start3A_39, %dma_start3A_40] : memref<16x160x2x128xi32, #tpu.memory_space<hbm>> -> memref<1x1x2x128xi32, #tpu.memory_space<hbm>>
    %dma_start3A_42 = tpu.memref_squeeze %dma_start3A_41 : memref<1x1x2x128xi32, #tpu.memory_space<hbm>> -> memref<2x128xi32, #tpu.memory_space<hbm>>
    tpu.enqueue_dma source(%dma_start3A_42 : memref<2x128xi32, #tpu.memory_space<hbm>>) target(%arg9 : memref<2x128xi32, #tpu.memory_space<vmem>>) target_semaphore(%arg21 : memref<!tpu.dma_semaphore, #tpu.memory_space<semaphore_mem>>)
    %dma_start3A_43 = arith.constant 4 : i32
    %dma_start3A_44 = arith.constant 0 : i32
    %dma_start3A_45 = arith.constant 0 : i32
    %dma_start3A_46 = tpu.memref_slice %arg2[%arg1, %dma_start3A_43, %dma_start3A_44, %dma_start3A_45] : memref<16x160x2x128xi32, #tpu.memory_space<hbm>> -> memref<1x1x2x128xi32, #tpu.memory_space<hbm>>
    %dma_start3A_47 = tpu.memref_squeeze %dma_start3A_46 : memref<1x1x2x128xi32, #tpu.memory_space<hbm>> -> memref<2x128xi32, #tpu.memory_space<hbm>>
    %dma_start3A_48 = arith.constant 0 : i32
    %dma_start3A_49 = arith.constant 0 : i32
    %dma_start3A_50 = tpu.memref_slice %arg2[%arg1, %dma_start3A_43, %dma_start3A_48, %dma_start3A_49] : memref<16x160x2x128xi32, #tpu.memory_space<hbm>> -> memref<1x1x2x128xi32, #tpu.memory_space<hbm>>
    %dma_start3A_51 = tpu.memref_squeeze %dma_start3A_50 : memref<1x1x2x128xi32, #tpu.memory_space<hbm>> -> memref<2x128xi32, #tpu.memory_space<hbm>>
    tpu.enqueue_dma source(%dma_start3A_51 : memref<2x128xi32, #tpu.memory_space<hbm>>) target(%arg10 : memref<2x128xi32, #tpu.memory_space<vmem>>) target_semaphore(%arg22 : memref<!tpu.dma_semaphore, #tpu.memory_space<semaphore_mem>>)
    %dma_start3A_52 = arith.constant 5 : i32
    %dma_start3A_53 = arith.constant 0 : i32
    %dma_start3A_54 = arith.constant 0 : i32
    %dma_start3A_55 = tpu.memref_slice %arg2[%arg1, %dma_start3A_52, %dma_start3A_53, %dma_start3A_54] : memref<16x160x2x128xi32, #tpu.memory_space<hbm>> -> memref<1x1x2x128xi32, #tpu.memory_space<hbm>>
    %dma_start3A_56 = tpu.memref_squeeze %dma_start3A_55 : memref<1x1x2x128xi32, #tpu.memory_space<hbm>> -> memref<2x128xi32, #tpu.memory_space<hbm>>
    %dma_start3A_57 = arith.constant 0 : i32
    %dma_start3A_58 = arith.constant 0 : i32
    %dma_start3A_59 = tpu.memref_slice %arg2[%arg1, %dma_start3A_52, %dma_start3A_57, %dma_start3A_58] : memref<16x160x2x128xi32, #tpu.memory_space<hbm>> -> memref<1x1x2x128xi32, #tpu.memory_space<hbm>>
    %dma_start3A_60 = tpu.memref_squeeze %dma_start3A_59 : memref<1x1x2x128xi32, #tpu.memory_space<hbm>> -> memref<2x128xi32, #tpu.memory_space<hbm>>
    tpu.enqueue_dma source(%dma_start3A_60 : memref<2x128xi32, #tpu.memory_space<hbm>>) target(%arg11 : memref<2x128xi32, #tpu.memory_space<vmem>>) target_semaphore(%arg23 : memref<!tpu.dma_semaphore, #tpu.memory_space<semaphore_mem>>)
    %dma_start3A_61 = arith.constant 6 : i32
    %dma_start3A_62 = arith.constant 0 : i32
    %dma_start3A_63 = arith.constant 0 : i32
    %dma_start3A_64 = tpu.memref_slice %arg2[%arg1, %dma_start3A_61, %dma_start3A_62, %dma_start3A_63] : memref<16x160x2x128xi32, #tpu.memory_space<hbm>> -> memref<1x1x2x128xi32, #tpu.memory_space<hbm>>
    %dma_start3A_65 = tpu.memref_squeeze %dma_start3A_64 : memref<1x1x2x128xi32, #tpu.memory_space<hbm>> -> memref<2x128xi32, #tpu.memory_space<hbm>>
    %dma_start3A_66 = arith.constant 0 : i32
    %dma_start3A_67 = arith.constant 0 : i32
    %dma_start3A_68 = tpu.memref_slice %arg2[%arg1, %dma_start3A_61, %dma_start3A_66, %dma_start3A_67] : memref<16x160x2x128xi32, #tpu.memory_space<hbm>> -> memref<1x1x2x128xi32, #tpu.memory_space<hbm>>
    %dma_start3A_69 = tpu.memref_squeeze %dma_start3A_68 : memref<1x1x2x128xi32, #tpu.memory_space<hbm>> -> memref<2x128xi32, #tpu.memory_space<hbm>>
    tpu.enqueue_dma source(%dma_start3A_69 : memref<2x128xi32, #tpu.memory_space<hbm>>) target(%arg12 : memref<2x128xi32, #tpu.memory_space<vmem>>) target_semaphore(%arg24 : memref<!tpu.dma_semaphore, #tpu.memory_space<semaphore_mem>>)
    %dma_wait3A = arith.constant 0 : i32
    %dma_wait3A_70 = arith.constant 0 : i32
    %dma_wait3A_71 = arith.constant 0 : i32
    %dma_wait3A_72 = tpu.memref_slice %arg2[%arg1, %dma_wait3A, %dma_wait3A_70, %dma_wait3A_71] : memref<16x160x2x128xi32, #tpu.memory_space<hbm>> -> memref<1x1x2x128xi32, #tpu.memory_space<hbm>>
    %dma_wait3A_73 = tpu.memref_squeeze %dma_wait3A_72 : memref<1x1x2x128xi32, #tpu.memory_space<hbm>> -> memref<2x128xi32, #tpu.memory_space<hbm>>
    %dma_wait3A_74 = arith.constant 0 : i32
    %dma_wait3A_75 = arith.constant 0 : i32
    %dma_wait3A_76 = tpu.memref_slice %arg2[%arg1, %dma_wait3A, %dma_wait3A_74, %dma_wait3A_75] : memref<16x160x2x128xi32, #tpu.memory_space<hbm>> -> memref<1x1x2x128xi32, #tpu.memory_space<hbm>>
    %dma_wait3A_77 = tpu.memref_squeeze %dma_wait3A_76 : memref<1x1x2x128xi32, #tpu.memory_space<hbm>> -> memref<2x128xi32, #tpu.memory_space<hbm>>
    tpu.wait_dma2 semaphore(%arg18 : memref<!tpu.dma_semaphore, #tpu.memory_space<semaphore_mem>>) src(%dma_wait3A_77 : memref<2x128xi32, #tpu.memory_space<hbm>>) dst(%arg6 : memref<2x128xi32, #tpu.memory_space<vmem>>)
    %dma_start3A_78 = arith.constant 0 : i32
    %dma_start3A_79 = arith.constant 0 : i32
    %dma_start3A_80 = tpu.memref_slice %arg6[%dma_start3A_78, %dma_start3A_79] : memref<2x128xi32, #tpu.memory_space<vmem>> -> memref<1x128xi32, #tpu.memory_space<vmem>>
    %dma_start3A_81 = tpu.memref_squeeze %dma_start3A_80 : memref<1x128xi32, #tpu.memory_space<vmem>> -> memref<128xi32, #tpu.memory_space<vmem>>
    %dma_start3A_82 = arith.constant 0 : i32
    %dma_start3A_83 = arith.constant 0 : i32
    %dma_start3A_84 = tpu.memref_slice %arg16[%dma_start3A_82, %dma_start3A_83] : memref<10112x80xf32, #tpu.memory_space<vmem_shared>> -> memref<10112x80xf32, #tpu.memory_space<vmem_shared>>
    tpu.enqueue_indirect_dma source(%dma_start3A_84 : memref<10112x80xf32, #tpu.memory_space<vmem_shared>>) target(%arg14 : memref<128x80xf32, #tpu.memory_space<vmem>>) offsets(%dma_start3A_81 : memref<128xi32, #tpu.memory_space<vmem>>) semaphore(%arg26 : memref<!tpu.dma_semaphore, #tpu.memory_space<semaphore_mem>>)
    %scan3A = arith.constant 0 : i32
    %scan3A_85 = arith.constant 20 : i32
    %scan3A_86 = arith.addi %scan3A, %scan3A_85 : i32
    %scan3A_87 = arith.constant 1 : i32
    scf.for %scan3A_99 = %scan3A to %scan3A_86 step %scan3A_87  : i32 {
      %mul3A_100 = arith.constant 1 : i32
      %mul3A_101 = arith.muli %scan3A_99, %mul3A_100 : i32
      %add3A = arith.constant 0 : i32
      %add3A_102 = arith.addi %add3A, %mul3A_101 : i32
      %mul3A_103 = arith.constant 8 : i32
      %mul3A_104 = arith.muli %add3A_102, %mul3A_103 : i32
      %add3A_105 = arith.constant 0 : i32
      %add3A_106 = arith.addi %mul3A_104, %add3A_105 : i32
      %ge3A = arith.constant 1 : i32
      %ge3A_107 = arith.cmpi sge, %add3A_106, %ge3A : i32
      %convert_element_type3A_108 = arith.extui %ge3A_107 : i1 to i32
      %cond3A_109 = arith.constant 0 : i32
      %cond3A_110 = arith.cmpi ne, %convert_element_type3A_108, %cond3A_109 : i32
      scf.if %cond3A_110 {
        %dma_wait3A_428 = arith.constant 1 : i32
        %dma_wait3A_429 = arith.constant 0 : i32
        %dma_wait3A_430 = tpu.memref_slice %arg13[%dma_wait3A_428, %dma_wait3A_429] : memref<2x128xi32, #tpu.memory_space<vmem>> -> memref<1x128xi32, #tpu.memory_space<vmem>>
        %dma_wait3A_431 = tpu.memref_squeeze %dma_wait3A_430 : memref<1x128xi32, #tpu.memory_space<vmem>> -> memref<128xi32, #tpu.memory_space<vmem>>
        %dma_wait3A_432 = arith.constant 0 : i32
        %dma_wait3A_433 = arith.constant 0 : i32
        %dma_wait3A_434 = tpu.memref_slice %arg17[%dma_wait3A_432, %dma_wait3A_433] : memref<10112x80xf32, #tpu.memory_space<vmem_shared>> -> memref<10112x80xf32, #tpu.memory_space<vmem_shared>>
        tpu.wait_indirect_dma semaphore(%arg29 : memref<!tpu.dma_semaphore, #tpu.memory_space<semaphore_mem>>) src(%arg15 : memref<128x80xf32, #tpu.memory_space<vmem>>) dst(%dma_wait3A_434 : memref<10112x80xf32, #tpu.memory_space<vmem_shared>>)
      } else {
      }
      %add3A_111 = arith.constant 8 : i32
      %add3A_112 = arith.addi %add3A_106, %add3A_111 : i32
      %sub3A = arith.constant 1 : i32
      %sub3A_113 = arith.subi %add3A_112, %sub3A : i32
      %lt3A = arith.constant 160 : i32
      %lt3A_114 = arith.cmpi slt, %sub3A_113, %lt3A : i32
      %convert_element_type3A_115 = arith.extui %lt3A_114 : i1 to i32
      %cond3A_116 = arith.constant 0 : i32
      %cond3A_117 = arith.cmpi ne, %convert_element_type3A_115, %cond3A_116 : i32
      scf.if %cond3A_117 {
        %add3A_428 = arith.constant 8 : i32
        %add3A_429 = arith.addi %add3A_106, %add3A_428 : i32
        %sub3A_430 = arith.constant 1 : i32
        %sub3A_431 = arith.subi %add3A_429, %sub3A_430 : i32
        %dma_start3A_432 = arith.constant 0 : i32
        %dma_start3A_433 = arith.constant 0 : i32
        %dma_start3A_434 = tpu.memref_slice %arg2[%arg1, %sub3A_431, %dma_start3A_432, %dma_start3A_433] : memref<16x160x2x128xi32, #tpu.memory_space<hbm>> -> memref<1x1x2x128xi32, #tpu.memory_space<hbm>>
        %dma_start3A_435 = tpu.memref_squeeze %dma_start3A_434 : memref<1x1x2x128xi32, #tpu.memory_space<hbm>> -> memref<2x128xi32, #tpu.memory_space<hbm>>
        %dma_start3A_436 = arith.constant 0 : i32
        %dma_start3A_437 = arith.constant 0 : i32
        %dma_start3A_438 = tpu.memref_slice %arg2[%arg1, %sub3A_431, %dma_start3A_436, %dma_start3A_437] : memref<16x160x2x128xi32, #tpu.memory_space<hbm>> -> memref<1x1x2x128xi32, #tpu.memory_space<hbm>>
        %dma_start3A_439 = tpu.memref_squeeze %dma_start3A_438 : memref<1x1x2x128xi32, #tpu.memory_space<hbm>> -> memref<2x128xi32, #tpu.memory_space<hbm>>
        tpu.enqueue_dma source(%dma_start3A_439 : memref<2x128xi32, #tpu.memory_space<hbm>>) target(%arg13 : memref<2x128xi32, #tpu.memory_space<vmem>>) target_semaphore(%arg25 : memref<!tpu.dma_semaphore, #tpu.memory_space<semaphore_mem>>)
      } else {
      }
      %add3A_118 = arith.constant 2 : i32
      %add3A_119 = arith.addi %add3A_106, %add3A_118 : i32
      %sub3A_120 = arith.constant 1 : i32
      %sub3A_121 = arith.subi %add3A_119, %sub3A_120 : i32
      %lt3A_122 = arith.constant 160 : i32
      %lt3A_123 = arith.cmpi slt, %sub3A_121, %lt3A_122 : i32
      %convert_element_type3A_124 = arith.extui %lt3A_123 : i1 to i32
      %cond3A_125 = arith.constant 0 : i32
      %cond3A_126 = arith.cmpi ne, %convert_element_type3A_124, %cond3A_125 : i32
      scf.if %cond3A_126 {
        %add3A_428 = arith.constant 2 : i32
        %add3A_429 = arith.addi %add3A_106, %add3A_428 : i32
        %sub3A_430 = arith.constant 1 : i32
        %sub3A_431 = arith.subi %add3A_429, %sub3A_430 : i32
        %dma_wait3A_432 = arith.constant 0 : i32
        %dma_wait3A_433 = arith.constant 0 : i32
        %dma_wait3A_434 = tpu.memref_slice %arg2[%arg1, %sub3A_431, %dma_wait3A_432, %dma_wait3A_433] : memref<16x160x2x128xi32, #tpu.memory_space<hbm>> -> memref<1x1x2x128xi32, #tpu.memory_space<hbm>>
        %dma_wait3A_435 = tpu.memref_squeeze %dma_wait3A_434 : memref<1x1x2x128xi32, #tpu.memory_space<hbm>> -> memref<2x128xi32, #tpu.memory_space<hbm>>
        %dma_wait3A_436 = arith.constant 0 : i32
        %dma_wait3A_437 = arith.constant 0 : i32
        %dma_wait3A_438 = tpu.memref_slice %arg2[%arg1, %sub3A_431, %dma_wait3A_436, %dma_wait3A_437] : memref<16x160x2x128xi32, #tpu.memory_space<hbm>> -> memref<1x1x2x128xi32, #tpu.memory_space<hbm>>
        %dma_wait3A_439 = tpu.memref_squeeze %dma_wait3A_438 : memref<1x1x2x128xi32, #tpu.memory_space<hbm>> -> memref<2x128xi32, #tpu.memory_space<hbm>>
        tpu.wait_dma2 semaphore(%arg19 : memref<!tpu.dma_semaphore, #tpu.memory_space<semaphore_mem>>) src(%dma_wait3A_439 : memref<2x128xi32, #tpu.memory_space<hbm>>) dst(%arg7 : memref<2x128xi32, #tpu.memory_space<vmem>>)
        %add3A_440 = arith.constant 2 : i32
        %add3A_441 = arith.addi %add3A_106, %add3A_440 : i32
        %sub3A_442 = arith.constant 1 : i32
        %sub3A_443 = arith.subi %add3A_441, %sub3A_442 : i32
        %dma_start3A_444 = arith.constant 0 : i32
        %dma_start3A_445 = arith.constant 0 : i32
        %dma_start3A_446 = tpu.memref_slice %arg7[%dma_start3A_444, %dma_start3A_445] : memref<2x128xi32, #tpu.memory_space<vmem>> -> memref<1x128xi32, #tpu.memory_space<vmem>>
        %dma_start3A_447 = tpu.memref_squeeze %dma_start3A_446 : memref<1x128xi32, #tpu.memory_space<vmem>> -> memref<128xi32, #tpu.memory_space<vmem>>
        %dma_start3A_448 = arith.constant 0 : i32
        %dma_start3A_449 = arith.constant 0 : i32
        %dma_start3A_450 = tpu.memref_slice %arg16[%dma_start3A_448, %dma_start3A_449] : memref<10112x80xf32, #tpu.memory_space<vmem_shared>> -> memref<10112x80xf32, #tpu.memory_space<vmem_shared>>
        tpu.enqueue_indirect_dma source(%dma_start3A_450 : memref<10112x80xf32, #tpu.memory_space<vmem_shared>>) target(%arg15 : memref<128x80xf32, #tpu.memory_space<vmem>>) offsets(%dma_start3A_447 : memref<128xi32, #tpu.memory_space<vmem>>) semaphore(%arg27 : memref<!tpu.dma_semaphore, #tpu.memory_space<semaphore_mem>>)
      } else {
      }
      %dma_wait3A_127 = arith.constant 0 : i32
      %dma_wait3A_128 = arith.constant 0 : i32
      %dma_wait3A_129 = tpu.memref_slice %arg6[%dma_wait3A_127, %dma_wait3A_128] : memref<2x128xi32, #tpu.memory_space<vmem>> -> memref<1x128xi32, #tpu.memory_space<vmem>>
      %dma_wait3A_130 = tpu.memref_squeeze %dma_wait3A_129 : memref<1x128xi32, #tpu.memory_space<vmem>> -> memref<128xi32, #tpu.memory_space<vmem>>
      %dma_wait3A_131 = arith.constant 0 : i32
      %dma_wait3A_132 = arith.constant 0 : i32
      %dma_wait3A_133 = tpu.memref_slice %arg16[%dma_wait3A_131, %dma_wait3A_132] : memref<10112x80xf32, #tpu.memory_space<vmem_shared>> -> memref<10112x80xf32, #tpu.memory_space<vmem_shared>>
      tpu.wait_indirect_dma semaphore(%arg26 : memref<!tpu.dma_semaphore, #tpu.memory_space<semaphore_mem>>) src(%dma_wait3A_133 : memref<10112x80xf32, #tpu.memory_space<vmem_shared>>) dst(%arg14 : memref<128x80xf32, #tpu.memory_space<vmem>>)
      %dma_start3A_134 = arith.constant 1 : i32
      %dma_start3A_135 = arith.constant 0 : i32
      %dma_start3A_136 = tpu.memref_slice %arg6[%dma_start3A_134, %dma_start3A_135] : memref<2x128xi32, #tpu.memory_space<vmem>> -> memref<1x128xi32, #tpu.memory_space<vmem>>
      %dma_start3A_137 = tpu.memref_squeeze %dma_start3A_136 : memref<1x128xi32, #tpu.memory_space<vmem>> -> memref<128xi32, #tpu.memory_space<vmem>>
      %dma_start3A_138 = arith.constant 0 : i32
      %dma_start3A_139 = arith.constant 0 : i32
      %dma_start3A_140 = tpu.memref_slice %arg17[%dma_start3A_138, %dma_start3A_139] : memref<10112x80xf32, #tpu.memory_space<vmem_shared>> -> memref<10112x80xf32, #tpu.memory_space<vmem_shared>>
      tpu.enqueue_indirect_dma source(%arg14 : memref<128x80xf32, #tpu.memory_space<vmem>>) target(%dma_start3A_140 : memref<10112x80xf32, #tpu.memory_space<vmem_shared>>) offsets(%dma_start3A_137 : memref<128xi32, #tpu.memory_space<vmem>>) semaphore(%arg28 : memref<!tpu.dma_semaphore, #tpu.memory_space<semaphore_mem>>) {add = true}
      %mul3A_141 = arith.constant 8 : i32
      %mul3A_142 = arith.muli %add3A_102, %mul3A_141 : i32
      %add3A_143 = arith.constant 1 : i32
      %add3A_144 = arith.addi %mul3A_142, %add3A_143 : i32
      %ge3A_145 = arith.constant 1 : i32
      %ge3A_146 = arith.cmpi sge, %add3A_144, %ge3A_145 : i32
      %convert_element_type3A_147 = arith.extui %ge3A_146 : i1 to i32
      %cond3A_148 = arith.constant 0 : i32
      %cond3A_149 = arith.cmpi ne, %convert_element_type3A_147, %cond3A_148 : i32
      scf.if %cond3A_149 {
        %dma_wait3A_428 = arith.constant 1 : i32
        %dma_wait3A_429 = arith.constant 0 : i32
        %dma_wait3A_430 = tpu.memref_slice %arg6[%dma_wait3A_428, %dma_wait3A_429] : memref<2x128xi32, #tpu.memory_space<vmem>> -> memref<1x128xi32, #tpu.memory_space<vmem>>
        %dma_wait3A_431 = tpu.memref_squeeze %dma_wait3A_430 : memref<1x128xi32, #tpu.memory_space<vmem>> -> memref<128xi32, #tpu.memory_space<vmem>>
        %dma_wait3A_432 = arith.constant 0 : i32
        %dma_wait3A_433 = arith.constant 0 : i32
        %dma_wait3A_434 = tpu.memref_slice %arg17[%dma_wait3A_432, %dma_wait3A_433] : memref<10112x80xf32, #tpu.memory_space<vmem_shared>> -> memref<10112x80xf32, #tpu.memory_space<vmem_shared>>
        tpu.wait_indirect_dma semaphore(%arg28 : memref<!tpu.dma_semaphore, #tpu.memory_space<semaphore_mem>>) src(%arg14 : memref<128x80xf32, #tpu.memory_space<vmem>>) dst(%dma_wait3A_434 : memref<10112x80xf32, #tpu.memory_space<vmem_shared>>)
      } else {
      }
      %add3A_150 = arith.constant 8 : i32
      %add3A_151 = arith.addi %add3A_144, %add3A_150 : i32
      %sub3A_152 = arith.constant 1 : i32
      %sub3A_153 = arith.subi %add3A_151, %sub3A_152 : i32
      %lt3A_154 = arith.constant 160 : i32
      %lt3A_155 = arith.cmpi slt, %sub3A_153, %lt3A_154 : i32
      %convert_element_type3A_156 = arith.extui %lt3A_155 : i1 to i32
      %cond3A_157 = arith.constant 0 : i32
      %cond3A_158 = arith.cmpi ne, %convert_element_type3A_156, %cond3A_157 : i32
      scf.if %cond3A_158 {
        %add3A_428 = arith.constant 8 : i32
        %add3A_429 = arith.addi %add3A_144, %add3A_428 : i32
        %sub3A_430 = arith.constant 1 : i32
        %sub3A_431 = arith.subi %add3A_429, %sub3A_430 : i32
        %dma_start3A_432 = arith.constant 0 : i32
        %dma_start3A_433 = arith.constant 0 : i32
        %dma_start3A_434 = tpu.memref_slice %arg2[%arg1, %sub3A_431, %dma_start3A_432, %dma_start3A_433] : memref<16x160x2x128xi32, #tpu.memory_space<hbm>> -> memref<1x1x2x128xi32, #tpu.memory_space<hbm>>
        %dma_start3A_435 = tpu.memref_squeeze %dma_start3A_434 : memref<1x1x2x128xi32, #tpu.memory_space<hbm>> -> memref<2x128xi32, #tpu.memory_space<hbm>>
        %dma_start3A_436 = arith.constant 0 : i32
        %dma_start3A_437 = arith.constant 0 : i32
        %dma_start3A_438 = tpu.memref_slice %arg2[%arg1, %sub3A_431, %dma_start3A_436, %dma_start3A_437] : memref<16x160x2x128xi32, #tpu.memory_space<hbm>> -> memref<1x1x2x128xi32, #tpu.memory_space<hbm>>
        %dma_start3A_439 = tpu.memref_squeeze %dma_start3A_438 : memref<1x1x2x128xi32, #tpu.memory_space<hbm>> -> memref<2x128xi32, #tpu.memory_space<hbm>>
        tpu.enqueue_dma source(%dma_start3A_439 : memref<2x128xi32, #tpu.memory_space<hbm>>) target(%arg6 : memref<2x128xi32, #tpu.memory_space<vmem>>) target_semaphore(%arg18 : memref<!tpu.dma_semaphore, #tpu.memory_space<semaphore_mem>>)
      } else {
      }
      %add3A_159 = arith.constant 2 : i32
      %add3A_160 = arith.addi %add3A_144, %add3A_159 : i32
      %sub3A_161 = arith.constant 1 : i32
      %sub3A_162 = arith.subi %add3A_160, %sub3A_161 : i32
      %lt3A_163 = arith.constant 160 : i32
      %lt3A_164 = arith.cmpi slt, %sub3A_162, %lt3A_163 : i32
      %convert_element_type3A_165 = arith.extui %lt3A_164 : i1 to i32
      %cond3A_166 = arith.constant 0 : i32
      %cond3A_167 = arith.cmpi ne, %convert_element_type3A_165, %cond3A_166 : i32
      scf.if %cond3A_167 {
        %add3A_428 = arith.constant 2 : i32
        %add3A_429 = arith.addi %add3A_144, %add3A_428 : i32
        %sub3A_430 = arith.constant 1 : i32
        %sub3A_431 = arith.subi %add3A_429, %sub3A_430 : i32
        %dma_wait3A_432 = arith.constant 0 : i32
        %dma_wait3A_433 = arith.constant 0 : i32
        %dma_wait3A_434 = tpu.memref_slice %arg2[%arg1, %sub3A_431, %dma_wait3A_432, %dma_wait3A_433] : memref<16x160x2x128xi32, #tpu.memory_space<hbm>> -> memref<1x1x2x128xi32, #tpu.memory_space<hbm>>
        %dma_wait3A_435 = tpu.memref_squeeze %dma_wait3A_434 : memref<1x1x2x128xi32, #tpu.memory_space<hbm>> -> memref<2x128xi32, #tpu.memory_space<hbm>>
        %dma_wait3A_436 = arith.constant 0 : i32
        %dma_wait3A_437 = arith.constant 0 : i32
        %dma_wait3A_438 = tpu.memref_slice %arg2[%arg1, %sub3A_431, %dma_wait3A_436, %dma_wait3A_437] : memref<16x160x2x128xi32, #tpu.memory_space<hbm>> -> memref<1x1x2x128xi32, #tpu.memory_space<hbm>>
        %dma_wait3A_439 = tpu.memref_squeeze %dma_wait3A_438 : memref<1x1x2x128xi32, #tpu.memory_space<hbm>> -> memref<2x128xi32, #tpu.memory_space<hbm>>
        tpu.wait_dma2 semaphore(%arg20 : memref<!tpu.dma_semaphore, #tpu.memory_space<semaphore_mem>>) src(%dma_wait3A_439 : memref<2x128xi32, #tpu.memory_space<hbm>>) dst(%arg8 : memref<2x128xi32, #tpu.memory_space<vmem>>)
        %add3A_440 = arith.constant 2 : i32
        %add3A_441 = arith.addi %add3A_144, %add3A_440 : i32
        %sub3A_442 = arith.constant 1 : i32
        %sub3A_443 = arith.subi %add3A_441, %sub3A_442 : i32
        %dma_start3A_444 = arith.constant 0 : i32
        %dma_start3A_445 = arith.constant 0 : i32
        %dma_start3A_446 = tpu.memref_slice %arg8[%dma_start3A_444, %dma_start3A_445] : memref<2x128xi32, #tpu.memory_space<vmem>> -> memref<1x128xi32, #tpu.memory_space<vmem>>
        %dma_start3A_447 = tpu.memref_squeeze %dma_start3A_446 : memref<1x128xi32, #tpu.memory_space<vmem>> -> memref<128xi32, #tpu.memory_space<vmem>>
        %dma_start3A_448 = arith.constant 0 : i32
        %dma_start3A_449 = arith.constant 0 : i32
        %dma_start3A_450 = tpu.memref_slice %arg16[%dma_start3A_448, %dma_start3A_449] : memref<10112x80xf32, #tpu.memory_space<vmem_shared>> -> memref<10112x80xf32, #tpu.memory_space<vmem_shared>>
        tpu.enqueue_indirect_dma source(%dma_start3A_450 : memref<10112x80xf32, #tpu.memory_space<vmem_shared>>) target(%arg14 : memref<128x80xf32, #tpu.memory_space<vmem>>) offsets(%dma_start3A_447 : memref<128xi32, #tpu.memory_space<vmem>>) semaphore(%arg26 : memref<!tpu.dma_semaphore, #tpu.memory_space<semaphore_mem>>)
      } else {
      }
      %dma_wait3A_168 = arith.constant 0 : i32
      %dma_wait3A_169 = arith.constant 0 : i32
      %dma_wait3A_170 = tpu.memref_slice %arg7[%dma_wait3A_168, %dma_wait3A_169] : memref<2x128xi32, #tpu.memory_space<vmem>> -> memref<1x128xi32, #tpu.memory_space<vmem>>
      %dma_wait3A_171 = tpu.memref_squeeze %dma_wait3A_170 : memref<1x128xi32, #tpu.memory_space<vmem>> -> memref<128xi32, #tpu.memory_space<vmem>>
      %dma_wait3A_172 = arith.constant 0 : i32
      %dma_wait3A_173 = arith.constant 0 : i32
      %dma_wait3A_174 = tpu.memref_slice %arg16[%dma_wait3A_172, %dma_wait3A_173] : memref<10112x80xf32, #tpu.memory_space<vmem_shared>> -> memref<10112x80xf32, #tpu.memory_space<vmem_shared>>
      tpu.wait_indirect_dma semaphore(%arg27 : memref<!tpu.dma_semaphore, #tpu.memory_space<semaphore_mem>>) src(%dma_wait3A_174 : memref<10112x80xf32, #tpu.memory_space<vmem_shared>>) dst(%arg15 : memref<128x80xf32, #tpu.memory_space<vmem>>)
      %dma_start3A_175 = arith.constant 1 : i32
      %dma_start3A_176 = arith.constant 0 : i32
      %dma_start3A_177 = tpu.memref_slice %arg7[%dma_start3A_175, %dma_start3A_176] : memref<2x128xi32, #tpu.memory_space<vmem>> -> memref<1x128xi32, #tpu.memory_space<vmem>>
      %dma_start3A_178 = tpu.memref_squeeze %dma_start3A_177 : memref<1x128xi32, #tpu.memory_space<vmem>> -> memref<128xi32, #tpu.memory_space<vmem>>
      %dma_start3A_179 = arith.constant 0 : i32
      %dma_start3A_180 = arith.constant 0 : i32
      %dma_start3A_181 = tpu.memref_slice %arg17[%dma_start3A_179, %dma_start3A_180] : memref<10112x80xf32, #tpu.memory_space<vmem_shared>> -> memref<10112x80xf32, #tpu.memory_space<vmem_shared>>
      tpu.enqueue_indirect_dma source(%arg15 : memref<128x80xf32, #tpu.memory_space<vmem>>) target(%dma_start3A_181 : memref<10112x80xf32, #tpu.memory_space<vmem_shared>>) offsets(%dma_start3A_178 : memref<128xi32, #tpu.memory_space<vmem>>) semaphore(%arg29 : memref<!tpu.dma_semaphore, #tpu.memory_space<semaphore_mem>>) {add = true}
      %mul3A_182 = arith.constant 8 : i32
      %mul3A_183 = arith.muli %add3A_102, %mul3A_182 : i32
      %add3A_184 = arith.constant 2 : i32
      %add3A_185 = arith.addi %mul3A_183, %add3A_184 : i32
      %ge3A_186 = arith.constant 1 : i32
      %ge3A_187 = arith.cmpi sge, %add3A_185, %ge3A_186 : i32
      %convert_element_type3A_188 = arith.extui %ge3A_187 : i1 to i32
      %cond3A_189 = arith.constant 0 : i32
      %cond3A_190 = arith.cmpi ne, %convert_element_type3A_188, %cond3A_189 : i32
      scf.if %cond3A_190 {
        %dma_wait3A_428 = arith.constant 1 : i32
        %dma_wait3A_429 = arith.constant 0 : i32
        %dma_wait3A_430 = tpu.memref_slice %arg7[%dma_wait3A_428, %dma_wait3A_429] : memref<2x128xi32, #tpu.memory_space<vmem>> -> memref<1x128xi32, #tpu.memory_space<vmem>>
        %dma_wait3A_431 = tpu.memref_squeeze %dma_wait3A_430 : memref<1x128xi32, #tpu.memory_space<vmem>> -> memref<128xi32, #tpu.memory_space<vmem>>
        %dma_wait3A_432 = arith.constant 0 : i32
        %dma_wait3A_433 = arith.constant 0 : i32
        %dma_wait3A_434 = tpu.memref_slice %arg17[%dma_wait3A_432, %dma_wait3A_433] : memref<10112x80xf32, #tpu.memory_space<vmem_shared>> -> memref<10112x80xf32, #tpu.memory_space<vmem_shared>>
        tpu.wait_indirect_dma semaphore(%arg29 : memref<!tpu.dma_semaphore, #tpu.memory_space<semaphore_mem>>) src(%arg15 : memref<128x80xf32, #tpu.memory_space<vmem>>) dst(%dma_wait3A_434 : memref<10112x80xf32, #tpu.memory_space<vmem_shared>>)
      } else {
      }
      %add3A_191 = arith.constant 8 : i32
      %add3A_192 = arith.addi %add3A_185, %add3A_191 : i32
      %sub3A_193 = arith.constant 1 : i32
      %sub3A_194 = arith.subi %add3A_192, %sub3A_193 : i32
      %lt3A_195 = arith.constant 160 : i32
      %lt3A_196 = arith.cmpi slt, %sub3A_194, %lt3A_195 : i32
      %convert_element_type3A_197 = arith.extui %lt3A_196 : i1 to i32
      %cond3A_198 = arith.constant 0 : i32
      %cond3A_199 = arith.cmpi ne, %convert_element_type3A_197, %cond3A_198 : i32
      scf.if %cond3A_199 {
        %add3A_428 = arith.constant 8 : i32
        %add3A_429 = arith.addi %add3A_185, %add3A_428 : i32
        %sub3A_430 = arith.constant 1 : i32
        %sub3A_431 = arith.subi %add3A_429, %sub3A_430 : i32
        %dma_start3A_432 = arith.constant 0 : i32
        %dma_start3A_433 = arith.constant 0 : i32
        %dma_start3A_434 = tpu.memref_slice %arg2[%arg1, %sub3A_431, %dma_start3A_432, %dma_start3A_433] : memref<16x160x2x128xi32, #tpu.memory_space<hbm>> -> memref<1x1x2x128xi32, #tpu.memory_space<hbm>>
        %dma_start3A_435 = tpu.memref_squeeze %dma_start3A_434 : memref<1x1x2x128xi32, #tpu.memory_space<hbm>> -> memref<2x128xi32, #tpu.memory_space<hbm>>
        %dma_start3A_436 = arith.constant 0 : i32
        %dma_start3A_437 = arith.constant 0 : i32
        %dma_start3A_438 = tpu.memref_slice %arg2[%arg1, %sub3A_431, %dma_start3A_436, %dma_start3A_437] : memref<16x160x2x128xi32, #tpu.memory_space<hbm>> -> memref<1x1x2x128xi32, #tpu.memory_space<hbm>>
        %dma_start3A_439 = tpu.memref_squeeze %dma_start3A_438 : memref<1x1x2x128xi32, #tpu.memory_space<hbm>> -> memref<2x128xi32, #tpu.memory_space<hbm>>
        tpu.enqueue_dma source(%dma_start3A_439 : memref<2x128xi32, #tpu.memory_space<hbm>>) target(%arg7 : memref<2x128xi32, #tpu.memory_space<vmem>>) target_semaphore(%arg19 : memref<!tpu.dma_semaphore, #tpu.memory_space<semaphore_mem>>)
      } else {
      }
      %add3A_200 = arith.constant 2 : i32
      %add3A_201 = arith.addi %add3A_185, %add3A_200 : i32
      %sub3A_202 = arith.constant 1 : i32
      %sub3A_203 = arith.subi %add3A_201, %sub3A_202 : i32
      %lt3A_204 = arith.constant 160 : i32
      %lt3A_205 = arith.cmpi slt, %sub3A_203, %lt3A_204 : i32
      %convert_element_type3A_206 = arith.extui %lt3A_205 : i1 to i32
      %cond3A_207 = arith.constant 0 : i32
      %cond3A_208 = arith.cmpi ne, %convert_element_type3A_206, %cond3A_207 : i32
      scf.if %cond3A_208 {
        %add3A_428 = arith.constant 2 : i32
        %add3A_429 = arith.addi %add3A_185, %add3A_428 : i32
        %sub3A_430 = arith.constant 1 : i32
        %sub3A_431 = arith.subi %add3A_429, %sub3A_430 : i32
        %dma_wait3A_432 = arith.constant 0 : i32
        %dma_wait3A_433 = arith.constant 0 : i32
        %dma_wait3A_434 = tpu.memref_slice %arg2[%arg1, %sub3A_431, %dma_wait3A_432, %dma_wait3A_433] : memref<16x160x2x128xi32, #tpu.memory_space<hbm>> -> memref<1x1x2x128xi32, #tpu.memory_space<hbm>>
        %dma_wait3A_435 = tpu.memref_squeeze %dma_wait3A_434 : memref<1x1x2x128xi32, #tpu.memory_space<hbm>> -> memref<2x128xi32, #tpu.memory_space<hbm>>
        %dma_wait3A_436 = arith.constant 0 : i32
        %dma_wait3A_437 = arith.constant 0 : i32
        %dma_wait3A_438 = tpu.memref_slice %arg2[%arg1, %sub3A_431, %dma_wait3A_436, %dma_wait3A_437] : memref<16x160x2x128xi32, #tpu.memory_space<hbm>> -> memref<1x1x2x128xi32, #tpu.memory_space<hbm>>
        %dma_wait3A_439 = tpu.memref_squeeze %dma_wait3A_438 : memref<1x1x2x128xi32, #tpu.memory_space<hbm>> -> memref<2x128xi32, #tpu.memory_space<hbm>>
        tpu.wait_dma2 semaphore(%arg21 : memref<!tpu.dma_semaphore, #tpu.memory_space<semaphore_mem>>) src(%dma_wait3A_439 : memref<2x128xi32, #tpu.memory_space<hbm>>) dst(%arg9 : memref<2x128xi32, #tpu.memory_space<vmem>>)
        %add3A_440 = arith.constant 2 : i32
        %add3A_441 = arith.addi %add3A_185, %add3A_440 : i32
        %sub3A_442 = arith.constant 1 : i32
        %sub3A_443 = arith.subi %add3A_441, %sub3A_442 : i32
        %dma_start3A_444 = arith.constant 0 : i32
        %dma_start3A_445 = arith.constant 0 : i32
        %dma_start3A_446 = tpu.memref_slice %arg9[%dma_start3A_444, %dma_start3A_445] : memref<2x128xi32, #tpu.memory_space<vmem>> -> memref<1x128xi32, #tpu.memory_space<vmem>>
        %dma_start3A_447 = tpu.memref_squeeze %dma_start3A_446 : memref<1x128xi32, #tpu.memory_space<vmem>> -> memref<128xi32, #tpu.memory_space<vmem>>
        %dma_start3A_448 = arith.constant 0 : i32
        %dma_start3A_449 = arith.constant 0 : i32
        %dma_start3A_450 = tpu.memref_slice %arg16[%dma_start3A_448, %dma_start3A_449] : memref<10112x80xf32, #tpu.memory_space<vmem_shared>> -> memref<10112x80xf32, #tpu.memory_space<vmem_shared>>
        tpu.enqueue_indirect_dma source(%dma_start3A_450 : memref<10112x80xf32, #tpu.memory_space<vmem_shared>>) target(%arg15 : memref<128x80xf32, #tpu.memory_space<vmem>>) offsets(%dma_start3A_447 : memref<128xi32, #tpu.memory_space<vmem>>) semaphore(%arg27 : memref<!tpu.dma_semaphore, #tpu.memory_space<semaphore_mem>>)
      } else {
      }
      %dma_wait3A_209 = arith.constant 0 : i32
      %dma_wait3A_210 = arith.constant 0 : i32
      %dma_wait3A_211 = tpu.memref_slice %arg8[%dma_wait3A_209, %dma_wait3A_210] : memref<2x128xi32, #tpu.memory_space<vmem>> -> memref<1x128xi32, #tpu.memory_space<vmem>>
      %dma_wait3A_212 = tpu.memref_squeeze %dma_wait3A_211 : memref<1x128xi32, #tpu.memory_space<vmem>> -> memref<128xi32, #tpu.memory_space<vmem>>
      %dma_wait3A_213 = arith.constant 0 : i32
      %dma_wait3A_214 = arith.constant 0 : i32
      %dma_wait3A_215 = tpu.memref_slice %arg16[%dma_wait3A_213, %dma_wait3A_214] : memref<10112x80xf32, #tpu.memory_space<vmem_shared>> -> memref<10112x80xf32, #tpu.memory_space<vmem_shared>>
      tpu.wait_indirect_dma semaphore(%arg26 : memref<!tpu.dma_semaphore, #tpu.memory_space<semaphore_mem>>) src(%dma_wait3A_215 : memref<10112x80xf32, #tpu.memory_space<vmem_shared>>) dst(%arg14 : memref<128x80xf32, #tpu.memory_space<vmem>>)
      %dma_start3A_216 = arith.constant 1 : i32
      %dma_start3A_217 = arith.constant 0 : i32
      %dma_start3A_218 = tpu.memref_slice %arg8[%dma_start3A_216, %dma_start3A_217] : memref<2x128xi32, #tpu.memory_space<vmem>> -> memref<1x128xi32, #tpu.memory_space<vmem>>
      %dma_start3A_219 = tpu.memref_squeeze %dma_start3A_218 : memref<1x128xi32, #tpu.memory_space<vmem>> -> memref<128xi32, #tpu.memory_space<vmem>>
      %dma_start3A_220 = arith.constant 0 : i32
      %dma_start3A_221 = arith.constant 0 : i32
      %dma_start3A_222 = tpu.memref_slice %arg17[%dma_start3A_220, %dma_start3A_221] : memref<10112x80xf32, #tpu.memory_space<vmem_shared>> -> memref<10112x80xf32, #tpu.memory_space<vmem_shared>>
      tpu.enqueue_indirect_dma source(%arg14 : memref<128x80xf32, #tpu.memory_space<vmem>>) target(%dma_start3A_222 : memref<10112x80xf32, #tpu.memory_space<vmem_shared>>) offsets(%dma_start3A_219 : memref<128xi32, #tpu.memory_space<vmem>>) semaphore(%arg28 : memref<!tpu.dma_semaphore, #tpu.memory_space<semaphore_mem>>) {add = true}
      %mul3A_223 = arith.constant 8 : i32
      %mul3A_224 = arith.muli %add3A_102, %mul3A_223 : i32
      %add3A_225 = arith.constant 3 : i32
      %add3A_226 = arith.addi %mul3A_224, %add3A_225 : i32
      %ge3A_227 = arith.constant 1 : i32
      %ge3A_228 = arith.cmpi sge, %add3A_226, %ge3A_227 : i32
      %convert_element_type3A_229 = arith.extui %ge3A_228 : i1 to i32
      %cond3A_230 = arith.constant 0 : i32
      %cond3A_231 = arith.cmpi ne, %convert_element_type3A_229, %cond3A_230 : i32
      scf.if %cond3A_231 {
        %dma_wait3A_428 = arith.constant 1 : i32
        %dma_wait3A_429 = arith.constant 0 : i32
        %dma_wait3A_430 = tpu.memref_slice %arg8[%dma_wait3A_428, %dma_wait3A_429] : memref<2x128xi32, #tpu.memory_space<vmem>> -> memref<1x128xi32, #tpu.memory_space<vmem>>
        %dma_wait3A_431 = tpu.memref_squeeze %dma_wait3A_430 : memref<1x128xi32, #tpu.memory_space<vmem>> -> memref<128xi32, #tpu.memory_space<vmem>>
        %dma_wait3A_432 = arith.constant 0 : i32
        %dma_wait3A_433 = arith.constant 0 : i32
        %dma_wait3A_434 = tpu.memref_slice %arg17[%dma_wait3A_432, %dma_wait3A_433] : memref<10112x80xf32, #tpu.memory_space<vmem_shared>> -> memref<10112x80xf32, #tpu.memory_space<vmem_shared>>
        tpu.wait_indirect_dma semaphore(%arg28 : memref<!tpu.dma_semaphore, #tpu.memory_space<semaphore_mem>>) src(%arg14 : memref<128x80xf32, #tpu.memory_space<vmem>>) dst(%dma_wait3A_434 : memref<10112x80xf32, #tpu.memory_space<vmem_shared>>)
      } else {
      }
      %add3A_232 = arith.constant 8 : i32
      %add3A_233 = arith.addi %add3A_226, %add3A_232 : i32
      %sub3A_234 = arith.constant 1 : i32
      %sub3A_235 = arith.subi %add3A_233, %sub3A_234 : i32
      %lt3A_236 = arith.constant 160 : i32
      %lt3A_237 = arith.cmpi slt, %sub3A_235, %lt3A_236 : i32
      %convert_element_type3A_238 = arith.extui %lt3A_237 : i1 to i32
      %cond3A_239 = arith.constant 0 : i32
      %cond3A_240 = arith.cmpi ne, %convert_element_type3A_238, %cond3A_239 : i32
      scf.if %cond3A_240 {
        %add3A_428 = arith.constant 8 : i32
        %add3A_429 = arith.addi %add3A_226, %add3A_428 : i32
        %sub3A_430 = arith.constant 1 : i32
        %sub3A_431 = arith.subi %add3A_429, %sub3A_430 : i32
        %dma_start3A_432 = arith.constant 0 : i32
        %dma_start3A_433 = arith.constant 0 : i32
        %dma_start3A_434 = tpu.memref_slice %arg2[%arg1, %sub3A_431, %dma_start3A_432, %dma_start3A_433] : memref<16x160x2x128xi32, #tpu.memory_space<hbm>> -> memref<1x1x2x128xi32, #tpu.memory_space<hbm>>
        %dma_start3A_435 = tpu.memref_squeeze %dma_start3A_434 : memref<1x1x2x128xi32, #tpu.memory_space<hbm>> -> memref<2x128xi32, #tpu.memory_space<hbm>>
        %dma_start3A_436 = arith.constant 0 : i32
        %dma_start3A_437 = arith.constant 0 : i32
        %dma_start3A_438 = tpu.memref_slice %arg2[%arg1, %sub3A_431, %dma_start3A_436, %dma_start3A_437] : memref<16x160x2x128xi32, #tpu.memory_space<hbm>> -> memref<1x1x2x128xi32, #tpu.memory_space<hbm>>
        %dma_start3A_439 = tpu.memref_squeeze %dma_start3A_438 : memref<1x1x2x128xi32, #tpu.memory_space<hbm>> -> memref<2x128xi32, #tpu.memory_space<hbm>>
        tpu.enqueue_dma source(%dma_start3A_439 : memref<2x128xi32, #tpu.memory_space<hbm>>) target(%arg8 : memref<2x128xi32, #tpu.memory_space<vmem>>) target_semaphore(%arg20 : memref<!tpu.dma_semaphore, #tpu.memory_space<semaphore_mem>>)
      } else {
      }
      %add3A_241 = arith.constant 2 : i32
      %add3A_242 = arith.addi %add3A_226, %add3A_241 : i32
      %sub3A_243 = arith.constant 1 : i32
      %sub3A_244 = arith.subi %add3A_242, %sub3A_243 : i32
      %lt3A_245 = arith.constant 160 : i32
      %lt3A_246 = arith.cmpi slt, %sub3A_244, %lt3A_245 : i32
      %convert_element_type3A_247 = arith.extui %lt3A_246 : i1 to i32
      %cond3A_248 = arith.constant 0 : i32
      %cond3A_249 = arith.cmpi ne, %convert_element_type3A_247, %cond3A_248 : i32
      scf.if %cond3A_249 {
        %add3A_428 = arith.constant 2 : i32
        %add3A_429 = arith.addi %add3A_226, %add3A_428 : i32
        %sub3A_430 = arith.constant 1 : i32
        %sub3A_431 = arith.subi %add3A_429, %sub3A_430 : i32
        %dma_wait3A_432 = arith.constant 0 : i32
        %dma_wait3A_433 = arith.constant 0 : i32
        %dma_wait3A_434 = tpu.memref_slice %arg2[%arg1, %sub3A_431, %dma_wait3A_432, %dma_wait3A_433] : memref<16x160x2x128xi32, #tpu.memory_space<hbm>> -> memref<1x1x2x128xi32, #tpu.memory_space<hbm>>
        %dma_wait3A_435 = tpu.memref_squeeze %dma_wait3A_434 : memref<1x1x2x128xi32, #tpu.memory_space<hbm>> -> memref<2x128xi32, #tpu.memory_space<hbm>>
        %dma_wait3A_436 = arith.constant 0 : i32
        %dma_wait3A_437 = arith.constant 0 : i32
        %dma_wait3A_438 = tpu.memref_slice %arg2[%arg1, %sub3A_431, %dma_wait3A_436, %dma_wait3A_437] : memref<16x160x2x128xi32, #tpu.memory_space<hbm>> -> memref<1x1x2x128xi32, #tpu.memory_space<hbm>>
        %dma_wait3A_439 = tpu.memref_squeeze %dma_wait3A_438 : memref<1x1x2x128xi32, #tpu.memory_space<hbm>> -> memref<2x128xi32, #tpu.memory_space<hbm>>
        tpu.wait_dma2 semaphore(%arg22 : memref<!tpu.dma_semaphore, #tpu.memory_space<semaphore_mem>>) src(%dma_wait3A_439 : memref<2x128xi32, #tpu.memory_space<hbm>>) dst(%arg10 : memref<2x128xi32, #tpu.memory_space<vmem>>)
        %add3A_440 = arith.constant 2 : i32
        %add3A_441 = arith.addi %add3A_226, %add3A_440 : i32
        %sub3A_442 = arith.constant 1 : i32
        %sub3A_443 = arith.subi %add3A_441, %sub3A_442 : i32
        %dma_start3A_444 = arith.constant 0 : i32
        %dma_start3A_445 = arith.constant 0 : i32
        %dma_start3A_446 = tpu.memref_slice %arg10[%dma_start3A_444, %dma_start3A_445] : memref<2x128xi32, #tpu.memory_space<vmem>> -> memref<1x128xi32, #tpu.memory_space<vmem>>
        %dma_start3A_447 = tpu.memref_squeeze %dma_start3A_446 : memref<1x128xi32, #tpu.memory_space<vmem>> -> memref<128xi32, #tpu.memory_space<vmem>>
        %dma_start3A_448 = arith.constant 0 : i32
        %dma_start3A_449 = arith.constant 0 : i32
        %dma_start3A_450 = tpu.memref_slice %arg16[%dma_start3A_448, %dma_start3A_449] : memref<10112x80xf32, #tpu.memory_space<vmem_shared>> -> memref<10112x80xf32, #tpu.memory_space<vmem_shared>>
        tpu.enqueue_indirect_dma source(%dma_start3A_450 : memref<10112x80xf32, #tpu.memory_space<vmem_shared>>) target(%arg14 : memref<128x80xf32, #tpu.memory_space<vmem>>) offsets(%dma_start3A_447 : memref<128xi32, #tpu.memory_space<vmem>>) semaphore(%arg26 : memref<!tpu.dma_semaphore, #tpu.memory_space<semaphore_mem>>)
      } else {
      }
      %dma_wait3A_250 = arith.constant 0 : i32
      %dma_wait3A_251 = arith.constant 0 : i32
      %dma_wait3A_252 = tpu.memref_slice %arg9[%dma_wait3A_250, %dma_wait3A_251] : memref<2x128xi32, #tpu.memory_space<vmem>> -> memref<1x128xi32, #tpu.memory_space<vmem>>
      %dma_wait3A_253 = tpu.memref_squeeze %dma_wait3A_252 : memref<1x128xi32, #tpu.memory_space<vmem>> -> memref<128xi32, #tpu.memory_space<vmem>>
      %dma_wait3A_254 = arith.constant 0 : i32
      %dma_wait3A_255 = arith.constant 0 : i32
      %dma_wait3A_256 = tpu.memref_slice %arg16[%dma_wait3A_254, %dma_wait3A_255] : memref<10112x80xf32, #tpu.memory_space<vmem_shared>> -> memref<10112x80xf32, #tpu.memory_space<vmem_shared>>
      tpu.wait_indirect_dma semaphore(%arg27 : memref<!tpu.dma_semaphore, #tpu.memory_space<semaphore_mem>>) src(%dma_wait3A_256 : memref<10112x80xf32, #tpu.memory_space<vmem_shared>>) dst(%arg15 : memref<128x80xf32, #tpu.memory_space<vmem>>)
      %dma_start3A_257 = arith.constant 1 : i32
      %dma_start3A_258 = arith.constant 0 : i32
      %dma_start3A_259 = tpu.memref_slice %arg9[%dma_start3A_257, %dma_start3A_258] : memref<2x128xi32, #tpu.memory_space<vmem>> -> memref<1x128xi32, #tpu.memory_space<vmem>>
      %dma_start3A_260 = tpu.memref_squeeze %dma_start3A_259 : memref<1x128xi32, #tpu.memory_space<vmem>> -> memref<128xi32, #tpu.memory_space<vmem>>
      %dma_start3A_261 = arith.constant 0 : i32
      %dma_start3A_262 = arith.constant 0 : i32
      %dma_start3A_263 = tpu.memref_slice %arg17[%dma_start3A_261, %dma_start3A_262] : memref<10112x80xf32, #tpu.memory_space<vmem_shared>> -> memref<10112x80xf32, #tpu.memory_space<vmem_shared>>
      tpu.enqueue_indirect_dma source(%arg15 : memref<128x80xf32, #tpu.memory_space<vmem>>) target(%dma_start3A_263 : memref<10112x80xf32, #tpu.memory_space<vmem_shared>>) offsets(%dma_start3A_260 : memref<128xi32, #tpu.memory_space<vmem>>) semaphore(%arg29 : memref<!tpu.dma_semaphore, #tpu.memory_space<semaphore_mem>>) {add = true}
      %mul3A_264 = arith.constant 8 : i32
      %mul3A_265 = arith.muli %add3A_102, %mul3A_264 : i32
      %add3A_266 = arith.constant 4 : i32
      %add3A_267 = arith.addi %mul3A_265, %add3A_266 : i32
      %ge3A_268 = arith.constant 1 : i32
      %ge3A_269 = arith.cmpi sge, %add3A_267, %ge3A_268 : i32
      %convert_element_type3A_270 = arith.extui %ge3A_269 : i1 to i32
      %cond3A_271 = arith.constant 0 : i32
      %cond3A_272 = arith.cmpi ne, %convert_element_type3A_270, %cond3A_271 : i32
      scf.if %cond3A_272 {
        %dma_wait3A_428 = arith.constant 1 : i32
        %dma_wait3A_429 = arith.constant 0 : i32
        %dma_wait3A_430 = tpu.memref_slice %arg9[%dma_wait3A_428, %dma_wait3A_429] : memref<2x128xi32, #tpu.memory_space<vmem>> -> memref<1x128xi32, #tpu.memory_space<vmem>>
        %dma_wait3A_431 = tpu.memref_squeeze %dma_wait3A_430 : memref<1x128xi32, #tpu.memory_space<vmem>> -> memref<128xi32, #tpu.memory_space<vmem>>
        %dma_wait3A_432 = arith.constant 0 : i32
        %dma_wait3A_433 = arith.constant 0 : i32
        %dma_wait3A_434 = tpu.memref_slice %arg17[%dma_wait3A_432, %dma_wait3A_433] : memref<10112x80xf32, #tpu.memory_space<vmem_shared>> -> memref<10112x80xf32, #tpu.memory_space<vmem_shared>>
        tpu.wait_indirect_dma semaphore(%arg29 : memref<!tpu.dma_semaphore, #tpu.memory_space<semaphore_mem>>) src(%arg15 : memref<128x80xf32, #tpu.memory_space<vmem>>) dst(%dma_wait3A_434 : memref<10112x80xf32, #tpu.memory_space<vmem_shared>>)
      } else {
      }
      %add3A_273 = arith.constant 8 : i32
      %add3A_274 = arith.addi %add3A_267, %add3A_273 : i32
      %sub3A_275 = arith.constant 1 : i32
      %sub3A_276 = arith.subi %add3A_274, %sub3A_275 : i32
      %lt3A_277 = arith.constant 160 : i32
      %lt3A_278 = arith.cmpi slt, %sub3A_276, %lt3A_277 : i32
      %convert_element_type3A_279 = arith.extui %lt3A_278 : i1 to i32
      %cond3A_280 = arith.constant 0 : i32
      %cond3A_281 = arith.cmpi ne, %convert_element_type3A_279, %cond3A_280 : i32
      scf.if %cond3A_281 {
        %add3A_428 = arith.constant 8 : i32
        %add3A_429 = arith.addi %add3A_267, %add3A_428 : i32
        %sub3A_430 = arith.constant 1 : i32
        %sub3A_431 = arith.subi %add3A_429, %sub3A_430 : i32
        %dma_start3A_432 = arith.constant 0 : i32
        %dma_start3A_433 = arith.constant 0 : i32
        %dma_start3A_434 = tpu.memref_slice %arg2[%arg1, %sub3A_431, %dma_start3A_432, %dma_start3A_433] : memref<16x160x2x128xi32, #tpu.memory_space<hbm>> -> memref<1x1x2x128xi32, #tpu.memory_space<hbm>>
        %dma_start3A_435 = tpu.memref_squeeze %dma_start3A_434 : memref<1x1x2x128xi32, #tpu.memory_space<hbm>> -> memref<2x128xi32, #tpu.memory_space<hbm>>
        %dma_start3A_436 = arith.constant 0 : i32
        %dma_start3A_437 = arith.constant 0 : i32
        %dma_start3A_438 = tpu.memref_slice %arg2[%arg1, %sub3A_431, %dma_start3A_436, %dma_start3A_437] : memref<16x160x2x128xi32, #tpu.memory_space<hbm>> -> memref<1x1x2x128xi32, #tpu.memory_space<hbm>>
        %dma_start3A_439 = tpu.memref_squeeze %dma_start3A_438 : memref<1x1x2x128xi32, #tpu.memory_space<hbm>> -> memref<2x128xi32, #tpu.memory_space<hbm>>
        tpu.enqueue_dma source(%dma_start3A_439 : memref<2x128xi32, #tpu.memory_space<hbm>>) target(%arg9 : memref<2x128xi32, #tpu.memory_space<vmem>>) target_semaphore(%arg21 : memref<!tpu.dma_semaphore, #tpu.memory_space<semaphore_mem>>)
      } else {
      }
      %add3A_282 = arith.constant 2 : i32
      %add3A_283 = arith.addi %add3A_267, %add3A_282 : i32
      %sub3A_284 = arith.constant 1 : i32
      %sub3A_285 = arith.subi %add3A_283, %sub3A_284 : i32
      %lt3A_286 = arith.constant 160 : i32
      %lt3A_287 = arith.cmpi slt, %sub3A_285, %lt3A_286 : i32
      %convert_element_type3A_288 = arith.extui %lt3A_287 : i1 to i32
      %cond3A_289 = arith.constant 0 : i32
      %cond3A_290 = arith.cmpi ne, %convert_element_type3A_288, %cond3A_289 : i32
      scf.if %cond3A_290 {
        %add3A_428 = arith.constant 2 : i32
        %add3A_429 = arith.addi %add3A_267, %add3A_428 : i32
        %sub3A_430 = arith.constant 1 : i32
        %sub3A_431 = arith.subi %add3A_429, %sub3A_430 : i32
        %dma_wait3A_432 = arith.constant 0 : i32
        %dma_wait3A_433 = arith.constant 0 : i32
        %dma_wait3A_434 = tpu.memref_slice %arg2[%arg1, %sub3A_431, %dma_wait3A_432, %dma_wait3A_433] : memref<16x160x2x128xi32, #tpu.memory_space<hbm>> -> memref<1x1x2x128xi32, #tpu.memory_space<hbm>>
        %dma_wait3A_435 = tpu.memref_squeeze %dma_wait3A_434 : memref<1x1x2x128xi32, #tpu.memory_space<hbm>> -> memref<2x128xi32, #tpu.memory_space<hbm>>
        %dma_wait3A_436 = arith.constant 0 : i32
        %dma_wait3A_437 = arith.constant 0 : i32
        %dma_wait3A_438 = tpu.memref_slice %arg2[%arg1, %sub3A_431, %dma_wait3A_436, %dma_wait3A_437] : memref<16x160x2x128xi32, #tpu.memory_space<hbm>> -> memref<1x1x2x128xi32, #tpu.memory_space<hbm>>
        %dma_wait3A_439 = tpu.memref_squeeze %dma_wait3A_438 : memref<1x1x2x128xi32, #tpu.memory_space<hbm>> -> memref<2x128xi32, #tpu.memory_space<hbm>>
        tpu.wait_dma2 semaphore(%arg23 : memref<!tpu.dma_semaphore, #tpu.memory_space<semaphore_mem>>) src(%dma_wait3A_439 : memref<2x128xi32, #tpu.memory_space<hbm>>) dst(%arg11 : memref<2x128xi32, #tpu.memory_space<vmem>>)
        %add3A_440 = arith.constant 2 : i32
        %add3A_441 = arith.addi %add3A_267, %add3A_440 : i32
        %sub3A_442 = arith.constant 1 : i32
        %sub3A_443 = arith.subi %add3A_441, %sub3A_442 : i32
        %dma_start3A_444 = arith.constant 0 : i32
        %dma_start3A_445 = arith.constant 0 : i32
        %dma_start3A_446 = tpu.memref_slice %arg11[%dma_start3A_444, %dma_start3A_445] : memref<2x128xi32, #tpu.memory_space<vmem>> -> memref<1x128xi32, #tpu.memory_space<vmem>>
        %dma_start3A_447 = tpu.memref_squeeze %dma_start3A_446 : memref<1x128xi32, #tpu.memory_space<vmem>> -> memref<128xi32, #tpu.memory_space<vmem>>
        %dma_start3A_448 = arith.constant 0 : i32
        %dma_start3A_449 = arith.constant 0 : i32
        %dma_start3A_450 = tpu.memref_slice %arg16[%dma_start3A_448, %dma_start3A_449] : memref<10112x80xf32, #tpu.memory_space<vmem_shared>> -> memref<10112x80xf32, #tpu.memory_space<vmem_shared>>
        tpu.enqueue_indirect_dma source(%dma_start3A_450 : memref<10112x80xf32, #tpu.memory_space<vmem_shared>>) target(%arg15 : memref<128x80xf32, #tpu.memory_space<vmem>>) offsets(%dma_start3A_447 : memref<128xi32, #tpu.memory_space<vmem>>) semaphore(%arg27 : memref<!tpu.dma_semaphore, #tpu.memory_space<semaphore_mem>>)
      } else {
      }
      %dma_wait3A_291 = arith.constant 0 : i32
      %dma_wait3A_292 = arith.constant 0 : i32
      %dma_wait3A_293 = tpu.memref_slice %arg10[%dma_wait3A_291, %dma_wait3A_292] : memref<2x128xi32, #tpu.memory_space<vmem>> -> memref<1x128xi32, #tpu.memory_space<vmem>>
      %dma_wait3A_294 = tpu.memref_squeeze %dma_wait3A_293 : memref<1x128xi32, #tpu.memory_space<vmem>> -> memref<128xi32, #tpu.memory_space<vmem>>
      %dma_wait3A_295 = arith.constant 0 : i32
      %dma_wait3A_296 = arith.constant 0 : i32
      %dma_wait3A_297 = tpu.memref_slice %arg16[%dma_wait3A_295, %dma_wait3A_296] : memref<10112x80xf32, #tpu.memory_space<vmem_shared>> -> memref<10112x80xf32, #tpu.memory_space<vmem_shared>>
      tpu.wait_indirect_dma semaphore(%arg26 : memref<!tpu.dma_semaphore, #tpu.memory_space<semaphore_mem>>) src(%dma_wait3A_297 : memref<10112x80xf32, #tpu.memory_space<vmem_shared>>) dst(%arg14 : memref<128x80xf32, #tpu.memory_space<vmem>>)
      %dma_start3A_298 = arith.constant 1 : i32
      %dma_start3A_299 = arith.constant 0 : i32
      %dma_start3A_300 = tpu.memref_slice %arg10[%dma_start3A_298, %dma_start3A_299] : memref<2x128xi32, #tpu.memory_space<vmem>> -> memref<1x128xi32, #tpu.memory_space<vmem>>
      %dma_start3A_301 = tpu.memref_squeeze %dma_start3A_300 : memref<1x128xi32, #tpu.memory_space<vmem>> -> memref<128xi32, #tpu.memory_space<vmem>>
      %dma_start3A_302 = arith.constant 0 : i32
      %dma_start3A_303 = arith.constant 0 : i32
      %dma_start3A_304 = tpu.memref_slice %arg17[%dma_start3A_302, %dma_start3A_303] : memref<10112x80xf32, #tpu.memory_space<vmem_shared>> -> memref<10112x80xf32, #tpu.memory_space<vmem_shared>>
      tpu.enqueue_indirect_dma source(%arg14 : memref<128x80xf32, #tpu.memory_space<vmem>>) target(%dma_start3A_304 : memref<10112x80xf32, #tpu.memory_space<vmem_shared>>) offsets(%dma_start3A_301 : memref<128xi32, #tpu.memory_space<vmem>>) semaphore(%arg28 : memref<!tpu.dma_semaphore, #tpu.memory_space<semaphore_mem>>) {add = true}
      %mul3A_305 = arith.constant 8 : i32
      %mul3A_306 = arith.muli %add3A_102, %mul3A_305 : i32
      %add3A_307 = arith.constant 5 : i32
      %add3A_308 = arith.addi %mul3A_306, %add3A_307 : i32
      %ge3A_309 = arith.constant 1 : i32
      %ge3A_310 = arith.cmpi sge, %add3A_308, %ge3A_309 : i32
      %convert_element_type3A_311 = arith.extui %ge3A_310 : i1 to i32
      %cond3A_312 = arith.constant 0 : i32
      %cond3A_313 = arith.cmpi ne, %convert_element_type3A_311, %cond3A_312 : i32
      scf.if %cond3A_313 {
        %dma_wait3A_428 = arith.constant 1 : i32
        %dma_wait3A_429 = arith.constant 0 : i32
        %dma_wait3A_430 = tpu.memref_slice %arg10[%dma_wait3A_428, %dma_wait3A_429] : memref<2x128xi32, #tpu.memory_space<vmem>> -> memref<1x128xi32, #tpu.memory_space<vmem>>
        %dma_wait3A_431 = tpu.memref_squeeze %dma_wait3A_430 : memref<1x128xi32, #tpu.memory_space<vmem>> -> memref<128xi32, #tpu.memory_space<vmem>>
        %dma_wait3A_432 = arith.constant 0 : i32
        %dma_wait3A_433 = arith.constant 0 : i32
        %dma_wait3A_434 = tpu.memref_slice %arg17[%dma_wait3A_432, %dma_wait3A_433] : memref<10112x80xf32, #tpu.memory_space<vmem_shared>> -> memref<10112x80xf32, #tpu.memory_space<vmem_shared>>
        tpu.wait_indirect_dma semaphore(%arg28 : memref<!tpu.dma_semaphore, #tpu.memory_space<semaphore_mem>>) src(%arg14 : memref<128x80xf32, #tpu.memory_space<vmem>>) dst(%dma_wait3A_434 : memref<10112x80xf32, #tpu.memory_space<vmem_shared>>)
      } else {
      }
      %add3A_314 = arith.constant 8 : i32
      %add3A_315 = arith.addi %add3A_308, %add3A_314 : i32
      %sub3A_316 = arith.constant 1 : i32
      %sub3A_317 = arith.subi %add3A_315, %sub3A_316 : i32
      %lt3A_318 = arith.constant 160 : i32
      %lt3A_319 = arith.cmpi slt, %sub3A_317, %lt3A_318 : i32
      %convert_element_type3A_320 = arith.extui %lt3A_319 : i1 to i32
      %cond3A_321 = arith.constant 0 : i32
      %cond3A_322 = arith.cmpi ne, %convert_element_type3A_320, %cond3A_321 : i32
      scf.if %cond3A_322 {
        %add3A_428 = arith.constant 8 : i32
        %add3A_429 = arith.addi %add3A_308, %add3A_428 : i32
        %sub3A_430 = arith.constant 1 : i32
        %sub3A_431 = arith.subi %add3A_429, %sub3A_430 : i32
        %dma_start3A_432 = arith.constant 0 : i32
        %dma_start3A_433 = arith.constant 0 : i32
        %dma_start3A_434 = tpu.memref_slice %arg2[%arg1, %sub3A_431, %dma_start3A_432, %dma_start3A_433] : memref<16x160x2x128xi32, #tpu.memory_space<hbm>> -> memref<1x1x2x128xi32, #tpu.memory_space<hbm>>
        %dma_start3A_435 = tpu.memref_squeeze %dma_start3A_434 : memref<1x1x2x128xi32, #tpu.memory_space<hbm>> -> memref<2x128xi32, #tpu.memory_space<hbm>>
        %dma_start3A_436 = arith.constant 0 : i32
        %dma_start3A_437 = arith.constant 0 : i32
        %dma_start3A_438 = tpu.memref_slice %arg2[%arg1, %sub3A_431, %dma_start3A_436, %dma_start3A_437] : memref<16x160x2x128xi32, #tpu.memory_space<hbm>> -> memref<1x1x2x128xi32, #tpu.memory_space<hbm>>
        %dma_start3A_439 = tpu.memref_squeeze %dma_start3A_438 : memref<1x1x2x128xi32, #tpu.memory_space<hbm>> -> memref<2x128xi32, #tpu.memory_space<hbm>>
        tpu.enqueue_dma source(%dma_start3A_439 : memref<2x128xi32, #tpu.memory_space<hbm>>) target(%arg10 : memref<2x128xi32, #tpu.memory_space<vmem>>) target_semaphore(%arg22 : memref<!tpu.dma_semaphore, #tpu.memory_space<semaphore_mem>>)
      } else {
      }
      %add3A_323 = arith.constant 2 : i32
      %add3A_324 = arith.addi %add3A_308, %add3A_323 : i32
      %sub3A_325 = arith.constant 1 : i32
      %sub3A_326 = arith.subi %add3A_324, %sub3A_325 : i32
      %lt3A_327 = arith.constant 160 : i32
      %lt3A_328 = arith.cmpi slt, %sub3A_326, %lt3A_327 : i32
      %convert_element_type3A_329 = arith.extui %lt3A_328 : i1 to i32
      %cond3A_330 = arith.constant 0 : i32
      %cond3A_331 = arith.cmpi ne, %convert_element_type3A_329, %cond3A_330 : i32
      scf.if %cond3A_331 {
        %add3A_428 = arith.constant 2 : i32
        %add3A_429 = arith.addi %add3A_308, %add3A_428 : i32
        %sub3A_430 = arith.constant 1 : i32
        %sub3A_431 = arith.subi %add3A_429, %sub3A_430 : i32
        %dma_wait3A_432 = arith.constant 0 : i32
        %dma_wait3A_433 = arith.constant 0 : i32
        %dma_wait3A_434 = tpu.memref_slice %arg2[%arg1, %sub3A_431, %dma_wait3A_432, %dma_wait3A_433] : memref<16x160x2x128xi32, #tpu.memory_space<hbm>> -> memref<1x1x2x128xi32, #tpu.memory_space<hbm>>
        %dma_wait3A_435 = tpu.memref_squeeze %dma_wait3A_434 : memref<1x1x2x128xi32, #tpu.memory_space<hbm>> -> memref<2x128xi32, #tpu.memory_space<hbm>>
        %dma_wait3A_436 = arith.constant 0 : i32
        %dma_wait3A_437 = arith.constant 0 : i32
        %dma_wait3A_438 = tpu.memref_slice %arg2[%arg1, %sub3A_431, %dma_wait3A_436, %dma_wait3A_437] : memref<16x160x2x128xi32, #tpu.memory_space<hbm>> -> memref<1x1x2x128xi32, #tpu.memory_space<hbm>>
        %dma_wait3A_439 = tpu.memref_squeeze %dma_wait3A_438 : memref<1x1x2x128xi32, #tpu.memory_space<hbm>> -> memref<2x128xi32, #tpu.memory_space<hbm>>
        tpu.wait_dma2 semaphore(%arg24 : memref<!tpu.dma_semaphore, #tpu.memory_space<semaphore_mem>>) src(%dma_wait3A_439 : memref<2x128xi32, #tpu.memory_space<hbm>>) dst(%arg12 : memref<2x128xi32, #tpu.memory_space<vmem>>)
        %add3A_440 = arith.constant 2 : i32
        %add3A_441 = arith.addi %add3A_308, %add3A_440 : i32
        %sub3A_442 = arith.constant 1 : i32
        %sub3A_443 = arith.subi %add3A_441, %sub3A_442 : i32
        %dma_start3A_444 = arith.constant 0 : i32
        %dma_start3A_445 = arith.constant 0 : i32
        %dma_start3A_446 = tpu.memref_slice %arg12[%dma_start3A_444, %dma_start3A_445] : memref<2x128xi32, #tpu.memory_space<vmem>> -> memref<1x128xi32, #tpu.memory_space<vmem>>
        %dma_start3A_447 = tpu.memref_squeeze %dma_start3A_446 : memref<1x128xi32, #tpu.memory_space<vmem>> -> memref<128xi32, #tpu.memory_space<vmem>>
        %dma_start3A_448 = arith.constant 0 : i32
        %dma_start3A_449 = arith.constant 0 : i32
        %dma_start3A_450 = tpu.memref_slice %arg16[%dma_start3A_448, %dma_start3A_449] : memref<10112x80xf32, #tpu.memory_space<vmem_shared>> -> memref<10112x80xf32, #tpu.memory_space<vmem_shared>>
        tpu.enqueue_indirect_dma source(%dma_start3A_450 : memref<10112x80xf32, #tpu.memory_space<vmem_shared>>) target(%arg14 : memref<128x80xf32, #tpu.memory_space<vmem>>) offsets(%dma_start3A_447 : memref<128xi32, #tpu.memory_space<vmem>>) semaphore(%arg26 : memref<!tpu.dma_semaphore, #tpu.memory_space<semaphore_mem>>)
      } else {
      }
      %dma_wait3A_332 = arith.constant 0 : i32
      %dma_wait3A_333 = arith.constant 0 : i32
      %dma_wait3A_334 = tpu.memref_slice %arg11[%dma_wait3A_332, %dma_wait3A_333] : memref<2x128xi32, #tpu.memory_space<vmem>> -> memref<1x128xi32, #tpu.memory_space<vmem>>
      %dma_wait3A_335 = tpu.memref_squeeze %dma_wait3A_334 : memref<1x128xi32, #tpu.memory_space<vmem>> -> memref<128xi32, #tpu.memory_space<vmem>>
      %dma_wait3A_336 = arith.constant 0 : i32
      %dma_wait3A_337 = arith.constant 0 : i32
      %dma_wait3A_338 = tpu.memref_slice %arg16[%dma_wait3A_336, %dma_wait3A_337] : memref<10112x80xf32, #tpu.memory_space<vmem_shared>> -> memref<10112x80xf32, #tpu.memory_space<vmem_shared>>
      tpu.wait_indirect_dma semaphore(%arg27 : memref<!tpu.dma_semaphore, #tpu.memory_space<semaphore_mem>>) src(%dma_wait3A_338 : memref<10112x80xf32, #tpu.memory_space<vmem_shared>>) dst(%arg15 : memref<128x80xf32, #tpu.memory_space<vmem>>)
      %dma_start3A_339 = arith.constant 1 : i32
      %dma_start3A_340 = arith.constant 0 : i32
      %dma_start3A_341 = tpu.memref_slice %arg11[%dma_start3A_339, %dma_start3A_340] : memref<2x128xi32, #tpu.memory_space<vmem>> -> memref<1x128xi32, #tpu.memory_space<vmem>>
      %dma_start3A_342 = tpu.memref_squeeze %dma_start3A_341 : memref<1x128xi32, #tpu.memory_space<vmem>> -> memref<128xi32, #tpu.memory_space<vmem>>
      %dma_start3A_343 = arith.constant 0 : i32
      %dma_start3A_344 = arith.constant 0 : i32
      %dma_start3A_345 = tpu.memref_slice %arg17[%dma_start3A_343, %dma_start3A_344] : memref<10112x80xf32, #tpu.memory_space<vmem_shared>> -> memref<10112x80xf32, #tpu.memory_space<vmem_shared>>
      tpu.enqueue_indirect_dma source(%arg15 : memref<128x80xf32, #tpu.memory_space<vmem>>) target(%dma_start3A_345 : memref<10112x80xf32, #tpu.memory_space<vmem_shared>>) offsets(%dma_start3A_342 : memref<128xi32, #tpu.memory_space<vmem>>) semaphore(%arg29 : memref<!tpu.dma_semaphore, #tpu.memory_space<semaphore_mem>>) {add = true}
      %mul3A_346 = arith.constant 8 : i32
      %mul3A_347 = arith.muli %add3A_102, %mul3A_346 : i32
      %add3A_348 = arith.constant 6 : i32
      %add3A_349 = arith.addi %mul3A_347, %add3A_348 : i32
      %ge3A_350 = arith.constant 1 : i32
      %ge3A_351 = arith.cmpi sge, %add3A_349, %ge3A_350 : i32
      %convert_element_type3A_352 = arith.extui %ge3A_351 : i1 to i32
      %cond3A_353 = arith.constant 0 : i32
      %cond3A_354 = arith.cmpi ne, %convert_element_type3A_352, %cond3A_353 : i32
      scf.if %cond3A_354 {
        %dma_wait3A_428 = arith.constant 1 : i32
        %dma_wait3A_429 = arith.constant 0 : i32
        %dma_wait3A_430 = tpu.memref_slice %arg11[%dma_wait3A_428, %dma_wait3A_429] : memref<2x128xi32, #tpu.memory_space<vmem>> -> memref<1x128xi32, #tpu.memory_space<vmem>>
        %dma_wait3A_431 = tpu.memref_squeeze %dma_wait3A_430 : memref<1x128xi32, #tpu.memory_space<vmem>> -> memref<128xi32, #tpu.memory_space<vmem>>
        %dma_wait3A_432 = arith.constant 0 : i32
        %dma_wait3A_433 = arith.constant 0 : i32
        %dma_wait3A_434 = tpu.memref_slice %arg17[%dma_wait3A_432, %dma_wait3A_433] : memref<10112x80xf32, #tpu.memory_space<vmem_shared>> -> memref<10112x80xf32, #tpu.memory_space<vmem_shared>>
        tpu.wait_indirect_dma semaphore(%arg29 : memref<!tpu.dma_semaphore, #tpu.memory_space<semaphore_mem>>) src(%arg15 : memref<128x80xf32, #tpu.memory_space<vmem>>) dst(%dma_wait3A_434 : memref<10112x80xf32, #tpu.memory_space<vmem_shared>>)
      } else {
      }
      %add3A_355 = arith.constant 8 : i32
      %add3A_356 = arith.addi %add3A_349, %add3A_355 : i32
      %sub3A_357 = arith.constant 1 : i32
      %sub3A_358 = arith.subi %add3A_356, %sub3A_357 : i32
      %lt3A_359 = arith.constant 160 : i32
      %lt3A_360 = arith.cmpi slt, %sub3A_358, %lt3A_359 : i32
      %convert_element_type3A_361 = arith.extui %lt3A_360 : i1 to i32
      %cond3A_362 = arith.constant 0 : i32
      %cond3A_363 = arith.cmpi ne, %convert_element_type3A_361, %cond3A_362 : i32
      scf.if %cond3A_363 {
        %add3A_428 = arith.constant 8 : i32
        %add3A_429 = arith.addi %add3A_349, %add3A_428 : i32
        %sub3A_430 = arith.constant 1 : i32
        %sub3A_431 = arith.subi %add3A_429, %sub3A_430 : i32
        %dma_start3A_432 = arith.constant 0 : i32
        %dma_start3A_433 = arith.constant 0 : i32
        %dma_start3A_434 = tpu.memref_slice %arg2[%arg1, %sub3A_431, %dma_start3A_432, %dma_start3A_433] : memref<16x160x2x128xi32, #tpu.memory_space<hbm>> -> memref<1x1x2x128xi32, #tpu.memory_space<hbm>>
        %dma_start3A_435 = tpu.memref_squeeze %dma_start3A_434 : memref<1x1x2x128xi32, #tpu.memory_space<hbm>> -> memref<2x128xi32, #tpu.memory_space<hbm>>
        %dma_start3A_436 = arith.constant 0 : i32
        %dma_start3A_437 = arith.constant 0 : i32
        %dma_start3A_438 = tpu.memref_slice %arg2[%arg1, %sub3A_431, %dma_start3A_436, %dma_start3A_437] : memref<16x160x2x128xi32, #tpu.memory_space<hbm>> -> memref<1x1x2x128xi32, #tpu.memory_space<hbm>>
        %dma_start3A_439 = tpu.memref_squeeze %dma_start3A_438 : memref<1x1x2x128xi32, #tpu.memory_space<hbm>> -> memref<2x128xi32, #tpu.memory_space<hbm>>
        tpu.enqueue_dma source(%dma_start3A_439 : memref<2x128xi32, #tpu.memory_space<hbm>>) target(%arg11 : memref<2x128xi32, #tpu.memory_space<vmem>>) target_semaphore(%arg23 : memref<!tpu.dma_semaphore, #tpu.memory_space<semaphore_mem>>)
      } else {
      }
      %add3A_364 = arith.constant 2 : i32
      %add3A_365 = arith.addi %add3A_349, %add3A_364 : i32
      %sub3A_366 = arith.constant 1 : i32
      %sub3A_367 = arith.subi %add3A_365, %sub3A_366 : i32
      %lt3A_368 = arith.constant 160 : i32
      %lt3A_369 = arith.cmpi slt, %sub3A_367, %lt3A_368 : i32
      %convert_element_type3A_370 = arith.extui %lt3A_369 : i1 to i32
      %cond3A_371 = arith.constant 0 : i32
      %cond3A_372 = arith.cmpi ne, %convert_element_type3A_370, %cond3A_371 : i32
      scf.if %cond3A_372 {
        %add3A_428 = arith.constant 2 : i32
        %add3A_429 = arith.addi %add3A_349, %add3A_428 : i32
        %sub3A_430 = arith.constant 1 : i32
        %sub3A_431 = arith.subi %add3A_429, %sub3A_430 : i32
        %dma_wait3A_432 = arith.constant 0 : i32
        %dma_wait3A_433 = arith.constant 0 : i32
        %dma_wait3A_434 = tpu.memref_slice %arg2[%arg1, %sub3A_431, %dma_wait3A_432, %dma_wait3A_433] : memref<16x160x2x128xi32, #tpu.memory_space<hbm>> -> memref<1x1x2x128xi32, #tpu.memory_space<hbm>>
        %dma_wait3A_435 = tpu.memref_squeeze %dma_wait3A_434 : memref<1x1x2x128xi32, #tpu.memory_space<hbm>> -> memref<2x128xi32, #tpu.memory_space<hbm>>
        %dma_wait3A_436 = arith.constant 0 : i32
        %dma_wait3A_437 = arith.constant 0 : i32
        %dma_wait3A_438 = tpu.memref_slice %arg2[%arg1, %sub3A_431, %dma_wait3A_436, %dma_wait3A_437] : memref<16x160x2x128xi32, #tpu.memory_space<hbm>> -> memref<1x1x2x128xi32, #tpu.memory_space<hbm>>
        %dma_wait3A_439 = tpu.memref_squeeze %dma_wait3A_438 : memref<1x1x2x128xi32, #tpu.memory_space<hbm>> -> memref<2x128xi32, #tpu.memory_space<hbm>>
        tpu.wait_dma2 semaphore(%arg25 : memref<!tpu.dma_semaphore, #tpu.memory_space<semaphore_mem>>) src(%dma_wait3A_439 : memref<2x128xi32, #tpu.memory_space<hbm>>) dst(%arg13 : memref<2x128xi32, #tpu.memory_space<vmem>>)
        %add3A_440 = arith.constant 2 : i32
        %add3A_441 = arith.addi %add3A_349, %add3A_440 : i32
        %sub3A_442 = arith.constant 1 : i32
        %sub3A_443 = arith.subi %add3A_441, %sub3A_442 : i32
        %dma_start3A_444 = arith.constant 0 : i32
        %dma_start3A_445 = arith.constant 0 : i32
        %dma_start3A_446 = tpu.memref_slice %arg13[%dma_start3A_444, %dma_start3A_445] : memref<2x128xi32, #tpu.memory_space<vmem>> -> memref<1x128xi32, #tpu.memory_space<vmem>>
        %dma_start3A_447 = tpu.memref_squeeze %dma_start3A_446 : memref<1x128xi32, #tpu.memory_space<vmem>> -> memref<128xi32, #tpu.memory_space<vmem>>
        %dma_start3A_448 = arith.constant 0 : i32
        %dma_start3A_449 = arith.constant 0 : i32
        %dma_start3A_450 = tpu.memref_slice %arg16[%dma_start3A_448, %dma_start3A_449] : memref<10112x80xf32, #tpu.memory_space<vmem_shared>> -> memref<10112x80xf32, #tpu.memory_space<vmem_shared>>
        tpu.enqueue_indirect_dma source(%dma_start3A_450 : memref<10112x80xf32, #tpu.memory_space<vmem_shared>>) target(%arg15 : memref<128x80xf32, #tpu.memory_space<vmem>>) offsets(%dma_start3A_447 : memref<128xi32, #tpu.memory_space<vmem>>) semaphore(%arg27 : memref<!tpu.dma_semaphore, #tpu.memory_space<semaphore_mem>>)
      } else {
      }
      %dma_wait3A_373 = arith.constant 0 : i32
      %dma_wait3A_374 = arith.constant 0 : i32
      %dma_wait3A_375 = tpu.memref_slice %arg12[%dma_wait3A_373, %dma_wait3A_374] : memref<2x128xi32, #tpu.memory_space<vmem>> -> memref<1x128xi32, #tpu.memory_space<vmem>>
      %dma_wait3A_376 = tpu.memref_squeeze %dma_wait3A_375 : memref<1x128xi32, #tpu.memory_space<vmem>> -> memref<128xi32, #tpu.memory_space<vmem>>
      %dma_wait3A_377 = arith.constant 0 : i32
      %dma_wait3A_378 = arith.constant 0 : i32
      %dma_wait3A_379 = tpu.memref_slice %arg16[%dma_wait3A_377, %dma_wait3A_378] : memref<10112x80xf32, #tpu.memory_space<vmem_shared>> -> memref<10112x80xf32, #tpu.memory_space<vmem_shared>>
      tpu.wait_indirect_dma semaphore(%arg26 : memref<!tpu.dma_semaphore, #tpu.memory_space<semaphore_mem>>) src(%dma_wait3A_379 : memref<10112x80xf32, #tpu.memory_space<vmem_shared>>) dst(%arg14 : memref<128x80xf32, #tpu.memory_space<vmem>>)
      %dma_start3A_380 = arith.constant 1 : i32
      %dma_start3A_381 = arith.constant 0 : i32
      %dma_start3A_382 = tpu.memref_slice %arg12[%dma_start3A_380, %dma_start3A_381] : memref<2x128xi32, #tpu.memory_space<vmem>> -> memref<1x128xi32, #tpu.memory_space<vmem>>
      %dma_start3A_383 = tpu.memref_squeeze %dma_start3A_382 : memref<1x128xi32, #tpu.memory_space<vmem>> -> memref<128xi32, #tpu.memory_space<vmem>>
      %dma_start3A_384 = arith.constant 0 : i32
      %dma_start3A_385 = arith.constant 0 : i32
      %dma_start3A_386 = tpu.memref_slice %arg17[%dma_start3A_384, %dma_start3A_385] : memref<10112x80xf32, #tpu.memory_space<vmem_shared>> -> memref<10112x80xf32, #tpu.memory_space<vmem_shared>>
      tpu.enqueue_indirect_dma source(%arg14 : memref<128x80xf32, #tpu.memory_space<vmem>>) target(%dma_start3A_386 : memref<10112x80xf32, #tpu.memory_space<vmem_shared>>) offsets(%dma_start3A_383 : memref<128xi32, #tpu.memory_space<vmem>>) semaphore(%arg28 : memref<!tpu.dma_semaphore, #tpu.memory_space<semaphore_mem>>) {add = true}
      %mul3A_387 = arith.constant 8 : i32
      %mul3A_388 = arith.muli %add3A_102, %mul3A_387 : i32
      %add3A_389 = arith.constant 7 : i32
      %add3A_390 = arith.addi %mul3A_388, %add3A_389 : i32
      %ge3A_391 = arith.constant 1 : i32
      %ge3A_392 = arith.cmpi sge, %add3A_390, %ge3A_391 : i32
      %convert_element_type3A_393 = arith.extui %ge3A_392 : i1 to i32
      %cond3A_394 = arith.constant 0 : i32
      %cond3A_395 = arith.cmpi ne, %convert_element_type3A_393, %cond3A_394 : i32
      scf.if %cond3A_395 {
        %dma_wait3A_428 = arith.constant 1 : i32
        %dma_wait3A_429 = arith.constant 0 : i32
        %dma_wait3A_430 = tpu.memref_slice %arg12[%dma_wait3A_428, %dma_wait3A_429] : memref<2x128xi32, #tpu.memory_space<vmem>> -> memref<1x128xi32, #tpu.memory_space<vmem>>
        %dma_wait3A_431 = tpu.memref_squeeze %dma_wait3A_430 : memref<1x128xi32, #tpu.memory_space<vmem>> -> memref<128xi32, #tpu.memory_space<vmem>>
        %dma_wait3A_432 = arith.constant 0 : i32
        %dma_wait3A_433 = arith.constant 0 : i32
        %dma_wait3A_434 = tpu.memref_slice %arg17[%dma_wait3A_432, %dma_wait3A_433] : memref<10112x80xf32, #tpu.memory_space<vmem_shared>> -> memref<10112x80xf32, #tpu.memory_space<vmem_shared>>
        tpu.wait_indirect_dma semaphore(%arg28 : memref<!tpu.dma_semaphore, #tpu.memory_space<semaphore_mem>>) src(%arg14 : memref<128x80xf32, #tpu.memory_space<vmem>>) dst(%dma_wait3A_434 : memref<10112x80xf32, #tpu.memory_space<vmem_shared>>)
      } else {
      }
      %add3A_396 = arith.constant 8 : i32
      %add3A_397 = arith.addi %add3A_390, %add3A_396 : i32
      %sub3A_398 = arith.constant 1 : i32
      %sub3A_399 = arith.subi %add3A_397, %sub3A_398 : i32
      %lt3A_400 = arith.constant 160 : i32
      %lt3A_401 = arith.cmpi slt, %sub3A_399, %lt3A_400 : i32
      %convert_element_type3A_402 = arith.extui %lt3A_401 : i1 to i32
      %cond3A_403 = arith.constant 0 : i32
      %cond3A_404 = arith.cmpi ne, %convert_element_type3A_402, %cond3A_403 : i32
      scf.if %cond3A_404 {
        %add3A_428 = arith.constant 8 : i32
        %add3A_429 = arith.addi %add3A_390, %add3A_428 : i32
        %sub3A_430 = arith.constant 1 : i32
        %sub3A_431 = arith.subi %add3A_429, %sub3A_430 : i32
        %dma_start3A_432 = arith.constant 0 : i32
        %dma_start3A_433 = arith.constant 0 : i32
        %dma_start3A_434 = tpu.memref_slice %arg2[%arg1, %sub3A_431, %dma_start3A_432, %dma_start3A_433] : memref<16x160x2x128xi32, #tpu.memory_space<hbm>> -> memref<1x1x2x128xi32, #tpu.memory_space<hbm>>
        %dma_start3A_435 = tpu.memref_squeeze %dma_start3A_434 : memref<1x1x2x128xi32, #tpu.memory_space<hbm>> -> memref<2x128xi32, #tpu.memory_space<hbm>>
        %dma_start3A_436 = arith.constant 0 : i32
        %dma_start3A_437 = arith.constant 0 : i32
        %dma_start3A_438 = tpu.memref_slice %arg2[%arg1, %sub3A_431, %dma_start3A_436, %dma_start3A_437] : memref<16x160x2x128xi32, #tpu.memory_space<hbm>> -> memref<1x1x2x128xi32, #tpu.memory_space<hbm>>
        %dma_start3A_439 = tpu.memref_squeeze %dma_start3A_438 : memref<1x1x2x128xi32, #tpu.memory_space<hbm>> -> memref<2x128xi32, #tpu.memory_space<hbm>>
        tpu.enqueue_dma source(%dma_start3A_439 : memref<2x128xi32, #tpu.memory_space<hbm>>) target(%arg12 : memref<2x128xi32, #tpu.memory_space<vmem>>) target_semaphore(%arg24 : memref<!tpu.dma_semaphore, #tpu.memory_space<semaphore_mem>>)
      } else {
      }
      %add3A_405 = arith.constant 2 : i32
      %add3A_406 = arith.addi %add3A_390, %add3A_405 : i32
      %sub3A_407 = arith.constant 1 : i32
      %sub3A_408 = arith.subi %add3A_406, %sub3A_407 : i32
      %lt3A_409 = arith.constant 160 : i32
      %lt3A_410 = arith.cmpi slt, %sub3A_408, %lt3A_409 : i32
      %convert_element_type3A_411 = arith.extui %lt3A_410 : i1 to i32
      %cond3A_412 = arith.constant 0 : i32
      %cond3A_413 = arith.cmpi ne, %convert_element_type3A_411, %cond3A_412 : i32
      scf.if %cond3A_413 {
        %add3A_428 = arith.constant 2 : i32
        %add3A_429 = arith.addi %add3A_390, %add3A_428 : i32
        %sub3A_430 = arith.constant 1 : i32
        %sub3A_431 = arith.subi %add3A_429, %sub3A_430 : i32
        %dma_wait3A_432 = arith.constant 0 : i32
        %dma_wait3A_433 = arith.constant 0 : i32
        %dma_wait3A_434 = tpu.memref_slice %arg2[%arg1, %sub3A_431, %dma_wait3A_432, %dma_wait3A_433] : memref<16x160x2x128xi32, #tpu.memory_space<hbm>> -> memref<1x1x2x128xi32, #tpu.memory_space<hbm>>
        %dma_wait3A_435 = tpu.memref_squeeze %dma_wait3A_434 : memref<1x1x2x128xi32, #tpu.memory_space<hbm>> -> memref<2x128xi32, #tpu.memory_space<hbm>>
        %dma_wait3A_436 = arith.constant 0 : i32
        %dma_wait3A_437 = arith.constant 0 : i32
        %dma_wait3A_438 = tpu.memref_slice %arg2[%arg1, %sub3A_431, %dma_wait3A_436, %dma_wait3A_437] : memref<16x160x2x128xi32, #tpu.memory_space<hbm>> -> memref<1x1x2x128xi32, #tpu.memory_space<hbm>>
        %dma_wait3A_439 = tpu.memref_squeeze %dma_wait3A_438 : memref<1x1x2x128xi32, #tpu.memory_space<hbm>> -> memref<2x128xi32, #tpu.memory_space<hbm>>
        tpu.wait_dma2 semaphore(%arg18 : memref<!tpu.dma_semaphore, #tpu.memory_space<semaphore_mem>>) src(%dma_wait3A_439 : memref<2x128xi32, #tpu.memory_space<hbm>>) dst(%arg6 : memref<2x128xi32, #tpu.memory_space<vmem>>)
        %add3A_440 = arith.constant 2 : i32
        %add3A_441 = arith.addi %add3A_390, %add3A_440 : i32
        %sub3A_442 = arith.constant 1 : i32
        %sub3A_443 = arith.subi %add3A_441, %sub3A_442 : i32
        %dma_start3A_444 = arith.constant 0 : i32
        %dma_start3A_445 = arith.constant 0 : i32
        %dma_start3A_446 = tpu.memref_slice %arg6[%dma_start3A_444, %dma_start3A_445] : memref<2x128xi32, #tpu.memory_space<vmem>> -> memref<1x128xi32, #tpu.memory_space<vmem>>
        %dma_start3A_447 = tpu.memref_squeeze %dma_start3A_446 : memref<1x128xi32, #tpu.memory_space<vmem>> -> memref<128xi32, #tpu.memory_space<vmem>>
        %dma_start3A_448 = arith.constant 0 : i32
        %dma_start3A_449 = arith.constant 0 : i32
        %dma_start3A_450 = tpu.memref_slice %arg16[%dma_start3A_448, %dma_start3A_449] : memref<10112x80xf32, #tpu.memory_space<vmem_shared>> -> memref<10112x80xf32, #tpu.memory_space<vmem_shared>>
        tpu.enqueue_indirect_dma source(%dma_start3A_450 : memref<10112x80xf32, #tpu.memory_space<vmem_shared>>) target(%arg14 : memref<128x80xf32, #tpu.memory_space<vmem>>) offsets(%dma_start3A_447 : memref<128xi32, #tpu.memory_space<vmem>>) semaphore(%arg26 : memref<!tpu.dma_semaphore, #tpu.memory_space<semaphore_mem>>)
      } else {
      }
      %dma_wait3A_414 = arith.constant 0 : i32
      %dma_wait3A_415 = arith.constant 0 : i32
      %dma_wait3A_416 = tpu.memref_slice %arg13[%dma_wait3A_414, %dma_wait3A_415] : memref<2x128xi32, #tpu.memory_space<vmem>> -> memref<1x128xi32, #tpu.memory_space<vmem>>
      %dma_wait3A_417 = tpu.memref_squeeze %dma_wait3A_416 : memref<1x128xi32, #tpu.memory_space<vmem>> -> memref<128xi32, #tpu.memory_space<vmem>>
      %dma_wait3A_418 = arith.constant 0 : i32
      %dma_wait3A_419 = arith.constant 0 : i32
      %dma_wait3A_420 = tpu.memref_slice %arg16[%dma_wait3A_418, %dma_wait3A_419] : memref<10112x80xf32, #tpu.memory_space<vmem_shared>> -> memref<10112x80xf32, #tpu.memory_space<vmem_shared>>
      tpu.wait_indirect_dma semaphore(%arg27 : memref<!tpu.dma_semaphore, #tpu.memory_space<semaphore_mem>>) src(%dma_wait3A_420 : memref<10112x80xf32, #tpu.memory_space<vmem_shared>>) dst(%arg15 : memref<128x80xf32, #tpu.memory_space<vmem>>)
      %dma_start3A_421 = arith.constant 1 : i32
      %dma_start3A_422 = arith.constant 0 : i32
      %dma_start3A_423 = tpu.memref_slice %arg13[%dma_start3A_421, %dma_start3A_422] : memref<2x128xi32, #tpu.memory_space<vmem>> -> memref<1x128xi32, #tpu.memory_space<vmem>>
      %dma_start3A_424 = tpu.memref_squeeze %dma_start3A_423 : memref<1x128xi32, #tpu.memory_space<vmem>> -> memref<128xi32, #tpu.memory_space<vmem>>
      %dma_start3A_425 = arith.constant 0 : i32
      %dma_start3A_426 = arith.constant 0 : i32
      %dma_start3A_427 = tpu.memref_slice %arg17[%dma_start3A_425, %dma_start3A_426] : memref<10112x80xf32, #tpu.memory_space<vmem_shared>> -> memref<10112x80xf32, #tpu.memory_space<vmem_shared>>
      tpu.enqueue_indirect_dma source(%arg15 : memref<128x80xf32, #tpu.memory_space<vmem>>) target(%dma_start3A_427 : memref<10112x80xf32, #tpu.memory_space<vmem_shared>>) offsets(%dma_start3A_424 : memref<128xi32, #tpu.memory_space<vmem>>) semaphore(%arg29 : memref<!tpu.dma_semaphore, #tpu.memory_space<semaphore_mem>>) {add = true}
    }
    %scan3A_88 = arith.constant 20 : i32
    %dma_wait3A_89 = arith.constant 1 : i32
    %dma_wait3A_90 = arith.constant 0 : i32
    %dma_wait3A_91 = tpu.memref_slice %arg13[%dma_wait3A_89, %dma_wait3A_90] : memref<2x128xi32, #tpu.memory_space<vmem>> -> memref<1x128xi32, #tpu.memory_space<vmem>>
    %dma_wait3A_92 = tpu.memref_squeeze %dma_wait3A_91 : memref<1x128xi32, #tpu.memory_space<vmem>> -> memref<128xi32, #tpu.memory_space<vmem>>
    %dma_wait3A_93 = arith.constant 0 : i32
    %dma_wait3A_94 = arith.constant 0 : i32
    %dma_wait3A_95 = tpu.memref_slice %arg17[%dma_wait3A_93, %dma_wait3A_94] : memref<10112x80xf32, #tpu.memory_space<vmem_shared>> -> memref<10112x80xf32, #tpu.memory_space<vmem_shared>>
    tpu.wait_indirect_dma semaphore(%arg29 : memref<!tpu.dma_semaphore, #tpu.memory_space<semaphore_mem>>) src(%arg15 : memref<128x80xf32, #tpu.memory_space<vmem>>) dst(%dma_wait3A_95 : memref<10112x80xf32, #tpu.memory_space<vmem_shared>>)
    %barrier3A_96 = arith.constant 0 : index
    tpu.barrier barrier_id(%barrier3A_96)
    %mul3A_97 = arith.constant 80 : i32
    %mul3A_98 = arith.muli %arg0, %mul3A_97 : i32
    "tpu.region"() ({
      %run_scoped3A = tpu.sem_alloc : memref<!tpu.dma_semaphore, #tpu.memory_space<semaphore_mem>>
      %dma_start3A_99 = tpu.memref_slice %arg5[%mul3A_0, %mul3A_98] : memref<10112x160xf32, #tpu.memory_space<hbm>> -> memref<632x80xf32, #tpu.memory_space<hbm>>
      %dma_start3A_100 = arith.constant 0 : i32
      %dma_start3A_101 = tpu.memref_slice %arg17[%mul3A_0, %dma_start3A_100] : memref<10112x80xf32, #tpu.memory_space<vmem_shared>> -> memref<632x80xf32, #tpu.memory_space<vmem_shared>>
      tpu.enqueue_dma source(%dma_start3A_101 : memref<632x80xf32, #tpu.memory_space<vmem_shared>>) target(%dma_start3A_99 : memref<632x80xf32, #tpu.memory_space<hbm>>) target_semaphore(%run_scoped3A : memref<!tpu.dma_semaphore, #tpu.memory_space<semaphore_mem>>)
      %dma_wait3A_102 = tpu.memref_slice %arg5[%mul3A_0, %mul3A_98] : memref<10112x160xf32, #tpu.memory_space<hbm>> -> memref<632x80xf32, #tpu.memory_space<hbm>>
      %dma_wait3A_103 = arith.constant 0 : i32
      %dma_wait3A_104 = tpu.memref_slice %arg17[%mul3A_0, %dma_wait3A_103] : memref<10112x80xf32, #tpu.memory_space<vmem_shared>> -> memref<632x80xf32, #tpu.memory_space<vmem_shared>>
      tpu.wait_dma2 semaphore(%run_scoped3A : memref<!tpu.dma_semaphore, #tpu.memory_space<semaphore_mem>>) src(%dma_wait3A_104 : memref<632x80xf32, #tpu.memory_space<vmem_shared>>) dst(%dma_wait3A_102 : memref<632x80xf32, #tpu.memory_space<hbm>>)
      tpu.yield
    }) : () -> ()
    return
  }
}

module attributes {stable_mosaic.version = 14 : i64} {
  func.func @body(%arg0: memref<2x10112x16xf32, #tpu.memory_space<vmem>>, %arg1: memref<10112x128xf32, #tpu.memory_space<vmem>>, %arg2: memref<10112x1xf32, #tpu.memory_space<vmem>>, %arg3: memref<10112x64xf32, #tpu.memory_space<vmem>>, %arg4: memref<10112x64xf32, #tpu.memory_space<vmem>>) attributes {dimension_semantics = [], scalar_prefetch = 0 : i64, scratch_operands = 0 : i64, tpu.core_type = #tpu.core_type<tc>} {
    %get3A = arith.constant 0 : index
    %get3A_0 = arith.constant 0 : index
    %get3A_1 = arith.constant 0 : index
    %get3A_2 = vector.load %arg0[%get3A, %get3A_0, %get3A_1] : memref<2x10112x16xf32, #tpu.memory_space<vmem>>, vector<1x10112x1xf32>
    %get3A_3 = vector.shape_cast %get3A_2 : vector<1x10112x1xf32> to vector<10112x1xf32>
    %get3A_4 = arith.constant 1 : index
    %get3A_5 = arith.constant 0 : index
    %get3A_6 = arith.constant 0 : index
    %get3A_7 = vector.load %arg0[%get3A_4, %get3A_5, %get3A_6] : memref<2x10112x16xf32, #tpu.memory_space<vmem>>, vector<1x10112x1xf32>
    %get3A_8 = vector.shape_cast %get3A_7 : vector<1x10112x1xf32> to vector<10112x1xf32>
    %add3A = arith.addf %get3A_3, %get3A_8 : vector<10112x1xf32>
    %add3A_9 = arith.constant 1.000000e+00 : f32
    %add3A_10 = vector.broadcast %add3A_9 : f32 to vector<10112x1xf32>
    %add3A_11 = arith.addf %add3A, %add3A_10 : vector<10112x1xf32>
    %rsqrt3A = math.rsqrt %add3A_11 : vector<10112x1xf32>
    %swap3A = arith.constant 0 : index
    %swap3A_12 = arith.constant 0 : index
    %swap3A_13 = vector.load %arg2[%swap3A, %swap3A_12] : memref<10112x1xf32, #tpu.memory_space<vmem>>, vector<10112x1xf32>
    tpu.vector_store %arg2[%swap3A, %swap3A_12], %rsqrt3A {strides = array<i32>} : memref<10112x1xf32, #tpu.memory_space<vmem>>, vector<10112x1xf32>,
    %get3A_14 = arith.constant 0 : index
    %get3A_15 = arith.constant 0 : index
    %get3A_16 = vector.load %arg1[%get3A_14, %get3A_15] : memref<10112x128xf32, #tpu.memory_space<vmem>>, vector<10112x128xf32>
    %mul3A = vector.broadcast %rsqrt3A : vector<10112x1xf32> to vector<10112x128xf32>
    %mul3A_17 = arith.mulf %get3A_16, %mul3A : vector<10112x128xf32>
    %slice3A = vector.extract_strided_slice %mul3A_17 {offsets = [0, 0], sizes = [10112, 64], strides = [1, 1]} : vector<10112x128xf32> to vector<10112x64xf32>
    %swap3A_18 = arith.constant 0 : index
    %swap3A_19 = arith.constant 0 : index
    %swap3A_20 = vector.load %arg3[%swap3A_18, %swap3A_19] : memref<10112x64xf32, #tpu.memory_space<vmem>>, vector<10112x64xf32>
    tpu.vector_store %arg3[%swap3A_18, %swap3A_19], %slice3A {strides = array<i32>} : memref<10112x64xf32, #tpu.memory_space<vmem>>, vector<10112x64xf32>,
    %slice3A_21 = vector.extract_strided_slice %mul3A_17 {offsets = [0, 64], sizes = [10112, 64], strides = [1, 1]} : vector<10112x128xf32> to vector<10112x64xf32>
    %swap3A_22 = arith.constant 0 : index
    %swap3A_23 = arith.constant 0 : index
    %swap3A_24 = vector.load %arg4[%swap3A_22, %swap3A_23] : memref<10112x64xf32, #tpu.memory_space<vmem>>, vector<10112x64xf32>
    tpu.vector_store %arg4[%swap3A_22, %swap3A_23], %slice3A_21 {strides = array<i32>} : memref<10112x64xf32, #tpu.memory_space<vmem>>, vector<10112x64xf32>,
    return
  }
}

module attributes {stable_mosaic.version = 14 : i64} {
  func.func @body(%arg0: memref<10112x128xf32, #tpu.memory_space<vmem>>, %arg1: memref<10112x1xf32, #tpu.memory_space<vmem>>, %arg2: memref<128x200xf32, #tpu.memory_space<vmem>>, %arg3: memref<1x200xf32, #tpu.memory_space<vmem>>, %arg4: memref<200x160xf32, #tpu.memory_space<vmem>>, %arg5: memref<10112x80xf32, #tpu.memory_space<vmem>>, %arg6: memref<10112x80xf32, #tpu.memory_space<vmem>>) attributes {dimension_semantics = [], scalar_prefetch = 0 : i64, scratch_operands = 0 : i64, tpu.core_type = #tpu.core_type<tc>} {
    %get3A = arith.constant 0 : index
    %get3A_0 = arith.constant 0 : index
    %get3A_1 = vector.load %arg1[%get3A, %get3A_0] : memref<10112x1xf32, #tpu.memory_space<vmem>>, vector<10112x1xf32>
    %get3A_2 = arith.constant 0 : index
    %get3A_3 = arith.constant 0 : index
    %get3A_4 = vector.load %arg0[%get3A_2, %get3A_3] : memref<10112x128xf32, #tpu.memory_space<vmem>>, vector<10112x128xf32>
    %mul3A = vector.broadcast %get3A_1 : vector<10112x1xf32> to vector<10112x128xf32>
    %mul3A_5 = arith.mulf %get3A_4, %mul3A : vector<10112x128xf32>
    %get3A_6 = arith.constant 0 : index
    %get3A_7 = arith.constant 0 : index
    %get3A_8 = vector.load %arg2[%get3A_6, %get3A_7] : memref<128x200xf32, #tpu.memory_space<vmem>>, vector<128x200xf32>
    %dot_general3A = arith.constant dense<0.000000e+00> : vector<10112x200xf32>
    %dot_general3A_9 = tpu.matmul %mul3A_5, %get3A_8, %dot_general3A {dimension_numbers = #tpu.dot_dimension_numbers<[1], [0], [0], [1], [0, 0, 1, 1], [], []>, transpose_lhs_hint = false} : vector<10112x128xf32>, vector<128x200xf32>, vector<10112x200xf32> -> vector<10112x200xf32>
    %get3A_10 = arith.constant 0 : index
    %get3A_11 = arith.constant 0 : index
    %get3A_12 = vector.load %arg3[%get3A_10, %get3A_11] : memref<1x200xf32, #tpu.memory_space<vmem>>, vector<1x200xf32>
    %add3A = vector.broadcast %get3A_12 : vector<1x200xf32> to vector<10112x200xf32>
    %add3A_13 = arith.addf %dot_general3A_9, %add3A : vector<10112x200xf32>
    %max3A = arith.constant 0.000000e+00 : f32
    %max3A_14 = vector.broadcast %max3A : f32 to vector<10112x200xf32>
    %max3A_15 = arith.maximumf %add3A_13, %max3A_14 : vector<10112x200xf32>
    %get3A_16 = arith.constant 0 : index
    %get3A_17 = arith.constant 0 : index
    %get3A_18 = vector.load %arg4[%get3A_16, %get3A_17] : memref<200x160xf32, #tpu.memory_space<vmem>>, vector<200x160xf32>
    %dot_general3A_19 = arith.constant dense<0.000000e+00> : vector<10112x160xf32>
    %dot_general3A_20 = tpu.matmul %max3A_15, %get3A_18, %dot_general3A_19 {dimension_numbers = #tpu.dot_dimension_numbers<[1], [0], [0], [1], [0, 0, 1, 1], [], []>, transpose_lhs_hint = false} : vector<10112x200xf32>, vector<200x160xf32>, vector<10112x160xf32> -> vector<10112x160xf32>
    %mul3A_21 = vector.broadcast %get3A_1 : vector<10112x1xf32> to vector<10112x160xf32>
    %mul3A_22 = arith.mulf %dot_general3A_20, %mul3A_21 : vector<10112x160xf32>
    %slice3A = vector.extract_strided_slice %mul3A_22 {offsets = [0, 0], sizes = [10112, 80], strides = [1, 1]} : vector<10112x160xf32> to vector<10112x80xf32>
    %swap3A = arith.constant 0 : index
    %swap3A_23 = arith.constant 0 : index
    %swap3A_24 = vector.load %arg5[%swap3A, %swap3A_23] : memref<10112x80xf32, #tpu.memory_space<vmem>>, vector<10112x80xf32>
    tpu.vector_store %arg5[%swap3A, %swap3A_23], %slice3A {strides = array<i32>} : memref<10112x80xf32, #tpu.memory_space<vmem>>, vector<10112x80xf32>,
    %slice3A_25 = vector.extract_strided_slice %mul3A_22 {offsets = [0, 80], sizes = [10112, 80], strides = [1, 1]} : vector<10112x160xf32> to vector<10112x80xf32>
    %swap3A_26 = arith.constant 0 : index
    %swap3A_27 = arith.constant 0 : index
    %swap3A_28 = vector.load %arg6[%swap3A_26, %swap3A_27] : memref<10112x80xf32, #tpu.memory_space<vmem>>, vector<10112x80xf32>
    tpu.vector_store %arg6[%swap3A_26, %swap3A_27], %slice3A_25 {strides = array<i32>} : memref<10112x80xf32, #tpu.memory_space<vmem>>, vector<10112x80xf32>,
    return
  }
}

module attributes {stable_mosaic.version = 14 : i64} {
  func.func @body(%arg0: memref<10112x160xf32, #tpu.memory_space<vmem>>, %arg1: memref<10112x1xf32, #tpu.memory_space<vmem>>, %arg2: memref<1x160xf32, #tpu.memory_space<vmem>>, %arg3: memref<160x100xf32, #tpu.memory_space<vmem>>, %arg4: memref<1x100xf32, #tpu.memory_space<vmem>>, %arg5: memref<100x1xf32, #tpu.memory_space<vmem>>, %arg6: memref<1x1xf32, #tpu.memory_space<vmem>>, %arg7: memref<10112x1xf32, #tpu.memory_space<vmem>>) attributes {dimension_semantics = [], scalar_prefetch = 0 : i64, scratch_operands = 0 : i64, tpu.core_type = #tpu.core_type<tc>} {
    %get3A = arith.constant 0 : index
    %get3A_0 = arith.constant 0 : index
    %get3A_1 = vector.load %arg1[%get3A, %get3A_0] : memref<10112x1xf32, #tpu.memory_space<vmem>>, vector<10112x1xf32>
    %get3A_2 = arith.constant 0 : index
    %get3A_3 = arith.constant 0 : index
    %get3A_4 = vector.load %arg0[%get3A_2, %get3A_3] : memref<10112x160xf32, #tpu.memory_space<vmem>>, vector<10112x160xf32>
    %mul3A = vector.broadcast %get3A_1 : vector<10112x1xf32> to vector<10112x160xf32>
    %mul3A_5 = arith.mulf %get3A_4, %mul3A : vector<10112x160xf32>
    %get3A_6 = arith.constant 0 : index
    %get3A_7 = arith.constant 0 : index
    %get3A_8 = vector.load %arg2[%get3A_6, %get3A_7] : memref<1x160xf32, #tpu.memory_space<vmem>>, vector<1x160xf32>
    %add3A = vector.broadcast %get3A_8 : vector<1x160xf32> to vector<10112x160xf32>
    %add3A_9 = arith.addf %mul3A_5, %add3A : vector<10112x160xf32>
    %max3A = arith.constant 0.000000e+00 : f32
    %max3A_10 = vector.broadcast %max3A : f32 to vector<10112x160xf32>
    %max3A_11 = arith.maximumf %add3A_9, %max3A_10 : vector<10112x160xf32>
    %get3A_12 = arith.constant 0 : index
    %get3A_13 = arith.constant 0 : index
    %get3A_14 = vector.load %arg3[%get3A_12, %get3A_13] : memref<160x100xf32, #tpu.memory_space<vmem>>, vector<160x100xf32>
    %dot_general3A = arith.constant dense<0.000000e+00> : vector<10112x100xf32>
    %dot_general3A_15 = tpu.matmul %max3A_11, %get3A_14, %dot_general3A {dimension_numbers = #tpu.dot_dimension_numbers<[1], [0], [0], [1], [0, 0, 1, 1], [], []>, transpose_lhs_hint = false} : vector<10112x160xf32>, vector<160x100xf32>, vector<10112x100xf32> -> vector<10112x100xf32>
    %get3A_16 = arith.constant 0 : index
    %get3A_17 = arith.constant 0 : index
    %get3A_18 = vector.load %arg4[%get3A_16, %get3A_17] : memref<1x100xf32, #tpu.memory_space<vmem>>, vector<1x100xf32>
    %add3A_19 = vector.broadcast %get3A_18 : vector<1x100xf32> to vector<10112x100xf32>
    %add3A_20 = arith.addf %dot_general3A_15, %add3A_19 : vector<10112x100xf32>
    %max3A_21 = arith.constant 0.000000e+00 : f32
    %max3A_22 = vector.broadcast %max3A_21 : f32 to vector<10112x100xf32>
    %max3A_23 = arith.maximumf %add3A_20, %max3A_22 : vector<10112x100xf32>
    %get3A_24 = arith.constant 0 : index
    %get3A_25 = arith.constant 0 : index
    %get3A_26 = vector.load %arg5[%get3A_24, %get3A_25] : memref<100x1xf32, #tpu.memory_space<vmem>>, vector<100x1xf32>
    %dot_general3A_27 = arith.constant dense<0.000000e+00> : vector<10112x1xf32>
    %dot_general3A_28 = tpu.matmul %max3A_23, %get3A_26, %dot_general3A_27 {dimension_numbers = #tpu.dot_dimension_numbers<[1], [0], [0], [1], [0, 0, 1, 1], [], []>, transpose_lhs_hint = false} : vector<10112x100xf32>, vector<100x1xf32>, vector<10112x1xf32> -> vector<10112x1xf32>
    %get3A_29 = arith.constant 0 : index
    %get3A_30 = arith.constant 0 : index
    %get3A_31 = vector.load %arg6[%get3A_29, %get3A_30] : memref<1x1xf32, #tpu.memory_space<vmem>>, vector<1x1xf32>
    %add3A_32 = vector.broadcast %get3A_31 : vector<1x1xf32> to vector<10112x1xf32>
    %add3A_33 = arith.addf %dot_general3A_28, %add3A_32 : vector<10112x1xf32>
    %logistic3A = arith.negf %add3A_33 : vector<10112x1xf32>
    %logistic3A_34 = math.exp %logistic3A : vector<10112x1xf32>
    %logistic3A_35 = arith.constant 1.000000e+00 : f32
    %logistic3A_36 = vector.broadcast %logistic3A_35 : f32 to vector<10112x1xf32>
    %logistic3A_37 = arith.addf %logistic3A_36, %logistic3A_34 : vector<10112x1xf32>
    %logistic3A_38 = arith.divf %logistic3A_36, %logistic3A_37 : vector<10112x1xf32>
    %swap3A = arith.constant 0 : index
    %swap3A_39 = arith.constant 0 : index
    %swap3A_40 = vector.load %arg7[%swap3A, %swap3A_39] : memref<10112x1xf32, #tpu.memory_space<vmem>>, vector<10112x1xf32>
    tpu.vector_store %arg7[%swap3A, %swap3A_39], %logistic3A_38 {strides = array<i32>} : memref<10112x1xf32, #tpu.memory_space<vmem>>, vector<10112x1xf32>,
    return
  }
}

</mosaic_0001>

<sc_bundles>
// kernel: kernel.11.cloned.1.call-start
scs
__scs_entry_jumppad:
0x0: {  	(pc) =	sbr.rel $0x88, $3  }
0x1: {  	(tag) =	ssettag $0x0;
	lr =	simm.s32 $0x1  }
0x2: {  	[smem:$0x3F97] =	sst lr;
	_ =	strace $0xD0000000  }
0x3: {  	_ = 	snop  }
0x4: {  	_ = 	snop  }
0x5: {  	_ = 	snop  }
0x6: {  	_ = 	snop  }
0x7: {  	_ = 	snop  }
__scs_overlays_trampoline_lowered:
0x8: {  	[smem:$0x3FA6] =	sst s0  }
0x9: {  	[smem:$0x3FA7] =	sst s1  }
0xa: {  	[smem:$0x3FA8] =	sst s2  }
0xb: {  	[smem:$0x3FA9] =	sst s3  }
0xc: {  	[smem:$0x3FAA] =	sst s4  }
0xd: {  	[smem:$0x3FAB] =	sst s5  }
0xe: {  	[smem:$0x3FAC] =	sst s6  }
0xf: {  	[smem:$0x3FAD] =	sst s7  }
0x10: {  	[smem:$0x3FAE] =	sst s8  }
0x11: {  	[smem:$0x3FAF] =	sst s9;
	s0 =	simm.s32 @!p0 $0x0  }
0x12: {  	s1 =	sld [smem:$0x3F95];
	s0 =	simm.s32 @p0 $0x1  }
0x13: {  	[smem:$0x3FB0] =	sst s0;
	s0 =	simm.s32 @!p1 $0x0  }
0x14: {  	s2 =	sld [smem:$0x3F94];
	s0 =	simm.s32 @p1 $0x1  }
0x15: {  	[smem:$0x3FB1] =	sst s0;
	s0 =	simm.s32 @!p2 $0x0  }
0x16: {  	s3 =	sld [smem:$0x3FDB];
	s0 =	simm.s32 @p2 $0x1  }
0x17: {  	s4 =	simm.s32 $0x1BF5;
	[smem:$0x3FB3] =	sst s0  }
0x18: {  	s0 =	sld [smem:$0x3F96];
	_ =	swait.ge [sflag:s4], $0x0  }
0x19: {  	s7 =	sld [smem:$0x3F97]  }
0x1a: {  	s8 =	sadd.s32 $0xFFFFE003, lr  }
0x1b: {  	s9 =	sadd.s32 $0xFFFFFEF7, lr;
	s5 =	simm.s32 $0xFFFFFFFF;
	p2 =	slt.u32 s8, $0xFFFFF086  }
0x1c: {  	p1 =	slt.u32 s9, $0xF7A;
	s5 =	simm.s32 @!p2 $0x0  }
0x1d: {  	s5 =	simm.s32 @p1 $0x1;
	p0 =	seq.s32 s7, s2  }
0x1e: {  	s7 =	smul.u32 @!p0 $0xF7A, s2;
	p2 =	seq.s32 @!p0 s5, $0x0  }
0x1f: {  	s9 =	smul.u32 $0xF7A, s1;
	s8 =	simm.s32 @!p0 $0x1BF5;
	p2 =	por !p2, p0  }
0x20: {  	[sflag:s8] =	ssyncset.s32 @!p0 $0xFFFFF086;
	s6 =	sadd.s32 @!p0 s3, s7;
	s7 =	simm.s32 @!p0 $0x108  }
0x21: {  	s3 =	sadd.s32 s3, s9;
	s6 =	sadd.s32 @!p0 $0x88, s6;
	s7 =	simm.s32 @p2 $0x1082  }
0x22: {  	[simem:s7], [sflag:s8] =	dma.local @!p0 [hbm:s6], $0xF7A  }
0x23: {  	s9 =	sor.u32 $0xD0000000, s2;
	s6 =	simm.s32 $0x108;
	_ =	swait.ge @!p0 [sflag:s8], $0x0  }
0x24: {  	s3 =	sadd.s32 $0x88, s3;
	s6 =	simm.s32 @!p1 $0x1082;
	[sflag:s4] =	ssyncset.s32 $0xFFFFF086  }
0x25: {  	[simem:s6], [sflag:s4] =	dma.local [hbm:s3], $0xF7A  }
0x26: {  	[smem:$0x3F97] =	sst s1;
	(tag) =	ssettag s2;
	_ =	strace s9  }
0x27: {  	s1 =	sld [smem:$0x3FA7]  }
0x28: {  	s2 =	sld [smem:$0x3FA8]  }
0x29: {  	s4 =	sld [smem:$0x3FAA]  }
0x2a: {  	p0 =	seq.s32 s5, $0x0;
	s5 =	sld [smem:$0x3FAB]  }
0x2b: {  	s6 =	sld [smem:$0x3FAC]  }
0x2c: {  	s7 =	sld [smem:$0x3FAD]  }
0x2d: {  	s3 =	simm.s32 $0x108;
	s8 =	sld [smem:$0x3FAE]  }
0x2e: {  	s3 =	simm.s32 @!p0 $0x1082;
	s9 =	sld [smem:$0x3FAF]  }
0x2f: {  	lr =	sadd.s32 s0, s3;
	s0 =	sld [smem:$0x3FA6]  }
0x30: {  	s3 =	sld [smem:$0x3FA9]  }
0x31: {  	[smem:$0x3FB2] =	sst s10  }
0x32: {  	s10 =	sld [smem:$0x3FB0];
	_ =	sdelay $0x3  }
0x33: {  	p0 =	seq.s32 s10, $0x1;
	s10 =	sld [smem:$0x3FB2];
	_ =	sdelay $0x3  }
0x34: {  	[smem:$0x3FB2] =	sst s10  }
0x35: {  	s10 =	sld [smem:$0x3FB1];
	_ =	sdelay $0x3  }
0x36: {  	p1 =	seq.s32 s10, $0x1;
	s10 =	sld [smem:$0x3FB2];
	_ =	sdelay $0x3  }
0x37: {  	[smem:$0x3FB2] =	sst s10  }
0x38: {  	s10 =	sld [smem:$0x3FB3]  }
0x39: {  	_ = 	snop;
	(pc) =	sbr.ind lr, $3  }
0x3a: {  	_ = 	snop  }
0x3b: {  	_ = 	snop  }
0x3c: {  	p2 =	seq.s32 s10, $0x1;
	s10 =	sld [smem:$0x3FB2]  }
0x3d: {  	_ =	shalt  }
0x3e: {  	_ =	shalt  }
0x3f: {  	_ =	shalt  }
0x40: {  	_ =	shalt  }
0x41: {  	_ =	shalt  }
0x42: {  	_ =	shalt  }
0x43: {  	_ =	shalt  }
0x44: {  	_ =	shalt  }
0x45: {  	_ =	shalt  }
0x46: {  	_ =	shalt  }
0x47: {  	_ =	shalt  }
0x48: {  	_ =	shalt  }
0x49: {  	_ =	shalt  }
0x4a: {  	_ =	shalt  }
0x4b: {  	_ =	shalt  }
0x4c: {  	_ =	shalt  }
0x4d: {  	_ =	shalt  }
0x4e: {  	_ =	shalt  }
0x4f: {  	_ =	shalt  }
0x50: {  	_ =	shalt  }
0x51: {  	_ =	shalt  }
0x52: {  	_ =	shalt  }
0x53: {  	_ =	shalt  }
0x54: {  	_ =	shalt  }
0x55: {  	_ =	shalt  }
0x56: {  	_ =	shalt  }
0x57: {  	_ =	shalt  }
0x58: {  	_ =	shalt  }
0x59: {  	_ =	shalt  }
0x5a: {  	_ =	shalt  }
0x5b: {  	_ =	shalt  }
0x5c: {  	_ =	shalt  }
0x5d: {  	_ =	shalt  }
0x5e: {  	_ =	shalt  }
0x5f: {  	_ =	shalt  }
0x60: {  	_ =	shalt  }
0x61: {  	_ =	shalt  }
0x62: {  	_ =	shalt  }
0x63: {  	_ =	shalt  }
0x64: {  	_ =	shalt  }
0x65: {  	_ =	shalt  }
0x66: {  	_ =	shalt  }
0x67: {  	_ =	shalt  }
0x68: {  	_ =	shalt  }
0x69: {  	_ =	shalt  }
0x6a: {  	_ =	shalt  }
0x6b: {  	_ =	shalt  }
0x6c: {  	_ =	shalt  }
0x6d: {  	_ =	shalt  }
0x6e: {  	_ =	shalt  }
0x6f: {  	_ =	shalt  }
0x70: {  	_ =	shalt  }
0x71: {  	_ =	shalt  }
0x72: {  	_ =	shalt  }
0x73: {  	_ =	shalt  }
0x74: {  	_ =	shalt  }
0x75: {  	_ =	shalt  }
0x76: {  	_ =	shalt  }
0x77: {  	_ =	shalt  }
0x78: {  	_ =	shalt  }
0x79: {  	_ =	shalt  }
0x7a: {  	_ =	shalt  }
0x7b: {  	_ =	shalt  }
0x7c: {  	_ =	shalt  }
0x7d: {  	_ =	shalt  }
0x7e: {  	_ =	shalt  }
0x7f: {  	_ =	shalt  }
0x80: {  	_ =	shalt  }
0x81: {  	_ =	shalt  }
0x82: {  	_ =	shalt  }
0x83: {  	_ =	shalt  }
0x84: {  	_ =	shalt  }
0x85: {  	_ =	shalt  }
0x86: {  	_ =	shalt  }
0x87: {  	_ =	shalt  }
.Lfunc_end0:
.L_simem_size_0:
called_computation.1_lowered:
.L_overlay_start_0:
0x88: {  	s2 =	sld [smem:$0x3FD9]  }
0x89: {  	s3 =	sld [smem:$0x3FFE];
	_ =	sdelay $0x1  }
0x8a: {  	s1 =	srdreg.scid  }
0x8b: {  	s0 =	sand.u32 $0x1, s1  }
0x8c: {  	s16 =	sshll.u32 s0, $0xA;
	s2 =	sadd.s32 s3, s2  }
0x8d: {  	s2 =	sadd.s32 s2, s16  }
0x8e: {  	[smem:$0x3FBE] =	sst s2  }
0x8f: {  	_ = 	snop  }
0x90: {  	(tm) =	ssettm $0x1  }
0x91: {  	s17 =	sld [smem:$0x3FFB];
	_ =	sdelay $0x3  }
0x92: {  	_ =	strace s17  }
0x93: {  	s2 =	sld [smem:$0x3FFC];
	_ =	sdelay $0x3  }
0x94: {  	_ =	strace s2  }
0x95: {  	s2 =	sld [smem:$0x3FFD];
	_ =	sdelay $0x3  }
0x96: {  	_ =	strace s2  }
0x97: {  	_ =	strace $0x8FFFFFFF  }
0x98: {  	s18 =	sld [smem:$0x3FDB];
	_ =	sdelay $0x1  }
0x99: {  	s19 =	simm.s32 $_scs_section_size  }
0x9a: {  	s4 =	simm.s32 $_size__tile_overlayer_lowered;
	s5 =	simm.s32 $_tile_overlayer_lowered  }
0x9b: {  	s22 =	simm.s32 $0x1BFF;
	s21 =	sshll.u32 s5, $0x1;
	s2 =	sadd.s32 s19, s18  }
0x9c: {  	s6 =	simm.s32 $0x0;
	s20 =	sshll.u32 s4, $0x1;
	s4 =	sadd.s32 s21, s2  }
0x9d: {  	[timem:s6], [sflag:s22] =	dma.local [hbm:s4], s20  }
0x9e: {  	_ =	swait.ge [sflag:s22], s20  }
0x9f: {  	s3 =	ssub.s32 $0x0, s20;
	[sflag:s22] =	ssyncset.done $0x0  }
0xa0: {  	[sflag:s22] =	ssyncadd.s32 s3;
	_ =	sdelay $0x1  }
0xa1: {  	s23 =	simm.s32 $0x1B8B  }
0xa2: {  	_ =	swait.ge [sflag:s23], $0x1  }
0xa3: {  	[sflag:s23] =	ssyncset.done $0x0  }
0xa4: {  	s25 =	simm.s32 $0x1B8E;
	s24 =	sld [smem:$0x3FFE];
	[sflag:s23] =	ssyncadd.s32 $0xFFFFFFFF  }
0xa5: {  	s26 =	simm.s32 $execute0_lowered;
	[smem:$0x3FD2] =	sst s25  }
0xa6: {  	s4 =	sshll.u32 s26, $0x1;
	_ =	strace $0x80000049;
	[dreg:$0x1] =	wrdreg $0xFFFFFFFF  }
0xa7: {  	s28 =	simm.s32 $_size_execute0_lowered;
	s2 =	sadd.s32 s2, s4;
	[dreg:$0x0] =	wrdreg $0x0  }
0xa8: {  	s4 =	sshll.u32 s28, $0x1;
	[dreg:$0x2] =	wrdreg s2  }
0xa9: {  	[dreg:$0x3] =	wrdreg s4  }
0xaa: {  	[dreg:$0x4] =	wrdreg $0xC0  }
0xab: {  	_ =	task [dreg:s6], $0x5FFFF  }
0xac: {  	[dreg:$0x1] =	wrdreg $0xFFFFFFFF  }
0xad: {  	[dreg:$0x0] =	wrdreg $0x60  }
0xae: {  	[dreg:$0x2] =	wrdreg s24  }
0xaf: {  	[dreg:$0x3] =	wrdreg $0x126000  }
0xb0: {  	[dreg:$0x4] =	wrdreg $0x88000  }
0xb1: {  	[dreg:$0x5] =	wrdreg $0x9  }
0xb2: {  	_ =	task.clear_ibuf [dreg:s6], $0x6FFFF;
	_ =	strace $0x90000049  }
0xb3: {  	s29 =	simm.s32 $0x9;
	_ =	strace $0x8000004B  }
0xb4: {  	_ =	swait.ge [sflag:s29], $0x1  }
0xb5: {  	[sflag:s29] =	ssyncadd.s32 $0xFFFFFFFF  }
0xb6: {  	_ =	strace $0x9000004B  }
0xb7: {  	_ =	sfence  }
0xb8: {  	s30 =	sld [smem:$0x0];
	_ =	sdelay $0x2  }
0xb9: {  	s31 =	sshll.u32 s1, $0xD;
	s1 =	sshrl.u32 s1, $0x2  }
0xba: {  	s3 =	sand.u32 $0x4000, s31;
	s1 =	sadd.s32 s1, s30  }
0xbb: {  	s0 =	sor.u32 s3, s0;
	s1 =	sshll.u32 s1, $0x11  }
0xbc: {  	s0 =	sor.u32 s1, s0  }
0xbd: {  	s0 =	sadd.s32 $0x8F2B, s0  }
0xbe: {  	[sflag:s0] =	ssyncadd.remote.s32 $0x1  }
0xbf: {  	_ =	sfence.sel $0xFFFF  }
0xc0: {  	[dreg:$0x0] =	wrdreg $0xFFFFFFFF;
	(pc) =	sbr.abs _section_cstart, $3  }
0xc1: {  	[dreg:$0x1] =	wrdreg $0xFFFFFFFF  }
0xc2: {  	_ =	task.clear_ibuf [dreg:s6], $0x2FFFF;
	_ =	strace $0x9FFFFFFF  }
0xc3: {  	(tm) =	ssettm $0x7FFFFFFF  }
tec
execute0_lowered:
.L_overlay_start_1:
0x0: {  	(tag) =	ssettag $0x1  }
0x1: {  	s0 =	rddreg [dreg:$0x0]  }
0x2: {  	s1 =	rddreg [dreg:$0x1]  }
0x3: {  	s3 =	rddreg [dreg:$0x2];
	s11 =	stileid.u32  }
0x4: {  	s4 =	simm.s32 $0x0;
	s2 =	srdreg.scid;
	s24 =	smul.u32 $0x13C00, s11  }
0x5: {  	s21 =	simm.s32 $0x180;
	s23 =	simm.s32 $0x280;
	s7 =	smul.u32 $0xA000, s11  }
0x6: {  	s29 =	simm.s32 $0x80;
	s31 =	simm.s32 $0x10;
	s9 =	smul.u32 $0x9E00, s11  }
0x7: {  	[smem:$0x7FF] =	sst s4;
	s2 =	sand.u32 $0x1, s2;
	s15 =	smul.u32 $0x27800, s11  }
0x8: {  	s5 =	sadd.s32 $0x1AA00, s0;
	s18 =	smul.u32 $0x1400, s11;
	s19 =	sshll.u32 s11, $0x6  }
0x9: {  	s11 =	simm.s32 $0xD;
	_ =	strace $0x8000004A;
	s6 =	sshll.u32 s2, $0x6  }
0xa: {  	s25 =	ssub.s32 $0x2, s2;
	p0 =	seq.s32 s2, $0x1;
	[dreg:$0x4] =	wrdreg s21  }
0xb: {  	[dreg:$0x5] =	wrdreg s23;
	s21 =	simm.s32 $0x6;
	s2 =	simm.s32 $0x8  }
0xc: {  	s4 =	sor.u32 s6, s24;
	s8 =	sshrl.u32 s25, $0x1;
	s7 =	sshrl.u32 s7, $0x3  }
0xd: {  	s26 =	sadd.s32 s9, s1;
	s28 =	sshrl.u32 s9, $0x3;
	s24 =	simm.s32 $0x380  }
0xe: {  	s30 =	sadd.s32 s9, s3;
	s10 =	sadd.s32 s5, s7;
	[dreg:$0x6] =	wrdreg s24  }
0xf: {  	s17 =	sshrl.u32 s15, $0x2;
	s20 =	sshrl.u32 s26, $0x3;
	[dreg:$0xa] =	wrdreg s10  }
0x10: {  	s9 =	simm.s32 $0x1C00;
	s22 =	sshrl.u32 s30, $0x3;
	[dreg:$0x15] =	wrdreg s20  }
0x11: {  	s6 =	ssub.s32 s25, s8;
	s25 =	simm.s32 $0x480;
	[dreg:$0x16] =	wrdreg s22  }
0x12: {  	s4 =	sshrl.u32 s4, $0x3;
	s26 =	simm.s32 $0x680;
	[dreg:$0x7] =	wrdreg s25  }
0x13: {  	s9 =	simm.s32 @!p0 $0x2EA00;
	s7 =	sor.u32 $0x1C11, s19;
	[dreg:$0x8] =	wrdreg s26  }
0x14: {  	s24 =	simm.s32 $0x1;
	s12 =	sadd.s32 $0x20, s10;
	[dreg:$0x14] =	wrdreg s7  }
0x15: {  	s19 =	simm.s32 $0xF;
	s13 =	sadd.s32 $0x40, s10;
	[dreg:$0xb] =	wrdreg s12  }
0x16: {  	s4 =	sadd.s32 s4, s0;
	s14 =	sadd.s32 $0x60, s10;
	[dreg:$0xc] =	wrdreg s13  }
0x17: {  	s16 =	sadd.s32 $0xA0, s10;
	s6 =	smax.u32 s6, $0x1;
	[dreg:$0xd] =	wrdreg s14  }
0x18: {  	s0 =	sadd.s32 s9, s0;
	s9 =	simm.s32 $0x6800;
	[dreg:$0xf] =	wrdreg s16  }
0x19: {  	s20 =	simm.s32 $0xE;
	s12 =	sadd.s32 $0x80, s10;
	[dreg:$0x12] =	wrdreg s6  }
0x1a: {  	s25 =	simm.s32 $0x7;
	s10 =	sadd.s32 $0xC0, s10;
	[dreg:$0xe] =	wrdreg s12  }
0x1b: {  	s4 =	sadd.s32 $0x42600, s4;
	s0 =	sadd.s32 s0, s28;
	[dreg:$0x10] =	wrdreg s10  }
0x1c: {  	s16 =	sadd.s32 s18, s5;
	s14 =	simm.s32 $0x11;
	[dreg:$0x11] =	wrdreg s4  }
0x1d: {  	s28 =	simm.s32 $0x780;
	s13 =	simm.s32 $0xA;
	[dreg:$0x13] =	wrdreg s0  }
0x1e: {  	s5 =	simm.s32 $0xC;
	s4 =	sadd.s32 s17, s1;
	[dreg:$0x9] =	wrdreg s28  }
0x1f: {  	s10 =	simm.s32 $0x9;
	s12 =	simm.s32 $0x5;
	s30 =	sshrl.u32 s4, $0x3  }
0x20: {  	s17 =	simm.s32 $0xB;
	s4 =	simm.s32 $0x0;
	[dreg:$0x17] =	wrdreg s30  }
.LBB2_1:
0x21: {  	[dreg:$0x18] =	wrdreg s4  }
0x22: {  	s0 =	rddreg [dreg:$0x13]  }
0x23: {  	s26 =	rddreg [dreg:$0x15]  }
0x24: {  	[spmem:s26], [sflag:s7] =	dma.local [hbm:s0], $0x13C0  }
0x25: {  	_ =	swait.ge [sflag:s14], $0x13C0  }
0x26: {  	[sflag:s14] =	ssyncset.done $0x0  }
0x27: {  	s30 =	rddreg [dreg:$0x16];
	[sflag:s14] =	ssyncadd.s32 $0xFFFFEC40  }
0x28: {  	[spmem:s30], [sflag:s7] =	dma.local [hbm:s0], $0x13C0  }
0x29: {  	_ =	swait.ge [sflag:s14], $0x13C0  }
0x2a: {  	[sflag:s14] =	ssyncset.done $0x0  }
0x2b: {  	[sflag:s14] =	ssyncadd.s32 $0xFFFFEC40  }
0x2c: {  	[bflag:$0x0] =	sbarrier.arrive $0xFFFF  }
0x2d: {  	s0 =	simm.s32 $0x0;
	s6 =	rddreg [dreg:$0xa]  }
0x2e: {  	[tilespmem:s0], [sflag:$0x1] =	stream.linear.gather [hbm4b:s6+s0], $0x100, $0x38;
	[tilespmem:$0x1C400] =	vst v63  }
0x2f: {  	s8 =	simm.s32 $0x100;
	s7 =	rddreg [dreg:$0xb]  }
0x30: {  	[tilespmem:s8], [sflag:$0x2] =	stream.linear.gather [hbm4b:s7+s0], $0x100, $0x38;
	[tilespmem:$0x1C400] =	vst v63  }
0x31: {  	s14 =	simm.s32 $0x200;
	s18 =	rddreg [dreg:$0xc]  }
0x32: {  	[tilespmem:s14], [sflag:$0x3] =	stream.linear.gather [hbm4b:s18+s0], $0x100, $0x38;
	[tilespmem:$0x1C400] =	vst v63  }
0x33: {  	s15 =	simm.s32 $0x300;
	s22 =	rddreg [dreg:$0xd]  }
0x34: {  	[tilespmem:s15], [sflag:$0x4] =	stream.linear.gather [hbm4b:s22+s0], $0x100, $0x38;
	[tilespmem:$0x1C400] =	vst v63  }
0x35: {  	s23 =	rddreg [dreg:$0xe];
	s18 =	simm.s32 $0x400  }
0x36: {  	[tilespmem:s18], [sflag:$0x5] =	stream.linear.gather [hbm4b:s23+s0], $0x100, $0x38;
	[tilespmem:$0x1C400] =	vst v63  }
0x37: {  	s26 =	rddreg [dreg:$0xf];
	s22 =	simm.s32 $0x500  }
0x38: {  	[tilespmem:s22], [sflag:$0x6] =	stream.linear.gather [hbm4b:s26+s0], $0x100, $0x38;
	[tilespmem:$0x1C400] =	vst v63  }
0x39: {  	s30 =	rddreg [dreg:$0x10];
	s23 =	simm.s32 $0x600  }
0x3a: {  	[tilespmem:s23], [sflag:$0x7] =	stream.linear.gather [hbm4b:s30+s0], $0x100, $0x38;
	[tilespmem:$0x1C400] =	vst v63  }
0x3b: {  	_ =	swait.ge [sflag:s24], $0x100  }
0x3c: {  	[sflag:s24] =	ssyncset.done $0x0  }
0x3d: {  	s6 =	simm.s32 $0x2;
	[sflag:s24] =	ssyncadd.s32 $0xFFFFFF00;
	s24 =	simm.s32 $0x800  }
0x3e: {  	[tilespmem:s24], [sflag:$0x9] =	stream.indirect.gather [spmem:s3], $0x40, s0, s29, $0xb8;
	[tilespmem:$0x1C400] =	vst v63  }
0x3f: {  	_ =	swait.ge [sflag:s6], $0x100  }
0x40: {  	[sflag:s6] =	ssyncset.done $0x0  }
0x41: {  	s26 =	simm.s32 $0x2800;
	[sflag:s6] =	ssyncadd.s32 $0xFFFFFF00  }
0x42: {  	[tilespmem:s26], [sflag:$0xA] =	stream.indirect.gather [spmem:s3], $0x40, s8, s29, $0xb8;
	[tilespmem:$0x1C400] =	vst v63  }
0x43: {  	s8 =	simm.s32 $0x3  }
0x44: {  	p0 =	por $0x1, $0x1;
	_ =	swait.ge [sflag:s8], $0x100  }
0x45: {  	p0 =	por p0, p0;
	[sflag:s8] =	ssyncset.done $0x0  }
0x46: {  	s4 =	simm.s32 @!p0 $0x10;
	s6 =	simm.s32 $0x4800;
	[sflag:s8] =	ssyncadd.s32 $0xFFFFFF00  }
0x47: {  	[tilespmem:s6], [sflag:$0xB] =	stream.indirect.gather [spmem:s3], $0x40, s14, s29, $0xb8;
	[tilespmem:$0x1C400] =	vst v63  }
0x48: {  	s30 =	sadd.s32 $0x0, s16;
	_ =	swait.ge @!p0 [sflag:s4], $0x2000  }
0x49: {  	s7 =	sadd.s32 $0xE0, s30;
	[sflag:s4] =	ssyncset.done @!p0 $0x0  }
0x4a: {  	s8 =	simm.s32 $0x700;
	s14 =	simm.s32 $0x4;
	[sflag:s4] =	ssyncadd.s32 @!p0 $0xFFFFE000  }
0x4b: {  	[tilespmem:s8], [sflag:$0x8] =	stream.linear.gather [hbm4b:s7+s0], $0x100, $0x38;
	[tilespmem:$0x1C400] =	vst v63  }
0x4c: {  	_ =	swait.ge [sflag:s14], $0x100  }
0x4d: {  	[sflag:s14] =	ssyncset.done $0x0  }
0x4e: {  	[sflag:s14] =	ssyncadd.s32 $0xFFFFFF00  }
0x4f: {  	[tilespmem:s9], [sflag:$0xC] =	stream.indirect.gather [spmem:s3], $0x40, s15, s29, $0xb8;
	[tilespmem:$0x1C400] =	vst v63  }
0x50: {  	_ =	swait.ge [sflag:s10], $0x2000  }
0x51: {  	[sflag:s10] =	ssyncset.done $0x0  }
0x52: {  	[sflag:s10] =	ssyncadd.s32 $0xFFFFE000  }
0x53: {  	[spmem:s1] =	stream.indirect.scatter.add.f32 [tilespmem:s24], [sflag:$0xD], $0x40, s29, s29, $0xb8;
	[tilespmem:$0x1C400] =	vst v63  }
0x54: {  	p0 =	por $0x0, $0x0;
	_ =	swait.ge [sflag:s11], $0x2000  }
0x55: {  	s4 =	sadd.s32 @!p0 $0x0, s16;
	[sflag:s11] =	ssyncset.done $0x0  }
0x56: {  	s14 =	simm.s32 @!p0 $0x0;
	s15 =	sadd.s32 @!p0 $0x100, s4;
	[sflag:s11] =	ssyncadd.s32 $0xFFFFE000  }
0x57: {  	[tilespmem:s14], [sflag:$0x1] =	stream.linear.gather @!p0 [hbm4b:s15+s14], $0x100, $0x38;
	[tilespmem:$0x1C400] =	vst v63  }
0x58: {  	_ =	swait.ge [sflag:s12], $0x100  }
0x59: {  	[sflag:s12] =	ssyncset.done $0x0  }
0x5a: {  	[sflag:s12] =	ssyncadd.s32 $0xFFFFFF00  }
0x5b: {  	[tilespmem:s24], [sflag:$0x9] =	stream.indirect.gather [spmem:s3], $0x40, s18, s29, $0xb8;
	[tilespmem:$0x1C400] =	vst v63  }
0x5c: {  	_ =	swait.ge [sflag:s13], $0x2000  }
0x5d: {  	[sflag:s13] =	ssyncset.done $0x0  }
0x5e: {  	s18 =	rddreg [dreg:$0x4];
	[sflag:s13] =	ssyncadd.s32 $0xFFFFE000  }
0x5f: {  	[spmem:s1] =	stream.indirect.scatter.add.f32 [tilespmem:s26], [sflag:$0xE], $0x40, s18, s29, $0xb8;
	[tilespmem:$0x1C400] =	vst v63  }
0x60: {  	_ =	swait.ge [sflag:s20], $0x2000  }
0x61: {  	[sflag:s20] =	ssyncset.done $0x0  }
0x62: {  	s15 =	sadd.s32 @!p0 $0x120, s4;
	s18 =	simm.s32 @!p0 $0x100;
	[sflag:s20] =	ssyncadd.s32 $0xFFFFE000  }
0x63: {  	[tilespmem:s18], [sflag:$0x2] =	stream.linear.gather @!p0 [hbm4b:s15+s14], $0x100, $0x38;
	[tilespmem:$0x1C400] =	vst v63  }
0x64: {  	_ =	swait.ge [sflag:s21], $0x100  }
0x65: {  	[sflag:s21] =	ssyncset.done $0x0  }
0x66: {  	[sflag:s21] =	ssyncadd.s32 $0xFFFFFF00  }
0x67: {  	[tilespmem:s26], [sflag:$0xA] =	stream.indirect.gather [spmem:s3], $0x40, s22, s29, $0xb8;
	[tilespmem:$0x1C400] =	vst v63  }
0x68: {  	_ =	swait.ge [sflag:s17], $0x2000  }
0x69: {  	[sflag:s17] =	ssyncset.done $0x0  }
0x6a: {  	s22 =	rddreg [dreg:$0x5];
	[sflag:s17] =	ssyncadd.s32 $0xFFFFE000  }
0x6b: {  	[spmem:s1] =	stream.indirect.scatter.add.f32 [tilespmem:s6], [sflag:$0xF], $0x40, s22, s29, $0xb8;
	[tilespmem:$0x1C400] =	vst v63  }
0x6c: {  	_ =	swait.ge [sflag:s19], $0x2000  }
0x6d: {  	[sflag:s19] =	ssyncset.done $0x0  }
0x6e: {  	s15 =	simm.s32 @!p0 $0x200;
	s22 =	sadd.s32 @!p0 $0x140, s4;
	[sflag:s19] =	ssyncadd.s32 $0xFFFFE000  }
0x6f: {  	[tilespmem:s15], [sflag:$0x3] =	stream.linear.gather @!p0 [hbm4b:s22+s14], $0x100, $0x38;
	[tilespmem:$0x1C400] =	vst v63  }
0x70: {  	_ =	swait.ge [sflag:s25], $0x100  }
0x71: {  	[sflag:s25] =	ssyncset.done $0x0  }
0x72: {  	[sflag:s25] =	ssyncadd.s32 $0xFFFFFF00  }
0x73: {  	[tilespmem:s6], [sflag:$0xB] =	stream.indirect.gather [spmem:s3], $0x40, s23, s29, $0xb8;
	[tilespmem:$0x1C400] =	vst v63  }
0x74: {  	_ =	swait.ge [sflag:s5], $0x2000  }
0x75: {  	[sflag:s5] =	ssyncset.done $0x0  }
0x76: {  	s23 =	rddreg [dreg:$0x6];
	[sflag:s5] =	ssyncadd.s32 $0xFFFFE000  }
0x77: {  	[spmem:s1] =	stream.indirect.scatter.add.f32 [tilespmem:s9], [sflag:$0x10], $0x40, s23, s29, $0xb8;
	[tilespmem:$0x1C400] =	vst v63  }
0x78: {  	_ =	swait.ge [sflag:s31], $0x2000  }
0x79: {  	[sflag:s31] =	ssyncset.done $0x0  }
0x7a: {  	s22 =	sadd.s32 @!p0 $0x160, s4;
	s23 =	simm.s32 @!p0 $0x300;
	[sflag:s31] =	ssyncadd.s32 $0xFFFFE000  }
0x7b: {  	[tilespmem:s23], [sflag:$0x4] =	stream.linear.gather @!p0 [hbm4b:s22+s14], $0x100, $0x38;
	[tilespmem:$0x1C400] =	vst v63  }
0x7c: {  	_ =	swait.ge [sflag:s2], $0x100  }
0x7d: {  	[sflag:s2] =	ssyncset.done $0x0  }
0x7e: {  	[sflag:s2] =	ssyncadd.s32 $0xFFFFFF00  }
0x7f: {  	[tilespmem:s9], [sflag:$0xC] =	stream.indirect.gather [spmem:s3], $0x40, s8, s29, $0xb8;
	[tilespmem:$0x1C400] =	vst v63  }
0x80: {  	_ =	swait.ge [sflag:s10], $0x2000  }
0x81: {  	[sflag:s10] =	ssyncset.done $0x0  }
0x82: {  	s26 =	rddreg [dreg:$0x7];
	[sflag:s10] =	ssyncadd.s32 $0xFFFFE000  }
0x83: {  	[spmem:s1] =	stream.indirect.scatter.add.f32 [tilespmem:s24], [sflag:$0xD], $0x40, s26, s29, $0xb8;
	[tilespmem:$0x1C400] =	vst v63  }
0x84: {  	_ =	swait.ge [sflag:s11], $0x2000  }
0x85: {  	[sflag:s11] =	ssyncset.done $0x0  }
0x86: {  	s22 =	simm.s32 @p0 $0xA;
	[sflag:s11] =	ssyncadd.s32 $0xFFFFE000  }
0x87: {  	_ =	swait.ge @p0 [sflag:s22], $0x2000  }
0x88: {  	s23 =	simm.s32 @p0 $0x2800;
	s24 =	simm.s32 @p0 $0xE;
	[sflag:s22] =	ssyncset.done @p0 $0x0  }
0x89: {  	s26 =	simm.s32 @p0 $0x580;
	[sflag:s22] =	ssyncadd.s32 @p0 $0xFFFFE000;
	s22 =	simm.s32 @p0 $0x80  }
0x8a: {  	[spmem:s1] =	stream.indirect.scatter.add.f32 @p0 [tilespmem:s23], [sflag:$0xE], $0x40, s26, s22, $0xb8;
	[tilespmem:$0x1C400] =	vst v63  }
0x8b: {  	_ =	swait.ge @p0 [sflag:s24], $0x2000  }
0x8c: {  	s22 =	sadd.s32 @!p0 $0x180, s4;
	[sflag:s24] =	ssyncset.done @p0 $0x0  }
0x8d: {  	s23 =	simm.s32 @!p0 $0x400;
	[sflag:s24] =	ssyncadd.s32 @p0 $0xFFFFE000;
	s24 =	simm.s32 @!p0 $0x1  }
0x8e: {  	[tilespmem:s23], [sflag:$0x5] =	stream.linear.gather @!p0 [hbm4b:s22+s14], $0x100, $0x38;
	[tilespmem:$0x1C400] =	vst v63  }
0x8f: {  	_ =	swait.ge @!p0 [sflag:s24], $0x100  }
0x90: {  	s22 =	simm.s32 @!p0 $0xA;
	[sflag:s24] =	ssyncset.done @!p0 $0x0  }
0x91: {  	s23 =	simm.s32 @!p0 $0x80;
	[sflag:s24] =	ssyncadd.s32 @!p0 $0xFFFFFF00;
	s24 =	simm.s32 @!p0 $0x800  }
0x92: {  	[tilespmem:s24], [sflag:$0x9] =	stream.indirect.gather @!p0 [spmem:s3], $0x40, s14, s23, $0xb8;
	[tilespmem:$0x1C400] =	vst v63  }
0x93: {  	_ =	swait.ge @!p0 [sflag:s22], $0x2000  }
0x94: {  	s26 =	simm.s32 @!p0 $0x2800;
	[sflag:s22] =	ssyncset.done @!p0 $0x0  }
0x95: {  	s24 =	simm.s32 @!p0 $0xE;
	[sflag:s22] =	ssyncadd.s32 @!p0 $0xFFFFE000;
	s22 =	simm.s32 @!p0 $0x580  }
0x96: {  	[spmem:s1] =	stream.indirect.scatter.add.f32 @!p0 [tilespmem:s26], [sflag:$0xE], $0x40, s22, s23, $0xb8;
	[tilespmem:$0x1C400] =	vst v63  }
0x97: {  	_ =	swait.ge @!p0 [sflag:s24], $0x2000  }
0x98: {  	[sflag:s24] =	ssyncset.done @!p0 $0x0  }
0x99: {  	s22 =	sadd.s32 @!p0 $0x1A0, s4;
	[sflag:s24] =	ssyncadd.s32 @!p0 $0xFFFFE000;
	s24 =	simm.s32 @!p0 $0x500  }
0x9a: {  	[tilespmem:s24], [sflag:$0x6] =	stream.linear.gather @!p0 [hbm4b:s22+s14], $0x100, $0x38;
	[tilespmem:$0x1C400] =	vst v63  }
0x9b: {  	s22 =	simm.s32 @!p0 $0x2  }
0x9c: {  	_ =	swait.ge @!p0 [sflag:s22], $0x100  }
0x9d: {  	[sflag:s22] =	ssyncset.done @!p0 $0x0  }
0x9e: {  	[sflag:s22] =	ssyncadd.s32 @!p0 $0xFFFFFF00  }
0x9f: {  	[tilespmem:s26], [sflag:$0xA] =	stream.indirect.gather @!p0 [spmem:s3], $0x40, s18, s23, $0xb8;
	[tilespmem:$0x1C400] =	vst v63  }
0xa0: {  	_ =	swait.ge [sflag:s17], $0x2000  }
0xa1: {  	[sflag:s17] =	ssyncset.done $0x0  }
0xa2: {  	s30 =	rddreg [dreg:$0x8];
	[sflag:s17] =	ssyncadd.s32 $0xFFFFE000  }
0xa3: {  	[spmem:s1] =	stream.indirect.scatter.add.f32 [tilespmem:s6], [sflag:$0xF], $0x40, s30, s29, $0xb8;
	[tilespmem:$0x1C400] =	vst v63  }
0xa4: {  	_ =	swait.ge [sflag:s19], $0x2000  }
0xa5: {  	[sflag:s19] =	ssyncset.done $0x0  }
0xa6: {  	s4 =	sadd.s32 @!p0 $0x1C0, s4;
	s18 =	simm.s32 @!p0 $0x600;
	[sflag:s19] =	ssyncadd.s32 $0xFFFFE000  }
0xa7: {  	[tilespmem:s18], [sflag:$0x7] =	stream.linear.gather @!p0 [hbm4b:s4+s14], $0x100, $0x38;
	[tilespmem:$0x1C400] =	vst v63  }
0xa8: {  	s4 =	simm.s32 @!p0 $0x3  }
0xa9: {  	_ =	swait.ge @!p0 [sflag:s4], $0x100  }
0xaa: {  	[sflag:s4] =	ssyncset.done @!p0 $0x0  }
0xab: {  	[sflag:s4] =	ssyncadd.s32 @!p0 $0xFFFFFF00;
	s4 =	simm.s32 @!p0 $0x4800  }
0xac: {  	[tilespmem:s4], [sflag:$0xB] =	stream.indirect.gather @!p0 [spmem:s3], $0x40, s15, s23, $0xb8;
	[tilespmem:$0x1C400] =	vst v63  }
0xad: {  	s28 =	simm.s32 $0x100;
	_ =	swait.ge [sflag:s5], $0x2000  }
0xae: {  	p6 =	por $0x0, $0x0;
	s15 =	simm.s32 $0x200;
	[sflag:s5] =	ssyncset.done $0x0  }
0xaf: {  	p0 =	por p6, p6;
	s4 =	rddreg [dreg:$0x9];
	[sflag:s5] =	ssyncadd.s32 $0xFFFFE000  }
.LBB2_2:
0xb0: {  	[spmem:s1] =	stream.indirect.scatter.add.f32 [tilespmem:s9], [sflag:$0x10], $0x40, s4, s29, $0xb8;
	[tilespmem:$0x1C400] =	vst v63  }
0xb1: {  	s14 =	simm.s32 @!p0 $0x10  }
0xb2: {  	s18 =	sadd.s32 s28, s16;
	_ =	swait.ge @!p0 [sflag:s14], $0x2000  }
0xb3: {  	s0 =	simm.s32 $0x0;
	s8 =	simm.s32 $0x700;
	[sflag:s14] =	ssyncset.done @!p0 $0x0  }
0xb4: {  	s7 =	sadd.s32 $0xE0, s18;
	[sflag:s14] =	ssyncadd.s32 @!p0 $0xFFFFE000;
	s14 =	simm.s32 $0x4  }
0xb5: {  	[tilespmem:s8], [sflag:$0x8] =	stream.linear.gather [hbm4b:s7+s0], $0x100, $0x38;
	[tilespmem:$0x1C400] =	vst v63  }
0xb6: {  	_ =	swait.ge [sflag:s14], $0x100  }
0xb7: {  	[sflag:s14] =	ssyncset.done $0x0  }
0xb8: {  	s18 =	simm.s32 $0x300;
	[sflag:s14] =	ssyncadd.s32 $0xFFFFFF00  }
0xb9: {  	[tilespmem:s9], [sflag:$0xC] =	stream.indirect.gather [spmem:s3], $0x40, s18, s29, $0xb8;
	[tilespmem:$0x1C400] =	vst v63  }
0xba: {  	_ =	swait.ge [sflag:s10], $0x2000  }
0xbb: {  	s6 =	smov.u32 s15;
	[sflag:s10] =	ssyncset.done $0x0  }
0xbc: {  	s30 =	simm.s32 $0x800;
	p2 =	seq.s32 s6, $0x0;
	[sflag:s10] =	ssyncadd.s32 $0xFFFFE000  }
0xbd: {  	[spmem:s1] =	stream.indirect.scatter.add.f32 [tilespmem:s30], [sflag:$0xD], $0x40, s29, s29, $0xb8;
	[tilespmem:$0x1C400] =	vst v63  }
0xbe: {  	p0 =	por p2, p2;
	p2 =	seq.s32 s28, $0x1300;
	_ =	swait.ge [sflag:s11], $0x2000  }
0xbf: {  	s14 =	sadd.s32 @!p2 s28, s16;
	[sflag:s11] =	ssyncset.done $0x0  }
0xc0: {  	s4 =	sadd.s32 @!p2 $0x100, s14;
	s18 =	simm.s32 @!p2 $0x0;
	[sflag:s11] =	ssyncadd.s32 $0xFFFFE000  }
0xc1: {  	[tilespmem:s18], [sflag:$0x1] =	stream.linear.gather @!p2 [hbm4b:s4+s18], $0x100, $0x38;
	[tilespmem:$0x1C400] =	vst v63  }
0xc2: {  	_ =	swait.ge [sflag:s12], $0x100  }
0xc3: {  	[sflag:s12] =	ssyncset.done $0x0  }
0xc4: {  	s7 =	simm.s32 $0x400;
	[sflag:s12] =	ssyncadd.s32 $0xFFFFFF00  }
0xc5: {  	[tilespmem:s30], [sflag:$0x9] =	stream.indirect.gather [spmem:s3], $0x40, s7, s29, $0xb8;
	[tilespmem:$0x1C400] =	vst v63  }
0xc6: {  	_ =	swait.ge [sflag:s13], $0x2000  }
0xc7: {  	s28 =	smov.u32 s6;
	[sflag:s13] =	ssyncset.done $0x0  }
0xc8: {  	s6 =	simm.s32 $0x2800;
	s23 =	rddreg [dreg:$0x4];
	[sflag:s13] =	ssyncadd.s32 $0xFFFFE000  }
0xc9: {  	[spmem:s1] =	stream.indirect.scatter.add.f32 [tilespmem:s6], [sflag:$0xE], $0x40, s23, s29, $0xb8;
	[tilespmem:$0x1C400] =	vst v63  }
0xca: {  	_ =	swait.ge [sflag:s20], $0x2000  }
0xcb: {  	[sflag:s20] =	ssyncset.done $0x0  }
0xcc: {  	s22 =	sadd.s32 @!p2 $0x120, s14;
	s23 =	simm.s32 @!p2 $0x100;
	[sflag:s20] =	ssyncadd.s32 $0xFFFFE000  }
0xcd: {  	[tilespmem:s23], [sflag:$0x2] =	stream.linear.gather @!p2 [hbm4b:s22+s18], $0x100, $0x38;
	[tilespmem:$0x1C400] =	vst v63  }
0xce: {  	_ =	swait.ge [sflag:s21], $0x100  }
0xcf: {  	[sflag:s21] =	ssyncset.done $0x0  }
0xd0: {  	s22 =	simm.s32 $0x500;
	[sflag:s21] =	ssyncadd.s32 $0xFFFFFF00  }
0xd1: {  	[tilespmem:s6], [sflag:$0xA] =	stream.indirect.gather [spmem:s3], $0x40, s22, s29, $0xb8;
	[tilespmem:$0x1C400] =	vst v63  }
0xd2: {  	_ =	swait.ge [sflag:s17], $0x2000  }
0xd3: {  	[sflag:s17] =	ssyncset.done $0x0  }
0xd4: {  	s6 =	simm.s32 $0x4800;
	s7 =	rddreg [dreg:$0x5];
	[sflag:s17] =	ssyncadd.s32 $0xFFFFE000  }
0xd5: {  	[spmem:s1] =	stream.indirect.scatter.add.f32 [tilespmem:s6], [sflag:$0xF], $0x40, s7, s29, $0xb8;
	[tilespmem:$0x1C400] =	vst v63  }
0xd6: {  	_ =	swait.ge [sflag:s19], $0x2000  }
0xd7: {  	[sflag:s19] =	ssyncset.done $0x0  }
0xd8: {  	s0 =	sadd.s32 @!p2 $0x140, s14;
	s22 =	simm.s32 @!p2 $0x200;
	[sflag:s19] =	ssyncadd.s32 $0xFFFFE000  }
0xd9: {  	[tilespmem:s22], [sflag:$0x3] =	stream.linear.gather @!p2 [hbm4b:s0+s18], $0x100, $0x38;
	[tilespmem:$0x1C400] =	vst v63  }
0xda: {  	_ =	swait.ge [sflag:s25], $0x100  }
0xdb: {  	[sflag:s25] =	ssyncset.done $0x0  }
0xdc: {  	s7 =	simm.s32 $0x600;
	[sflag:s25] =	ssyncadd.s32 $0xFFFFFF00  }
0xdd: {  	[tilespmem:s6], [sflag:$0xB] =	stream.indirect.gather [spmem:s3], $0x40, s7, s29, $0xb8;
	[tilespmem:$0x1C400] =	vst v63  }
0xde: {  	_ =	swait.ge [sflag:s5], $0x2000  }
0xdf: {  	[sflag:s5] =	ssyncset.done $0x0  }
0xe0: {  	s7 =	rddreg [dreg:$0x6];
	[sflag:s5] =	ssyncadd.s32 $0xFFFFE000  }
0xe1: {  	[spmem:s1] =	stream.indirect.scatter.add.f32 [tilespmem:s9], [sflag:$0x10], $0x40, s7, s29, $0xb8;
	[tilespmem:$0x1C400] =	vst v63  }
0xe2: {  	_ =	swait.ge [sflag:s31], $0x2000  }
0xe3: {  	[sflag:s31] =	ssyncset.done $0x0  }
0xe4: {  	s26 =	sadd.s32 @!p2 $0x160, s14;
	s0 =	simm.s32 @!p2 $0x300;
	[sflag:s31] =	ssyncadd.s32 $0xFFFFE000  }
0xe5: {  	[tilespmem:s0], [sflag:$0x4] =	stream.linear.gather @!p2 [hbm4b:s26+s18], $0x100, $0x38;
	[tilespmem:$0x1C400] =	vst v63  }
0xe6: {  	_ =	swait.ge [sflag:s2], $0x100  }
0xe7: {  	[sflag:s2] =	ssyncset.done $0x0  }
0xe8: {  	[sflag:s2] =	ssyncadd.s32 $0xFFFFFF00  }
0xe9: {  	[tilespmem:s9], [sflag:$0xC] =	stream.indirect.gather [spmem:s3], $0x40, s8, s29, $0xb8;
	[tilespmem:$0x1C400] =	vst v63  }
0xea: {  	_ =	swait.ge [sflag:s10], $0x2000  }
0xeb: {  	[sflag:s10] =	ssyncset.done $0x0  }
0xec: {  	s26 =	rddreg [dreg:$0x7];
	[sflag:s10] =	ssyncadd.s32 $0xFFFFE000  }
0xed: {  	[spmem:s1] =	stream.indirect.scatter.add.f32 [tilespmem:s30], [sflag:$0xD], $0x40, s26, s29, $0xb8;
	[tilespmem:$0x1C400] =	vst v63  }
0xee: {  	_ =	swait.ge [sflag:s11], $0x2000  }
0xef: {  	[sflag:s11] =	ssyncset.done $0x0  }
0xf0: {  	s0 =	simm.s32 @p2 $0xA;
	[sflag:s11] =	ssyncadd.s32 $0xFFFFE000  }
0xf1: {  	_ =	swait.ge @p2 [sflag:s0], $0x2000  }
0xf2: {  	s7 =	simm.s32 @p2 $0xE;
	s26 =	simm.s32 @p2 $0x2800;
	[sflag:s0] =	ssyncset.done @p2 $0x0  }
0xf3: {  	s30 =	simm.s32 @p2 $0x580;
	[sflag:s0] =	ssyncadd.s32 @p2 $0xFFFFE000;
	s0 =	simm.s32 @p2 $0x80  }
0xf4: {  	[spmem:s1] =	stream.indirect.scatter.add.f32 @p2 [tilespmem:s26], [sflag:$0xE], $0x40, s30, s0, $0xb8;
	[tilespmem:$0x1C400] =	vst v63  }
0xf5: {  	_ =	swait.ge @p2 [sflag:s7], $0x2000  }
0xf6: {  	s24 =	sadd.s32 @!p2 $0x180, s14;
	[sflag:s7] =	ssyncset.done @p2 $0x0  }
0xf7: {  	s0 =	simm.s32 @!p2 $0x400;
	[sflag:s7] =	ssyncadd.s32 @p2 $0xFFFFE000;
	s7 =	simm.s32 @!p2 $0x1  }
0xf8: {  	[tilespmem:s0], [sflag:$0x5] =	stream.linear.gather @!p2 [hbm4b:s24+s18], $0x100, $0x38;
	[tilespmem:$0x1C400] =	vst v63  }
0xf9: {  	_ =	swait.ge @!p2 [sflag:s7], $0x100  }
0xfa: {  	s0 =	simm.s32 @!p2 $0xA;
	[sflag:s7] =	ssyncset.done @!p2 $0x0  }
0xfb: {  	s24 =	simm.s32 @!p2 $0x800;
	[sflag:s7] =	ssyncadd.s32 @!p2 $0xFFFFFF00;
	s7 =	simm.s32 @!p2 $0x80  }
0xfc: {  	[tilespmem:s24], [sflag:$0x9] =	stream.indirect.gather @!p2 [spmem:s3], $0x40, s18, s7, $0xb8;
	[tilespmem:$0x1C400] =	vst v63  }
0xfd: {  	_ =	swait.ge @!p2 [sflag:s0], $0x2000  }
0xfe: {  	s26 =	simm.s32 @!p2 $0x2800;
	[sflag:s0] =	ssyncset.done @!p2 $0x0  }
0xff: {  	s24 =	simm.s32 @!p2 $0xE;
	[sflag:s0] =	ssyncadd.s32 @!p2 $0xFFFFE000;
	s0 =	simm.s32 @!p2 $0x580  }
0x100: {  	[spmem:s1] =	stream.indirect.scatter.add.f32 @!p2 [tilespmem:s26], [sflag:$0xE], $0x40, s0, s7, $0xb8;
	[tilespmem:$0x1C400] =	vst v63  }
0x101: {  	_ =	swait.ge @!p2 [sflag:s24], $0x2000  }
0x102: {  	s4 =	sadd.s32 @!p2 $0x1A0, s14;
	[sflag:s24] =	ssyncset.done @!p2 $0x0  }
0x103: {  	s0 =	simm.s32 @!p2 $0x500;
	[sflag:s24] =	ssyncadd.s32 @!p2 $0xFFFFE000;
	s24 =	simm.s32 @!p2 $0x2  }
0x104: {  	[tilespmem:s0], [sflag:$0x6] =	stream.linear.gather @!p2 [hbm4b:s4+s18], $0x100, $0x38;
	[tilespmem:$0x1C400] =	vst v63  }
0x105: {  	_ =	swait.ge @!p2 [sflag:s24], $0x100  }
0x106: {  	[sflag:s24] =	ssyncset.done @!p2 $0x0  }
0x107: {  	[sflag:s24] =	ssyncadd.s32 @!p2 $0xFFFFFF00  }
0x108: {  	[tilespmem:s26], [sflag:$0xA] =	stream.indirect.gather @!p2 [spmem:s3], $0x40, s23, s7, $0xb8;
	[tilespmem:$0x1C400] =	vst v63  }
0x109: {  	_ =	swait.ge [sflag:s17], $0x2000  }
0x10a: {  	[sflag:s17] =	ssyncset.done $0x0  }
0x10b: {  	s30 =	rddreg [dreg:$0x8];
	[sflag:s17] =	ssyncadd.s32 $0xFFFFE000  }
0x10c: {  	[spmem:s1] =	stream.indirect.scatter.add.f32 [tilespmem:s6], [sflag:$0xF], $0x40, s30, s29, $0xb8;
	[tilespmem:$0x1C400] =	vst v63  }
0x10d: {  	_ =	swait.ge [sflag:s19], $0x2000  }
0x10e: {  	s14 =	sadd.s32 @!p2 $0x1C0, s14;
	[sflag:s19] =	ssyncset.done $0x0  }
0x10f: {  	s0 =	simm.s32 @!p2 $0x600;
	s4 =	simm.s32 @!p2 $0x3;
	[sflag:s19] =	ssyncadd.s32 $0xFFFFE000  }
0x110: {  	[tilespmem:s0], [sflag:$0x7] =	stream.linear.gather @!p2 [hbm4b:s14+s18], $0x100, $0x38;
	[tilespmem:$0x1C400] =	vst v63  }
0x111: {  	s15 =	sadd.s32 $0x100, s15;
	_ =	swait.ge @!p2 [sflag:s4], $0x100  }
0x112: {  	p1 =	sne.s32 s15, $0x1400;
	[sflag:s4] =	ssyncset.done @!p2 $0x0  }
.Ltmp0:
0x113: {  	s0 =	simm.s32 @!p2 $0x4800;
	[sflag:s4] =	ssyncadd.s32 @!p2 $0xFFFFFF00;
	(pc) =	sbr.rel @p1 .LBB2_2-.Ltmp0, $4  }
0x114: {  	[tilespmem:s0], [sflag:$0xB] =	stream.indirect.gather @!p2 [spmem:s3], $0x40, s22, s7, $0xb8;
	[tilespmem:$0x1C400] =	vst v63  }
0x115: {  	_ =	swait.ge [sflag:s5], $0x2000  }
0x116: {  	[sflag:s5] =	ssyncset.done $0x0  }
0x117: {  	s4 =	rddreg [dreg:$0x9];
	[sflag:s5] =	ssyncadd.s32 $0xFFFFE000  }
0x118: {  	[spmem:s1] =	stream.indirect.scatter.add.f32 [tilespmem:s9], [sflag:$0x10], $0x40, s4, s29, $0xb8;
	[tilespmem:$0x1C400] =	vst v63  }
0x119: {  	s0 =	simm.s32 @!p0 $0x10  }
0x11a: {  	s30 =	sadd.s32 s28, s16;
	_ =	swait.ge @!p0 [sflag:s0], $0x2000  }
0x11b: {  	s7 =	simm.s32 $0x0;
	s8 =	simm.s32 $0x700;
	[sflag:s0] =	ssyncset.done @!p0 $0x0  }
0x11c: {  	s14 =	simm.s32 $0x4;
	s6 =	sadd.s32 $0xE0, s30;
	[sflag:s0] =	ssyncadd.s32 @!p0 $0xFFFFE000  }
0x11d: {  	[tilespmem:s8], [sflag:$0x8] =	stream.linear.gather [hbm4b:s6+s7], $0x100, $0x38;
	[tilespmem:$0x1C400] =	vst v63  }
0x11e: {  	_ =	swait.ge [sflag:s14], $0x100  }
0x11f: {  	[sflag:s14] =	ssyncset.done $0x0  }
0x120: {  	s15 =	simm.s32 $0x300;
	[sflag:s14] =	ssyncadd.s32 $0xFFFFFF00  }
0x121: {  	[tilespmem:s9], [sflag:$0xC] =	stream.indirect.gather [spmem:s3], $0x40, s15, s29, $0xb8;
	[tilespmem:$0x1C400] =	vst v63  }
0x122: {  	_ =	swait.ge [sflag:s10], $0x2000  }
0x123: {  	[sflag:s10] =	ssyncset.done $0x0  }
0x124: {  	s22 =	simm.s32 $0x800;
	[sflag:s10] =	ssyncadd.s32 $0xFFFFE000  }
0x125: {  	[spmem:s1] =	stream.indirect.scatter.add.f32 [tilespmem:s22], [sflag:$0xD], $0x40, s29, s29, $0xb8;
	[tilespmem:$0x1C400] =	vst v63  }
0x126: {  	p0 =	seq.s32 s28, $0x1300;
	_ =	swait.ge [sflag:s11], $0x2000  }
0x127: {  	s4 =	sadd.s32 @!p0 s28, s16;
	[sflag:s11] =	ssyncset.done $0x0  }
0x128: {  	s0 =	sadd.s32 @!p0 $0x100, s4;
	s14 =	simm.s32 @!p0 $0x0;
	[sflag:s11] =	ssyncadd.s32 $0xFFFFE000  }
0x129: {  	[tilespmem:s14], [sflag:$0x1] =	stream.linear.gather @!p0 [hbm4b:s0+s14], $0x100, $0x38;
	[tilespmem:$0x1C400] =	vst v63  }
0x12a: {  	_ =	swait.ge [sflag:s12], $0x100  }
0x12b: {  	[sflag:s12] =	ssyncset.done $0x0  }
0x12c: {  	s18 =	simm.s32 $0x400;
	[sflag:s12] =	ssyncadd.s32 $0xFFFFFF00  }
0x12d: {  	[tilespmem:s22], [sflag:$0x9] =	stream.indirect.gather [spmem:s3], $0x40, s18, s29, $0xb8;
	[tilespmem:$0x1C400] =	vst v63  }
0x12e: {  	_ =	swait.ge [sflag:s13], $0x2000  }
0x12f: {  	[sflag:s13] =	ssyncset.done $0x0  }
0x130: {  	s6 =	simm.s32 $0x2800;
	s23 =	rddreg [dreg:$0x4];
	[sflag:s13] =	ssyncadd.s32 $0xFFFFE000  }
0x131: {  	[spmem:s1] =	stream.indirect.scatter.add.f32 [tilespmem:s6], [sflag:$0xE], $0x40, s23, s29, $0xb8;
	[tilespmem:$0x1C400] =	vst v63  }
0x132: {  	_ =	swait.ge [sflag:s20], $0x2000  }
0x133: {  	[sflag:s20] =	ssyncset.done $0x0  }
0x134: {  	s0 =	sadd.s32 @!p0 $0x120, s4;
	s18 =	simm.s32 @!p0 $0x100;
	[sflag:s20] =	ssyncadd.s32 $0xFFFFE000  }
0x135: {  	[tilespmem:s18], [sflag:$0x2] =	stream.linear.gather @!p0 [hbm4b:s0+s14], $0x100, $0x38;
	[tilespmem:$0x1C400] =	vst v63  }
0x136: {  	_ =	swait.ge [sflag:s21], $0x100  }
0x137: {  	[sflag:s21] =	ssyncset.done $0x0  }
0x138: {  	s24 =	simm.s32 $0x500;
	[sflag:s21] =	ssyncadd.s32 $0xFFFFFF00  }
0x139: {  	[tilespmem:s6], [sflag:$0xA] =	stream.indirect.gather [spmem:s3], $0x40, s24, s29, $0xb8;
	[tilespmem:$0x1C400] =	vst v63  }
0x13a: {  	_ =	swait.ge [sflag:s17], $0x2000  }
0x13b: {  	[sflag:s17] =	ssyncset.done $0x0  }
0x13c: {  	s28 =	simm.s32 $0x4800;
	s26 =	rddreg [dreg:$0x5];
	[sflag:s17] =	ssyncadd.s32 $0xFFFFE000  }
0x13d: {  	[spmem:s1] =	stream.indirect.scatter.add.f32 [tilespmem:s28], [sflag:$0xF], $0x40, s26, s29, $0xb8;
	[tilespmem:$0x1C400] =	vst v63  }
0x13e: {  	_ =	swait.ge [sflag:s19], $0x2000  }
0x13f: {  	[sflag:s19] =	ssyncset.done $0x0  }
0x140: {  	s15 =	simm.s32 @!p0 $0x200;
	s0 =	sadd.s32 @!p0 $0x140, s4;
	[sflag:s19] =	ssyncadd.s32 $0xFFFFE000  }
0x141: {  	[tilespmem:s15], [sflag:$0x3] =	stream.linear.gather @!p0 [hbm4b:s0+s14], $0x100, $0x38;
	[tilespmem:$0x1C400] =	vst v63  }
0x142: {  	_ =	swait.ge [sflag:s25], $0x100  }
0x143: {  	[sflag:s25] =	ssyncset.done $0x0  }
0x144: {  	s30 =	simm.s32 $0x600;
	[sflag:s25] =	ssyncadd.s32 $0xFFFFFF00  }
0x145: {  	[tilespmem:s28], [sflag:$0xB] =	stream.indirect.gather [spmem:s3], $0x40, s30, s29, $0xb8;
	[tilespmem:$0x1C400] =	vst v63  }
0x146: {  	_ =	swait.ge [sflag:s5], $0x2000  }
0x147: {  	[sflag:s5] =	ssyncset.done $0x0  }
0x148: {  	s7 =	rddreg [dreg:$0x6];
	[sflag:s5] =	ssyncadd.s32 $0xFFFFE000  }
0x149: {  	[spmem:s1] =	stream.indirect.scatter.add.f32 [tilespmem:s9], [sflag:$0x10], $0x40, s7, s29, $0xb8;
	[tilespmem:$0x1C400] =	vst v63  }
0x14a: {  	_ =	swait.ge [sflag:s31], $0x2000  }
0x14b: {  	[sflag:s31] =	ssyncset.done $0x0  }
0x14c: {  	s0 =	sadd.s32 @!p0 $0x160, s4;
	s7 =	simm.s32 @!p0 $0x300;
	[sflag:s31] =	ssyncadd.s32 $0xFFFFE000  }
0x14d: {  	[tilespmem:s7], [sflag:$0x4] =	stream.linear.gather @!p0 [hbm4b:s0+s14], $0x100, $0x38;
	[tilespmem:$0x1C400] =	vst v63  }
0x14e: {  	_ =	swait.ge [sflag:s2], $0x100  }
0x14f: {  	[sflag:s2] =	ssyncset.done $0x0  }
0x150: {  	[sflag:s2] =	ssyncadd.s32 $0xFFFFFF00  }
0x151: {  	[tilespmem:s9], [sflag:$0xC] =	stream.indirect.gather [spmem:s3], $0x40, s8, s29, $0xb8;
	[tilespmem:$0x1C400] =	vst v63  }
0x152: {  	_ =	swait.ge [sflag:s10], $0x2000  }
0x153: {  	[sflag:s10] =	ssyncset.done $0x0  }
0x154: {  	s8 =	rddreg [dreg:$0x7];
	[sflag:s10] =	ssyncadd.s32 $0xFFFFE000  }
0x155: {  	[spmem:s1] =	stream.indirect.scatter.add.f32 [tilespmem:s22], [sflag:$0xD], $0x40, s8, s29, $0xb8;
	[tilespmem:$0x1C400] =	vst v63  }
0x156: {  	_ =	swait.ge [sflag:s11], $0x2000  }
0x157: {  	[sflag:s11] =	ssyncset.done $0x0  }
0x158: {  	s0 =	simm.s32 @p0 $0xA;
	[sflag:s11] =	ssyncadd.s32 $0xFFFFE000  }
0x159: {  	_ =	swait.ge @p0 [sflag:s0], $0x2000  }
0x15a: {  	s23 =	simm.s32 @p0 $0x580;
	s7 =	simm.s32 @p0 $0x2800;
	[sflag:s0] =	ssyncset.done @p0 $0x0  }
0x15b: {  	s22 =	simm.s32 @p0 $0xE;
	[sflag:s0] =	ssyncadd.s32 @p0 $0xFFFFE000;
	s0 =	simm.s32 @p0 $0x80  }
0x15c: {  	[spmem:s1] =	stream.indirect.scatter.add.f32 @p0 [tilespmem:s7], [sflag:$0xE], $0x40, s23, s0, $0xb8;
	[tilespmem:$0x1C400] =	vst v63  }
0x15d: {  	_ =	swait.ge @p0 [sflag:s22], $0x2000  }
0x15e: {  	s0 =	sadd.s32 @!p0 $0x180, s4;
	[sflag:s22] =	ssyncset.done @p0 $0x0  }
0x15f: {  	s7 =	simm.s32 @!p0 $0x400;
	[sflag:s22] =	ssyncadd.s32 @p0 $0xFFFFE000;
	s22 =	simm.s32 @!p0 $0x1  }
0x160: {  	[tilespmem:s7], [sflag:$0x5] =	stream.linear.gather @!p0 [hbm4b:s0+s14], $0x100, $0x38;
	[tilespmem:$0x1C400] =	vst v63  }
0x161: {  	_ =	swait.ge @!p0 [sflag:s22], $0x100  }
0x162: {  	s0 =	simm.s32 @!p0 $0xA;
	[sflag:s22] =	ssyncset.done @!p0 $0x0  }
0x163: {  	s7 =	simm.s32 @!p0 $0x80;
	[sflag:s22] =	ssyncadd.s32 @!p0 $0xFFFFFF00;
	s22 =	simm.s32 @!p0 $0x800  }
0x164: {  	[tilespmem:s22], [sflag:$0x9] =	stream.indirect.gather @!p0 [spmem:s3], $0x40, s14, s7, $0xb8;
	[tilespmem:$0x1C400] =	vst v63  }
0x165: {  	_ =	swait.ge @!p0 [sflag:s0], $0x2000  }
0x166: {  	s23 =	simm.s32 @!p0 $0x2800;
	[sflag:s0] =	ssyncset.done @!p0 $0x0  }
0x167: {  	s22 =	simm.s32 @!p0 $0xE;
	[sflag:s0] =	ssyncadd.s32 @!p0 $0xFFFFE000;
	s0 =	simm.s32 @!p0 $0x580  }
0x168: {  	[spmem:s1] =	stream.indirect.scatter.add.f32 @!p0 [tilespmem:s23], [sflag:$0xE], $0x40, s0, s7, $0xb8;
	[tilespmem:$0x1C400] =	vst v63  }
0x169: {  	_ =	swait.ge @!p0 [sflag:s22], $0x2000  }
0x16a: {  	[sflag:s22] =	ssyncset.done @!p0 $0x0  }
0x16b: {  	s0 =	sadd.s32 @!p0 $0x1A0, s4;
	[sflag:s22] =	ssyncadd.s32 @!p0 $0xFFFFE000;
	s22 =	simm.s32 @!p0 $0x500  }
0x16c: {  	[tilespmem:s22], [sflag:$0x6] =	stream.linear.gather @!p0 [hbm4b:s0+s14], $0x100, $0x38;
	[tilespmem:$0x1C400] =	vst v63  }
0x16d: {  	s0 =	simm.s32 @!p0 $0x2  }
0x16e: {  	_ =	swait.ge @!p0 [sflag:s0], $0x100  }
0x16f: {  	[sflag:s0] =	ssyncset.done @!p0 $0x0  }
0x170: {  	[sflag:s0] =	ssyncadd.s32 @!p0 $0xFFFFFF00  }
0x171: {  	[tilespmem:s23], [sflag:$0xA] =	stream.indirect.gather @!p0 [spmem:s3], $0x40, s18, s7, $0xb8;
	[tilespmem:$0x1C400] =	vst v63  }
0x172: {  	_ =	swait.ge [sflag:s17], $0x2000  }
0x173: {  	[sflag:s17] =	ssyncset.done $0x0  }
0x174: {  	s18 =	rddreg [dreg:$0x8];
	[sflag:s17] =	ssyncadd.s32 $0xFFFFE000  }
0x175: {  	[spmem:s1] =	stream.indirect.scatter.add.f32 [tilespmem:s28], [sflag:$0xF], $0x40, s18, s29, $0xb8;
	[tilespmem:$0x1C400] =	vst v63  }
0x176: {  	_ =	swait.ge [sflag:s19], $0x2000  }
0x177: {  	[sflag:s19] =	ssyncset.done $0x0  }
0x178: {  	s0 =	sadd.s32 @!p0 $0x1C0, s4;
	s4 =	simm.s32 @!p0 $0x600;
	[sflag:s19] =	ssyncadd.s32 $0xFFFFE000  }
0x179: {  	[tilespmem:s4], [sflag:$0x7] =	stream.linear.gather @!p0 [hbm4b:s0+s14], $0x100, $0x38;
	[tilespmem:$0x1C400] =	vst v63  }
0x17a: {  	s0 =	simm.s32 @!p0 $0x3  }
0x17b: {  	_ =	swait.ge @!p0 [sflag:s0], $0x100  }
0x17c: {  	[sflag:s0] =	ssyncset.done @!p0 $0x0  }
0x17d: {  	[sflag:s0] =	ssyncadd.s32 @!p0 $0xFFFFFF00;
	s0 =	simm.s32 @!p0 $0x4800  }
0x17e: {  	[tilespmem:s0], [sflag:$0xB] =	stream.indirect.gather @!p0 [spmem:s3], $0x40, s15, s7, $0xb8;
	[tilespmem:$0x1C400] =	vst v63  }
0x17f: {  	_ =	swait.ge [sflag:s5], $0x2000  }
0x180: {  	[sflag:s5] =	ssyncset.done $0x0  }
0x181: {  	s22 =	rddreg [dreg:$0x9];
	[sflag:s5] =	ssyncadd.s32 $0xFFFFE000  }
0x182: {  	[spmem:s1] =	stream.indirect.scatter.add.f32 [tilespmem:s9], [sflag:$0x10], $0x40, s22, s29, $0xb8;
	[tilespmem:$0x1C400] =	vst v63  }
0x183: {  	_ =	swait.ge [sflag:s31], $0x2000  }
0x184: {  	[sflag:s31] =	ssyncset.done $0x0  }
0x185: {  	[sflag:s31] =	ssyncadd.s32 $0xFFFFE000  }
0x186: {  	[bflag:$0x0] =	sbarrier.arrive $0xFFFF  }
0x187: {  	s23 =	rddreg [dreg:$0x11]  }
0x188: {  	s7 =	rddreg [dreg:$0x14]  }
0x189: {  	s24 =	simm.s32 $0x1;
	s14 =	simm.s32 $0x11;
	s26 =	rddreg [dreg:$0x17]  }
0x18a: {  	[hbm:s23@s31], [sflag:s7] =	dma.strided [spmem:s26@s2], $0x13C0, s24, $0x8   }
0x18b: {  	_ =	swait.ge [sflag:s14], $0x13C0  }
0x18c: {  	s28 =	rddreg [dreg:$0x18]  }
0x18d: {  	s30 =	rddreg [dreg:$0x12];
	s4 =	sadd.s32 $0x1, s28  }
0x18e: {  	p0 =	sne.s32 s4, s30  }
.Ltmp1:
0x18f: {  	_ = 	snop;
	(pc) =	sbr.rel @p0 .LBB2_1-.Ltmp1, $3  }
0x190: {  	_ =	sdelay $0x1  }
0x191: {  	[sflag:s14] =	ssyncset.done $0x0  }
0x192: {  	[sflag:s14] =	ssyncadd.s32 $0xFFFFEC40  }
0x193: {  	_ =	sfence.sel $0x180000  }
0x194: {  	[bflag:$0x0] =	sbarrier.arrive $0xFFFF  }
0x195: {  	_ =	strace $0x9000004A  }
0x196: {  	s0 =	stileid.u32;
	[bflag:$0x2] =	sbarrier.arrive $0xFFFF  }
0x197: {  	p0 =	sne.s32 s0, $0x0;
	s0 =	rddreg [dreg:$0x3]  }
0x198: {  	s0 =	sadd.s32 @!p0 $0x100000, s0  }
0x199: {  	[sflag:s0] =	ssyncadd.tile.s32 @!p0 $0x1;
	_ =	shalt  }
.Lfunc_end2:
_tile_overlayer_lowered:
.L_overlay_start_2:
0x19a: {  	(tag) =	ssettag $0x2  }
0x19b: {  	s0 =	rddreg [dreg:$0x0];
	s2 =	stileid.u32  }
0x19c: {  	s1 =	rddreg [dreg:$0x1];
	p0 =	sne.s32 s2, $0x0  }
0x19d: {  	s3 =	rddreg [dreg:$0x2];
	[bflag:$0x3] =	sbarrier.arrive $0xFFFF;
	s2 =	simm.s32 @!p0 $0x1C11  }
0x19e: {  	[timem:s3], [sflag:s2] =	dma.local @!p0 [hbm:s0], s1  }
0x19f: {  	s0 =	simm.s32 @!p0 $0x11  }
0x1a0: {  	_ =	swait.ge @!p0 [sflag:s0], s1  }
0x1a1: {  	s1 =	ssub.s32 @!p0 $0x0, s1;
	[sflag:s0] =	ssyncset.done @!p0 $0x0  }
0x1a2: {  	[sflag:s0] =	ssyncadd.s32 @!p0 s1  }
0x1a3: {  	[bflag:$0x3] =	sbarrier.arrive $0xFFFF  }
0x1a4: {  	_ =	shalt  }

// kernel: kernel.14.cloned.1.call-start
scs
__scs_entry_jumppad:
0x0: {  	(pc) =	sbr.rel $0x88, $3  }
0x1: {  	(tag) =	ssettag $0x0;
	lr =	simm.s32 $0x1  }
0x2: {  	[smem:$0x3F97] =	sst lr;
	_ =	strace $0xD0000000  }
0x3: {  	_ = 	snop  }
0x4: {  	_ = 	snop  }
0x5: {  	_ = 	snop  }
0x6: {  	_ = 	snop  }
0x7: {  	_ = 	snop  }
__scs_overlays_trampoline_lowered:
0x8: {  	[smem:$0x3FA6] =	sst s0  }
0x9: {  	[smem:$0x3FA7] =	sst s1  }
0xa: {  	[smem:$0x3FA8] =	sst s2  }
0xb: {  	[smem:$0x3FA9] =	sst s3  }
0xc: {  	[smem:$0x3FAA] =	sst s4  }
0xd: {  	[smem:$0x3FAB] =	sst s5  }
0xe: {  	[smem:$0x3FAC] =	sst s6  }
0xf: {  	[smem:$0x3FAD] =	sst s7  }
0x10: {  	[smem:$0x3FAE] =	sst s8  }
0x11: {  	[smem:$0x3FAF] =	sst s9;
	s0 =	simm.s32 @!p0 $0x0  }
0x12: {  	s1 =	sld [smem:$0x3F95];
	s0 =	simm.s32 @p0 $0x1  }
0x13: {  	[smem:$0x3FB0] =	sst s0;
	s0 =	simm.s32 @!p1 $0x0  }
0x14: {  	s2 =	sld [smem:$0x3F94];
	s0 =	simm.s32 @p1 $0x1  }
0x15: {  	[smem:$0x3FB1] =	sst s0;
	s0 =	simm.s32 @!p2 $0x0  }
0x16: {  	s3 =	sld [smem:$0x3FDB];
	s0 =	simm.s32 @p2 $0x1  }
0x17: {  	s4 =	simm.s32 $0x1BF5;
	[smem:$0x3FB3] =	sst s0  }
0x18: {  	s0 =	sld [smem:$0x3F96];
	_ =	swait.ge [sflag:s4], $0x0  }
0x19: {  	s7 =	sld [smem:$0x3F97]  }
0x1a: {  	s8 =	sadd.s32 $0xFFFFE003, lr  }
0x1b: {  	s9 =	sadd.s32 $0xFFFFFEF7, lr;
	s5 =	simm.s32 $0xFFFFFFFF;
	p2 =	slt.u32 s8, $0xFFFFF086  }
0x1c: {  	p1 =	slt.u32 s9, $0xF7A;
	s5 =	simm.s32 @!p2 $0x0  }
0x1d: {  	s5 =	simm.s32 @p1 $0x1;
	p0 =	seq.s32 s7, s2  }
0x1e: {  	s7 =	smul.u32 @!p0 $0xF7A, s2;
	p2 =	seq.s32 @!p0 s5, $0x0  }
0x1f: {  	s9 =	smul.u32 $0xF7A, s1;
	s8 =	simm.s32 @!p0 $0x1BF5;
	p2 =	por !p2, p0  }
0x20: {  	[sflag:s8] =	ssyncset.s32 @!p0 $0xFFFFF086;
	s6 =	sadd.s32 @!p0 s3, s7;
	s7 =	simm.s32 @!p0 $0x108  }
0x21: {  	s3 =	sadd.s32 s3, s9;
	s6 =	sadd.s32 @!p0 $0x88, s6;
	s7 =	simm.s32 @p2 $0x1082  }
0x22: {  	[simem:s7], [sflag:s8] =	dma.local @!p0 [hbm:s6], $0xF7A  }
0x23: {  	s9 =	sor.u32 $0xD0000000, s2;
	s6 =	simm.s32 $0x108;
	_ =	swait.ge @!p0 [sflag:s8], $0x0  }
0x24: {  	s3 =	sadd.s32 $0x88, s3;
	s6 =	simm.s32 @!p1 $0x1082;
	[sflag:s4] =	ssyncset.s32 $0xFFFFF086  }
0x25: {  	[simem:s6], [sflag:s4] =	dma.local [hbm:s3], $0xF7A  }
0x26: {  	[smem:$0x3F97] =	sst s1;
	(tag) =	ssettag s2;
	_ =	strace s9  }
0x27: {  	s1 =	sld [smem:$0x3FA7]  }
0x28: {  	s2 =	sld [smem:$0x3FA8]  }
0x29: {  	s4 =	sld [smem:$0x3FAA]  }
0x2a: {  	p0 =	seq.s32 s5, $0x0;
	s5 =	sld [smem:$0x3FAB]  }
0x2b: {  	s6 =	sld [smem:$0x3FAC]  }
0x2c: {  	s7 =	sld [smem:$0x3FAD]  }
0x2d: {  	s3 =	simm.s32 $0x108;
	s8 =	sld [smem:$0x3FAE]  }
0x2e: {  	s3 =	simm.s32 @!p0 $0x1082;
	s9 =	sld [smem:$0x3FAF]  }
0x2f: {  	lr =	sadd.s32 s0, s3;
	s0 =	sld [smem:$0x3FA6]  }
0x30: {  	s3 =	sld [smem:$0x3FA9]  }
0x31: {  	[smem:$0x3FB2] =	sst s10  }
0x32: {  	s10 =	sld [smem:$0x3FB0];
	_ =	sdelay $0x3  }
0x33: {  	p0 =	seq.s32 s10, $0x1;
	s10 =	sld [smem:$0x3FB2];
	_ =	sdelay $0x3  }
0x34: {  	[smem:$0x3FB2] =	sst s10  }
0x35: {  	s10 =	sld [smem:$0x3FB1];
	_ =	sdelay $0x3  }
0x36: {  	p1 =	seq.s32 s10, $0x1;
	s10 =	sld [smem:$0x3FB2];
	_ =	sdelay $0x3  }
0x37: {  	[smem:$0x3FB2] =	sst s10  }
0x38: {  	s10 =	sld [smem:$0x3FB3]  }
0x39: {  	_ = 	snop;
	(pc) =	sbr.ind lr, $3  }
0x3a: {  	_ = 	snop  }
0x3b: {  	_ = 	snop  }
0x3c: {  	p2 =	seq.s32 s10, $0x1;
	s10 =	sld [smem:$0x3FB2]  }
0x3d: {  	_ =	shalt  }
0x3e: {  	_ =	shalt  }
0x3f: {  	_ =	shalt  }
0x40: {  	_ =	shalt  }
0x41: {  	_ =	shalt  }
0x42: {  	_ =	shalt  }
0x43: {  	_ =	shalt  }
0x44: {  	_ =	shalt  }
0x45: {  	_ =	shalt  }
0x46: {  	_ =	shalt  }
0x47: {  	_ =	shalt  }
0x48: {  	_ =	shalt  }
0x49: {  	_ =	shalt  }
0x4a: {  	_ =	shalt  }
0x4b: {  	_ =	shalt  }
0x4c: {  	_ =	shalt  }
0x4d: {  	_ =	shalt  }
0x4e: {  	_ =	shalt  }
0x4f: {  	_ =	shalt  }
0x50: {  	_ =	shalt  }
0x51: {  	_ =	shalt  }
0x52: {  	_ =	shalt  }
0x53: {  	_ =	shalt  }
0x54: {  	_ =	shalt  }
0x55: {  	_ =	shalt  }
0x56: {  	_ =	shalt  }
0x57: {  	_ =	shalt  }
0x58: {  	_ =	shalt  }
0x59: {  	_ =	shalt  }
0x5a: {  	_ =	shalt  }
0x5b: {  	_ =	shalt  }
0x5c: {  	_ =	shalt  }
0x5d: {  	_ =	shalt  }
0x5e: {  	_ =	shalt  }
0x5f: {  	_ =	shalt  }
0x60: {  	_ =	shalt  }
0x61: {  	_ =	shalt  }
0x62: {  	_ =	shalt  }
0x63: {  	_ =	shalt  }
0x64: {  	_ =	shalt  }
0x65: {  	_ =	shalt  }
0x66: {  	_ =	shalt  }
0x67: {  	_ =	shalt  }
0x68: {  	_ =	shalt  }
0x69: {  	_ =	shalt  }
0x6a: {  	_ =	shalt  }
0x6b: {  	_ =	shalt  }
0x6c: {  	_ =	shalt  }
0x6d: {  	_ =	shalt  }
0x6e: {  	_ =	shalt  }
0x6f: {  	_ =	shalt  }
0x70: {  	_ =	shalt  }
0x71: {  	_ =	shalt  }
0x72: {  	_ =	shalt  }
0x73: {  	_ =	shalt  }
0x74: {  	_ =	shalt  }
0x75: {  	_ =	shalt  }
0x76: {  	_ =	shalt  }
0x77: {  	_ =	shalt  }
0x78: {  	_ =	shalt  }
0x79: {  	_ =	shalt  }
0x7a: {  	_ =	shalt  }
0x7b: {  	_ =	shalt  }
0x7c: {  	_ =	shalt  }
0x7d: {  	_ =	shalt  }
0x7e: {  	_ =	shalt  }
0x7f: {  	_ =	shalt  }
0x80: {  	_ =	shalt  }
0x81: {  	_ =	shalt  }
0x82: {  	_ =	shalt  }
0x83: {  	_ =	shalt  }
0x84: {  	_ =	shalt  }
0x85: {  	_ =	shalt  }
0x86: {  	_ =	shalt  }
0x87: {  	_ =	shalt  }
.Lfunc_end0:
.L_simem_size_0:
called_computation.2_lowered:
.L_overlay_start_0:
0x88: {  	s2 =	sld [smem:$0x3FD9]  }
0x89: {  	s3 =	sld [smem:$0x3FFE];
	_ =	sdelay $0x1  }
0x8a: {  	s1 =	srdreg.scid  }
0x8b: {  	s0 =	sand.u32 $0x1, s1  }
0x8c: {  	s16 =	sshll.u32 s0, $0xA;
	s2 =	sadd.s32 s3, s2  }
0x8d: {  	s2 =	sadd.s32 s2, s16  }
0x8e: {  	[smem:$0x3FBE] =	sst s2  }
0x8f: {  	_ = 	snop  }
0x90: {  	(tm) =	ssettm $0x1  }
0x91: {  	s17 =	sld [smem:$0x3FFB];
	_ =	sdelay $0x3  }
0x92: {  	_ =	strace s17  }
0x93: {  	s2 =	sld [smem:$0x3FFC];
	_ =	sdelay $0x3  }
0x94: {  	_ =	strace s2  }
0x95: {  	s2 =	sld [smem:$0x3FFD];
	_ =	sdelay $0x3  }
0x96: {  	_ =	strace s2  }
0x97: {  	_ =	strace $0x8FFFFFFF  }
0x98: {  	s18 =	sld [smem:$0x3FDB];
	_ =	sdelay $0x1  }
0x99: {  	s19 =	simm.s32 $_scs_section_size  }
0x9a: {  	s4 =	simm.s32 $_size__tile_overlayer_lowered;
	s5 =	simm.s32 $_tile_overlayer_lowered  }
0x9b: {  	s22 =	simm.s32 $0x1BFF;
	s21 =	sshll.u32 s5, $0x1;
	s2 =	sadd.s32 s19, s18  }
0x9c: {  	s6 =	simm.s32 $0x0;
	s20 =	sshll.u32 s4, $0x1;
	s4 =	sadd.s32 s21, s2  }
0x9d: {  	[timem:s6], [sflag:s22] =	dma.local [hbm:s4], s20  }
0x9e: {  	_ =	swait.ge [sflag:s22], s20  }
0x9f: {  	s3 =	ssub.s32 $0x0, s20;
	[sflag:s22] =	ssyncset.done $0x0  }
0xa0: {  	[sflag:s22] =	ssyncadd.s32 s3;
	_ =	sdelay $0x1  }
0xa1: {  	s23 =	simm.s32 $0x1B8B  }
0xa2: {  	_ =	swait.ge [sflag:s23], $0x1  }
0xa3: {  	[sflag:s23] =	ssyncset.done $0x0  }
0xa4: {  	s25 =	simm.s32 $0x1B8E;
	s24 =	sld [smem:$0x3FFE];
	[sflag:s23] =	ssyncadd.s32 $0xFFFFFFFF  }
0xa5: {  	s26 =	simm.s32 $execute0_lowered;
	[smem:$0x3FD2] =	sst s25  }
0xa6: {  	s4 =	sshll.u32 s26, $0x1;
	_ =	strace $0x8000004C;
	[dreg:$0x1] =	wrdreg $0xFFFFFFFF  }
0xa7: {  	s28 =	simm.s32 $_size_execute0_lowered;
	s2 =	sadd.s32 s2, s4;
	[dreg:$0x0] =	wrdreg $0x0  }
0xa8: {  	s4 =	sshll.u32 s28, $0x1;
	[dreg:$0x2] =	wrdreg s2  }
0xa9: {  	[dreg:$0x3] =	wrdreg s4  }
0xaa: {  	[dreg:$0x4] =	wrdreg $0xC0  }
0xab: {  	_ =	task [dreg:s6], $0x5FFFF  }
0xac: {  	[dreg:$0x1] =	wrdreg $0xFFFFFFFF  }
0xad: {  	[dreg:$0x0] =	wrdreg $0x60  }
0xae: {  	[dreg:$0x2] =	wrdreg s24  }
0xaf: {  	[dreg:$0x3] =	wrdreg $0x11D800  }
0xb0: {  	[dreg:$0x4] =	wrdreg $0x58000  }
0xb1: {  	[dreg:$0x5] =	wrdreg $0x9  }
0xb2: {  	_ =	task.clear_ibuf [dreg:s6], $0x6FFFF;
	_ =	strace $0x9000004C  }
0xb3: {  	s29 =	simm.s32 $0x9;
	_ =	strace $0x8000004E  }
0xb4: {  	_ =	swait.ge [sflag:s29], $0x1  }
0xb5: {  	[sflag:s29] =	ssyncadd.s32 $0xFFFFFFFF  }
0xb6: {  	_ =	strace $0x9000004E  }
0xb7: {  	_ =	sfence  }
0xb8: {  	s30 =	sld [smem:$0x0];
	_ =	sdelay $0x2  }
0xb9: {  	s31 =	sshll.u32 s1, $0xD;
	s1 =	sshrl.u32 s1, $0x2  }
0xba: {  	s3 =	sand.u32 $0x4000, s31;
	s1 =	sadd.s32 s1, s30  }
0xbb: {  	s0 =	sor.u32 s3, s0;
	s1 =	sshll.u32 s1, $0x11  }
0xbc: {  	s0 =	sor.u32 s1, s0  }
0xbd: {  	s0 =	sadd.s32 $0x8F2B, s0  }
0xbe: {  	[sflag:s0] =	ssyncadd.remote.s32 $0x1  }
0xbf: {  	_ =	sfence.sel $0xFFFF  }
0xc0: {  	[dreg:$0x0] =	wrdreg $0xFFFFFFFF;
	(pc) =	sbr.abs _section_cstart, $3  }
0xc1: {  	[dreg:$0x1] =	wrdreg $0xFFFFFFFF  }
0xc2: {  	_ =	task.clear_ibuf [dreg:s6], $0x2FFFF;
	_ =	strace $0x9FFFFFFF  }
0xc3: {  	(tm) =	ssettm $0x7FFFFFFF  }
tec
execute0_lowered:
.L_overlay_start_1:
0x0: {  	(tag) =	ssettag $0x1  }
0x1: {  	s0 =	rddreg [dreg:$0x0]  }
0x2: {  	s2 =	rddreg [dreg:$0x1]  }
0x3: {  	s3 =	rddreg [dreg:$0x2]  }
0x4: {  	s1 =	srdreg.scid;
	s10 =	stileid.u32;
	s5 =	simm.s32 $0x0  }
0x5: {  	s19 =	simm.s32 $0x180;
	s20 =	simm.s32 $0x280;
	s4 =	smul.u32 $0x18B00, s10  }
0x6: {  	s21 =	simm.s32 $0x380;
	s29 =	simm.s32 $0x80;
	s7 =	smul.u32 $0xA000, s10  }
0x7: {  	s30 =	simm.s32 $0x800;
	s31 =	simm.s32 $0x700;
	s9 =	smul.u32 $0xC580, s10  }
0x8: {  	s1 =	sand.u32 $0x1, s1;
	[smem:$0x7FF] =	sst s5;
	s14 =	smul.u32 $0x31600, s10  }
0x9: {  	s6 =	sadd.s32 $0x1AA00, s0;
	s17 =	sshll.u32 s10, $0x6;
	s18 =	smul.u32 $0x1400, s10  }
0xa: {  	s10 =	simm.s32 $0xC;
	_ =	strace $0x8000004D;
	[dreg:$0x4] =	wrdreg s19  }
0xb: {  	s22 =	smul.u32 $0x50, s1;
	s23 =	ssub.s32 $0x2, s1;
	[dreg:$0x5] =	wrdreg s20  }
0xc: {  	p0 =	seq.s32 s1, $0x1;
	[dreg:$0x6] =	wrdreg s21;
	s19 =	simm.s32 $0x8  }
0xd: {  	s8 =	sshrl.u32 s23, $0x1;
	s7 =	sshrl.u32 s7, $0x3;
	s24 =	sadd.s32 s9, s2  }
0xe: {  	s25 =	sshrl.u32 s9, $0x3;
	s26 =	sadd.s32 s9, s3;
	s16 =	sshrl.u32 s14, $0x2  }
0xf: {  	s9 =	simm.s32 $0x1C00;
	s14 =	simm.s32 $0x0;
	s4 =	sor.u32 s22, s4  }
0x10: {  	s5 =	ssub.s32 s23, s8;
	s11 =	sadd.s32 s6, s7;
	s9 =	simm.s32 @!p0 $0x2EA00  }
0x11: {  	s1 =	sshrl.u32 s24, $0x3;
	s22 =	simm.s32 $0x480;
	[dreg:$0xb] =	wrdreg s11  }
0x12: {  	s23 =	sshrl.u32 s26, $0x3;
	s24 =	simm.s32 $0x580;
	[dreg:$0x16] =	wrdreg s1  }
0x13: {  	s26 =	simm.s32 $0x780;
	s7 =	simm.s32 $0xB;
	[dreg:$0x17] =	wrdreg s23  }
0x14: {  	s8 =	simm.s32 $0x3;
	s4 =	sshrl.u32 s4, $0x3;
	[dreg:$0x7] =	wrdreg s22  }
0x15: {  	s28 =	sadd.s32 $0x20, s11;
	s12 =	sadd.s32 $0x40, s11;
	[dreg:$0x8] =	wrdreg s24  }
0x16: {  	s13 =	sadd.s32 $0x60, s11;
	s15 =	sadd.s32 $0xA0, s11;
	[dreg:$0xa] =	wrdreg s26  }
0x17: {  	s5 =	smax.u32 s5, $0x1;
	s23 =	simm.s32 $0x1;
	[dreg:$0xc] =	wrdreg s28  }
0x18: {  	s1 =	simm.s32 $0x3000;
	s24 =	simm.s32 $0x100;
	[dreg:$0xd] =	wrdreg s12  }
0x19: {  	s26 =	simm.s32 $0x200;
	s4 =	sadd.s32 s4, s0;
	[dreg:$0xe] =	wrdreg s13  }
0x1a: {  	s12 =	sadd.s32 $0x80, s11;
	[dreg:$0x10] =	wrdreg s15;
	s11 =	sadd.s32 $0xC0, s11  }
0x1b: {  	[dreg:$0x13] =	wrdreg s5;
	s0 =	sadd.s32 s9, s0;
	s5 =	sor.u32 $0x1C0D, s17  }
0x1c: {  	s15 =	simm.s32 $0xD;
	s9 =	simm.s32 $0xA;
	[dreg:$0xf] =	wrdreg s12  }
0x1d: {  	s13 =	simm.s32 $0x6;
	s17 =	simm.s32 $0x7;
	[dreg:$0x11] =	wrdreg s11  }
0x1e: {  	s4 =	sadd.s32 $0x47600, s4;
	s0 =	sadd.s32 s0, s25;
	[dreg:$0x15] =	wrdreg s5  }
0x1f: {  	s25 =	simm.s32 $0x680;
	s11 =	simm.s32 $0x4;
	[dreg:$0x12] =	wrdreg s4  }
0x20: {  	s12 =	simm.s32 $0x5;
	s4 =	sadd.s32 s16, s2;
	[dreg:$0x14] =	wrdreg s0  }
0x21: {  	s16 =	sadd.s32 s18, s6;
	[dreg:$0x9] =	wrdreg s25;
	s28 =	sshrl.u32 s4, $0x3  }
0x22: {  	s0 =	simm.s32 $0x2;
	s6 =	simm.s32 $0x9;
	[dreg:$0x18] =	wrdreg s28  }
.LBB2_1:
0x23: {  	[dreg:$0x19] =	wrdreg s14  }
0x24: {  	s4 =	rddreg [dreg:$0x14]  }
0x25: {  	s25 =	rddreg [dreg:$0x16]  }
0x26: {  	[spmem:s25], [sflag:s5] =	dma.local [hbm:s4], $0x18B0  }
0x27: {  	_ =	swait.ge [sflag:s15], $0x18B0  }
0x28: {  	[sflag:s15] =	ssyncset.done $0x0  }
0x29: {  	s28 =	rddreg [dreg:$0x17];
	[sflag:s15] =	ssyncadd.s32 $0xFFFFE750  }
0x2a: {  	[spmem:s28], [sflag:s5] =	dma.local [hbm:s4], $0x18B0  }
0x2b: {  	_ =	swait.ge [sflag:s15], $0x18B0  }
0x2c: {  	[sflag:s15] =	ssyncset.done $0x0  }
0x2d: {  	[sflag:s15] =	ssyncadd.s32 $0xFFFFE750  }
0x2e: {  	[bflag:$0x0] =	sbarrier.arrive $0xFFFF  }
0x2f: {  	s14 =	simm.s32 $0x0;
	s18 =	rddreg [dreg:$0xb]  }
0x30: {  	[tilespmem:s14], [sflag:$0x1] =	stream.linear.gather [hbm4b:s18+s14], $0x100, $0x38;
	[tilespmem:$0x1E300] =	vst v63  }
0x31: {  	s15 =	simm.s32 $0x100;
	s20 =	rddreg [dreg:$0xc]  }
0x32: {  	[tilespmem:s15], [sflag:$0x2] =	stream.linear.gather [hbm4b:s20+s14], $0x100, $0x38;
	[tilespmem:$0x1E300] =	vst v63  }
0x33: {  	s21 =	rddreg [dreg:$0xd];
	s18 =	simm.s32 $0x200  }
0x34: {  	[tilespmem:s18], [sflag:$0x3] =	stream.linear.gather [hbm4b:s21+s14], $0x100, $0x38;
	[tilespmem:$0x1E300] =	vst v63  }
0x35: {  	s22 =	rddreg [dreg:$0xe];
	s20 =	simm.s32 $0x300  }
0x36: {  	[tilespmem:s20], [sflag:$0x4] =	stream.linear.gather [hbm4b:s22+s14], $0x100, $0x38;
	[tilespmem:$0x1E300] =	vst v63  }
0x37: {  	s25 =	rddreg [dreg:$0xf];
	s21 =	simm.s32 $0x400  }
0x38: {  	[tilespmem:s21], [sflag:$0x5] =	stream.linear.gather [hbm4b:s25+s14], $0x100, $0x38;
	[tilespmem:$0x1E300] =	vst v63  }
0x39: {  	s28 =	rddreg [dreg:$0x10];
	s22 =	simm.s32 $0x500  }
0x3a: {  	[tilespmem:s22], [sflag:$0x6] =	stream.linear.gather [hbm4b:s28+s14], $0x100, $0x38;
	[tilespmem:$0x1E300] =	vst v63  }
0x3b: {  	s5 =	rddreg [dreg:$0x11];
	s25 =	simm.s32 $0x600  }
0x3c: {  	[tilespmem:s25], [sflag:$0x7] =	stream.linear.gather [hbm4b:s5+s14], $0x100, $0x38;
	[tilespmem:$0x1E300] =	vst v63  }
0x3d: {  	p0 =	por $0x1, $0x1;
	_ =	swait.ge [sflag:s23], $0x100  }
0x3e: {  	p0 =	por p0, p0;
	[sflag:s23] =	ssyncset.done $0x0  }
0x3f: {  	s4 =	simm.s32 @!p0 $0xC;
	[sflag:s23] =	ssyncadd.s32 $0xFFFFFF00  }
0x40: {  	[tilespmem:s30], [sflag:$0x9] =	stream.indirect.gather [spmem:s3], $0x50, s14, s29, $0xb8;
	[tilespmem:$0x1E300] =	vst v63  }
0x41: {  	_ =	swait.ge @!p0 [sflag:s4], $0x2800  }
0x42: {  	s28 =	sadd.s32 $0x0, s16;
	[sflag:s4] =	ssyncset.done @!p0 $0x0  }
0x43: {  	s5 =	sadd.s32 $0xE0, s28;
	[sflag:s4] =	ssyncadd.s32 @!p0 $0xFFFFD800  }
0x44: {  	[tilespmem:s31], [sflag:$0x8] =	stream.linear.gather [hbm4b:s5+s14], $0x100, $0x38;
	[tilespmem:$0x1E300] =	vst v63  }
0x45: {  	_ =	swait.ge [sflag:s0], $0x100  }
0x46: {  	[sflag:s0] =	ssyncset.done $0x0  }
0x47: {  	[sflag:s0] =	ssyncadd.s32 $0xFFFFFF00  }
0x48: {  	[tilespmem:s1], [sflag:$0xA] =	stream.indirect.gather [spmem:s3], $0x50, s15, s29, $0xb8;
	[tilespmem:$0x1E300] =	vst v63  }
0x49: {  	_ =	swait.ge [sflag:s6], $0x2800  }
0x4a: {  	[sflag:s6] =	ssyncset.done $0x0  }
0x4b: {  	[sflag:s6] =	ssyncadd.s32 $0xFFFFD800  }
0x4c: {  	[spmem:s2] =	stream.indirect.scatter.add.f32 [tilespmem:s30], [sflag:$0xB], $0x50, s29, s29, $0xb8;
	[tilespmem:$0x1E300] =	vst v63  }
0x4d: {  	p0 =	por $0x0, $0x0;
	_ =	swait.ge [sflag:s7], $0x2800  }
0x4e: {  	s14 =	sadd.s32 @!p0 $0x0, s16;
	[sflag:s7] =	ssyncset.done $0x0  }
0x4f: {  	s5 =	simm.s32 @!p0 $0x0;
	s4 =	sadd.s32 @!p0 $0x100, s14;
	[sflag:s7] =	ssyncadd.s32 $0xFFFFD800  }
0x50: {  	[tilespmem:s5], [sflag:$0x1] =	stream.linear.gather @!p0 [hbm4b:s4+s5], $0x100, $0x38;
	[tilespmem:$0x1E300] =	vst v63  }
0x51: {  	_ =	swait.ge [sflag:s8], $0x100  }
0x52: {  	[sflag:s8] =	ssyncset.done $0x0  }
0x53: {  	[sflag:s8] =	ssyncadd.s32 $0xFFFFFF00  }
0x54: {  	[tilespmem:s30], [sflag:$0x9] =	stream.indirect.gather [spmem:s3], $0x50, s18, s29, $0xb8;
	[tilespmem:$0x1E300] =	vst v63  }
0x55: {  	_ =	swait.ge [sflag:s9], $0x2800  }
0x56: {  	[sflag:s9] =	ssyncset.done $0x0  }
0x57: {  	s18 =	rddreg [dreg:$0x4];
	[sflag:s9] =	ssyncadd.s32 $0xFFFFD800  }
0x58: {  	[spmem:s2] =	stream.indirect.scatter.add.f32 [tilespmem:s1], [sflag:$0xC], $0x50, s18, s29, $0xb8;
	[tilespmem:$0x1E300] =	vst v63  }
0x59: {  	_ =	swait.ge [sflag:s10], $0x2800  }
0x5a: {  	[sflag:s10] =	ssyncset.done $0x0  }
0x5b: {  	s15 =	simm.s32 @!p0 $0x100;
	s4 =	sadd.s32 @!p0 $0x120, s14;
	[sflag:s10] =	ssyncadd.s32 $0xFFFFD800  }
0x5c: {  	[tilespmem:s15], [sflag:$0x2] =	stream.linear.gather @!p0 [hbm4b:s4+s5], $0x100, $0x38;
	[tilespmem:$0x1E300] =	vst v63  }
0x5d: {  	_ =	swait.ge [sflag:s11], $0x100  }
0x5e: {  	[sflag:s11] =	ssyncset.done $0x0  }
0x5f: {  	[sflag:s11] =	ssyncadd.s32 $0xFFFFFF00  }
0x60: {  	[tilespmem:s1], [sflag:$0xA] =	stream.indirect.gather [spmem:s3], $0x50, s20, s29, $0xb8;
	[tilespmem:$0x1E300] =	vst v63  }
0x61: {  	_ =	swait.ge [sflag:s6], $0x2800  }
0x62: {  	[sflag:s6] =	ssyncset.done $0x0  }
0x63: {  	s20 =	rddreg [dreg:$0x5];
	[sflag:s6] =	ssyncadd.s32 $0xFFFFD800  }
0x64: {  	[spmem:s2] =	stream.indirect.scatter.add.f32 [tilespmem:s30], [sflag:$0xB], $0x50, s20, s29, $0xb8;
	[tilespmem:$0x1E300] =	vst v63  }
0x65: {  	_ =	swait.ge [sflag:s7], $0x2800  }
0x66: {  	[sflag:s7] =	ssyncset.done $0x0  }
0x67: {  	s4 =	sadd.s32 @!p0 $0x140, s14;
	s15 =	simm.s32 @!p0 $0x200;
	[sflag:s7] =	ssyncadd.s32 $0xFFFFD800  }
0x68: {  	[tilespmem:s15], [sflag:$0x3] =	stream.linear.gather @!p0 [hbm4b:s4+s5], $0x100, $0x38;
	[tilespmem:$0x1E300] =	vst v63  }
0x69: {  	_ =	swait.ge [sflag:s12], $0x100  }
0x6a: {  	[sflag:s12] =	ssyncset.done $0x0  }
0x6b: {  	[sflag:s12] =	ssyncadd.s32 $0xFFFFFF00  }
0x6c: {  	[tilespmem:s30], [sflag:$0x9] =	stream.indirect.gather [spmem:s3], $0x50, s21, s29, $0xb8;
	[tilespmem:$0x1E300] =	vst v63  }
0x6d: {  	_ =	swait.ge [sflag:s9], $0x2800  }
0x6e: {  	[sflag:s9] =	ssyncset.done $0x0  }
0x6f: {  	s21 =	rddreg [dreg:$0x6];
	[sflag:s9] =	ssyncadd.s32 $0xFFFFD800  }
0x70: {  	[spmem:s2] =	stream.indirect.scatter.add.f32 [tilespmem:s1], [sflag:$0xC], $0x50, s21, s29, $0xb8;
	[tilespmem:$0x1E300] =	vst v63  }
0x71: {  	_ =	swait.ge [sflag:s10], $0x2800  }
0x72: {  	[sflag:s10] =	ssyncset.done $0x0  }
0x73: {  	s4 =	sadd.s32 @!p0 $0x160, s14;
	s15 =	simm.s32 @!p0 $0x300;
	[sflag:s10] =	ssyncadd.s32 $0xFFFFD800  }
0x74: {  	[tilespmem:s15], [sflag:$0x4] =	stream.linear.gather @!p0 [hbm4b:s4+s5], $0x100, $0x38;
	[tilespmem:$0x1E300] =	vst v63  }
0x75: {  	_ =	swait.ge [sflag:s13], $0x100  }
0x76: {  	[sflag:s13] =	ssyncset.done $0x0  }
0x77: {  	[sflag:s13] =	ssyncadd.s32 $0xFFFFFF00  }
0x78: {  	[tilespmem:s1], [sflag:$0xA] =	stream.indirect.gather [spmem:s3], $0x50, s22, s29, $0xb8;
	[tilespmem:$0x1E300] =	vst v63  }
0x79: {  	_ =	swait.ge [sflag:s6], $0x2800  }
0x7a: {  	[sflag:s6] =	ssyncset.done $0x0  }
0x7b: {  	s22 =	rddreg [dreg:$0x7];
	[sflag:s6] =	ssyncadd.s32 $0xFFFFD800  }
0x7c: {  	[spmem:s2] =	stream.indirect.scatter.add.f32 [tilespmem:s30], [sflag:$0xB], $0x50, s22, s29, $0xb8;
	[tilespmem:$0x1E300] =	vst v63  }
0x7d: {  	_ =	swait.ge [sflag:s7], $0x2800  }
0x7e: {  	[sflag:s7] =	ssyncset.done $0x0  }
0x7f: {  	s4 =	sadd.s32 @!p0 $0x180, s14;
	s15 =	simm.s32 @!p0 $0x400;
	[sflag:s7] =	ssyncadd.s32 $0xFFFFD800  }
0x80: {  	[tilespmem:s15], [sflag:$0x5] =	stream.linear.gather @!p0 [hbm4b:s4+s5], $0x100, $0x38;
	[tilespmem:$0x1E300] =	vst v63  }
0x81: {  	_ =	swait.ge [sflag:s17], $0x100  }
0x82: {  	[sflag:s17] =	ssyncset.done $0x0  }
0x83: {  	[sflag:s17] =	ssyncadd.s32 $0xFFFFFF00  }
0x84: {  	[tilespmem:s30], [sflag:$0x9] =	stream.indirect.gather [spmem:s3], $0x50, s25, s29, $0xb8;
	[tilespmem:$0x1E300] =	vst v63  }
0x85: {  	_ =	swait.ge [sflag:s9], $0x2800  }
0x86: {  	[sflag:s9] =	ssyncset.done $0x0  }
0x87: {  	s25 =	rddreg [dreg:$0x8];
	[sflag:s9] =	ssyncadd.s32 $0xFFFFD800  }
0x88: {  	[spmem:s2] =	stream.indirect.scatter.add.f32 [tilespmem:s1], [sflag:$0xC], $0x50, s25, s29, $0xb8;
	[tilespmem:$0x1E300] =	vst v63  }
0x89: {  	_ =	swait.ge [sflag:s10], $0x2800  }
0x8a: {  	[sflag:s10] =	ssyncset.done $0x0  }
0x8b: {  	s4 =	sadd.s32 @!p0 $0x1A0, s14;
	s15 =	simm.s32 @!p0 $0x500;
	[sflag:s10] =	ssyncadd.s32 $0xFFFFD800  }
0x8c: {  	[tilespmem:s15], [sflag:$0x6] =	stream.linear.gather @!p0 [hbm4b:s4+s5], $0x100, $0x38;
	[tilespmem:$0x1E300] =	vst v63  }
0x8d: {  	_ =	swait.ge [sflag:s19], $0x100  }
0x8e: {  	[sflag:s19] =	ssyncset.done $0x0  }
0x8f: {  	[sflag:s19] =	ssyncadd.s32 $0xFFFFFF00  }
0x90: {  	[tilespmem:s1], [sflag:$0xA] =	stream.indirect.gather [spmem:s3], $0x50, s31, s29, $0xb8;
	[tilespmem:$0x1E300] =	vst v63  }
0x91: {  	_ =	swait.ge [sflag:s6], $0x2800  }
0x92: {  	[sflag:s6] =	ssyncset.done $0x0  }
0x93: {  	s28 =	rddreg [dreg:$0x9];
	[sflag:s6] =	ssyncadd.s32 $0xFFFFD800  }
0x94: {  	[spmem:s2] =	stream.indirect.scatter.add.f32 [tilespmem:s30], [sflag:$0xB], $0x50, s28, s29, $0xb8;
	[tilespmem:$0x1E300] =	vst v63  }
0x95: {  	_ =	swait.ge [sflag:s7], $0x2800  }
0x96: {  	[sflag:s7] =	ssyncset.done $0x0  }
0x97: {  	s4 =	sadd.s32 @!p0 $0x1C0, s14;
	s14 =	simm.s32 @!p0 $0x600;
	[sflag:s7] =	ssyncadd.s32 $0xFFFFD800  }
0x98: {  	[tilespmem:s14], [sflag:$0x7] =	stream.linear.gather @!p0 [hbm4b:s4+s5], $0x100, $0x38;
	[tilespmem:$0x1E300] =	vst v63  }
0x99: {  	s4 =	simm.s32 @!p0 $0x1  }
0x9a: {  	_ =	swait.ge @!p0 [sflag:s4], $0x100  }
0x9b: {  	[sflag:s4] =	ssyncset.done @!p0 $0x0  }
0x9c: {  	s14 =	simm.s32 @!p0 $0x800;
	[sflag:s4] =	ssyncadd.s32 @!p0 $0xFFFFFF00;
	s4 =	simm.s32 @!p0 $0x80  }
0x9d: {  	[tilespmem:s14], [sflag:$0x9] =	stream.indirect.gather @!p0 [spmem:s3], $0x50, s5, s4, $0xb8;
	[tilespmem:$0x1E300] =	vst v63  }
0x9e: {  	p6 =	por $0x0, $0x0;
	s23 =	simm.s32 $0x0;
	_ =	swait.ge [sflag:s9], $0x2800  }
0x9f: {  	s5 =	simm.s32 $0x100;
	s14 =	simm.s32 $0x200;
	[sflag:s9] =	ssyncset.done $0x0  }
0xa0: {  	p0 =	por p6, p6;
	s4 =	rddreg [dreg:$0xa];
	[sflag:s9] =	ssyncadd.s32 $0xFFFFD800  }
.LBB2_2:
0xa1: {  	[spmem:s2] =	stream.indirect.scatter.add.f32 [tilespmem:s1], [sflag:$0xC], $0x50, s4, s29, $0xb8;
	[tilespmem:$0x1E300] =	vst v63  }
0xa2: {  	s15 =	simm.s32 @!p0 $0xC  }
0xa3: {  	_ =	swait.ge @!p0 [sflag:s15], $0x2800  }
0xa4: {  	s18 =	sadd.s32 s5, s16;
	[sflag:s15] =	ssyncset.done @!p0 $0x0  }
0xa5: {  	s21 =	sadd.s32 $0xE0, s18;
	[sflag:s15] =	ssyncadd.s32 @!p0 $0xFFFFD800  }
0xa6: {  	[tilespmem:s31], [sflag:$0x8] =	stream.linear.gather [hbm4b:s21+s23], $0x100, $0x38;
	[tilespmem:$0x1E300] =	vst v63  }
0xa7: {  	_ =	swait.ge [sflag:s0], $0x100  }
0xa8: {  	[sflag:s0] =	ssyncset.done $0x0  }
0xa9: {  	[sflag:s0] =	ssyncadd.s32 $0xFFFFFF00  }
0xaa: {  	[tilespmem:s1], [sflag:$0xA] =	stream.indirect.gather [spmem:s3], $0x50, s24, s29, $0xb8;
	[tilespmem:$0x1E300] =	vst v63  }
0xab: {  	_ =	swait.ge [sflag:s6], $0x2800  }
0xac: {  	s20 =	smov.u32 s14;
	[sflag:s6] =	ssyncset.done $0x0  }
0xad: {  	p2 =	seq.s32 s20, $0x0;
	[sflag:s6] =	ssyncadd.s32 $0xFFFFD800  }
0xae: {  	[spmem:s2] =	stream.indirect.scatter.add.f32 [tilespmem:s30], [sflag:$0xB], $0x50, s29, s29, $0xb8;
	[tilespmem:$0x1E300] =	vst v63  }
0xaf: {  	p0 =	por p2, p2;
	p2 =	seq.s32 s5, $0x1300;
	_ =	swait.ge [sflag:s7], $0x2800  }
0xb0: {  	s15 =	sadd.s32 @!p2 s5, s16;
	[sflag:s7] =	ssyncset.done $0x0  }
0xb1: {  	s28 =	simm.s32 @!p2 $0x0;
	s4 =	sadd.s32 @!p2 $0x100, s15;
	[sflag:s7] =	ssyncadd.s32 $0xFFFFD800  }
0xb2: {  	[tilespmem:s28], [sflag:$0x1] =	stream.linear.gather @!p2 [hbm4b:s4+s28], $0x100, $0x38;
	[tilespmem:$0x1E300] =	vst v63  }
0xb3: {  	_ =	swait.ge [sflag:s8], $0x100  }
0xb4: {  	[sflag:s8] =	ssyncset.done $0x0  }
0xb5: {  	[sflag:s8] =	ssyncadd.s32 $0xFFFFFF00  }
0xb6: {  	[tilespmem:s30], [sflag:$0x9] =	stream.indirect.gather [spmem:s3], $0x50, s26, s29, $0xb8;
	[tilespmem:$0x1E300] =	vst v63  }
0xb7: {  	_ =	swait.ge [sflag:s9], $0x2800  }
0xb8: {  	[sflag:s9] =	ssyncset.done $0x0  }
0xb9: {  	s22 =	rddreg [dreg:$0x4];
	[sflag:s9] =	ssyncadd.s32 $0xFFFFD800  }
0xba: {  	[spmem:s2] =	stream.indirect.scatter.add.f32 [tilespmem:s1], [sflag:$0xC], $0x50, s22, s29, $0xb8;
	[tilespmem:$0x1E300] =	vst v63  }
0xbb: {  	_ =	swait.ge [sflag:s10], $0x2800  }
0xbc: {  	s5 =	smov.u32 s20;
	[sflag:s10] =	ssyncset.done $0x0  }
0xbd: {  	s20 =	sadd.s32 @!p2 $0x120, s15;
	s22 =	simm.s32 @!p2 $0x100;
	[sflag:s10] =	ssyncadd.s32 $0xFFFFD800  }
0xbe: {  	[tilespmem:s22], [sflag:$0x2] =	stream.linear.gather @!p2 [hbm4b:s20+s28], $0x100, $0x38;
	[tilespmem:$0x1E300] =	vst v63  }
0xbf: {  	_ =	swait.ge [sflag:s11], $0x100  }
0xc0: {  	[sflag:s11] =	ssyncset.done $0x0  }
0xc1: {  	s22 =	simm.s32 $0x300;
	[sflag:s11] =	ssyncadd.s32 $0xFFFFFF00  }
0xc2: {  	[tilespmem:s1], [sflag:$0xA] =	stream.indirect.gather [spmem:s3], $0x50, s22, s29, $0xb8;
	[tilespmem:$0x1E300] =	vst v63  }
0xc3: {  	_ =	swait.ge [sflag:s6], $0x2800  }
0xc4: {  	[sflag:s6] =	ssyncset.done $0x0  }
0xc5: {  	s22 =	rddreg [dreg:$0x5];
	[sflag:s6] =	ssyncadd.s32 $0xFFFFD800  }
0xc6: {  	[spmem:s2] =	stream.indirect.scatter.add.f32 [tilespmem:s30], [sflag:$0xB], $0x50, s22, s29, $0xb8;
	[tilespmem:$0x1E300] =	vst v63  }
0xc7: {  	_ =	swait.ge [sflag:s7], $0x2800  }
0xc8: {  	[sflag:s7] =	ssyncset.done $0x0  }
0xc9: {  	s21 =	sadd.s32 @!p2 $0x140, s15;
	s20 =	simm.s32 @!p2 $0x200;
	[sflag:s7] =	ssyncadd.s32 $0xFFFFD800  }
0xca: {  	[tilespmem:s20], [sflag:$0x3] =	stream.linear.gather @!p2 [hbm4b:s21+s28], $0x100, $0x38;
	[tilespmem:$0x1E300] =	vst v63  }
0xcb: {  	_ =	swait.ge [sflag:s12], $0x100  }
0xcc: {  	[sflag:s12] =	ssyncset.done $0x0  }
0xcd: {  	s22 =	simm.s32 $0x400;
	[sflag:s12] =	ssyncadd.s32 $0xFFFFFF00  }
0xce: {  	[tilespmem:s30], [sflag:$0x9] =	stream.indirect.gather [spmem:s3], $0x50, s22, s29, $0xb8;
	[tilespmem:$0x1E300] =	vst v63  }
0xcf: {  	_ =	swait.ge [sflag:s9], $0x2800  }
0xd0: {  	[sflag:s9] =	ssyncset.done $0x0  }
0xd1: {  	s21 =	rddreg [dreg:$0x6];
	[sflag:s9] =	ssyncadd.s32 $0xFFFFD800  }
0xd2: {  	[spmem:s2] =	stream.indirect.scatter.add.f32 [tilespmem:s1], [sflag:$0xC], $0x50, s21, s29, $0xb8;
	[tilespmem:$0x1E300] =	vst v63  }
0xd3: {  	_ =	swait.ge [sflag:s10], $0x2800  }
0xd4: {  	[sflag:s10] =	ssyncset.done $0x0  }
0xd5: {  	s4 =	sadd.s32 @!p2 $0x160, s15;
	s20 =	simm.s32 @!p2 $0x300;
	[sflag:s10] =	ssyncadd.s32 $0xFFFFD800  }
0xd6: {  	[tilespmem:s20], [sflag:$0x4] =	stream.linear.gather @!p2 [hbm4b:s4+s28], $0x100, $0x38;
	[tilespmem:$0x1E300] =	vst v63  }
0xd7: {  	_ =	swait.ge [sflag:s13], $0x100  }
0xd8: {  	[sflag:s13] =	ssyncset.done $0x0  }
0xd9: {  	s22 =	simm.s32 $0x500;
	[sflag:s13] =	ssyncadd.s32 $0xFFFFFF00  }
0xda: {  	[tilespmem:s1], [sflag:$0xA] =	stream.indirect.gather [spmem:s3], $0x50, s22, s29, $0xb8;
	[tilespmem:$0x1E300] =	vst v63  }
0xdb: {  	_ =	swait.ge [sflag:s6], $0x2800  }
0xdc: {  	[sflag:s6] =	ssyncset.done $0x0  }
0xdd: {  	s20 =	rddreg [dreg:$0x7];
	[sflag:s6] =	ssyncadd.s32 $0xFFFFD800  }
0xde: {  	[spmem:s2] =	stream.indirect.scatter.add.f32 [tilespmem:s30], [sflag:$0xB], $0x50, s20, s29, $0xb8;
	[tilespmem:$0x1E300] =	vst v63  }
0xdf: {  	_ =	swait.ge [sflag:s7], $0x2800  }
0xe0: {  	[sflag:s7] =	ssyncset.done $0x0  }
0xe1: {  	s25 =	sadd.s32 @!p2 $0x180, s15;
	s4 =	simm.s32 @!p2 $0x400;
	[sflag:s7] =	ssyncadd.s32 $0xFFFFD800  }
0xe2: {  	[tilespmem:s4], [sflag:$0x5] =	stream.linear.gather @!p2 [hbm4b:s25+s28], $0x100, $0x38;
	[tilespmem:$0x1E300] =	vst v63  }
0xe3: {  	_ =	swait.ge [sflag:s17], $0x100  }
0xe4: {  	[sflag:s17] =	ssyncset.done $0x0  }
0xe5: {  	s21 =	simm.s32 $0x600;
	[sflag:s17] =	ssyncadd.s32 $0xFFFFFF00  }
0xe6: {  	[tilespmem:s30], [sflag:$0x9] =	stream.indirect.gather [spmem:s3], $0x50, s21, s29, $0xb8;
	[tilespmem:$0x1E300] =	vst v63  }
0xe7: {  	_ =	swait.ge [sflag:s9], $0x2800  }
0xe8: {  	[sflag:s9] =	ssyncset.done $0x0  }
0xe9: {  	s22 =	rddreg [dreg:$0x8];
	[sflag:s9] =	ssyncadd.s32 $0xFFFFD800  }
0xea: {  	[spmem:s2] =	stream.indirect.scatter.add.f32 [tilespmem:s1], [sflag:$0xC], $0x50, s22, s29, $0xb8;
	[tilespmem:$0x1E300] =	vst v63  }
0xeb: {  	_ =	swait.ge [sflag:s10], $0x2800  }
0xec: {  	[sflag:s10] =	ssyncset.done $0x0  }
0xed: {  	s18 =	sadd.s32 @!p2 $0x1A0, s15;
	s4 =	simm.s32 @!p2 $0x500;
	[sflag:s10] =	ssyncadd.s32 $0xFFFFD800  }
0xee: {  	[tilespmem:s4], [sflag:$0x6] =	stream.linear.gather @!p2 [hbm4b:s18+s28], $0x100, $0x38;
	[tilespmem:$0x1E300] =	vst v63  }
0xef: {  	_ =	swait.ge [sflag:s19], $0x100  }
0xf0: {  	[sflag:s19] =	ssyncset.done $0x0  }
0xf1: {  	[sflag:s19] =	ssyncadd.s32 $0xFFFFFF00  }
0xf2: {  	[tilespmem:s1], [sflag:$0xA] =	stream.indirect.gather [spmem:s3], $0x50, s31, s29, $0xb8;
	[tilespmem:$0x1E300] =	vst v63  }
0xf3: {  	_ =	swait.ge [sflag:s6], $0x2800  }
0xf4: {  	[sflag:s6] =	ssyncset.done $0x0  }
0xf5: {  	s25 =	rddreg [dreg:$0x9];
	[sflag:s6] =	ssyncadd.s32 $0xFFFFD800  }
0xf6: {  	[spmem:s2] =	stream.indirect.scatter.add.f32 [tilespmem:s30], [sflag:$0xB], $0x50, s25, s29, $0xb8;
	[tilespmem:$0x1E300] =	vst v63  }
0xf7: {  	_ =	swait.ge [sflag:s7], $0x2800  }
0xf8: {  	s15 =	sadd.s32 @!p2 $0x1C0, s15;
	[sflag:s7] =	ssyncset.done $0x0  }
0xf9: {  	s4 =	simm.s32 @!p2 $0x600;
	s18 =	simm.s32 @!p2 $0x1;
	[sflag:s7] =	ssyncadd.s32 $0xFFFFD800  }
0xfa: {  	[tilespmem:s4], [sflag:$0x7] =	stream.linear.gather @!p2 [hbm4b:s15+s28], $0x100, $0x38;
	[tilespmem:$0x1E300] =	vst v63  }
0xfb: {  	s14 =	sadd.s32 $0x100, s14;
	_ =	swait.ge @!p2 [sflag:s18], $0x100  }
0xfc: {  	p1 =	sne.s32 s14, $0x1400;
	s4 =	simm.s32 @!p2 $0x80;
	[sflag:s18] =	ssyncset.done @!p2 $0x0  }
.Ltmp0:
0xfd: {  	s15 =	simm.s32 @!p2 $0x800;
	[sflag:s18] =	ssyncadd.s32 @!p2 $0xFFFFFF00;
	(pc) =	sbr.rel @p1 .LBB2_2-.Ltmp0, $4  }
0xfe: {  	[tilespmem:s15], [sflag:$0x9] =	stream.indirect.gather @!p2 [spmem:s3], $0x50, s28, s4, $0xb8;
	[tilespmem:$0x1E300] =	vst v63  }
0xff: {  	_ =	swait.ge [sflag:s9], $0x2800  }
0x100: {  	[sflag:s9] =	ssyncset.done $0x0  }
0x101: {  	s4 =	rddreg [dreg:$0xa];
	[sflag:s9] =	ssyncadd.s32 $0xFFFFD800  }
0x102: {  	[spmem:s2] =	stream.indirect.scatter.add.f32 [tilespmem:s1], [sflag:$0xC], $0x50, s4, s29, $0xb8;
	[tilespmem:$0x1E300] =	vst v63  }
0x103: {  	s4 =	simm.s32 @!p0 $0xC  }
0x104: {  	_ =	swait.ge @!p0 [sflag:s4], $0x2800  }
0x105: {  	s14 =	sadd.s32 s5, s16;
	[sflag:s4] =	ssyncset.done @!p0 $0x0  }
0x106: {  	s25 =	sadd.s32 $0xE0, s14;
	[sflag:s4] =	ssyncadd.s32 @!p0 $0xFFFFD800  }
0x107: {  	[tilespmem:s31], [sflag:$0x8] =	stream.linear.gather [hbm4b:s25+s23], $0x100, $0x38;
	[tilespmem:$0x1E300] =	vst v63  }
0x108: {  	_ =	swait.ge [sflag:s0], $0x100  }
0x109: {  	[sflag:s0] =	ssyncset.done $0x0  }
0x10a: {  	[sflag:s0] =	ssyncadd.s32 $0xFFFFFF00  }
0x10b: {  	[tilespmem:s1], [sflag:$0xA] =	stream.indirect.gather [spmem:s3], $0x50, s24, s29, $0xb8;
	[tilespmem:$0x1E300] =	vst v63  }
0x10c: {  	_ =	swait.ge [sflag:s6], $0x2800  }
0x10d: {  	[sflag:s6] =	ssyncset.done $0x0  }
0x10e: {  	[sflag:s6] =	ssyncadd.s32 $0xFFFFD800  }
0x10f: {  	[spmem:s2] =	stream.indirect.scatter.add.f32 [tilespmem:s30], [sflag:$0xB], $0x50, s29, s29, $0xb8;
	[tilespmem:$0x1E300] =	vst v63  }
0x110: {  	p0 =	seq.s32 s5, $0x1300;
	_ =	swait.ge [sflag:s7], $0x2800  }
0x111: {  	s14 =	sadd.s32 @!p0 s5, s16;
	[sflag:s7] =	ssyncset.done $0x0  }
0x112: {  	s5 =	simm.s32 @!p0 $0x0;
	s4 =	sadd.s32 @!p0 $0x100, s14;
	[sflag:s7] =	ssyncadd.s32 $0xFFFFD800  }
0x113: {  	[tilespmem:s5], [sflag:$0x1] =	stream.linear.gather @!p0 [hbm4b:s4+s5], $0x100, $0x38;
	[tilespmem:$0x1E300] =	vst v63  }
0x114: {  	_ =	swait.ge [sflag:s8], $0x100  }
0x115: {  	[sflag:s8] =	ssyncset.done $0x0  }
0x116: {  	[sflag:s8] =	ssyncadd.s32 $0xFFFFFF00  }
0x117: {  	[tilespmem:s30], [sflag:$0x9] =	stream.indirect.gather [spmem:s3], $0x50, s26, s29, $0xb8;
	[tilespmem:$0x1E300] =	vst v63  }
0x118: {  	_ =	swait.ge [sflag:s9], $0x2800  }
0x119: {  	[sflag:s9] =	ssyncset.done $0x0  }
0x11a: {  	s28 =	rddreg [dreg:$0x4];
	[sflag:s9] =	ssyncadd.s32 $0xFFFFD800  }
0x11b: {  	[spmem:s2] =	stream.indirect.scatter.add.f32 [tilespmem:s1], [sflag:$0xC], $0x50, s28, s29, $0xb8;
	[tilespmem:$0x1E300] =	vst v63  }
0x11c: {  	_ =	swait.ge [sflag:s10], $0x2800  }
0x11d: {  	[sflag:s10] =	ssyncset.done $0x0  }
0x11e: {  	s15 =	simm.s32 @!p0 $0x100;
	s4 =	sadd.s32 @!p0 $0x120, s14;
	[sflag:s10] =	ssyncadd.s32 $0xFFFFD800  }
0x11f: {  	[tilespmem:s15], [sflag:$0x2] =	stream.linear.gather @!p0 [hbm4b:s4+s5], $0x100, $0x38;
	[tilespmem:$0x1E300] =	vst v63  }
0x120: {  	_ =	swait.ge [sflag:s11], $0x100  }
0x121: {  	[sflag:s11] =	ssyncset.done $0x0  }
0x122: {  	s15 =	simm.s32 $0x300;
	[sflag:s11] =	ssyncadd.s32 $0xFFFFFF00  }
0x123: {  	[tilespmem:s1], [sflag:$0xA] =	stream.indirect.gather [spmem:s3], $0x50, s15, s29, $0xb8;
	[tilespmem:$0x1E300] =	vst v63  }
0x124: {  	_ =	swait.ge [sflag:s6], $0x2800  }
0x125: {  	[sflag:s6] =	ssyncset.done $0x0  }
0x126: {  	s18 =	rddreg [dreg:$0x5];
	[sflag:s6] =	ssyncadd.s32 $0xFFFFD800  }
0x127: {  	[spmem:s2] =	stream.indirect.scatter.add.f32 [tilespmem:s30], [sflag:$0xB], $0x50, s18, s29, $0xb8;
	[tilespmem:$0x1E300] =	vst v63  }
0x128: {  	_ =	swait.ge [sflag:s7], $0x2800  }
0x129: {  	[sflag:s7] =	ssyncset.done $0x0  }
0x12a: {  	s4 =	sadd.s32 @!p0 $0x140, s14;
	s15 =	simm.s32 @!p0 $0x200;
	[sflag:s7] =	ssyncadd.s32 $0xFFFFD800  }
0x12b: {  	[tilespmem:s15], [sflag:$0x3] =	stream.linear.gather @!p0 [hbm4b:s4+s5], $0x100, $0x38;
	[tilespmem:$0x1E300] =	vst v63  }
0x12c: {  	_ =	swait.ge [sflag:s12], $0x100  }
0x12d: {  	[sflag:s12] =	ssyncset.done $0x0  }
0x12e: {  	s20 =	simm.s32 $0x400;
	[sflag:s12] =	ssyncadd.s32 $0xFFFFFF00  }
0x12f: {  	[tilespmem:s30], [sflag:$0x9] =	stream.indirect.gather [spmem:s3], $0x50, s20, s29, $0xb8;
	[tilespmem:$0x1E300] =	vst v63  }
0x130: {  	_ =	swait.ge [sflag:s9], $0x2800  }
0x131: {  	[sflag:s9] =	ssyncset.done $0x0  }
0x132: {  	s21 =	rddreg [dreg:$0x6];
	[sflag:s9] =	ssyncadd.s32 $0xFFFFD800  }
0x133: {  	[spmem:s2] =	stream.indirect.scatter.add.f32 [tilespmem:s1], [sflag:$0xC], $0x50, s21, s29, $0xb8;
	[tilespmem:$0x1E300] =	vst v63  }
0x134: {  	_ =	swait.ge [sflag:s10], $0x2800  }
0x135: {  	[sflag:s10] =	ssyncset.done $0x0  }
0x136: {  	s4 =	sadd.s32 @!p0 $0x160, s14;
	s15 =	simm.s32 @!p0 $0x300;
	[sflag:s10] =	ssyncadd.s32 $0xFFFFD800  }
0x137: {  	[tilespmem:s15], [sflag:$0x4] =	stream.linear.gather @!p0 [hbm4b:s4+s5], $0x100, $0x38;
	[tilespmem:$0x1E300] =	vst v63  }
0x138: {  	_ =	swait.ge [sflag:s13], $0x100  }
0x139: {  	[sflag:s13] =	ssyncset.done $0x0  }
0x13a: {  	s22 =	simm.s32 $0x500;
	[sflag:s13] =	ssyncadd.s32 $0xFFFFFF00  }
0x13b: {  	[tilespmem:s1], [sflag:$0xA] =	stream.indirect.gather [spmem:s3], $0x50, s22, s29, $0xb8;
	[tilespmem:$0x1E300] =	vst v63  }
0x13c: {  	_ =	swait.ge [sflag:s6], $0x2800  }
0x13d: {  	[sflag:s6] =	ssyncset.done $0x0  }
0x13e: {  	s23 =	rddreg [dreg:$0x7];
	[sflag:s6] =	ssyncadd.s32 $0xFFFFD800  }
0x13f: {  	[spmem:s2] =	stream.indirect.scatter.add.f32 [tilespmem:s30], [sflag:$0xB], $0x50, s23, s29, $0xb8;
	[tilespmem:$0x1E300] =	vst v63  }
0x140: {  	_ =	swait.ge [sflag:s7], $0x2800  }
0x141: {  	[sflag:s7] =	ssyncset.done $0x0  }
0x142: {  	s4 =	sadd.s32 @!p0 $0x180, s14;
	s15 =	simm.s32 @!p0 $0x400;
	[sflag:s7] =	ssyncadd.s32 $0xFFFFD800  }
0x143: {  	[tilespmem:s15], [sflag:$0x5] =	stream.linear.gather @!p0 [hbm4b:s4+s5], $0x100, $0x38;
	[tilespmem:$0x1E300] =	vst v63  }
0x144: {  	_ =	swait.ge [sflag:s17], $0x100  }
0x145: {  	[sflag:s17] =	ssyncset.done $0x0  }
0x146: {  	s25 =	simm.s32 $0x600;
	[sflag:s17] =	ssyncadd.s32 $0xFFFFFF00  }
0x147: {  	[tilespmem:s30], [sflag:$0x9] =	stream.indirect.gather [spmem:s3], $0x50, s25, s29, $0xb8;
	[tilespmem:$0x1E300] =	vst v63  }
0x148: {  	_ =	swait.ge [sflag:s9], $0x2800  }
0x149: {  	[sflag:s9] =	ssyncset.done $0x0  }
0x14a: {  	s28 =	rddreg [dreg:$0x8];
	[sflag:s9] =	ssyncadd.s32 $0xFFFFD800  }
0x14b: {  	[spmem:s2] =	stream.indirect.scatter.add.f32 [tilespmem:s1], [sflag:$0xC], $0x50, s28, s29, $0xb8;
	[tilespmem:$0x1E300] =	vst v63  }
0x14c: {  	_ =	swait.ge [sflag:s10], $0x2800  }
0x14d: {  	[sflag:s10] =	ssyncset.done $0x0  }
0x14e: {  	s4 =	sadd.s32 @!p0 $0x1A0, s14;
	s15 =	simm.s32 @!p0 $0x500;
	[sflag:s10] =	ssyncadd.s32 $0xFFFFD800  }
0x14f: {  	[tilespmem:s15], [sflag:$0x6] =	stream.linear.gather @!p0 [hbm4b:s4+s5], $0x100, $0x38;
	[tilespmem:$0x1E300] =	vst v63  }
0x150: {  	_ =	swait.ge [sflag:s19], $0x100  }
0x151: {  	[sflag:s19] =	ssyncset.done $0x0  }
0x152: {  	[sflag:s19] =	ssyncadd.s32 $0xFFFFFF00  }
0x153: {  	[tilespmem:s1], [sflag:$0xA] =	stream.indirect.gather [spmem:s3], $0x50, s31, s29, $0xb8;
	[tilespmem:$0x1E300] =	vst v63  }
0x154: {  	_ =	swait.ge [sflag:s6], $0x2800  }
0x155: {  	[sflag:s6] =	ssyncset.done $0x0  }
0x156: {  	s15 =	rddreg [dreg:$0x9];
	[sflag:s6] =	ssyncadd.s32 $0xFFFFD800  }
0x157: {  	[spmem:s2] =	stream.indirect.scatter.add.f32 [tilespmem:s30], [sflag:$0xB], $0x50, s15, s29, $0xb8;
	[tilespmem:$0x1E300] =	vst v63  }
0x158: {  	_ =	swait.ge [sflag:s7], $0x2800  }
0x159: {  	[sflag:s7] =	ssyncset.done $0x0  }
0x15a: {  	s4 =	sadd.s32 @!p0 $0x1C0, s14;
	s14 =	simm.s32 @!p0 $0x600;
	[sflag:s7] =	ssyncadd.s32 $0xFFFFD800  }
0x15b: {  	[tilespmem:s14], [sflag:$0x7] =	stream.linear.gather @!p0 [hbm4b:s4+s5], $0x100, $0x38;
	[tilespmem:$0x1E300] =	vst v63  }
0x15c: {  	s4 =	simm.s32 @!p0 $0x1  }
0x15d: {  	_ =	swait.ge @!p0 [sflag:s4], $0x100  }
0x15e: {  	[sflag:s4] =	ssyncset.done @!p0 $0x0  }
0x15f: {  	s14 =	simm.s32 @!p0 $0x800;
	[sflag:s4] =	ssyncadd.s32 @!p0 $0xFFFFFF00;
	s4 =	simm.s32 @!p0 $0x80  }
0x160: {  	[tilespmem:s14], [sflag:$0x9] =	stream.indirect.gather @!p0 [spmem:s3], $0x50, s5, s4, $0xb8;
	[tilespmem:$0x1E300] =	vst v63  }
0x161: {  	_ =	swait.ge [sflag:s9], $0x2800  }
0x162: {  	[sflag:s9] =	ssyncset.done $0x0  }
0x163: {  	s18 =	rddreg [dreg:$0xa];
	[sflag:s9] =	ssyncadd.s32 $0xFFFFD800  }
0x164: {  	[spmem:s2] =	stream.indirect.scatter.add.f32 [tilespmem:s1], [sflag:$0xC], $0x50, s18, s29, $0xb8;
	[tilespmem:$0x1E300] =	vst v63  }
0x165: {  	_ =	swait.ge [sflag:s10], $0x2800  }
0x166: {  	[sflag:s10] =	ssyncset.done $0x0  }
0x167: {  	[sflag:s10] =	ssyncadd.s32 $0xFFFFD800  }
0x168: {  	[bflag:$0x0] =	sbarrier.arrive $0xFFFF  }
0x169: {  	s20 =	rddreg [dreg:$0x12]  }
0x16a: {  	s22 =	simm.s32 $0x14;
	s5 =	rddreg [dreg:$0x15]  }
0x16b: {  	s23 =	simm.s32 $0x1;
	s15 =	simm.s32 $0xD;
	s21 =	rddreg [dreg:$0x18]  }
0x16c: {  	[hbm:s20@s22], [sflag:s5] =	dma.strided [spmem:s21@s9], $0x18B0, s23, $0xa   }
0x16d: {  	_ =	swait.ge [sflag:s15], $0x18B0  }
0x16e: {  	s25 =	rddreg [dreg:$0x19]  }
0x16f: {  	s28 =	rddreg [dreg:$0x13];
	s14 =	sadd.s32 $0x1, s25  }
0x170: {  	p0 =	sne.s32 s14, s28  }
.Ltmp1:
0x171: {  	_ = 	snop;
	(pc) =	sbr.rel @p0 .LBB2_1-.Ltmp1, $3  }
0x172: {  	_ =	sdelay $0x1  }
0x173: {  	[sflag:s15] =	ssyncset.done $0x0  }
0x174: {  	[sflag:s15] =	ssyncadd.s32 $0xFFFFE750  }
0x175: {  	_ =	sfence.sel $0x180000  }
0x176: {  	[bflag:$0x0] =	sbarrier.arrive $0xFFFF  }
0x177: {  	_ =	strace $0x9000004D  }
0x178: {  	s0 =	stileid.u32;
	[bflag:$0x2] =	sbarrier.arrive $0xFFFF  }
0x179: {  	p0 =	sne.s32 s0, $0x0;
	s0 =	rddreg [dreg:$0x3]  }
0x17a: {  	s0 =	sadd.s32 @!p0 $0x100000, s0  }
0x17b: {  	[sflag:s0] =	ssyncadd.tile.s32 @!p0 $0x1;
	_ =	shalt  }
.Lfunc_end2:
_tile_overlayer_lowered:
.L_overlay_start_2:
0x17c: {  	(tag) =	ssettag $0x2  }
0x17d: {  	s0 =	rddreg [dreg:$0x0];
	s2 =	stileid.u32  }
0x17e: {  	s1 =	rddreg [dreg:$0x1];
	p0 =	sne.s32 s2, $0x0  }
0x17f: {  	s3 =	rddreg [dreg:$0x2];
	[bflag:$0x3] =	sbarrier.arrive $0xFFFF;
	s2 =	simm.s32 @!p0 $0x1C0D  }
0x180: {  	[timem:s3], [sflag:s2] =	dma.local @!p0 [hbm:s0], s1  }
0x181: {  	s0 =	simm.s32 @!p0 $0xD  }
0x182: {  	_ =	swait.ge @!p0 [sflag:s0], s1  }
0x183: {  	s1 =	ssub.s32 @!p0 $0x0, s1;
	[sflag:s0] =	ssyncset.done @!p0 $0x0  }
0x184: {  	[sflag:s0] =	ssyncadd.s32 @!p0 s1  }
0x185: {  	[bflag:$0x3] =	sbarrier.arrive $0xFFFF  }
0x186: {  	_ =	shalt  }

// kernel: kernel.8.cloned.1.call-start
scs
__scs_entry_jumppad:
0x0: {  	(pc) =	sbr.rel $0x88, $3  }
0x1: {  	(tag) =	ssettag $0x0;
	lr =	simm.s32 $0x1  }
0x2: {  	[smem:$0x3F97] =	sst lr;
	_ =	strace $0xD0000000  }
0x3: {  	_ = 	snop  }
0x4: {  	_ = 	snop  }
0x5: {  	_ = 	snop  }
0x6: {  	_ = 	snop  }
0x7: {  	_ = 	snop  }
__scs_overlays_trampoline_lowered:
0x8: {  	[smem:$0x3FA6] =	sst s0  }
0x9: {  	[smem:$0x3FA7] =	sst s1  }
0xa: {  	[smem:$0x3FA8] =	sst s2  }
0xb: {  	[smem:$0x3FA9] =	sst s3  }
0xc: {  	[smem:$0x3FAA] =	sst s4  }
0xd: {  	[smem:$0x3FAB] =	sst s5  }
0xe: {  	[smem:$0x3FAC] =	sst s6  }
0xf: {  	[smem:$0x3FAD] =	sst s7  }
0x10: {  	[smem:$0x3FAE] =	sst s8  }
0x11: {  	[smem:$0x3FAF] =	sst s9;
	s0 =	simm.s32 @!p0 $0x0  }
0x12: {  	s1 =	sld [smem:$0x3F95];
	s0 =	simm.s32 @p0 $0x1  }
0x13: {  	[smem:$0x3FB0] =	sst s0;
	s0 =	simm.s32 @!p1 $0x0  }
0x14: {  	s2 =	sld [smem:$0x3F94];
	s0 =	simm.s32 @p1 $0x1  }
0x15: {  	[smem:$0x3FB1] =	sst s0;
	s0 =	simm.s32 @!p2 $0x0  }
0x16: {  	s3 =	sld [smem:$0x3FDB];
	s0 =	simm.s32 @p2 $0x1  }
0x17: {  	s4 =	simm.s32 $0x1BF5;
	[smem:$0x3FB3] =	sst s0  }
0x18: {  	s0 =	sld [smem:$0x3F96];
	_ =	swait.ge [sflag:s4], $0x0  }
0x19: {  	s7 =	sld [smem:$0x3F97]  }
0x1a: {  	s8 =	sadd.s32 $0xFFFFE003, lr  }
0x1b: {  	s9 =	sadd.s32 $0xFFFFFEF7, lr;
	s5 =	simm.s32 $0xFFFFFFFF;
	p2 =	slt.u32 s8, $0xFFFFF086  }
0x1c: {  	p1 =	slt.u32 s9, $0xF7A;
	s5 =	simm.s32 @!p2 $0x0  }
0x1d: {  	s5 =	simm.s32 @p1 $0x1;
	p0 =	seq.s32 s7, s2  }
0x1e: {  	s7 =	smul.u32 @!p0 $0xF7A, s2;
	p2 =	seq.s32 @!p0 s5, $0x0  }
0x1f: {  	s9 =	smul.u32 $0xF7A, s1;
	s8 =	simm.s32 @!p0 $0x1BF5;
	p2 =	por !p2, p0  }
0x20: {  	[sflag:s8] =	ssyncset.s32 @!p0 $0xFFFFF086;
	s6 =	sadd.s32 @!p0 s3, s7;
	s7 =	simm.s32 @!p0 $0x108  }
0x21: {  	s3 =	sadd.s32 s3, s9;
	s6 =	sadd.s32 @!p0 $0x88, s6;
	s7 =	simm.s32 @p2 $0x1082  }
0x22: {  	[simem:s7], [sflag:s8] =	dma.local @!p0 [hbm:s6], $0xF7A  }
0x23: {  	s9 =	sor.u32 $0xD0000000, s2;
	s6 =	simm.s32 $0x108;
	_ =	swait.ge @!p0 [sflag:s8], $0x0  }
0x24: {  	s3 =	sadd.s32 $0x88, s3;
	s6 =	simm.s32 @!p1 $0x1082;
	[sflag:s4] =	ssyncset.s32 $0xFFFFF086  }
0x25: {  	[simem:s6], [sflag:s4] =	dma.local [hbm:s3], $0xF7A  }
0x26: {  	[smem:$0x3F97] =	sst s1;
	(tag) =	ssettag s2;
	_ =	strace s9  }
0x27: {  	s1 =	sld [smem:$0x3FA7]  }
0x28: {  	s2 =	sld [smem:$0x3FA8]  }
0x29: {  	s4 =	sld [smem:$0x3FAA]  }
0x2a: {  	p0 =	seq.s32 s5, $0x0;
	s5 =	sld [smem:$0x3FAB]  }
0x2b: {  	s6 =	sld [smem:$0x3FAC]  }
0x2c: {  	s7 =	sld [smem:$0x3FAD]  }
0x2d: {  	s3 =	simm.s32 $0x108;
	s8 =	sld [smem:$0x3FAE]  }
0x2e: {  	s3 =	simm.s32 @!p0 $0x1082;
	s9 =	sld [smem:$0x3FAF]  }
0x2f: {  	lr =	sadd.s32 s0, s3;
	s0 =	sld [smem:$0x3FA6]  }
0x30: {  	s3 =	sld [smem:$0x3FA9]  }
0x31: {  	[smem:$0x3FB2] =	sst s10  }
0x32: {  	s10 =	sld [smem:$0x3FB0];
	_ =	sdelay $0x3  }
0x33: {  	p0 =	seq.s32 s10, $0x1;
	s10 =	sld [smem:$0x3FB2];
	_ =	sdelay $0x3  }
0x34: {  	[smem:$0x3FB2] =	sst s10  }
0x35: {  	s10 =	sld [smem:$0x3FB1];
	_ =	sdelay $0x3  }
0x36: {  	p1 =	seq.s32 s10, $0x1;
	s10 =	sld [smem:$0x3FB2];
	_ =	sdelay $0x3  }
0x37: {  	[smem:$0x3FB2] =	sst s10  }
0x38: {  	s10 =	sld [smem:$0x3FB3]  }
0x39: {  	_ = 	snop;
	(pc) =	sbr.ind lr, $3  }
0x3a: {  	_ = 	snop  }
0x3b: {  	_ = 	snop  }
0x3c: {  	p2 =	seq.s32 s10, $0x1;
	s10 =	sld [smem:$0x3FB2]  }
0x3d: {  	_ =	shalt  }
0x3e: {  	_ =	shalt  }
0x3f: {  	_ =	shalt  }
0x40: {  	_ =	shalt  }
0x41: {  	_ =	shalt  }
0x42: {  	_ =	shalt  }
0x43: {  	_ =	shalt  }
0x44: {  	_ =	shalt  }
0x45: {  	_ =	shalt  }
0x46: {  	_ =	shalt  }
0x47: {  	_ =	shalt  }
0x48: {  	_ =	shalt  }
0x49: {  	_ =	shalt  }
0x4a: {  	_ =	shalt  }
0x4b: {  	_ =	shalt  }
0x4c: {  	_ =	shalt  }
0x4d: {  	_ =	shalt  }
0x4e: {  	_ =	shalt  }
0x4f: {  	_ =	shalt  }
0x50: {  	_ =	shalt  }
0x51: {  	_ =	shalt  }
0x52: {  	_ =	shalt  }
0x53: {  	_ =	shalt  }
0x54: {  	_ =	shalt  }
0x55: {  	_ =	shalt  }
0x56: {  	_ =	shalt  }
0x57: {  	_ =	shalt  }
0x58: {  	_ =	shalt  }
0x59: {  	_ =	shalt  }
0x5a: {  	_ =	shalt  }
0x5b: {  	_ =	shalt  }
0x5c: {  	_ =	shalt  }
0x5d: {  	_ =	shalt  }
0x5e: {  	_ =	shalt  }
0x5f: {  	_ =	shalt  }
0x60: {  	_ =	shalt  }
0x61: {  	_ =	shalt  }
0x62: {  	_ =	shalt  }
0x63: {  	_ =	shalt  }
0x64: {  	_ =	shalt  }
0x65: {  	_ =	shalt  }
0x66: {  	_ =	shalt  }
0x67: {  	_ =	shalt  }
0x68: {  	_ =	shalt  }
0x69: {  	_ =	shalt  }
0x6a: {  	_ =	shalt  }
0x6b: {  	_ =	shalt  }
0x6c: {  	_ =	shalt  }
0x6d: {  	_ =	shalt  }
0x6e: {  	_ =	shalt  }
0x6f: {  	_ =	shalt  }
0x70: {  	_ =	shalt  }
0x71: {  	_ =	shalt  }
0x72: {  	_ =	shalt  }
0x73: {  	_ =	shalt  }
0x74: {  	_ =	shalt  }
0x75: {  	_ =	shalt  }
0x76: {  	_ =	shalt  }
0x77: {  	_ =	shalt  }
0x78: {  	_ =	shalt  }
0x79: {  	_ =	shalt  }
0x7a: {  	_ =	shalt  }
0x7b: {  	_ =	shalt  }
0x7c: {  	_ =	shalt  }
0x7d: {  	_ =	shalt  }
0x7e: {  	_ =	shalt  }
0x7f: {  	_ =	shalt  }
0x80: {  	_ =	shalt  }
0x81: {  	_ =	shalt  }
0x82: {  	_ =	shalt  }
0x83: {  	_ =	shalt  }
0x84: {  	_ =	shalt  }
0x85: {  	_ =	shalt  }
0x86: {  	_ =	shalt  }
0x87: {  	_ =	shalt  }
.Lfunc_end0:
.L_simem_size_0:
called_computation_lowered:
.L_overlay_start_0:
0x88: {  	s2 =	sld [smem:$0x3FD9]  }
0x89: {  	s3 =	sld [smem:$0x3FFE];
	_ =	sdelay $0x1  }
0x8a: {  	s1 =	srdreg.scid  }
0x8b: {  	s0 =	sand.u32 $0x1, s1  }
0x8c: {  	s17 =	sshll.u32 s0, $0xA;
	s2 =	sadd.s32 s3, s2  }
0x8d: {  	s2 =	sadd.s32 s2, s17  }
0x8e: {  	[smem:$0x3FBE] =	sst s2  }
0x8f: {  	_ = 	snop  }
0x90: {  	s2 =	sld [smem:$0x3FD0];
	(tm) =	ssettm $0x1  }
0x91: {  	s18 =	sld [smem:$0x3FFB];
	_ =	sdelay $0x3  }
0x92: {  	_ =	strace s18  }
0x93: {  	s3 =	sld [smem:$0x3FFC];
	_ =	sdelay $0x3  }
0x94: {  	_ =	strace s3  }
0x95: {  	s3 =	sld [smem:$0x3FFD];
	_ =	sdelay $0x3  }
0x96: {  	_ =	strace s3  }
0x97: {  	_ =	strace $0x8FFFFFFF  }
0x98: {  	s19 =	sld [smem:$0x3FDB];
	_ =	sdelay $0x1  }
0x99: {  	s4 =	simm.s32 $_scs_section_size  }
0x9a: {  	s5 =	simm.s32 $_size__tile_overlayer_lowered;
	s6 =	simm.s32 $_tile_overlayer_lowered  }
0x9b: {  	s22 =	simm.s32 $0x1BFF;
	s21 =	sshll.u32 s6, $0x1;
	s3 =	sadd.s32 s4, s19  }
0x9c: {  	s7 =	simm.s32 $0x0;
	s20 =	sshll.u32 s5, $0x1;
	s5 =	sadd.s32 s21, s3  }
0x9d: {  	[timem:s7], [sflag:s22] =	dma.local [hbm:s5], s20  }
0x9e: {  	_ =	swait.ge [sflag:s22], s20  }
0x9f: {  	s4 =	ssub.s32 $0x0, s20;
	[sflag:s22] =	ssyncset.done $0x0  }
0xa0: {  	[sflag:s22] =	ssyncadd.s32 s4;
	_ =	sdelay $0x1  }
0xa1: {  	s23 =	simm.s32 $0x1B8B  }
0xa2: {  	_ =	swait.ge [sflag:s23], $0x1  }
0xa3: {  	[sflag:s23] =	ssyncset.done $0x0  }
0xa4: {  	s25 =	simm.s32 $0x1B8E;
	s24 =	sld [smem:$0x3FFE];
	[sflag:s23] =	ssyncadd.s32 $0xFFFFFFFF  }
0xa5: {  	s26 =	simm.s32 $execute0_lowered;
	[smem:$0x3FD2] =	sst s25  }
0xa6: {  	s5 =	sshll.u32 s26, $0x1;
	_ =	strace $0x80000046;
	[dreg:$0x1] =	wrdreg $0xFFFFFFFF  }
0xa7: {  	s28 =	simm.s32 $_size_execute0_lowered;
	s3 =	sadd.s32 s3, s5;
	[dreg:$0x0] =	wrdreg $0x0  }
0xa8: {  	s5 =	sshll.u32 s28, $0x1;
	[dreg:$0x2] =	wrdreg s3  }
0xa9: {  	[dreg:$0x3] =	wrdreg s5  }
0xaa: {  	[dreg:$0x4] =	wrdreg $0xC0  }
0xab: {  	_ =	task [dreg:s7], $0x5FFFF  }
0xac: {  	[dreg:$0x1] =	wrdreg $0xFFFFFFFF  }
0xad: {  	[dreg:$0x0] =	wrdreg $0x60  }
0xae: {  	[dreg:$0x2] =	wrdreg s24  }
0xaf: {  	[dreg:$0x3] =	wrdreg s2  }
0xb0: {  	[dreg:$0x4] =	wrdreg $0x30000  }
0xb1: {  	[dreg:$0x5] =	wrdreg $0x9  }
0xb2: {  	_ =	task.clear_ibuf [dreg:s7], $0x6FFFF;
	_ =	strace $0x90000046  }
0xb3: {  	s29 =	simm.s32 $0x9;
	_ =	strace $0x80000048  }
0xb4: {  	_ =	swait.ge [sflag:s29], $0x1  }
0xb5: {  	[sflag:s29] =	ssyncadd.s32 $0xFFFFFFFF  }
0xb6: {  	_ =	strace $0x90000048  }
0xb7: {  	_ =	sfence  }
0xb8: {  	s30 =	sld [smem:$0x0];
	_ =	sdelay $0x2  }
0xb9: {  	s31 =	sshll.u32 s1, $0xD;
	s1 =	sshrl.u32 s1, $0x2  }
0xba: {  	s3 =	sand.u32 $0x4000, s31;
	s1 =	sadd.s32 s1, s30  }
0xbb: {  	s0 =	sor.u32 s3, s0;
	s1 =	sshll.u32 s1, $0x11  }
0xbc: {  	s0 =	sor.u32 s1, s0  }
0xbd: {  	s0 =	sadd.s32 $0x8F2B, s0  }
0xbe: {  	[sflag:s0] =	ssyncadd.remote.s32 $0x1  }
0xbf: {  	_ =	sfence.sel $0xFFFF  }
0xc0: {  	[dreg:$0x0] =	wrdreg $0xFFFFFFFF;
	(pc) =	sbr.abs _section_cstart, $3  }
0xc1: {  	[dreg:$0x1] =	wrdreg $0xFFFFFFFF  }
0xc2: {  	_ =	task.clear_ibuf [dreg:s7], $0x2FFFF;
	_ =	strace $0x9FFFFFFF  }
0xc3: {  	(tm) =	ssettm $0x7FFFFFFF  }
tec
execute0_lowered:
.L_overlay_start_1:
0x0: {  	(tag) =	ssettag $0x1  }
0x1: {  	s5 =	rddreg [dreg:$0x0]  }
0x2: {  	s1 =	srdreg.scid;
	s2 =	rddreg [dreg:$0x1]  }
0x3: {  	s0 =	stileid.u32;
	s3 =	rddreg [dreg:$0x2];
	s4 =	simm.s32 $0x0  }
0x4: {  	s13 =	simm.s32 $0x80;
	s14 =	simm.s32 $0x0;
	s6 =	sand.u32 $0x1, s1  }
0x5: {  	s30 =	sshll.u32 s0, $0x1;
	s8 =	smul.u32 $0x2780, s0;
	[smem:$0x7FF] =	sst s4  }
0x6: {  	s31 =	sshll.u32 s0, $0x6;
	s1 =	sor.u32 s6, s30;
	s9 =	smul.u32 $0x27800, s6  }
0x7: {  	s6 =	ssub.s32 $0x2, s6;
	s7 =	smul.u32 $0x500, s1;
	s1 =	rddreg [dreg:$0x3]  }
0x8: {  	_ =	strace $0x80000047;
	s10 =	sshrl.u32 s8, $0x3;
	s11 =	sshrl.u32 s6, $0x1  }
0x9: {  	s12 =	sadd.s32 s8, s3;
	s9 =	sadd.s32 s8, s9;
	s10 =	sadd.s32 s10, s5  }
0xa: {  	s11 =	ssub.s32 s6, s11;
	s6 =	sor.u32 $0x1C01, s31;
	s9 =	sshrl.u32 s9, $0x3  }
0xb: {  	s7 =	sadd.s32 s7, s5;
	s9 =	sadd.s32 s9, s5;
	s5 =	sadd.s32 $0xBC00, s10  }
0xc: {  	s7 =	sadd.s32 $0x1C00, s7;
	s10 =	sshrl.u32 s12, $0x3;
	s12 =	simm.s32 $0x2800  }
0xd: {  	s8 =	sadd.s32 $0x10C00, s9;
	s9 =	smax.u32 s11, $0x1;
	s11 =	simm.s32 $0x1  }
.LBB2_1:
0xe: {  	[spmem:s10], [sflag:s6] =	dma.local [hbm:s5], $0x4F0  }
0xf: {  	_ =	swait.ge [sflag:s11], $0x4F0  }
0x10: {  	[sflag:s11] =	ssyncset.done $0x0  }
0x11: {  	[sflag:s11] =	ssyncadd.s32 $0xFFFFFB10  }
0x12: {  	[tilespmem:s4], [sflag:$0x1] =	stream.linear.gather [hbm4b:s7+s4], $0x2800, $0x38;
	[tilespmem:$0x5780] =	vst v63  }
0x13: {  	_ =	swait.ge [sflag:s11], $0x2800  }
0x14: {  	[sflag:s11] =	ssyncset.done $0x0  }
0x15: {  	[sflag:s11] =	ssyncadd.s32 $0xFFFFD800  }
0x16: {  	[tilespmem:s12], [sflag:$0x1] =	stream.linear.gather [hbm4b:s2+s4], $0x800, $0x38;
	[tilespmem:$0x5780] =	vst v63  }
0x17: {  	_ =	swait.ge [sflag:s11], $0x800  }
0x18: {  	[sflag:s11] =	ssyncset.done $0x0  }
0x19: {  	[sflag:s11] =	ssyncadd.s32 $0xFFFFF800  }
0x1a: {  	s15 =	simm.s32 $0x0;
	[bflag:$0x0] =	sbarrier.arrive $0xFFFF  }
0x1b: {  	[spmem:s3] =	stream.indirect.scatter.add.f32 [tilespmem:s12], [sflag:$0x1], $0x10, s15, s13, $0xb8;
	[tilespmem:$0x5780] =	vst v63  }
0x1c: {  	_ =	swait.ge [sflag:s11], $0x800  }
0x1d: {  	s15 =	simm.s32 $0x200;
	[sflag:s11] =	ssyncset.done $0x0  }
.LBB2_2:
0x1e: {  	s16 =	sshra.s32 s15, $0x2;
	[sflag:s11] =	ssyncadd.s32 $0xFFFFF800;
	p0 =	sne.s32 s15, $0x9E00  }
0x1f: {  	[spmem:s3] =	stream.indirect.scatter.add.f32 [tilespmem:s12], [sflag:$0x1], $0x10, s16, s13, $0xb8;
	[tilespmem:$0x5780] =	vst v63  }
.Ltmp0:
0x20: {  	_ = 	snop;
	(pc) =	sbr.rel @p0 .LBB2_2-.Ltmp0, $4  }
0x21: {  	_ = 	snop  }
0x22: {  	s15 =	sadd.s32 $0x200, s15  }
0x23: {  	_ =	swait.ge [sflag:s11], $0x800  }
0x24: {  	[sflag:s11] =	ssyncset.done $0x0  }
0x25: {  	s14 =	sadd.s32 $0x1, s14  }
0x26: {  	[sflag:s11] =	ssyncadd.s32 $0xFFFFF800;
	p0 =	sne.s32 s14, s9  }
.Ltmp1:
0x27: {  	[bflag:$0x0] =	sbarrier.arrive $0xFFFF;
	(pc) =	sbr.rel @p0 .LBB2_1-.Ltmp1, $4  }
0x28: {  	[hbm:s8], [sflag:s6] =	dma.local [spmem:s10], $0x4F0  }
0x29: {  	_ =	swait.ge [sflag:s11], $0x4F0  }
0x2a: {  	[sflag:s11] =	ssyncset.done $0x0  }
0x2b: {  	[sflag:s11] =	ssyncadd.s32 $0xFFFFFB10  }
0x2c: {  	_ =	sfence.sel $0x180000  }
0x2d: {  	[bflag:$0x0] =	sbarrier.arrive $0xFFFF  }
0x2e: {  	p0 =	sne.s32 s0, $0x0;
	_ =	strace $0x90000047  }
0x2f: {  	s0 =	sadd.s32 @!p0 $0x100000, s1;
	[bflag:$0x2] =	sbarrier.arrive $0xFFFF  }
0x30: {  	[sflag:s0] =	ssyncadd.tile.s32 @!p0 $0x1;
	_ =	shalt  }
.Lfunc_end2:
_tile_overlayer_lowered:
.L_overlay_start_2:
0x31: {  	(tag) =	ssettag $0x2  }
0x32: {  	s0 =	rddreg [dreg:$0x0];
	s2 =	stileid.u32  }
0x33: {  	s1 =	rddreg [dreg:$0x1];
	p0 =	sne.s32 s2, $0x0  }
0x34: {  	s3 =	rddreg [dreg:$0x2];
	[bflag:$0x3] =	sbarrier.arrive $0xFFFF;
	s2 =	simm.s32 @!p0 $0x1C01  }
0x35: {  	[timem:s3], [sflag:s2] =	dma.local @!p0 [hbm:s0], s1  }
0x36: {  	s0 =	simm.s32 @!p0 $0x1  }
0x37: {  	_ =	swait.ge @!p0 [sflag:s0], s1  }
0x38: {  	s1 =	ssub.s32 @!p0 $0x0, s1;
	[sflag:s0] =	ssyncset.done @!p0 $0x0  }
0x39: {  	[sflag:s0] =	ssyncadd.s32 @!p0 s1  }
0x3a: {  	[bflag:$0x3] =	sbarrier.arrive $0xFFFF  }
0x3b: {  	_ =	shalt  }

</sc_bundles>
